<compile_context>
chip_gen: v7x
topology: tpu7x:2x2x1
jax: 0.10.2.dev20260603
libtpu: 0.0.44.dev20260713+nightly
codegen_flags: <defaults>
</compile_context>

<pallas_src>
import functools

import jax
import jax.numpy as jnp
from jax import lax
from jax.experimental import pallas as pl
from jax.experimental.pallas import tpu as pltpu
from jax.experimental.pallas import tpu_sc as plsc

N_FIELDS = 26
L = 20
VOCAB_P1 = 100001
VPAD = 100008
DIM = 32
B = 4096
ODIM = N_FIELDS * DIM
NLOOK = N_FIELDS * L
PAD = 528
GCHUNK = 104
NGCHUNK = NLOOK // GCHUNK
NC = 2
NS = 16
NW = NC * NS
ROWS_PER_W = B // NW
INV_L = 1.0 / L


def _emb_body(x_hbm, off_hbm, tbl_hbm, out_hbm,
              offbuf, idxbuf, idxa, idxb, gbufa, gbufb, obuf,
              isem0, isem1, gsem0, gsem1, osem0, osem1):
    wid = lax.axis_index("s") * NC + lax.axis_index("c")
    row0 = wid * ROWS_PER_W
    isem = (isem0, isem1)
    gsem = (gsem0, gsem1)
    osem = (osem0, osem1)

    pltpu.sync_copy(off_hbm, offbuf)

    def fire_idx(row, s):
        return pltpu.async_copy(
            x_hbm.at[pl.ds(pl.multiple_of(row * NLOOK, 8), NLOOK)],
            idxbuf.at[s].at[pl.ds(0, NLOOK)], isem[s])

    def wait_idx(s):
        pltpu.make_async_copy(
            x_hbm.at[pl.ds(0, NLOOK)],
            idxbuf.at[s].at[pl.ds(0, NLOOK)], isem[s]).wait()

    def build_idx(s):
        def add_body(j, _):
            sl = pl.ds(pl.multiple_of(j * 16, 16), 16)
            a = (idxbuf.at[s][sl] + offbuf[sl]) * 8
            idxa.at[s][sl] = a
            idxb.at[s][sl] = a + 1
            return 0
        lax.fori_loop(0, PAD // 16, add_body, 0)

    def fire_gathers(s):
        for j in range(NGCHUNK):
            sl = pl.ds(j * GCHUNK, GCHUNK)
            pltpu.async_copy(
                tbl_hbm.at[idxa.at[s].at[sl]], gbufa.at[s].at[sl], gsem[s])
            pltpu.async_copy(
                tbl_hbm.at[idxb.at[s].at[sl]], gbufb.at[s].at[sl], gsem[s])

    def wait_gathers(s):
        for j in range(NGCHUNK):
            sl = pl.ds(j * GCHUNK, GCHUNK)
            pltpu.make_async_copy(
                tbl_hbm.at[pl.ds(0, GCHUNK)], gbufa.at[s].at[sl],
                gsem[s]).wait()
            pltpu.make_async_copy(
                tbl_hbm.at[pl.ds(0, GCHUNK)], gbufb.at[s].at[sl],
                gsem[s]).wait()

    def wait_out(s):
        pltpu.make_async_copy(
            obuf.at[s], out_hbm.at[pl.ds(0, ODIM)], osem[s]).wait()

    def reduce_and_out(row, s, first):
        @pl.when(jnp.logical_not(first))
        def _():
            wait_out(s)

        def field_body(f, _):
            base = pl.multiple_of(f * L, L)
            a0 = gbufa.at[s][base, :]
            a1 = gbufb.at[s][base, :]
            for l in range(1, L):
                a0 = a0 + gbufa.at[s][base + l, :]
                a1 = a1 + gbufb.at[s][base + l, :]
            o = pl.multiple_of(f * DIM, DIM)
            obuf.at[s][pl.ds(o, 16)] = a0 * INV_L
            obuf.at[s][pl.ds(o + 16, 16)] = a1 * INV_L
            return 0
        lax.fori_loop(0, N_FIELDS, field_body, 0)
        pltpu.async_copy(
            obuf.at[s],
            out_hbm.at[pl.ds(pl.multiple_of(row * ODIM, 8), ODIM)], osem[s])

    fire_idx(row0, 0)

    def body(k, _):
        r0 = row0 + 2 * k
        wait_idx(0)
        build_idx(0)
        fire_gathers(0)
        fire_idx(r0 + 1, 1)
        @pl.when(k > 0)
        def _():
            wait_gathers(1)
            reduce_and_out(r0 - 1, 1, k == 1)
        wait_idx(1)
        build_idx(1)
        fire_gathers(1)
        @pl.when(k < ROWS_PER_W // 2 - 1)
        def _():
            fire_idx(r0 + 2, 0)
        wait_gathers(0)
        reduce_and_out(r0, 0, k == 0)
        return 0

    lax.fori_loop(0, ROWS_PER_W // 2, body, 0)

    wait_gathers(1)
    reduce_and_out(row0 + ROWS_PER_W - 1, 1, jnp.bool_(False))
    wait_out(0)
    wait_out(1)


@jax.jit
def _emb(x, off, tbl):
    mesh = plsc.VectorSubcoreMesh(core_axis_name="c", subcore_axis_name="s")
    f = pl.kernel(
        _emb_body,
        mesh=mesh,
        out_type=jax.ShapeDtypeStruct((B * ODIM,), jnp.float32),
        scratch_types=[
            pltpu.VMEM((PAD,), jnp.int32),
            pltpu.VMEM((2, PAD), jnp.int32),
            pltpu.VMEM((2, PAD), jnp.int32),
            pltpu.VMEM((2, PAD), jnp.int32),
            pltpu.VMEM((2, NLOOK, 16), jnp.float32),
            pltpu.VMEM((2, NLOOK, 16), jnp.float32),
            pltpu.VMEM((2, ODIM), jnp.float32),
            pltpu.SemaphoreType.DMA,
            pltpu.SemaphoreType.DMA,
            pltpu.SemaphoreType.DMA,
            pltpu.SemaphoreType.DMA,
            pltpu.SemaphoreType.DMA,
            pltpu.SemaphoreType.DMA,
        ],
        compiler_params=pltpu.CompilerParams(use_tc_tiling_on_sc=False),
    )
    return f(x, off, tbl)


def kernel(x, tables):
    tbl = jnp.pad(tables, ((0, 0), (0, VPAD - VOCAB_P1), (0, 128 - DIM)))
    tbl = tbl.reshape(N_FIELDS * VPAD * 8, 16)
    off = jnp.repeat(
        jnp.arange(N_FIELDS, dtype=jnp.int32) * jnp.int32(VPAD), L)
    off = jnp.concatenate([off, jnp.zeros((PAD - NLOOK,), jnp.int32)])
    out = _emb(x.reshape(-1), off, tbl)
    return out.reshape(B, ODIM)

# --- scband reference (transcript-rebuilt; emitter-appended) ---
"""Pipeline reference for scband-embedding-net-25383256719976 (READ-ONLY COPY).

The authoritative reference and input builder live on the scoring server;
editing this copy changes nothing except your own understanding.
"""

import jax, jax.numpy as jnp
import numpy as np

N_FIELDS = 26
L = 20
VOCAB = 100000
DIM = 32
B = 4096

def setup_inputs(seed: int = 0):
    key = jax.random.key(seed)
    k1, k2 = jax.random.split(key)
    x = jax.random.randint(k1, (B, N_FIELDS * L), 0, VOCAB + 1, dtype=jnp.int32)
    # Stacked embedding tables: one [VOCAB+1, DIM] table per sparse field.
    # Row 0 is the padding row (padding_idx=0 in torch nn.Embedding), initialized to zero.
    tables = jax.random.normal(k2, (N_FIELDS, VOCAB + 1, DIM), dtype=jnp.float32) * 0.01
    tables = tables.at[:, 0, :].set(0.0)
    return {"x": x, "tables": tables}

def reference(x, tables):
    outs = []
    for i in range(N_FIELDS):
        idx = x[:, i * L:(i + 1) * L]            # x[:, feat['index']] -> [B, L]
        emb = jnp.take(tables[i], idx, axis=0)    # embedding lookup -> [B, L, DIM]
        outs.append(jnp.mean(emb, axis=1))        # mean over the varlen slots -> [B, DIM]
    return jnp.concatenate(outs, axis=1)          # [B, N_FIELDS*DIM]

if __name__ == "__main__":
    import jax
    _d = setup_inputs()
    print(jax.jit(kernel)(*tuple(_d.values())))

</pallas_src>

<mosaic_0001>
#map = affine_map<(d0, d1) -> (0)>
#map1 = affine_map<(d0, d1) -> (0, 0)>
module attributes {stable_mosaic.version = 14 : i64} {
  func.func @_emb_body(%arg0: i32, %arg1: i32, %arg2: memref<2129920xi32, #tpu.memory_space<hbm>>, %arg3: memref<528xi32, #tpu.memory_space<hbm>>, %arg4: memref<20801664x16xf32, #tpu.memory_space<hbm>>, %arg5: memref<3407872xf32, #tpu.memory_space<hbm>>, %arg6: memref<528xi32, #tpu.memory_space<vmem>>, %arg7: memref<2x528xi32, #tpu.memory_space<vmem>>, %arg8: memref<2x528xi32, #tpu.memory_space<vmem>>, %arg9: memref<2x528xi32, #tpu.memory_space<vmem>>, %arg10: memref<2x520x16xf32, #tpu.memory_space<vmem>>, %arg11: memref<2x520x16xf32, #tpu.memory_space<vmem>>, %arg12: memref<2x832xf32, #tpu.memory_space<vmem>>, %arg13: memref<!tpu.dma_semaphore, #tpu.memory_space<semaphore_mem>>, %arg14: memref<!tpu.dma_semaphore, #tpu.memory_space<semaphore_mem>>, %arg15: memref<!tpu.dma_semaphore, #tpu.memory_space<semaphore_mem>>, %arg16: memref<!tpu.dma_semaphore, #tpu.memory_space<semaphore_mem>>, %arg17: memref<!tpu.dma_semaphore, #tpu.memory_space<semaphore_mem>>, %arg18: memref<!tpu.dma_semaphore, #tpu.memory_space<semaphore_mem>>) attributes {dimension_semantics = [#tpu.dimension_semantics<core_parallel>, #tpu.dimension_semantics<subcore_parallel>], iteration_bounds = array<i64: 2, 16>, scalar_prefetch = 0 : i64, scratch_operands = 13 : i64, tpu.core_type = #tpu.core_type<sc_vector_subcore>, window_params = [{transform_indices = #map}, {transform_indices = #map}, {transform_indices = #map1}, {transform_indices = #map}]} {
    %mul3A = arith.constant 2 : i32
    %mul3A_0 = arith.muli %arg1, %mul3A : i32
    %add3A = arith.addi %mul3A_0, %arg0 : i32
    %mul3A_1 = arith.constant 128 : i32
    %mul3A_2 = arith.muli %add3A, %mul3A_1 : i32
    "tpu.region"() ({
      %run_scoped3A = tpu.sem_alloc : memref<!tpu.dma_semaphore, #tpu.memory_space<semaphore_mem>>
      tpu.enqueue_dma source(%arg3 : memref<528xi32, #tpu.memory_space<hbm>>) target(%arg6 : memref<528xi32, #tpu.memory_space<vmem>>) target_semaphore(%run_scoped3A : memref<!tpu.dma_semaphore, #tpu.memory_space<semaphore_mem>>)
      tpu.wait_dma2 semaphore(%run_scoped3A : memref<!tpu.dma_semaphore, #tpu.memory_space<semaphore_mem>>) src(%arg3 : memref<528xi32, #tpu.memory_space<hbm>>) dst(%arg6 : memref<528xi32, #tpu.memory_space<vmem>>)
      tpu.yield
    }) : () -> ()
    %mul3A_3 = arith.constant 520 : i32
    %mul3A_4 = arith.muli %mul3A_2, %mul3A_3 : i32
    %multiple_of3A = tpu.assume_multiple %mul3A_4, 8 : i32
    %dma_start3A = arith.constant 0 : i32
    %dma_start3A_5 = arith.constant 0 : i32
    %dma_start3A_6 = tpu.memref_slice %arg7[%dma_start3A, %dma_start3A_5] : memref<2x528xi32, #tpu.memory_space<vmem>> -> memref<1x528xi32, #tpu.memory_space<vmem>>
    %dma_start3A_7 = tpu.memref_squeeze %dma_start3A_6 : memref<1x528xi32, #tpu.memory_space<vmem>> -> memref<528xi32, #tpu.memory_space<vmem>>
    %dma_start3A_8 = arith.constant 0 : i32
    %dma_start3A_9 = tpu.memref_slice %dma_start3A_7[%dma_start3A_8] : memref<528xi32, #tpu.memory_space<vmem>> -> memref<520xi32, #tpu.memory_space<vmem>>
    %dma_start3A_10 = tpu.memref_slice %arg2[%multiple_of3A] : memref<2129920xi32, #tpu.memory_space<hbm>> -> memref<520xi32, #tpu.memory_space<hbm>>
    %dma_start3A_11 = arith.constant 0 : i32
    %dma_start3A_12 = tpu.memref_slice %arg7[%dma_start3A, %dma_start3A_11] : memref<2x528xi32, #tpu.memory_space<vmem>> -> memref<1x528xi32, #tpu.memory_space<vmem>>
    %dma_start3A_13 = tpu.memref_squeeze %dma_start3A_12 : memref<1x528xi32, #tpu.memory_space<vmem>> -> memref<528xi32, #tpu.memory_space<vmem>>
    %dma_start3A_14 = arith.constant 0 : i32
    %dma_start3A_15 = tpu.memref_slice %dma_start3A_13[%dma_start3A_14] : memref<528xi32, #tpu.memory_space<vmem>> -> memref<520xi32, #tpu.memory_space<vmem>>
    %dma_start3A_16 = tpu.memref_slice %arg2[%multiple_of3A] : memref<2129920xi32, #tpu.memory_space<hbm>> -> memref<520xi32, #tpu.memory_space<hbm>>
    tpu.enqueue_dma source(%dma_start3A_16 : memref<520xi32, #tpu.memory_space<hbm>>) target(%dma_start3A_15 : memref<520xi32, #tpu.memory_space<vmem>>) target_semaphore(%arg13 : memref<!tpu.dma_semaphore, #tpu.memory_space<semaphore_mem>>)
    %scan3A = arith.constant 0 : i32
    %scan3A_17 = arith.constant 0 : i32
    %scan3A_18 = arith.constant 64 : i32
    %scan3A_19 = arith.addi %scan3A_17, %scan3A_18 : i32
    %scan3A_20 = arith.constant 1 : i32
    %scan3A_21 = scf.for %scan3A_279 = %scan3A_17 to %scan3A_19 step %scan3A_20 iter_args(%scan3A_280 = %scan3A) -> (i32)  : i32 {
      %mul3A_281 = arith.constant 2 : i32
      %mul3A_282 = arith.muli %mul3A_281, %scan3A_279 : i32
      %add3A_283 = arith.addi %mul3A_2, %mul3A_282 : i32
      %dma_wait3A_284 = arith.constant 0 : i32
      %dma_wait3A_285 = arith.constant 0 : i32
      %dma_wait3A_286 = tpu.memref_slice %arg7[%dma_wait3A_284, %dma_wait3A_285] : memref<2x528xi32, #tpu.memory_space<vmem>> -> memref<1x528xi32, #tpu.memory_space<vmem>>
      %dma_wait3A_287 = tpu.memref_squeeze %dma_wait3A_286 : memref<1x528xi32, #tpu.memory_space<vmem>> -> memref<528xi32, #tpu.memory_space<vmem>>
      %dma_wait3A_288 = arith.constant 0 : i32
      %dma_wait3A_289 = tpu.memref_slice %dma_wait3A_287[%dma_wait3A_288] : memref<528xi32, #tpu.memory_space<vmem>> -> memref<520xi32, #tpu.memory_space<vmem>>
      %dma_wait3A_290 = arith.constant 0 : i32
      %dma_wait3A_291 = tpu.memref_slice %arg2[%dma_wait3A_290] : memref<2129920xi32, #tpu.memory_space<hbm>> -> memref<520xi32, #tpu.memory_space<hbm>>
      %dma_wait3A_292 = arith.constant 0 : i32
      %dma_wait3A_293 = tpu.memref_slice %arg7[%dma_wait3A_284, %dma_wait3A_292] : memref<2x528xi32, #tpu.memory_space<vmem>> -> memref<1x528xi32, #tpu.memory_space<vmem>>
      %dma_wait3A_294 = tpu.memref_squeeze %dma_wait3A_293 : memref<1x528xi32, #tpu.memory_space<vmem>> -> memref<528xi32, #tpu.memory_space<vmem>>
      %dma_wait3A_295 = arith.constant 0 : i32
      %dma_wait3A_296 = tpu.memref_slice %dma_wait3A_294[%dma_wait3A_295] : memref<528xi32, #tpu.memory_space<vmem>> -> memref<520xi32, #tpu.memory_space<vmem>>
      %dma_wait3A_297 = arith.constant 0 : i32
      %dma_wait3A_298 = tpu.memref_slice %arg2[%dma_wait3A_297] : memref<2129920xi32, #tpu.memory_space<hbm>> -> memref<520xi32, #tpu.memory_space<hbm>>
      tpu.wait_dma2 semaphore(%arg13 : memref<!tpu.dma_semaphore, #tpu.memory_space<semaphore_mem>>) src(%dma_wait3A_298 : memref<520xi32, #tpu.memory_space<hbm>>) dst(%dma_wait3A_296 : memref<520xi32, #tpu.memory_space<vmem>>)
      %scan3A_299 = arith.constant 0 : i32
      %scan3A_300 = arith.constant 0 : i32
      %scan3A_301 = arith.constant 33 : i32
      %scan3A_302 = arith.addi %scan3A_300, %scan3A_301 : i32
      %scan3A_303 = arith.constant 1 : i32
      %scan3A_304 = scf.for %scan3A_930 = %scan3A_300 to %scan3A_302 step %scan3A_303 iter_args(%scan3A_931 = %scan3A_299) -> (i32)  : i32 {
        %mul3A_932 = arith.constant 16 : i32
        %mul3A_933 = arith.muli %scan3A_930, %mul3A_932 : i32
        %multiple_of3A_934 = tpu.assume_multiple %mul3A_933, 16 : i32
        %get3A = arith.constant 0 : i32
        %get3A_935 = arith.constant 0 : i32
        %get3A_936 = tpu.memref_slice %arg7[%get3A, %get3A_935] : memref<2x528xi32, #tpu.memory_space<vmem>> -> memref<1x528xi32, #tpu.memory_space<vmem>>
        %get3A_937 = tpu.memref_squeeze %get3A_936 : memref<1x528xi32, #tpu.memory_space<vmem>> -> memref<528xi32, #tpu.memory_space<vmem>>
        %get3A_938 = arith.index_cast %multiple_of3A_934 : i32 to index
        %get3A_939 = tpu.vector_load %get3A_937[%get3A_938] {strides = array<i32>} : memref<528xi32, #tpu.memory_space<vmem>>, vector<16xi32>,
        %get3A_940 = vector.shape_cast %get3A_939 : vector<16xi32> to vector<16xi32>
        %get3A_941 = arith.index_cast %multiple_of3A_934 : i32 to index
        %get3A_942 = tpu.vector_load %arg6[%get3A_941] {strides = array<i32>} : memref<528xi32, #tpu.memory_space<vmem>>, vector<16xi32>,
        %get3A_943 = vector.shape_cast %get3A_942 : vector<16xi32> to vector<16xi32>
        %add3A_944 = arith.addi %get3A_940, %get3A_943 : vector<16xi32>
        %mul3A_945 = arith.constant 8 : i32
        %mul3A_946 = vector.broadcast %mul3A_945 : i32 to vector<16xi32>
        %mul3A_947 = arith.muli %add3A_944, %mul3A_946 : vector<16xi32>
        %swap3A = arith.constant 0 : i32
        %swap3A_948 = arith.constant 0 : i32
        %swap3A_949 = tpu.memref_slice %arg8[%swap3A, %swap3A_948] : memref<2x528xi32, #tpu.memory_space<vmem>> -> memref<1x528xi32, #tpu.memory_space<vmem>>
        %swap3A_950 = tpu.memref_squeeze %swap3A_949 : memref<1x528xi32, #tpu.memory_space<vmem>> -> memref<528xi32, #tpu.memory_space<vmem>>
        %swap3A_951 = arith.index_cast %multiple_of3A_934 : i32 to index
        %swap3A_952 = tpu.vector_load %swap3A_950[%swap3A_951] {strides = array<i32>} : memref<528xi32, #tpu.memory_space<vmem>>, vector<16xi32>,
        %swap3A_953 = vector.shape_cast %swap3A_952 : vector<16xi32> to vector<16xi32>
        %swap3A_954 = vector.shape_cast %mul3A_947 : vector<16xi32> to vector<16xi32>
        tpu.vector_store %swap3A_950[%swap3A_951], %swap3A_954 {strides = array<i32>} : memref<528xi32, #tpu.memory_space<vmem>>, vector<16xi32>,
        %add3A_955 = arith.constant 1 : i32
        %add3A_956 = vector.broadcast %add3A_955 : i32 to vector<16xi32>
        %add3A_957 = arith.addi %mul3A_947, %add3A_956 : vector<16xi32>
        %swap3A_958 = arith.constant 0 : i32
        %swap3A_959 = arith.constant 0 : i32
        %swap3A_960 = tpu.memref_slice %arg9[%swap3A_958, %swap3A_959] : memref<2x528xi32, #tpu.memory_space<vmem>> -> memref<1x528xi32, #tpu.memory_space<vmem>>
        %swap3A_961 = tpu.memref_squeeze %swap3A_960 : memref<1x528xi32, #tpu.memory_space<vmem>> -> memref<528xi32, #tpu.memory_space<vmem>>
        %swap3A_962 = arith.index_cast %multiple_of3A_934 : i32 to index
        %swap3A_963 = tpu.vector_load %swap3A_961[%swap3A_962] {strides = array<i32>} : memref<528xi32, #tpu.memory_space<vmem>>, vector<16xi32>,
        %swap3A_964 = vector.shape_cast %swap3A_963 : vector<16xi32> to vector<16xi32>
        %swap3A_965 = vector.shape_cast %add3A_957 : vector<16xi32> to vector<16xi32>
        tpu.vector_store %swap3A_961[%swap3A_962], %swap3A_965 {strides = array<i32>} : memref<528xi32, #tpu.memory_space<vmem>>, vector<16xi32>,
        %scan3A_966 = arith.constant 0 : i32
        scf.yield %scan3A_966 : i32
      }
      %scan3A_305 = arith.constant 33 : i32
      %dma_start3A_306 = arith.constant 0 : i32
      %dma_start3A_307 = arith.constant 0 : i32
      %dma_start3A_308 = arith.constant 0 : i32
      %dma_start3A_309 = arith.constant 0 : i32
      %dma_start3A_310 = tpu.memref_slice %arg10[%dma_start3A_307, %dma_start3A_308, %dma_start3A_309] : memref<2x520x16xf32, #tpu.memory_space<vmem>> -> memref<1x520x16xf32, #tpu.memory_space<vmem>>
      %dma_start3A_311 = tpu.memref_squeeze %dma_start3A_310 : memref<1x520x16xf32, #tpu.memory_space<vmem>> -> memref<520x16xf32, #tpu.memory_space<vmem>>
      %dma_start3A_312 = arith.constant 0 : i32
      %dma_start3A_313 = arith.constant 0 : i32
      %dma_start3A_314 = tpu.memref_slice %dma_start3A_311[%dma_start3A_312, %dma_start3A_313] : memref<520x16xf32, #tpu.memory_space<vmem>> -> memref<104x16xf32, #tpu.memory_space<vmem>>
      %dma_start3A_315 = arith.constant 0 : i32
      %dma_start3A_316 = tpu.memref_slice %arg8[%dma_start3A_306, %dma_start3A_315] : memref<2x528xi32, #tpu.memory_space<vmem>> -> memref<1x528xi32, #tpu.memory_space<vmem>>
      %dma_start3A_317 = tpu.memref_squeeze %dma_start3A_316 : memref<1x528xi32, #tpu.memory_space<vmem>> -> memref<528xi32, #tpu.memory_space<vmem>>
      %dma_start3A_318 = arith.constant 0 : i32
      %dma_start3A_319 = tpu.memref_slice %dma_start3A_317[%dma_start3A_318] : memref<528xi32, #tpu.memory_space<vmem>> -> memref<104xi32, #tpu.memory_space<vmem>>
      %dma_start3A_320 = arith.constant 0 : i32
      %dma_start3A_321 = arith.constant 0 : i32
      %dma_start3A_322 = tpu.memref_slice %arg4[%dma_start3A_320, %dma_start3A_321] : memref<20801664x16xf32, #tpu.memory_space<hbm>> -> memref<20801664x16xf32, #tpu.memory_space<hbm>>
      tpu.enqueue_indirect_dma source(%dma_start3A_322 : memref<20801664x16xf32, #tpu.memory_space<hbm>>) target(%dma_start3A_314 : memref<104x16xf32, #tpu.memory_space<vmem>>) offsets(%dma_start3A_319 : memref<104xi32, #tpu.memory_space<vmem>>) semaphore(%arg15 : memref<!tpu.dma_semaphore, #tpu.memory_space<semaphore_mem>>)
      %dma_start3A_323 = arith.constant 0 : i32
      %dma_start3A_324 = arith.constant 0 : i32
      %dma_start3A_325 = arith.constant 0 : i32
      %dma_start3A_326 = arith.constant 0 : i32
      %dma_start3A_327 = tpu.memref_slice %arg11[%dma_start3A_324, %dma_start3A_325, %dma_start3A_326] : memref<2x520x16xf32, #tpu.memory_space<vmem>> -> memref<1x520x16xf32, #tpu.memory_space<vmem>>
      %dma_start3A_328 = tpu.memref_squeeze %dma_start3A_327 : memref<1x520x16xf32, #tpu.memory_space<vmem>> -> memref<520x16xf32, #tpu.memory_space<vmem>>
      %dma_start3A_329 = arith.constant 0 : i32
      %dma_start3A_330 = arith.constant 0 : i32
      %dma_start3A_331 = tpu.memref_slice %dma_start3A_328[%dma_start3A_329, %dma_start3A_330] : memref<520x16xf32, #tpu.memory_space<vmem>> -> memref<104x16xf32, #tpu.memory_space<vmem>>
      %dma_start3A_332 = arith.constant 0 : i32
      %dma_start3A_333 = tpu.memref_slice %arg9[%dma_start3A_323, %dma_start3A_332] : memref<2x528xi32, #tpu.memory_space<vmem>> -> memref<1x528xi32, #tpu.memory_space<vmem>>
      %dma_start3A_334 = tpu.memref_squeeze %dma_start3A_333 : memref<1x528xi32, #tpu.memory_space<vmem>> -> memref<528xi32, #tpu.memory_space<vmem>>
      %dma_start3A_335 = arith.constant 0 : i32
      %dma_start3A_336 = tpu.memref_slice %dma_start3A_334[%dma_start3A_335] : memref<528xi32, #tpu.memory_space<vmem>> -> memref<104xi32, #tpu.memory_space<vmem>>
      %dma_start3A_337 = arith.constant 0 : i32
      %dma_start3A_338 = arith.constant 0 : i32
      %dma_start3A_339 = tpu.memref_slice %arg4[%dma_start3A_337, %dma_start3A_338] : memref<20801664x16xf32, #tpu.memory_space<hbm>> -> memref<20801664x16xf32, #tpu.memory_space<hbm>>
      tpu.enqueue_indirect_dma source(%dma_start3A_339 : memref<20801664x16xf32, #tpu.memory_space<hbm>>) target(%dma_start3A_331 : memref<104x16xf32, #tpu.memory_space<vmem>>) offsets(%dma_start3A_336 : memref<104xi32, #tpu.memory_space<vmem>>) semaphore(%arg15 : memref<!tpu.dma_semaphore, #tpu.memory_space<semaphore_mem>>)
      %dma_start3A_340 = arith.constant 0 : i32
      %dma_start3A_341 = arith.constant 0 : i32
      %dma_start3A_342 = arith.constant 0 : i32
      %dma_start3A_343 = arith.constant 0 : i32
      %dma_start3A_344 = tpu.memref_slice %arg10[%dma_start3A_341, %dma_start3A_342, %dma_start3A_343] : memref<2x520x16xf32, #tpu.memory_space<vmem>> -> memref<1x520x16xf32, #tpu.memory_space<vmem>>
      %dma_start3A_345 = tpu.memref_squeeze %dma_start3A_344 : memref<1x520x16xf32, #tpu.memory_space<vmem>> -> memref<520x16xf32, #tpu.memory_space<vmem>>
      %dma_start3A_346 = arith.constant 104 : i32
      %dma_start3A_347 = arith.constant 0 : i32
      %dma_start3A_348 = tpu.memref_slice %dma_start3A_345[%dma_start3A_346, %dma_start3A_347] : memref<520x16xf32, #tpu.memory_space<vmem>> -> memref<104x16xf32, #tpu.memory_space<vmem>>
      %dma_start3A_349 = arith.constant 0 : i32
      %dma_start3A_350 = tpu.memref_slice %arg8[%dma_start3A_340, %dma_start3A_349] : memref<2x528xi32, #tpu.memory_space<vmem>> -> memref<1x528xi32, #tpu.memory_space<vmem>>
      %dma_start3A_351 = tpu.memref_squeeze %dma_start3A_350 : memref<1x528xi32, #tpu.memory_space<vmem>> -> memref<528xi32, #tpu.memory_space<vmem>>
      %dma_start3A_352 = arith.constant 104 : i32
      %dma_start3A_353 = tpu.memref_slice %dma_start3A_351[%dma_start3A_352] : memref<528xi32, #tpu.memory_space<vmem>> -> memref<104xi32, #tpu.memory_space<vmem>>
      %dma_start3A_354 = arith.constant 0 : i32
      %dma_start3A_355 = arith.constant 0 : i32
      %dma_start3A_356 = tpu.memref_slice %arg4[%dma_start3A_354, %dma_start3A_355] : memref<20801664x16xf32, #tpu.memory_space<hbm>> -> memref<20801664x16xf32, #tpu.memory_space<hbm>>
      tpu.enqueue_indirect_dma source(%dma_start3A_356 : memref<20801664x16xf32, #tpu.memory_space<hbm>>) target(%dma_start3A_348 : memref<104x16xf32, #tpu.memory_space<vmem>>) offsets(%dma_start3A_353 : memref<104xi32, #tpu.memory_space<vmem>>) semaphore(%arg15 : memref<!tpu.dma_semaphore, #tpu.memory_space<semaphore_mem>>)
      %dma_start3A_357 = arith.constant 0 : i32
      %dma_start3A_358 = arith.constant 0 : i32
      %dma_start3A_359 = arith.constant 0 : i32
      %dma_start3A_360 = arith.constant 0 : i32
      %dma_start3A_361 = tpu.memref_slice %arg11[%dma_start3A_358, %dma_start3A_359, %dma_start3A_360] : memref<2x520x16xf32, #tpu.memory_space<vmem>> -> memref<1x520x16xf32, #tpu.memory_space<vmem>>
      %dma_start3A_362 = tpu.memref_squeeze %dma_start3A_361 : memref<1x520x16xf32, #tpu.memory_space<vmem>> -> memref<520x16xf32, #tpu.memory_space<vmem>>
      %dma_start3A_363 = arith.constant 104 : i32
      %dma_start3A_364 = arith.constant 0 : i32
      %dma_start3A_365 = tpu.memref_slice %dma_start3A_362[%dma_start3A_363, %dma_start3A_364] : memref<520x16xf32, #tpu.memory_space<vmem>> -> memref<104x16xf32, #tpu.memory_space<vmem>>
      %dma_start3A_366 = arith.constant 0 : i32
      %dma_start3A_367 = tpu.memref_slice %arg9[%dma_start3A_357, %dma_start3A_366] : memref<2x528xi32, #tpu.memory_space<vmem>> -> memref<1x528xi32, #tpu.memory_space<vmem>>
      %dma_start3A_368 = tpu.memref_squeeze %dma_start3A_367 : memref<1x528xi32, #tpu.memory_space<vmem>> -> memref<528xi32, #tpu.memory_space<vmem>>
      %dma_start3A_369 = arith.constant 104 : i32
      %dma_start3A_370 = tpu.memref_slice %dma_start3A_368[%dma_start3A_369] : memref<528xi32, #tpu.memory_space<vmem>> -> memref<104xi32, #tpu.memory_space<vmem>>
      %dma_start3A_371 = arith.constant 0 : i32
      %dma_start3A_372 = arith.constant 0 : i32
      %dma_start3A_373 = tpu.memref_slice %arg4[%dma_start3A_371, %dma_start3A_372] : memref<20801664x16xf32, #tpu.memory_space<hbm>> -> memref<20801664x16xf32, #tpu.memory_space<hbm>>
      tpu.enqueue_indirect_dma source(%dma_start3A_373 : memref<20801664x16xf32, #tpu.memory_space<hbm>>) target(%dma_start3A_365 : memref<104x16xf32, #tpu.memory_space<vmem>>) offsets(%dma_start3A_370 : memref<104xi32, #tpu.memory_space<vmem>>) semaphore(%arg15 : memref<!tpu.dma_semaphore, #tpu.memory_space<semaphore_mem>>)
      %dma_start3A_374 = arith.constant 0 : i32
      %dma_start3A_375 = arith.constant 0 : i32
      %dma_start3A_376 = arith.constant 0 : i32
      %dma_start3A_377 = arith.constant 0 : i32
      %dma_start3A_378 = tpu.memref_slice %arg10[%dma_start3A_375, %dma_start3A_376, %dma_start3A_377] : memref<2x520x16xf32, #tpu.memory_space<vmem>> -> memref<1x520x16xf32, #tpu.memory_space<vmem>>
      %dma_start3A_379 = tpu.memref_squeeze %dma_start3A_378 : memref<1x520x16xf32, #tpu.memory_space<vmem>> -> memref<520x16xf32, #tpu.memory_space<vmem>>
      %dma_start3A_380 = arith.constant 208 : i32
      %dma_start3A_381 = arith.constant 0 : i32
      %dma_start3A_382 = tpu.memref_slice %dma_start3A_379[%dma_start3A_380, %dma_start3A_381] : memref<520x16xf32, #tpu.memory_space<vmem>> -> memref<104x16xf32, #tpu.memory_space<vmem>>
      %dma_start3A_383 = arith.constant 0 : i32
      %dma_start3A_384 = tpu.memref_slice %arg8[%dma_start3A_374, %dma_start3A_383] : memref<2x528xi32, #tpu.memory_space<vmem>> -> memref<1x528xi32, #tpu.memory_space<vmem>>
      %dma_start3A_385 = tpu.memref_squeeze %dma_start3A_384 : memref<1x528xi32, #tpu.memory_space<vmem>> -> memref<528xi32, #tpu.memory_space<vmem>>
      %dma_start3A_386 = arith.constant 208 : i32
      %dma_start3A_387 = tpu.memref_slice %dma_start3A_385[%dma_start3A_386] : memref<528xi32, #tpu.memory_space<vmem>> -> memref<104xi32, #tpu.memory_space<vmem>>
      %dma_start3A_388 = arith.constant 0 : i32
      %dma_start3A_389 = arith.constant 0 : i32
      %dma_start3A_390 = tpu.memref_slice %arg4[%dma_start3A_388, %dma_start3A_389] : memref<20801664x16xf32, #tpu.memory_space<hbm>> -> memref<20801664x16xf32, #tpu.memory_space<hbm>>
      tpu.enqueue_indirect_dma source(%dma_start3A_390 : memref<20801664x16xf32, #tpu.memory_space<hbm>>) target(%dma_start3A_382 : memref<104x16xf32, #tpu.memory_space<vmem>>) offsets(%dma_start3A_387 : memref<104xi32, #tpu.memory_space<vmem>>) semaphore(%arg15 : memref<!tpu.dma_semaphore, #tpu.memory_space<semaphore_mem>>)
      %dma_start3A_391 = arith.constant 0 : i32
      %dma_start3A_392 = arith.constant 0 : i32
      %dma_start3A_393 = arith.constant 0 : i32
      %dma_start3A_394 = arith.constant 0 : i32
      %dma_start3A_395 = tpu.memref_slice %arg11[%dma_start3A_392, %dma_start3A_393, %dma_start3A_394] : memref<2x520x16xf32, #tpu.memory_space<vmem>> -> memref<1x520x16xf32, #tpu.memory_space<vmem>>
      %dma_start3A_396 = tpu.memref_squeeze %dma_start3A_395 : memref<1x520x16xf32, #tpu.memory_space<vmem>> -> memref<520x16xf32, #tpu.memory_space<vmem>>
      %dma_start3A_397 = arith.constant 208 : i32
      %dma_start3A_398 = arith.constant 0 : i32
      %dma_start3A_399 = tpu.memref_slice %dma_start3A_396[%dma_start3A_397, %dma_start3A_398] : memref<520x16xf32, #tpu.memory_space<vmem>> -> memref<104x16xf32, #tpu.memory_space<vmem>>
      %dma_start3A_400 = arith.constant 0 : i32
      %dma_start3A_401 = tpu.memref_slice %arg9[%dma_start3A_391, %dma_start3A_400] : memref<2x528xi32, #tpu.memory_space<vmem>> -> memref<1x528xi32, #tpu.memory_space<vmem>>
      %dma_start3A_402 = tpu.memref_squeeze %dma_start3A_401 : memref<1x528xi32, #tpu.memory_space<vmem>> -> memref<528xi32, #tpu.memory_space<vmem>>
      %dma_start3A_403 = arith.constant 208 : i32
      %dma_start3A_404 = tpu.memref_slice %dma_start3A_402[%dma_start3A_403] : memref<528xi32, #tpu.memory_space<vmem>> -> memref<104xi32, #tpu.memory_space<vmem>>
      %dma_start3A_405 = arith.constant 0 : i32
      %dma_start3A_406 = arith.constant 0 : i32
      %dma_start3A_407 = tpu.memref_slice %arg4[%dma_start3A_405, %dma_start3A_406] : memref<20801664x16xf32, #tpu.memory_space<hbm>> -> memref<20801664x16xf32, #tpu.memory_space<hbm>>
      tpu.enqueue_indirect_dma source(%dma_start3A_407 : memref<20801664x16xf32, #tpu.memory_space<hbm>>) target(%dma_start3A_399 : memref<104x16xf32, #tpu.memory_space<vmem>>) offsets(%dma_start3A_404 : memref<104xi32, #tpu.memory_space<vmem>>) semaphore(%arg15 : memref<!tpu.dma_semaphore, #tpu.memory_space<semaphore_mem>>)
      %dma_start3A_408 = arith.constant 0 : i32
      %dma_start3A_409 = arith.constant 0 : i32
      %dma_start3A_410 = arith.constant 0 : i32
      %dma_start3A_411 = arith.constant 0 : i32
      %dma_start3A_412 = tpu.memref_slice %arg10[%dma_start3A_409, %dma_start3A_410, %dma_start3A_411] : memref<2x520x16xf32, #tpu.memory_space<vmem>> -> memref<1x520x16xf32, #tpu.memory_space<vmem>>
      %dma_start3A_413 = tpu.memref_squeeze %dma_start3A_412 : memref<1x520x16xf32, #tpu.memory_space<vmem>> -> memref<520x16xf32, #tpu.memory_space<vmem>>
      %dma_start3A_414 = arith.constant 312 : i32
      %dma_start3A_415 = arith.constant 0 : i32
      %dma_start3A_416 = tpu.memref_slice %dma_start3A_413[%dma_start3A_414, %dma_start3A_415] : memref<520x16xf32, #tpu.memory_space<vmem>> -> memref<104x16xf32, #tpu.memory_space<vmem>>
      %dma_start3A_417 = arith.constant 0 : i32
      %dma_start3A_418 = tpu.memref_slice %arg8[%dma_start3A_408, %dma_start3A_417] : memref<2x528xi32, #tpu.memory_space<vmem>> -> memref<1x528xi32, #tpu.memory_space<vmem>>
      %dma_start3A_419 = tpu.memref_squeeze %dma_start3A_418 : memref<1x528xi32, #tpu.memory_space<vmem>> -> memref<528xi32, #tpu.memory_space<vmem>>
      %dma_start3A_420 = arith.constant 312 : i32
      %dma_start3A_421 = tpu.memref_slice %dma_start3A_419[%dma_start3A_420] : memref<528xi32, #tpu.memory_space<vmem>> -> memref<104xi32, #tpu.memory_space<vmem>>
      %dma_start3A_422 = arith.constant 0 : i32
      %dma_start3A_423 = arith.constant 0 : i32
      %dma_start3A_424 = tpu.memref_slice %arg4[%dma_start3A_422, %dma_start3A_423] : memref<20801664x16xf32, #tpu.memory_space<hbm>> -> memref<20801664x16xf32, #tpu.memory_space<hbm>>
      tpu.enqueue_indirect_dma source(%dma_start3A_424 : memref<20801664x16xf32, #tpu.memory_space<hbm>>) target(%dma_start3A_416 : memref<104x16xf32, #tpu.memory_space<vmem>>) offsets(%dma_start3A_421 : memref<104xi32, #tpu.memory_space<vmem>>) semaphore(%arg15 : memref<!tpu.dma_semaphore, #tpu.memory_space<semaphore_mem>>)
      %dma_start3A_425 = arith.constant 0 : i32
      %dma_start3A_426 = arith.constant 0 : i32
      %dma_start3A_427 = arith.constant 0 : i32
      %dma_start3A_428 = arith.constant 0 : i32
      %dma_start3A_429 = tpu.memref_slice %arg11[%dma_start3A_426, %dma_start3A_427, %dma_start3A_428] : memref<2x520x16xf32, #tpu.memory_space<vmem>> -> memref<1x520x16xf32, #tpu.memory_space<vmem>>
      %dma_start3A_430 = tpu.memref_squeeze %dma_start3A_429 : memref<1x520x16xf32, #tpu.memory_space<vmem>> -> memref<520x16xf32, #tpu.memory_space<vmem>>
      %dma_start3A_431 = arith.constant 312 : i32
      %dma_start3A_432 = arith.constant 0 : i32
      %dma_start3A_433 = tpu.memref_slice %dma_start3A_430[%dma_start3A_431, %dma_start3A_432] : memref<520x16xf32, #tpu.memory_space<vmem>> -> memref<104x16xf32, #tpu.memory_space<vmem>>
      %dma_start3A_434 = arith.constant 0 : i32
      %dma_start3A_435 = tpu.memref_slice %arg9[%dma_start3A_425, %dma_start3A_434] : memref<2x528xi32, #tpu.memory_space<vmem>> -> memref<1x528xi32, #tpu.memory_space<vmem>>
      %dma_start3A_436 = tpu.memref_squeeze %dma_start3A_435 : memref<1x528xi32, #tpu.memory_space<vmem>> -> memref<528xi32, #tpu.memory_space<vmem>>
      %dma_start3A_437 = arith.constant 312 : i32
      %dma_start3A_438 = tpu.memref_slice %dma_start3A_436[%dma_start3A_437] : memref<528xi32, #tpu.memory_space<vmem>> -> memref<104xi32, #tpu.memory_space<vmem>>
      %dma_start3A_439 = arith.constant 0 : i32
      %dma_start3A_440 = arith.constant 0 : i32
      %dma_start3A_441 = tpu.memref_slice %arg4[%dma_start3A_439, %dma_start3A_440] : memref<20801664x16xf32, #tpu.memory_space<hbm>> -> memref<20801664x16xf32, #tpu.memory_space<hbm>>
      tpu.enqueue_indirect_dma source(%dma_start3A_441 : memref<20801664x16xf32, #tpu.memory_space<hbm>>) target(%dma_start3A_433 : memref<104x16xf32, #tpu.memory_space<vmem>>) offsets(%dma_start3A_438 : memref<104xi32, #tpu.memory_space<vmem>>) semaphore(%arg15 : memref<!tpu.dma_semaphore, #tpu.memory_space<semaphore_mem>>)
      %dma_start3A_442 = arith.constant 0 : i32
      %dma_start3A_443 = arith.constant 0 : i32
      %dma_start3A_444 = arith.constant 0 : i32
      %dma_start3A_445 = arith.constant 0 : i32
      %dma_start3A_446 = tpu.memref_slice %arg10[%dma_start3A_443, %dma_start3A_444, %dma_start3A_445] : memref<2x520x16xf32, #tpu.memory_space<vmem>> -> memref<1x520x16xf32, #tpu.memory_space<vmem>>
      %dma_start3A_447 = tpu.memref_squeeze %dma_start3A_446 : memref<1x520x16xf32, #tpu.memory_space<vmem>> -> memref<520x16xf32, #tpu.memory_space<vmem>>
      %dma_start3A_448 = arith.constant 416 : i32
      %dma_start3A_449 = arith.constant 0 : i32
      %dma_start3A_450 = tpu.memref_slice %dma_start3A_447[%dma_start3A_448, %dma_start3A_449] : memref<520x16xf32, #tpu.memory_space<vmem>> -> memref<104x16xf32, #tpu.memory_space<vmem>>
      %dma_start3A_451 = arith.constant 0 : i32
      %dma_start3A_452 = tpu.memref_slice %arg8[%dma_start3A_442, %dma_start3A_451] : memref<2x528xi32, #tpu.memory_space<vmem>> -> memref<1x528xi32, #tpu.memory_space<vmem>>
      %dma_start3A_453 = tpu.memref_squeeze %dma_start3A_452 : memref<1x528xi32, #tpu.memory_space<vmem>> -> memref<528xi32, #tpu.memory_space<vmem>>
      %dma_start3A_454 = arith.constant 416 : i32
      %dma_start3A_455 = tpu.memref_slice %dma_start3A_453[%dma_start3A_454] : memref<528xi32, #tpu.memory_space<vmem>> -> memref<104xi32, #tpu.memory_space<vmem>>
      %dma_start3A_456 = arith.constant 0 : i32
      %dma_start3A_457 = arith.constant 0 : i32
      %dma_start3A_458 = tpu.memref_slice %arg4[%dma_start3A_456, %dma_start3A_457] : memref<20801664x16xf32, #tpu.memory_space<hbm>> -> memref<20801664x16xf32, #tpu.memory_space<hbm>>
      tpu.enqueue_indirect_dma source(%dma_start3A_458 : memref<20801664x16xf32, #tpu.memory_space<hbm>>) target(%dma_start3A_450 : memref<104x16xf32, #tpu.memory_space<vmem>>) offsets(%dma_start3A_455 : memref<104xi32, #tpu.memory_space<vmem>>) semaphore(%arg15 : memref<!tpu.dma_semaphore, #tpu.memory_space<semaphore_mem>>)
      %dma_start3A_459 = arith.constant 0 : i32
      %dma_start3A_460 = arith.constant 0 : i32
      %dma_start3A_461 = arith.constant 0 : i32
      %dma_start3A_462 = arith.constant 0 : i32
      %dma_start3A_463 = tpu.memref_slice %arg11[%dma_start3A_460, %dma_start3A_461, %dma_start3A_462] : memref<2x520x16xf32, #tpu.memory_space<vmem>> -> memref<1x520x16xf32, #tpu.memory_space<vmem>>
      %dma_start3A_464 = tpu.memref_squeeze %dma_start3A_463 : memref<1x520x16xf32, #tpu.memory_space<vmem>> -> memref<520x16xf32, #tpu.memory_space<vmem>>
      %dma_start3A_465 = arith.constant 416 : i32
      %dma_start3A_466 = arith.constant 0 : i32
      %dma_start3A_467 = tpu.memref_slice %dma_start3A_464[%dma_start3A_465, %dma_start3A_466] : memref<520x16xf32, #tpu.memory_space<vmem>> -> memref<104x16xf32, #tpu.memory_space<vmem>>
      %dma_start3A_468 = arith.constant 0 : i32
      %dma_start3A_469 = tpu.memref_slice %arg9[%dma_start3A_459, %dma_start3A_468] : memref<2x528xi32, #tpu.memory_space<vmem>> -> memref<1x528xi32, #tpu.memory_space<vmem>>
      %dma_start3A_470 = tpu.memref_squeeze %dma_start3A_469 : memref<1x528xi32, #tpu.memory_space<vmem>> -> memref<528xi32, #tpu.memory_space<vmem>>
      %dma_start3A_471 = arith.constant 416 : i32
      %dma_start3A_472 = tpu.memref_slice %dma_start3A_470[%dma_start3A_471] : memref<528xi32, #tpu.memory_space<vmem>> -> memref<104xi32, #tpu.memory_space<vmem>>
      %dma_start3A_473 = arith.constant 0 : i32
      %dma_start3A_474 = arith.constant 0 : i32
      %dma_start3A_475 = tpu.memref_slice %arg4[%dma_start3A_473, %dma_start3A_474] : memref<20801664x16xf32, #tpu.memory_space<hbm>> -> memref<20801664x16xf32, #tpu.memory_space<hbm>>
      tpu.enqueue_indirect_dma source(%dma_start3A_475 : memref<20801664x16xf32, #tpu.memory_space<hbm>>) target(%dma_start3A_467 : memref<104x16xf32, #tpu.memory_space<vmem>>) offsets(%dma_start3A_472 : memref<104xi32, #tpu.memory_space<vmem>>) semaphore(%arg15 : memref<!tpu.dma_semaphore, #tpu.memory_space<semaphore_mem>>)
      %add3A_476 = arith.constant 1 : i32
      %add3A_477 = arith.addi %add3A_283, %add3A_476 : i32
      %mul3A_478 = arith.constant 520 : i32
      %mul3A_479 = arith.muli %add3A_477, %mul3A_478 : i32
      %multiple_of3A_480 = tpu.assume_multiple %mul3A_479, 8 : i32
      %dma_start3A_481 = arith.constant 1 : i32
      %dma_start3A_482 = arith.constant 0 : i32
      %dma_start3A_483 = tpu.memref_slice %arg7[%dma_start3A_481, %dma_start3A_482] : memref<2x528xi32, #tpu.memory_space<vmem>> -> memref<1x528xi32, #tpu.memory_space<vmem>>
      %dma_start3A_484 = tpu.memref_squeeze %dma_start3A_483 : memref<1x528xi32, #tpu.memory_space<vmem>> -> memref<528xi32, #tpu.memory_space<vmem>>
      %dma_start3A_485 = arith.constant 0 : i32
      %dma_start3A_486 = tpu.memref_slice %dma_start3A_484[%dma_start3A_485] : memref<528xi32, #tpu.memory_space<vmem>> -> memref<520xi32, #tpu.memory_space<vmem>>
      %dma_start3A_487 = tpu.memref_slice %arg2[%multiple_of3A_480] : memref<2129920xi32, #tpu.memory_space<hbm>> -> memref<520xi32, #tpu.memory_space<hbm>>
      %dma_start3A_488 = arith.constant 0 : i32
      %dma_start3A_489 = tpu.memref_slice %arg7[%dma_start3A_481, %dma_start3A_488] : memref<2x528xi32, #tpu.memory_space<vmem>> -> memref<1x528xi32, #tpu.memory_space<vmem>>
      %dma_start3A_490 = tpu.memref_squeeze %dma_start3A_489 : memref<1x528xi32, #tpu.memory_space<vmem>> -> memref<528xi32, #tpu.memory_space<vmem>>
      %dma_start3A_491 = arith.constant 0 : i32
      %dma_start3A_492 = tpu.memref_slice %dma_start3A_490[%dma_start3A_491] : memref<528xi32, #tpu.memory_space<vmem>> -> memref<520xi32, #tpu.memory_space<vmem>>
      %dma_start3A_493 = tpu.memref_slice %arg2[%multiple_of3A_480] : memref<2129920xi32, #tpu.memory_space<hbm>> -> memref<520xi32, #tpu.memory_space<hbm>>
      tpu.enqueue_dma source(%dma_start3A_493 : memref<520xi32, #tpu.memory_space<hbm>>) target(%dma_start3A_492 : memref<520xi32, #tpu.memory_space<vmem>>) target_semaphore(%arg14 : memref<!tpu.dma_semaphore, #tpu.memory_space<semaphore_mem>>)
      %gt3A = arith.constant 0 : i32
      %gt3A_494 = arith.cmpi sgt, %scan3A_279, %gt3A : i32
      %convert_element_type3A_495 = arith.extui %gt3A_494 : i1 to i32
      %cond3A_496 = arith.constant 0 : i32
      %cond3A_497 = arith.cmpi ne, %convert_element_type3A_495, %cond3A_496 : i32
      scf.if %cond3A_497 {
        %dma_wait3A_930 = arith.constant 1 : i32
        %dma_wait3A_931 = arith.constant 0 : i32
        %dma_wait3A_932 = arith.constant 0 : i32
        %dma_wait3A_933 = tpu.memref_slice %arg10[%dma_wait3A_930, %dma_wait3A_931, %dma_wait3A_932] : memref<2x520x16xf32, #tpu.memory_space<vmem>> -> memref<1x520x16xf32, #tpu.memory_space<vmem>>
        %dma_wait3A_934 = tpu.memref_squeeze %dma_wait3A_933 : memref<1x520x16xf32, #tpu.memory_space<vmem>> -> memref<520x16xf32, #tpu.memory_space<vmem>>
        %dma_wait3A_935 = arith.constant 0 : i32
        %dma_wait3A_936 = arith.constant 0 : i32
        %dma_wait3A_937 = tpu.memref_slice %dma_wait3A_934[%dma_wait3A_935, %dma_wait3A_936] : memref<520x16xf32, #tpu.memory_space<vmem>> -> memref<104x16xf32, #tpu.memory_space<vmem>>
        %dma_wait3A_938 = arith.constant 0 : i32
        %dma_wait3A_939 = arith.constant 0 : i32
        %dma_wait3A_940 = tpu.memref_slice %arg4[%dma_wait3A_938, %dma_wait3A_939] : memref<20801664x16xf32, #tpu.memory_space<hbm>> -> memref<104x16xf32, #tpu.memory_space<hbm>>
        %dma_wait3A_941 = arith.constant 0 : i32
        %dma_wait3A_942 = arith.constant 0 : i32
        %dma_wait3A_943 = tpu.memref_slice %arg10[%dma_wait3A_930, %dma_wait3A_941, %dma_wait3A_942] : memref<2x520x16xf32, #tpu.memory_space<vmem>> -> memref<1x520x16xf32, #tpu.memory_space<vmem>>
        %dma_wait3A_944 = tpu.memref_squeeze %dma_wait3A_943 : memref<1x520x16xf32, #tpu.memory_space<vmem>> -> memref<520x16xf32, #tpu.memory_space<vmem>>
        %dma_wait3A_945 = arith.constant 0 : i32
        %dma_wait3A_946 = arith.constant 0 : i32
        %dma_wait3A_947 = tpu.memref_slice %dma_wait3A_944[%dma_wait3A_945, %dma_wait3A_946] : memref<520x16xf32, #tpu.memory_space<vmem>> -> memref<104x16xf32, #tpu.memory_space<vmem>>
        %dma_wait3A_948 = arith.constant 0 : i32
        %dma_wait3A_949 = arith.constant 0 : i32
        %dma_wait3A_950 = tpu.memref_slice %arg4[%dma_wait3A_948, %dma_wait3A_949] : memref<20801664x16xf32, #tpu.memory_space<hbm>> -> memref<104x16xf32, #tpu.memory_space<hbm>>
        tpu.wait_dma2 semaphore(%arg16 : memref<!tpu.dma_semaphore, #tpu.memory_space<semaphore_mem>>) src(%dma_wait3A_950 : memref<104x16xf32, #tpu.memory_space<hbm>>) dst(%dma_wait3A_947 : memref<104x16xf32, #tpu.memory_space<vmem>>)
        %dma_wait3A_951 = arith.constant 1 : i32
        %dma_wait3A_952 = arith.constant 0 : i32
        %dma_wait3A_953 = arith.constant 0 : i32
        %dma_wait3A_954 = tpu.memref_slice %arg11[%dma_wait3A_951, %dma_wait3A_952, %dma_wait3A_953] : memref<2x520x16xf32, #tpu.memory_space<vmem>> -> memref<1x520x16xf32, #tpu.memory_space<vmem>>
        %dma_wait3A_955 = tpu.memref_squeeze %dma_wait3A_954 : memref<1x520x16xf32, #tpu.memory_space<vmem>> -> memref<520x16xf32, #tpu.memory_space<vmem>>
        %dma_wait3A_956 = arith.constant 0 : i32
        %dma_wait3A_957 = arith.constant 0 : i32
        %dma_wait3A_958 = tpu.memref_slice %dma_wait3A_955[%dma_wait3A_956, %dma_wait3A_957] : memref<520x16xf32, #tpu.memory_space<vmem>> -> memref<104x16xf32, #tpu.memory_space<vmem>>
        %dma_wait3A_959 = arith.constant 0 : i32
        %dma_wait3A_960 = arith.constant 0 : i32
        %dma_wait3A_961 = tpu.memref_slice %arg4[%dma_wait3A_959, %dma_wait3A_960] : memref<20801664x16xf32, #tpu.memory_space<hbm>> -> memref<104x16xf32, #tpu.memory_space<hbm>>
        %dma_wait3A_962 = arith.constant 0 : i32
        %dma_wait3A_963 = arith.constant 0 : i32
        %dma_wait3A_964 = tpu.memref_slice %arg11[%dma_wait3A_951, %dma_wait3A_962, %dma_wait3A_963] : memref<2x520x16xf32, #tpu.memory_space<vmem>> -> memref<1x520x16xf32, #tpu.memory_space<vmem>>
        %dma_wait3A_965 = tpu.memref_squeeze %dma_wait3A_964 : memref<1x520x16xf32, #tpu.memory_space<vmem>> -> memref<520x16xf32, #tpu.memory_space<vmem>>
        %dma_wait3A_966 = arith.constant 0 : i32
        %dma_wait3A_967 = arith.constant 0 : i32
        %dma_wait3A_968 = tpu.memref_slice %dma_wait3A_965[%dma_wait3A_966, %dma_wait3A_967] : memref<520x16xf32, #tpu.memory_space<vmem>> -> memref<104x16xf32, #tpu.memory_space<vmem>>
        %dma_wait3A_969 = arith.constant 0 : i32
        %dma_wait3A_970 = arith.constant 0 : i32
        %dma_wait3A_971 = tpu.memref_slice %arg4[%dma_wait3A_969, %dma_wait3A_970] : memref<20801664x16xf32, #tpu.memory_space<hbm>> -> memref<104x16xf32, #tpu.memory_space<hbm>>
        tpu.wait_dma2 semaphore(%arg16 : memref<!tpu.dma_semaphore, #tpu.memory_space<semaphore_mem>>) src(%dma_wait3A_971 : memref<104x16xf32, #tpu.memory_space<hbm>>) dst(%dma_wait3A_968 : memref<104x16xf32, #tpu.memory_space<vmem>>)
        %dma_wait3A_972 = arith.constant 1 : i32
        %dma_wait3A_973 = arith.constant 0 : i32
        %dma_wait3A_974 = arith.constant 0 : i32
        %dma_wait3A_975 = tpu.memref_slice %arg10[%dma_wait3A_972, %dma_wait3A_973, %dma_wait3A_974] : memref<2x520x16xf32, #tpu.memory_space<vmem>> -> memref<1x520x16xf32, #tpu.memory_space<vmem>>
        %dma_wait3A_976 = tpu.memref_squeeze %dma_wait3A_975 : memref<1x520x16xf32, #tpu.memory_space<vmem>> -> memref<520x16xf32, #tpu.memory_space<vmem>>
        %dma_wait3A_977 = arith.constant 104 : i32
        %dma_wait3A_978 = arith.constant 0 : i32
        %dma_wait3A_979 = tpu.memref_slice %dma_wait3A_976[%dma_wait3A_977, %dma_wait3A_978] : memref<520x16xf32, #tpu.memory_space<vmem>> -> memref<104x16xf32, #tpu.memory_space<vmem>>
        %dma_wait3A_980 = arith.constant 0 : i32
        %dma_wait3A_981 = arith.constant 0 : i32
        %dma_wait3A_982 = tpu.memref_slice %arg4[%dma_wait3A_980, %dma_wait3A_981] : memref<20801664x16xf32, #tpu.memory_space<hbm>> -> memref<104x16xf32, #tpu.memory_space<hbm>>
        %dma_wait3A_983 = arith.constant 0 : i32
        %dma_wait3A_984 = arith.constant 0 : i32
        %dma_wait3A_985 = tpu.memref_slice %arg10[%dma_wait3A_972, %dma_wait3A_983, %dma_wait3A_984] : memref<2x520x16xf32, #tpu.memory_space<vmem>> -> memref<1x520x16xf32, #tpu.memory_space<vmem>>
        %dma_wait3A_986 = tpu.memref_squeeze %dma_wait3A_985 : memref<1x520x16xf32, #tpu.memory_space<vmem>> -> memref<520x16xf32, #tpu.memory_space<vmem>>
        %dma_wait3A_987 = arith.constant 104 : i32
        %dma_wait3A_988 = arith.constant 0 : i32
        %dma_wait3A_989 = tpu.memref_slice %dma_wait3A_986[%dma_wait3A_987, %dma_wait3A_988] : memref<520x16xf32, #tpu.memory_space<vmem>> -> memref<104x16xf32, #tpu.memory_space<vmem>>
        %dma_wait3A_990 = arith.constant 0 : i32
        %dma_wait3A_991 = arith.constant 0 : i32
        %dma_wait3A_992 = tpu.memref_slice %arg4[%dma_wait3A_990, %dma_wait3A_991] : memref<20801664x16xf32, #tpu.memory_space<hbm>> -> memref<104x16xf32, #tpu.memory_space<hbm>>
        tpu.wait_dma2 semaphore(%arg16 : memref<!tpu.dma_semaphore, #tpu.memory_space<semaphore_mem>>) src(%dma_wait3A_992 : memref<104x16xf32, #tpu.memory_space<hbm>>) dst(%dma_wait3A_989 : memref<104x16xf32, #tpu.memory_space<vmem>>)
        %dma_wait3A_993 = arith.constant 1 : i32
        %dma_wait3A_994 = arith.constant 0 : i32
        %dma_wait3A_995 = arith.constant 0 : i32
        %dma_wait3A_996 = tpu.memref_slice %arg11[%dma_wait3A_993, %dma_wait3A_994, %dma_wait3A_995] : memref<2x520x16xf32, #tpu.memory_space<vmem>> -> memref<1x520x16xf32, #tpu.memory_space<vmem>>
        %dma_wait3A_997 = tpu.memref_squeeze %dma_wait3A_996 : memref<1x520x16xf32, #tpu.memory_space<vmem>> -> memref<520x16xf32, #tpu.memory_space<vmem>>
        %dma_wait3A_998 = arith.constant 104 : i32
        %dma_wait3A_999 = arith.constant 0 : i32
        %dma_wait3A_1000 = tpu.memref_slice %dma_wait3A_997[%dma_wait3A_998, %dma_wait3A_999] : memref<520x16xf32, #tpu.memory_space<vmem>> -> memref<104x16xf32, #tpu.memory_space<vmem>>
        %dma_wait3A_1001 = arith.constant 0 : i32
        %dma_wait3A_1002 = arith.constant 0 : i32
        %dma_wait3A_1003 = tpu.memref_slice %arg4[%dma_wait3A_1001, %dma_wait3A_1002] : memref<20801664x16xf32, #tpu.memory_space<hbm>> -> memref<104x16xf32, #tpu.memory_space<hbm>>
        %dma_wait3A_1004 = arith.constant 0 : i32
        %dma_wait3A_1005 = arith.constant 0 : i32
        %dma_wait3A_1006 = tpu.memref_slice %arg11[%dma_wait3A_993, %dma_wait3A_1004, %dma_wait3A_1005] : memref<2x520x16xf32, #tpu.memory_space<vmem>> -> memref<1x520x16xf32, #tpu.memory_space<vmem>>
        %dma_wait3A_1007 = tpu.memref_squeeze %dma_wait3A_1006 : memref<1x520x16xf32, #tpu.memory_space<vmem>> -> memref<520x16xf32, #tpu.memory_space<vmem>>
        %dma_wait3A_1008 = arith.constant 104 : i32
        %dma_wait3A_1009 = arith.constant 0 : i32
        %dma_wait3A_1010 = tpu.memref_slice %dma_wait3A_1007[%dma_wait3A_1008, %dma_wait3A_1009] : memref<520x16xf32, #tpu.memory_space<vmem>> -> memref<104x16xf32, #tpu.memory_space<vmem>>
        %dma_wait3A_1011 = arith.constant 0 : i32
        %dma_wait3A_1012 = arith.constant 0 : i32
        %dma_wait3A_1013 = tpu.memref_slice %arg4[%dma_wait3A_1011, %dma_wait3A_1012] : memref<20801664x16xf32, #tpu.memory_space<hbm>> -> memref<104x16xf32, #tpu.memory_space<hbm>>
        tpu.wait_dma2 semaphore(%arg16 : memref<!tpu.dma_semaphore, #tpu.memory_space<semaphore_mem>>) src(%dma_wait3A_1013 : memref<104x16xf32, #tpu.memory_space<hbm>>) dst(%dma_wait3A_1010 : memref<104x16xf32, #tpu.memory_space<vmem>>)
        %dma_wait3A_1014 = arith.constant 1 : i32
        %dma_wait3A_1015 = arith.constant 0 : i32
        %dma_wait3A_1016 = arith.constant 0 : i32
        %dma_wait3A_1017 = tpu.memref_slice %arg10[%dma_wait3A_1014, %dma_wait3A_1015, %dma_wait3A_1016] : memref<2x520x16xf32, #tpu.memory_space<vmem>> -> memref<1x520x16xf32, #tpu.memory_space<vmem>>
        %dma_wait3A_1018 = tpu.memref_squeeze %dma_wait3A_1017 : memref<1x520x16xf32, #tpu.memory_space<vmem>> -> memref<520x16xf32, #tpu.memory_space<vmem>>
        %dma_wait3A_1019 = arith.constant 208 : i32
        %dma_wait3A_1020 = arith.constant 0 : i32
        %dma_wait3A_1021 = tpu.memref_slice %dma_wait3A_1018[%dma_wait3A_1019, %dma_wait3A_1020] : memref<520x16xf32, #tpu.memory_space<vmem>> -> memref<104x16xf32, #tpu.memory_space<vmem>>
        %dma_wait3A_1022 = arith.constant 0 : i32
        %dma_wait3A_1023 = arith.constant 0 : i32
        %dma_wait3A_1024 = tpu.memref_slice %arg4[%dma_wait3A_1022, %dma_wait3A_1023] : memref<20801664x16xf32, #tpu.memory_space<hbm>> -> memref<104x16xf32, #tpu.memory_space<hbm>>
        %dma_wait3A_1025 = arith.constant 0 : i32
        %dma_wait3A_1026 = arith.constant 0 : i32
        %dma_wait3A_1027 = tpu.memref_slice %arg10[%dma_wait3A_1014, %dma_wait3A_1025, %dma_wait3A_1026] : memref<2x520x16xf32, #tpu.memory_space<vmem>> -> memref<1x520x16xf32, #tpu.memory_space<vmem>>
        %dma_wait3A_1028 = tpu.memref_squeeze %dma_wait3A_1027 : memref<1x520x16xf32, #tpu.memory_space<vmem>> -> memref<520x16xf32, #tpu.memory_space<vmem>>
        %dma_wait3A_1029 = arith.constant 208 : i32
        %dma_wait3A_1030 = arith.constant 0 : i32
        %dma_wait3A_1031 = tpu.memref_slice %dma_wait3A_1028[%dma_wait3A_1029, %dma_wait3A_1030] : memref<520x16xf32, #tpu.memory_space<vmem>> -> memref<104x16xf32, #tpu.memory_space<vmem>>
        %dma_wait3A_1032 = arith.constant 0 : i32
        %dma_wait3A_1033 = arith.constant 0 : i32
        %dma_wait3A_1034 = tpu.memref_slice %arg4[%dma_wait3A_1032, %dma_wait3A_1033] : memref<20801664x16xf32, #tpu.memory_space<hbm>> -> memref<104x16xf32, #tpu.memory_space<hbm>>
        tpu.wait_dma2 semaphore(%arg16 : memref<!tpu.dma_semaphore, #tpu.memory_space<semaphore_mem>>) src(%dma_wait3A_1034 : memref<104x16xf32, #tpu.memory_space<hbm>>) dst(%dma_wait3A_1031 : memref<104x16xf32, #tpu.memory_space<vmem>>)
        %dma_wait3A_1035 = arith.constant 1 : i32
        %dma_wait3A_1036 = arith.constant 0 : i32
        %dma_wait3A_1037 = arith.constant 0 : i32
        %dma_wait3A_1038 = tpu.memref_slice %arg11[%dma_wait3A_1035, %dma_wait3A_1036, %dma_wait3A_1037] : memref<2x520x16xf32, #tpu.memory_space<vmem>> -> memref<1x520x16xf32, #tpu.memory_space<vmem>>
        %dma_wait3A_1039 = tpu.memref_squeeze %dma_wait3A_1038 : memref<1x520x16xf32, #tpu.memory_space<vmem>> -> memref<520x16xf32, #tpu.memory_space<vmem>>
        %dma_wait3A_1040 = arith.constant 208 : i32
        %dma_wait3A_1041 = arith.constant 0 : i32
        %dma_wait3A_1042 = tpu.memref_slice %dma_wait3A_1039[%dma_wait3A_1040, %dma_wait3A_1041] : memref<520x16xf32, #tpu.memory_space<vmem>> -> memref<104x16xf32, #tpu.memory_space<vmem>>
        %dma_wait3A_1043 = arith.constant 0 : i32
        %dma_wait3A_1044 = arith.constant 0 : i32
        %dma_wait3A_1045 = tpu.memref_slice %arg4[%dma_wait3A_1043, %dma_wait3A_1044] : memref<20801664x16xf32, #tpu.memory_space<hbm>> -> memref<104x16xf32, #tpu.memory_space<hbm>>
        %dma_wait3A_1046 = arith.constant 0 : i32
        %dma_wait3A_1047 = arith.constant 0 : i32
        %dma_wait3A_1048 = tpu.memref_slice %arg11[%dma_wait3A_1035, %dma_wait3A_1046, %dma_wait3A_1047] : memref<2x520x16xf32, #tpu.memory_space<vmem>> -> memref<1x520x16xf32, #tpu.memory_space<vmem>>
        %dma_wait3A_1049 = tpu.memref_squeeze %dma_wait3A_1048 : memref<1x520x16xf32, #tpu.memory_space<vmem>> -> memref<520x16xf32, #tpu.memory_space<vmem>>
        %dma_wait3A_1050 = arith.constant 208 : i32
        %dma_wait3A_1051 = arith.constant 0 : i32
        %dma_wait3A_1052 = tpu.memref_slice %dma_wait3A_1049[%dma_wait3A_1050, %dma_wait3A_1051] : memref<520x16xf32, #tpu.memory_space<vmem>> -> memref<104x16xf32, #tpu.memory_space<vmem>>
        %dma_wait3A_1053 = arith.constant 0 : i32
        %dma_wait3A_1054 = arith.constant 0 : i32
        %dma_wait3A_1055 = tpu.memref_slice %arg4[%dma_wait3A_1053, %dma_wait3A_1054] : memref<20801664x16xf32, #tpu.memory_space<hbm>> -> memref<104x16xf32, #tpu.memory_space<hbm>>
        tpu.wait_dma2 semaphore(%arg16 : memref<!tpu.dma_semaphore, #tpu.memory_space<semaphore_mem>>) src(%dma_wait3A_1055 : memref<104x16xf32, #tpu.memory_space<hbm>>) dst(%dma_wait3A_1052 : memref<104x16xf32, #tpu.memory_space<vmem>>)
        %dma_wait3A_1056 = arith.constant 1 : i32
        %dma_wait3A_1057 = arith.constant 0 : i32
        %dma_wait3A_1058 = arith.constant 0 : i32
        %dma_wait3A_1059 = tpu.memref_slice %arg10[%dma_wait3A_1056, %dma_wait3A_1057, %dma_wait3A_1058] : memref<2x520x16xf32, #tpu.memory_space<vmem>> -> memref<1x520x16xf32, #tpu.memory_space<vmem>>
        %dma_wait3A_1060 = tpu.memref_squeeze %dma_wait3A_1059 : memref<1x520x16xf32, #tpu.memory_space<vmem>> -> memref<520x16xf32, #tpu.memory_space<vmem>>
        %dma_wait3A_1061 = arith.constant 312 : i32
        %dma_wait3A_1062 = arith.constant 0 : i32
        %dma_wait3A_1063 = tpu.memref_slice %dma_wait3A_1060[%dma_wait3A_1061, %dma_wait3A_1062] : memref<520x16xf32, #tpu.memory_space<vmem>> -> memref<104x16xf32, #tpu.memory_space<vmem>>
        %dma_wait3A_1064 = arith.constant 0 : i32
        %dma_wait3A_1065 = arith.constant 0 : i32
        %dma_wait3A_1066 = tpu.memref_slice %arg4[%dma_wait3A_1064, %dma_wait3A_1065] : memref<20801664x16xf32, #tpu.memory_space<hbm>> -> memref<104x16xf32, #tpu.memory_space<hbm>>
        %dma_wait3A_1067 = arith.constant 0 : i32
        %dma_wait3A_1068 = arith.constant 0 : i32
        %dma_wait3A_1069 = tpu.memref_slice %arg10[%dma_wait3A_1056, %dma_wait3A_1067, %dma_wait3A_1068] : memref<2x520x16xf32, #tpu.memory_space<vmem>> -> memref<1x520x16xf32, #tpu.memory_space<vmem>>
        %dma_wait3A_1070 = tpu.memref_squeeze %dma_wait3A_1069 : memref<1x520x16xf32, #tpu.memory_space<vmem>> -> memref<520x16xf32, #tpu.memory_space<vmem>>
        %dma_wait3A_1071 = arith.constant 312 : i32
        %dma_wait3A_1072 = arith.constant 0 : i32
        %dma_wait3A_1073 = tpu.memref_slice %dma_wait3A_1070[%dma_wait3A_1071, %dma_wait3A_1072] : memref<520x16xf32, #tpu.memory_space<vmem>> -> memref<104x16xf32, #tpu.memory_space<vmem>>
        %dma_wait3A_1074 = arith.constant 0 : i32
        %dma_wait3A_1075 = arith.constant 0 : i32
        %dma_wait3A_1076 = tpu.memref_slice %arg4[%dma_wait3A_1074, %dma_wait3A_1075] : memref<20801664x16xf32, #tpu.memory_space<hbm>> -> memref<104x16xf32, #tpu.memory_space<hbm>>
        tpu.wait_dma2 semaphore(%arg16 : memref<!tpu.dma_semaphore, #tpu.memory_space<semaphore_mem>>) src(%dma_wait3A_1076 : memref<104x16xf32, #tpu.memory_space<hbm>>) dst(%dma_wait3A_1073 : memref<104x16xf32, #tpu.memory_space<vmem>>)
        %dma_wait3A_1077 = arith.constant 1 : i32
        %dma_wait3A_1078 = arith.constant 0 : i32
        %dma_wait3A_1079 = arith.constant 0 : i32
        %dma_wait3A_1080 = tpu.memref_slice %arg11[%dma_wait3A_1077, %dma_wait3A_1078, %dma_wait3A_1079] : memref<2x520x16xf32, #tpu.memory_space<vmem>> -> memref<1x520x16xf32, #tpu.memory_space<vmem>>
        %dma_wait3A_1081 = tpu.memref_squeeze %dma_wait3A_1080 : memref<1x520x16xf32, #tpu.memory_space<vmem>> -> memref<520x16xf32, #tpu.memory_space<vmem>>
        %dma_wait3A_1082 = arith.constant 312 : i32
        %dma_wait3A_1083 = arith.constant 0 : i32
        %dma_wait3A_1084 = tpu.memref_slice %dma_wait3A_1081[%dma_wait3A_1082, %dma_wait3A_1083] : memref<520x16xf32, #tpu.memory_space<vmem>> -> memref<104x16xf32, #tpu.memory_space<vmem>>
        %dma_wait3A_1085 = arith.constant 0 : i32
        %dma_wait3A_1086 = arith.constant 0 : i32
        %dma_wait3A_1087 = tpu.memref_slice %arg4[%dma_wait3A_1085, %dma_wait3A_1086] : memref<20801664x16xf32, #tpu.memory_space<hbm>> -> memref<104x16xf32, #tpu.memory_space<hbm>>
        %dma_wait3A_1088 = arith.constant 0 : i32
        %dma_wait3A_1089 = arith.constant 0 : i32
        %dma_wait3A_1090 = tpu.memref_slice %arg11[%dma_wait3A_1077, %dma_wait3A_1088, %dma_wait3A_1089] : memref<2x520x16xf32, #tpu.memory_space<vmem>> -> memref<1x520x16xf32, #tpu.memory_space<vmem>>
        %dma_wait3A_1091 = tpu.memref_squeeze %dma_wait3A_1090 : memref<1x520x16xf32, #tpu.memory_space<vmem>> -> memref<520x16xf32, #tpu.memory_space<vmem>>
        %dma_wait3A_1092 = arith.constant 312 : i32
        %dma_wait3A_1093 = arith.constant 0 : i32
        %dma_wait3A_1094 = tpu.memref_slice %dma_wait3A_1091[%dma_wait3A_1092, %dma_wait3A_1093] : memref<520x16xf32, #tpu.memory_space<vmem>> -> memref<104x16xf32, #tpu.memory_space<vmem>>
        %dma_wait3A_1095 = arith.constant 0 : i32
        %dma_wait3A_1096 = arith.constant 0 : i32
        %dma_wait3A_1097 = tpu.memref_slice %arg4[%dma_wait3A_1095, %dma_wait3A_1096] : memref<20801664x16xf32, #tpu.memory_space<hbm>> -> memref<104x16xf32, #tpu.memory_space<hbm>>
        tpu.wait_dma2 semaphore(%arg16 : memref<!tpu.dma_semaphore, #tpu.memory_space<semaphore_mem>>) src(%dma_wait3A_1097 : memref<104x16xf32, #tpu.memory_space<hbm>>) dst(%dma_wait3A_1094 : memref<104x16xf32, #tpu.memory_space<vmem>>)
        %dma_wait3A_1098 = arith.constant 1 : i32
        %dma_wait3A_1099 = arith.constant 0 : i32
        %dma_wait3A_1100 = arith.constant 0 : i32
        %dma_wait3A_1101 = tpu.memref_slice %arg10[%dma_wait3A_1098, %dma_wait3A_1099, %dma_wait3A_1100] : memref<2x520x16xf32, #tpu.memory_space<vmem>> -> memref<1x520x16xf32, #tpu.memory_space<vmem>>
        %dma_wait3A_1102 = tpu.memref_squeeze %dma_wait3A_1101 : memref<1x520x16xf32, #tpu.memory_space<vmem>> -> memref<520x16xf32, #tpu.memory_space<vmem>>
        %dma_wait3A_1103 = arith.constant 416 : i32
        %dma_wait3A_1104 = arith.constant 0 : i32
        %dma_wait3A_1105 = tpu.memref_slice %dma_wait3A_1102[%dma_wait3A_1103, %dma_wait3A_1104] : memref<520x16xf32, #tpu.memory_space<vmem>> -> memref<104x16xf32, #tpu.memory_space<vmem>>
        %dma_wait3A_1106 = arith.constant 0 : i32
        %dma_wait3A_1107 = arith.constant 0 : i32
        %dma_wait3A_1108 = tpu.memref_slice %arg4[%dma_wait3A_1106, %dma_wait3A_1107] : memref<20801664x16xf32, #tpu.memory_space<hbm>> -> memref<104x16xf32, #tpu.memory_space<hbm>>
        %dma_wait3A_1109 = arith.constant 0 : i32
        %dma_wait3A_1110 = arith.constant 0 : i32
        %dma_wait3A_1111 = tpu.memref_slice %arg10[%dma_wait3A_1098, %dma_wait3A_1109, %dma_wait3A_1110] : memref<2x520x16xf32, #tpu.memory_space<vmem>> -> memref<1x520x16xf32, #tpu.memory_space<vmem>>
        %dma_wait3A_1112 = tpu.memref_squeeze %dma_wait3A_1111 : memref<1x520x16xf32, #tpu.memory_space<vmem>> -> memref<520x16xf32, #tpu.memory_space<vmem>>
        %dma_wait3A_1113 = arith.constant 416 : i32
        %dma_wait3A_1114 = arith.constant 0 : i32
        %dma_wait3A_1115 = tpu.memref_slice %dma_wait3A_1112[%dma_wait3A_1113, %dma_wait3A_1114] : memref<520x16xf32, #tpu.memory_space<vmem>> -> memref<104x16xf32, #tpu.memory_space<vmem>>
        %dma_wait3A_1116 = arith.constant 0 : i32
        %dma_wait3A_1117 = arith.constant 0 : i32
        %dma_wait3A_1118 = tpu.memref_slice %arg4[%dma_wait3A_1116, %dma_wait3A_1117] : memref<20801664x16xf32, #tpu.memory_space<hbm>> -> memref<104x16xf32, #tpu.memory_space<hbm>>
        tpu.wait_dma2 semaphore(%arg16 : memref<!tpu.dma_semaphore, #tpu.memory_space<semaphore_mem>>) src(%dma_wait3A_1118 : memref<104x16xf32, #tpu.memory_space<hbm>>) dst(%dma_wait3A_1115 : memref<104x16xf32, #tpu.memory_space<vmem>>)
        %dma_wait3A_1119 = arith.constant 1 : i32
        %dma_wait3A_1120 = arith.constant 0 : i32
        %dma_wait3A_1121 = arith.constant 0 : i32
        %dma_wait3A_1122 = tpu.memref_slice %arg11[%dma_wait3A_1119, %dma_wait3A_1120, %dma_wait3A_1121] : memref<2x520x16xf32, #tpu.memory_space<vmem>> -> memref<1x520x16xf32, #tpu.memory_space<vmem>>
        %dma_wait3A_1123 = tpu.memref_squeeze %dma_wait3A_1122 : memref<1x520x16xf32, #tpu.memory_space<vmem>> -> memref<520x16xf32, #tpu.memory_space<vmem>>
        %dma_wait3A_1124 = arith.constant 416 : i32
        %dma_wait3A_1125 = arith.constant 0 : i32
        %dma_wait3A_1126 = tpu.memref_slice %dma_wait3A_1123[%dma_wait3A_1124, %dma_wait3A_1125] : memref<520x16xf32, #tpu.memory_space<vmem>> -> memref<104x16xf32, #tpu.memory_space<vmem>>
        %dma_wait3A_1127 = arith.constant 0 : i32
        %dma_wait3A_1128 = arith.constant 0 : i32
        %dma_wait3A_1129 = tpu.memref_slice %arg4[%dma_wait3A_1127, %dma_wait3A_1128] : memref<20801664x16xf32, #tpu.memory_space<hbm>> -> memref<104x16xf32, #tpu.memory_space<hbm>>
        %dma_wait3A_1130 = arith.constant 0 : i32
        %dma_wait3A_1131 = arith.constant 0 : i32
        %dma_wait3A_1132 = tpu.memref_slice %arg11[%dma_wait3A_1119, %dma_wait3A_1130, %dma_wait3A_1131] : memref<2x520x16xf32, #tpu.memory_space<vmem>> -> memref<1x520x16xf32, #tpu.memory_space<vmem>>
        %dma_wait3A_1133 = tpu.memref_squeeze %dma_wait3A_1132 : memref<1x520x16xf32, #tpu.memory_space<vmem>> -> memref<520x16xf32, #tpu.memory_space<vmem>>
        %dma_wait3A_1134 = arith.constant 416 : i32
        %dma_wait3A_1135 = arith.constant 0 : i32
        %dma_wait3A_1136 = tpu.memref_slice %dma_wait3A_1133[%dma_wait3A_1134, %dma_wait3A_1135] : memref<520x16xf32, #tpu.memory_space<vmem>> -> memref<104x16xf32, #tpu.memory_space<vmem>>
        %dma_wait3A_1137 = arith.constant 0 : i32
        %dma_wait3A_1138 = arith.constant 0 : i32
        %dma_wait3A_1139 = tpu.memref_slice %arg4[%dma_wait3A_1137, %dma_wait3A_1138] : memref<20801664x16xf32, #tpu.memory_space<hbm>> -> memref<104x16xf32, #tpu.memory_space<hbm>>
        tpu.wait_dma2 semaphore(%arg16 : memref<!tpu.dma_semaphore, #tpu.memory_space<semaphore_mem>>) src(%dma_wait3A_1139 : memref<104x16xf32, #tpu.memory_space<hbm>>) dst(%dma_wait3A_1136 : memref<104x16xf32, #tpu.memory_space<vmem>>)
        %sub3A_1140 = arith.constant 1 : i32
        %sub3A_1141 = arith.subi %add3A_283, %sub3A_1140 : i32
        %eq3A_1142 = arith.constant 1 : i32
        %eq3A_1143 = arith.cmpi eq, %scan3A_279, %eq3A_1142 : i32
        %not3A_1144 = arith.constant true
        %not3A_1145 = arith.xori %eq3A_1143, %not3A_1144 : i1
        %convert_element_type3A_1146 = arith.extui %not3A_1145 : i1 to i32
        %cond3A_1147 = arith.constant 0 : i32
        %cond3A_1148 = arith.cmpi ne, %convert_element_type3A_1146, %cond3A_1147 : i32
        scf.if %cond3A_1148 {
          %dma_wait3A_1168 = arith.constant 1 : i32
          %dma_wait3A_1169 = arith.constant 0 : i32
          %dma_wait3A_1170 = tpu.memref_slice %arg12[%dma_wait3A_1168, %dma_wait3A_1169] : memref<2x832xf32, #tpu.memory_space<vmem>> -> memref<1x832xf32, #tpu.memory_space<vmem>>
          %dma_wait3A_1171 = tpu.memref_squeeze %dma_wait3A_1170 : memref<1x832xf32, #tpu.memory_space<vmem>> -> memref<832xf32, #tpu.memory_space<vmem>>
          %dma_wait3A_1172 = arith.constant 0 : i32
          %dma_wait3A_1173 = tpu.memref_slice %arg5[%dma_wait3A_1172] : memref<3407872xf32, #tpu.memory_space<hbm>> -> memref<832xf32, #tpu.memory_space<hbm>>
          %dma_wait3A_1174 = arith.constant 0 : i32
          %dma_wait3A_1175 = tpu.memref_slice %arg5[%dma_wait3A_1174] : memref<3407872xf32, #tpu.memory_space<hbm>> -> memref<832xf32, #tpu.memory_space<hbm>>
          %dma_wait3A_1176 = arith.constant 0 : i32
          %dma_wait3A_1177 = tpu.memref_slice %arg12[%dma_wait3A_1168, %dma_wait3A_1176] : memref<2x832xf32, #tpu.memory_space<vmem>> -> memref<1x832xf32, #tpu.memory_space<vmem>>
          %dma_wait3A_1178 = tpu.memref_squeeze %dma_wait3A_1177 : memref<1x832xf32, #tpu.memory_space<vmem>> -> memref<832xf32, #tpu.memory_space<vmem>>
          tpu.wait_dma2 semaphore(%arg18 : memref<!tpu.dma_semaphore, #tpu.memory_space<semaphore_mem>>) src(%dma_wait3A_1178 : memref<832xf32, #tpu.memory_space<vmem>>) dst(%dma_wait3A_1175 : memref<832xf32, #tpu.memory_space<hbm>>)
        } else {
        }
        %scan3A_1149 = arith.constant 0 : i32
        %scan3A_1150 = arith.constant 0 : i32
        %scan3A_1151 = arith.constant 26 : i32
        %scan3A_1152 = arith.addi %scan3A_1150, %scan3A_1151 : i32
        %scan3A_1153 = arith.constant 1 : i32
        %scan3A_1154 = scf.for %scan3A_1168 = %scan3A_1150 to %scan3A_1152 step %scan3A_1153 iter_args(%scan3A_1169 = %scan3A_1149) -> (i32)  : i32 {
          %mul3A_1170 = arith.constant 20 : i32
          %mul3A_1171 = arith.muli %scan3A_1168, %mul3A_1170 : i32
          %multiple_of3A_1172 = tpu.assume_multiple %mul3A_1171, 20 : i32
          %get3A = arith.constant 1 : i32
          %get3A_1173 = arith.constant 0 : i32
          %get3A_1174 = arith.constant 0 : i32
          %get3A_1175 = tpu.memref_slice %arg10[%get3A, %get3A_1173, %get3A_1174] : memref<2x520x16xf32, #tpu.memory_space<vmem>> -> memref<1x520x16xf32, #tpu.memory_space<vmem>>
          %get3A_1176 = tpu.memref_squeeze %get3A_1175 : memref<1x520x16xf32, #tpu.memory_space<vmem>> -> memref<520x16xf32, #tpu.memory_space<vmem>>
          %get3A_1177 = arith.index_cast %multiple_of3A_1172 : i32 to index
          %get3A_1178 = arith.constant 0 : index
          %get3A_1179 = tpu.vector_load %get3A_1176[%get3A_1177, %get3A_1178] {strides = array<i32>} : memref<520x16xf32, #tpu.memory_space<vmem>>, vector<1x16xf32>,
          %get3A_1180 = vector.shape_cast %get3A_1179 : vector<1x16xf32> to vector<16xf32>
          %get3A_1181 = arith.constant 1 : i32
          %get3A_1182 = arith.constant 0 : i32
          %get3A_1183 = arith.constant 0 : i32
          %get3A_1184 = tpu.memref_slice %arg11[%get3A_1181, %get3A_1182, %get3A_1183] : memref<2x520x16xf32, #tpu.memory_space<vmem>> -> memref<1x520x16xf32, #tpu.memory_space<vmem>>
          %get3A_1185 = tpu.memref_squeeze %get3A_1184 : memref<1x520x16xf32, #tpu.memory_space<vmem>> -> memref<520x16xf32, #tpu.memory_space<vmem>>
          %get3A_1186 = arith.index_cast %multiple_of3A_1172 : i32 to index
          %get3A_1187 = arith.constant 0 : index
          %get3A_1188 = tpu.vector_load %get3A_1185[%get3A_1186, %get3A_1187] {strides = array<i32>} : memref<520x16xf32, #tpu.memory_space<vmem>>, vector<1x16xf32>,
          %get3A_1189 = vector.shape_cast %get3A_1188 : vector<1x16xf32> to vector<16xf32>
          %add3A_1190 = arith.constant 1 : i32
          %add3A_1191 = arith.addi %multiple_of3A_1172, %add3A_1190 : i32
          %get3A_1192 = arith.constant 1 : i32
          %get3A_1193 = arith.constant 0 : i32
          %get3A_1194 = arith.constant 0 : i32
          %get3A_1195 = tpu.memref_slice %arg10[%get3A_1192, %get3A_1193, %get3A_1194] : memref<2x520x16xf32, #tpu.memory_space<vmem>> -> memref<1x520x16xf32, #tpu.memory_space<vmem>>
          %get3A_1196 = tpu.memref_squeeze %get3A_1195 : memref<1x520x16xf32, #tpu.memory_space<vmem>> -> memref<520x16xf32, #tpu.memory_space<vmem>>
          %get3A_1197 = arith.index_cast %add3A_1191 : i32 to index
          %get3A_1198 = arith.constant 0 : index
          %get3A_1199 = tpu.vector_load %get3A_1196[%get3A_1197, %get3A_1198] {strides = array<i32>} : memref<520x16xf32, #tpu.memory_space<vmem>>, vector<1x16xf32>,
          %get3A_1200 = vector.shape_cast %get3A_1199 : vector<1x16xf32> to vector<16xf32>
          %add3A_1201 = arith.addf %get3A_1180, %get3A_1200 : vector<16xf32>
          %add3A_1202 = arith.constant 1 : i32
          %add3A_1203 = arith.addi %multiple_of3A_1172, %add3A_1202 : i32
          %get3A_1204 = arith.constant 1 : i32
          %get3A_1205 = arith.constant 0 : i32
          %get3A_1206 = arith.constant 0 : i32
          %get3A_1207 = tpu.memref_slice %arg11[%get3A_1204, %get3A_1205, %get3A_1206] : memref<2x520x16xf32, #tpu.memory_space<vmem>> -> memref<1x520x16xf32, #tpu.memory_space<vmem>>
          %get3A_1208 = tpu.memref_squeeze %get3A_1207 : memref<1x520x16xf32, #tpu.memory_space<vmem>> -> memref<520x16xf32, #tpu.memory_space<vmem>>
          %get3A_1209 = arith.index_cast %add3A_1203 : i32 to index
          %get3A_1210 = arith.constant 0 : index
          %get3A_1211 = tpu.vector_load %get3A_1208[%get3A_1209, %get3A_1210] {strides = array<i32>} : memref<520x16xf32, #tpu.memory_space<vmem>>, vector<1x16xf32>,
          %get3A_1212 = vector.shape_cast %get3A_1211 : vector<1x16xf32> to vector<16xf32>
          %add3A_1213 = arith.addf %get3A_1189, %get3A_1212 : vector<16xf32>
          %add3A_1214 = arith.constant 2 : i32
          %add3A_1215 = arith.addi %multiple_of3A_1172, %add3A_1214 : i32
          %get3A_1216 = arith.constant 1 : i32
          %get3A_1217 = arith.constant 0 : i32
          %get3A_1218 = arith.constant 0 : i32
          %get3A_1219 = tpu.memref_slice %arg10[%get3A_1216, %get3A_1217, %get3A_1218] : memref<2x520x16xf32, #tpu.memory_space<vmem>> -> memref<1x520x16xf32, #tpu.memory_space<vmem>>
          %get3A_1220 = tpu.memref_squeeze %get3A_1219 : memref<1x520x16xf32, #tpu.memory_space<vmem>> -> memref<520x16xf32, #tpu.memory_space<vmem>>
          %get3A_1221 = arith.index_cast %add3A_1215 : i32 to index
          %get3A_1222 = arith.constant 0 : index
          %get3A_1223 = tpu.vector_load %get3A_1220[%get3A_1221, %get3A_1222] {strides = array<i32>} : memref<520x16xf32, #tpu.memory_space<vmem>>, vector<1x16xf32>,
          %get3A_1224 = vector.shape_cast %get3A_1223 : vector<1x16xf32> to vector<16xf32>
          %add3A_1225 = arith.addf %add3A_1201, %get3A_1224 : vector<16xf32>
          %add3A_1226 = arith.constant 2 : i32
          %add3A_1227 = arith.addi %multiple_of3A_1172, %add3A_1226 : i32
          %get3A_1228 = arith.constant 1 : i32
          %get3A_1229 = arith.constant 0 : i32
          %get3A_1230 = arith.constant 0 : i32
          %get3A_1231 = tpu.memref_slice %arg11[%get3A_1228, %get3A_1229, %get3A_1230] : memref<2x520x16xf32, #tpu.memory_space<vmem>> -> memref<1x520x16xf32, #tpu.memory_space<vmem>>
          %get3A_1232 = tpu.memref_squeeze %get3A_1231 : memref<1x520x16xf32, #tpu.memory_space<vmem>> -> memref<520x16xf32, #tpu.memory_space<vmem>>
          %get3A_1233 = arith.index_cast %add3A_1227 : i32 to index
          %get3A_1234 = arith.constant 0 : index
          %get3A_1235 = tpu.vector_load %get3A_1232[%get3A_1233, %get3A_1234] {strides = array<i32>} : memref<520x16xf32, #tpu.memory_space<vmem>>, vector<1x16xf32>,
          %get3A_1236 = vector.shape_cast %get3A_1235 : vector<1x16xf32> to vector<16xf32>
          %add3A_1237 = arith.addf %add3A_1213, %get3A_1236 : vector<16xf32>
          %add3A_1238 = arith.constant 3 : i32
          %add3A_1239 = arith.addi %multiple_of3A_1172, %add3A_1238 : i32
          %get3A_1240 = arith.constant 1 : i32
          %get3A_1241 = arith.constant 0 : i32
          %get3A_1242 = arith.constant 0 : i32
          %get3A_1243 = tpu.memref_slice %arg10[%get3A_1240, %get3A_1241, %get3A_1242] : memref<2x520x16xf32, #tpu.memory_space<vmem>> -> memref<1x520x16xf32, #tpu.memory_space<vmem>>
          %get3A_1244 = tpu.memref_squeeze %get3A_1243 : memref<1x520x16xf32, #tpu.memory_space<vmem>> -> memref<520x16xf32, #tpu.memory_space<vmem>>
          %get3A_1245 = arith.index_cast %add3A_1239 : i32 to index
          %get3A_1246 = arith.constant 0 : index
          %get3A_1247 = tpu.vector_load %get3A_1244[%get3A_1245, %get3A_1246] {strides = array<i32>} : memref<520x16xf32, #tpu.memory_space<vmem>>, vector<1x16xf32>,
          %get3A_1248 = vector.shape_cast %get3A_1247 : vector<1x16xf32> to vector<16xf32>
          %add3A_1249 = arith.addf %add3A_1225, %get3A_1248 : vector<16xf32>
          %add3A_1250 = arith.constant 3 : i32
          %add3A_1251 = arith.addi %multiple_of3A_1172, %add3A_1250 : i32
          %get3A_1252 = arith.constant 1 : i32
          %get3A_1253 = arith.constant 0 : i32
          %get3A_1254 = arith.constant 0 : i32
          %get3A_1255 = tpu.memref_slice %arg11[%get3A_1252, %get3A_1253, %get3A_1254] : memref<2x520x16xf32, #tpu.memory_space<vmem>> -> memref<1x520x16xf32, #tpu.memory_space<vmem>>
          %get3A_1256 = tpu.memref_squeeze %get3A_1255 : memref<1x520x16xf32, #tpu.memory_space<vmem>> -> memref<520x16xf32, #tpu.memory_space<vmem>>
          %get3A_1257 = arith.index_cast %add3A_1251 : i32 to index
          %get3A_1258 = arith.constant 0 : index
          %get3A_1259 = tpu.vector_load %get3A_1256[%get3A_1257, %get3A_1258] {strides = array<i32>} : memref<520x16xf32, #tpu.memory_space<vmem>>, vector<1x16xf32>,
          %get3A_1260 = vector.shape_cast %get3A_1259 : vector<1x16xf32> to vector<16xf32>
          %add3A_1261 = arith.addf %add3A_1237, %get3A_1260 : vector<16xf32>
          %add3A_1262 = arith.constant 4 : i32
          %add3A_1263 = arith.addi %multiple_of3A_1172, %add3A_1262 : i32
          %get3A_1264 = arith.constant 1 : i32
          %get3A_1265 = arith.constant 0 : i32
          %get3A_1266 = arith.constant 0 : i32
          %get3A_1267 = tpu.memref_slice %arg10[%get3A_1264, %get3A_1265, %get3A_1266] : memref<2x520x16xf32, #tpu.memory_space<vmem>> -> memref<1x520x16xf32, #tpu.memory_space<vmem>>
          %get3A_1268 = tpu.memref_squeeze %get3A_1267 : memref<1x520x16xf32, #tpu.memory_space<vmem>> -> memref<520x16xf32, #tpu.memory_space<vmem>>
          %get3A_1269 = arith.index_cast %add3A_1263 : i32 to index
          %get3A_1270 = arith.constant 0 : index
          %get3A_1271 = tpu.vector_load %get3A_1268[%get3A_1269, %get3A_1270] {strides = array<i32>} : memref<520x16xf32, #tpu.memory_space<vmem>>, vector<1x16xf32>,
          %get3A_1272 = vector.shape_cast %get3A_1271 : vector<1x16xf32> to vector<16xf32>
          %add3A_1273 = arith.addf %add3A_1249, %get3A_1272 : vector<16xf32>
          %add3A_1274 = arith.constant 4 : i32
          %add3A_1275 = arith.addi %multiple_of3A_1172, %add3A_1274 : i32
          %get3A_1276 = arith.constant 1 : i32
          %get3A_1277 = arith.constant 0 : i32
          %get3A_1278 = arith.constant 0 : i32
          %get3A_1279 = tpu.memref_slice %arg11[%get3A_1276, %get3A_1277, %get3A_1278] : memref<2x520x16xf32, #tpu.memory_space<vmem>> -> memref<1x520x16xf32, #tpu.memory_space<vmem>>
          %get3A_1280 = tpu.memref_squeeze %get3A_1279 : memref<1x520x16xf32, #tpu.memory_space<vmem>> -> memref<520x16xf32, #tpu.memory_space<vmem>>
          %get3A_1281 = arith.index_cast %add3A_1275 : i32 to index
          %get3A_1282 = arith.constant 0 : index
          %get3A_1283 = tpu.vector_load %get3A_1280[%get3A_1281, %get3A_1282] {strides = array<i32>} : memref<520x16xf32, #tpu.memory_space<vmem>>, vector<1x16xf32>,
          %get3A_1284 = vector.shape_cast %get3A_1283 : vector<1x16xf32> to vector<16xf32>
          %add3A_1285 = arith.addf %add3A_1261, %get3A_1284 : vector<16xf32>
          %add3A_1286 = arith.constant 5 : i32
          %add3A_1287 = arith.addi %multiple_of3A_1172, %add3A_1286 : i32
          %get3A_1288 = arith.constant 1 : i32
          %get3A_1289 = arith.constant 0 : i32
          %get3A_1290 = arith.constant 0 : i32
          %get3A_1291 = tpu.memref_slice %arg10[%get3A_1288, %get3A_1289, %get3A_1290] : memref<2x520x16xf32, #tpu.memory_space<vmem>> -> memref<1x520x16xf32, #tpu.memory_space<vmem>>
          %get3A_1292 = tpu.memref_squeeze %get3A_1291 : memref<1x520x16xf32, #tpu.memory_space<vmem>> -> memref<520x16xf32, #tpu.memory_space<vmem>>
          %get3A_1293 = arith.index_cast %add3A_1287 : i32 to index
          %get3A_1294 = arith.constant 0 : index
          %get3A_1295 = tpu.vector_load %get3A_1292[%get3A_1293, %get3A_1294] {strides = array<i32>} : memref<520x16xf32, #tpu.memory_space<vmem>>, vector<1x16xf32>,
          %get3A_1296 = vector.shape_cast %get3A_1295 : vector<1x16xf32> to vector<16xf32>
          %add3A_1297 = arith.addf %add3A_1273, %get3A_1296 : vector<16xf32>
          %add3A_1298 = arith.constant 5 : i32
          %add3A_1299 = arith.addi %multiple_of3A_1172, %add3A_1298 : i32
          %get3A_1300 = arith.constant 1 : i32
          %get3A_1301 = arith.constant 0 : i32
          %get3A_1302 = arith.constant 0 : i32
          %get3A_1303 = tpu.memref_slice %arg11[%get3A_1300, %get3A_1301, %get3A_1302] : memref<2x520x16xf32, #tpu.memory_space<vmem>> -> memref<1x520x16xf32, #tpu.memory_space<vmem>>
          %get3A_1304 = tpu.memref_squeeze %get3A_1303 : memref<1x520x16xf32, #tpu.memory_space<vmem>> -> memref<520x16xf32, #tpu.memory_space<vmem>>
          %get3A_1305 = arith.index_cast %add3A_1299 : i32 to index
          %get3A_1306 = arith.constant 0 : index
          %get3A_1307 = tpu.vector_load %get3A_1304[%get3A_1305, %get3A_1306] {strides = array<i32>} : memref<520x16xf32, #tpu.memory_space<vmem>>, vector<1x16xf32>,
          %get3A_1308 = vector.shape_cast %get3A_1307 : vector<1x16xf32> to vector<16xf32>
          %add3A_1309 = arith.addf %add3A_1285, %get3A_1308 : vector<16xf32>
          %add3A_1310 = arith.constant 6 : i32
          %add3A_1311 = arith.addi %multiple_of3A_1172, %add3A_1310 : i32
          %get3A_1312 = arith.constant 1 : i32
          %get3A_1313 = arith.constant 0 : i32
          %get3A_1314 = arith.constant 0 : i32
          %get3A_1315 = tpu.memref_slice %arg10[%get3A_1312, %get3A_1313, %get3A_1314] : memref<2x520x16xf32, #tpu.memory_space<vmem>> -> memref<1x520x16xf32, #tpu.memory_space<vmem>>
          %get3A_1316 = tpu.memref_squeeze %get3A_1315 : memref<1x520x16xf32, #tpu.memory_space<vmem>> -> memref<520x16xf32, #tpu.memory_space<vmem>>
          %get3A_1317 = arith.index_cast %add3A_1311 : i32 to index
          %get3A_1318 = arith.constant 0 : index
          %get3A_1319 = tpu.vector_load %get3A_1316[%get3A_1317, %get3A_1318] {strides = array<i32>} : memref<520x16xf32, #tpu.memory_space<vmem>>, vector<1x16xf32>,
          %get3A_1320 = vector.shape_cast %get3A_1319 : vector<1x16xf32> to vector<16xf32>
          %add3A_1321 = arith.addf %add3A_1297, %get3A_1320 : vector<16xf32>
          %add3A_1322 = arith.constant 6 : i32
          %add3A_1323 = arith.addi %multiple_of3A_1172, %add3A_1322 : i32
          %get3A_1324 = arith.constant 1 : i32
          %get3A_1325 = arith.constant 0 : i32
          %get3A_1326 = arith.constant 0 : i32
          %get3A_1327 = tpu.memref_slice %arg11[%get3A_1324, %get3A_1325, %get3A_1326] : memref<2x520x16xf32, #tpu.memory_space<vmem>> -> memref<1x520x16xf32, #tpu.memory_space<vmem>>
          %get3A_1328 = tpu.memref_squeeze %get3A_1327 : memref<1x520x16xf32, #tpu.memory_space<vmem>> -> memref<520x16xf32, #tpu.memory_space<vmem>>
          %get3A_1329 = arith.index_cast %add3A_1323 : i32 to index
          %get3A_1330 = arith.constant 0 : index
          %get3A_1331 = tpu.vector_load %get3A_1328[%get3A_1329, %get3A_1330] {strides = array<i32>} : memref<520x16xf32, #tpu.memory_space<vmem>>, vector<1x16xf32>,
          %get3A_1332 = vector.shape_cast %get3A_1331 : vector<1x16xf32> to vector<16xf32>
          %add3A_1333 = arith.addf %add3A_1309, %get3A_1332 : vector<16xf32>
          %add3A_1334 = arith.constant 7 : i32
          %add3A_1335 = arith.addi %multiple_of3A_1172, %add3A_1334 : i32
          %get3A_1336 = arith.constant 1 : i32
          %get3A_1337 = arith.constant 0 : i32
          %get3A_1338 = arith.constant 0 : i32
          %get3A_1339 = tpu.memref_slice %arg10[%get3A_1336, %get3A_1337, %get3A_1338] : memref<2x520x16xf32, #tpu.memory_space<vmem>> -> memref<1x520x16xf32, #tpu.memory_space<vmem>>
          %get3A_1340 = tpu.memref_squeeze %get3A_1339 : memref<1x520x16xf32, #tpu.memory_space<vmem>> -> memref<520x16xf32, #tpu.memory_space<vmem>>
          %get3A_1341 = arith.index_cast %add3A_1335 : i32 to index
          %get3A_1342 = arith.constant 0 : index
          %get3A_1343 = tpu.vector_load %get3A_1340[%get3A_1341, %get3A_1342] {strides = array<i32>} : memref<520x16xf32, #tpu.memory_space<vmem>>, vector<1x16xf32>,
          %get3A_1344 = vector.shape_cast %get3A_1343 : vector<1x16xf32> to vector<16xf32>
          %add3A_1345 = arith.addf %add3A_1321, %get3A_1344 : vector<16xf32>
          %add3A_1346 = arith.constant 7 : i32
          %add3A_1347 = arith.addi %multiple_of3A_1172, %add3A_1346 : i32
          %get3A_1348 = arith.constant 1 : i32
          %get3A_1349 = arith.constant 0 : i32
          %get3A_1350 = arith.constant 0 : i32
          %get3A_1351 = tpu.memref_slice %arg11[%get3A_1348, %get3A_1349, %get3A_1350] : memref<2x520x16xf32, #tpu.memory_space<vmem>> -> memref<1x520x16xf32, #tpu.memory_space<vmem>>
          %get3A_1352 = tpu.memref_squeeze %get3A_1351 : memref<1x520x16xf32, #tpu.memory_space<vmem>> -> memref<520x16xf32, #tpu.memory_space<vmem>>
          %get3A_1353 = arith.index_cast %add3A_1347 : i32 to index
          %get3A_1354 = arith.constant 0 : index
          %get3A_1355 = tpu.vector_load %get3A_1352[%get3A_1353, %get3A_1354] {strides = array<i32>} : memref<520x16xf32, #tpu.memory_space<vmem>>, vector<1x16xf32>,
          %get3A_1356 = vector.shape_cast %get3A_1355 : vector<1x16xf32> to vector<16xf32>
          %add3A_1357 = arith.addf %add3A_1333, %get3A_1356 : vector<16xf32>
          %add3A_1358 = arith.constant 8 : i32
          %add3A_1359 = arith.addi %multiple_of3A_1172, %add3A_1358 : i32
          %get3A_1360 = arith.constant 1 : i32
          %get3A_1361 = arith.constant 0 : i32
          %get3A_1362 = arith.constant 0 : i32
          %get3A_1363 = tpu.memref_slice %arg10[%get3A_1360, %get3A_1361, %get3A_1362] : memref<2x520x16xf32, #tpu.memory_space<vmem>> -> memref<1x520x16xf32, #tpu.memory_space<vmem>>
          %get3A_1364 = tpu.memref_squeeze %get3A_1363 : memref<1x520x16xf32, #tpu.memory_space<vmem>> -> memref<520x16xf32, #tpu.memory_space<vmem>>
          %get3A_1365 = arith.index_cast %add3A_1359 : i32 to index
          %get3A_1366 = arith.constant 0 : index
          %get3A_1367 = tpu.vector_load %get3A_1364[%get3A_1365, %get3A_1366] {strides = array<i32>} : memref<520x16xf32, #tpu.memory_space<vmem>>, vector<1x16xf32>,
          %get3A_1368 = vector.shape_cast %get3A_1367 : vector<1x16xf32> to vector<16xf32>
          %add3A_1369 = arith.addf %add3A_1345, %get3A_1368 : vector<16xf32>
          %add3A_1370 = arith.constant 8 : i32
          %add3A_1371 = arith.addi %multiple_of3A_1172, %add3A_1370 : i32
          %get3A_1372 = arith.constant 1 : i32
          %get3A_1373 = arith.constant 0 : i32
          %get3A_1374 = arith.constant 0 : i32
          %get3A_1375 = tpu.memref_slice %arg11[%get3A_1372, %get3A_1373, %get3A_1374] : memref<2x520x16xf32, #tpu.memory_space<vmem>> -> memref<1x520x16xf32, #tpu.memory_space<vmem>>
          %get3A_1376 = tpu.memref_squeeze %get3A_1375 : memref<1x520x16xf32, #tpu.memory_space<vmem>> -> memref<520x16xf32, #tpu.memory_space<vmem>>
          %get3A_1377 = arith.index_cast %add3A_1371 : i32 to index
          %get3A_1378 = arith.constant 0 : index
          %get3A_1379 = tpu.vector_load %get3A_1376[%get3A_1377, %get3A_1378] {strides = array<i32>} : memref<520x16xf32, #tpu.memory_space<vmem>>, vector<1x16xf32>,
          %get3A_1380 = vector.shape_cast %get3A_1379 : vector<1x16xf32> to vector<16xf32>
          %add3A_1381 = arith.addf %add3A_1357, %get3A_1380 : vector<16xf32>
          %add3A_1382 = arith.constant 9 : i32
          %add3A_1383 = arith.addi %multiple_of3A_1172, %add3A_1382 : i32
          %get3A_1384 = arith.constant 1 : i32
          %get3A_1385 = arith.constant 0 : i32
          %get3A_1386 = arith.constant 0 : i32
          %get3A_1387 = tpu.memref_slice %arg10[%get3A_1384, %get3A_1385, %get3A_1386] : memref<2x520x16xf32, #tpu.memory_space<vmem>> -> memref<1x520x16xf32, #tpu.memory_space<vmem>>
          %get3A_1388 = tpu.memref_squeeze %get3A_1387 : memref<1x520x16xf32, #tpu.memory_space<vmem>> -> memref<520x16xf32, #tpu.memory_space<vmem>>
          %get3A_1389 = arith.index_cast %add3A_1383 : i32 to index
          %get3A_1390 = arith.constant 0 : index
          %get3A_1391 = tpu.vector_load %get3A_1388[%get3A_1389, %get3A_1390] {strides = array<i32>} : memref<520x16xf32, #tpu.memory_space<vmem>>, vector<1x16xf32>,
          %get3A_1392 = vector.shape_cast %get3A_1391 : vector<1x16xf32> to vector<16xf32>
          %add3A_1393 = arith.addf %add3A_1369, %get3A_1392 : vector<16xf32>
          %add3A_1394 = arith.constant 9 : i32
          %add3A_1395 = arith.addi %multiple_of3A_1172, %add3A_1394 : i32
          %get3A_1396 = arith.constant 1 : i32
          %get3A_1397 = arith.constant 0 : i32
          %get3A_1398 = arith.constant 0 : i32
          %get3A_1399 = tpu.memref_slice %arg11[%get3A_1396, %get3A_1397, %get3A_1398] : memref<2x520x16xf32, #tpu.memory_space<vmem>> -> memref<1x520x16xf32, #tpu.memory_space<vmem>>
          %get3A_1400 = tpu.memref_squeeze %get3A_1399 : memref<1x520x16xf32, #tpu.memory_space<vmem>> -> memref<520x16xf32, #tpu.memory_space<vmem>>
          %get3A_1401 = arith.index_cast %add3A_1395 : i32 to index
          %get3A_1402 = arith.constant 0 : index
          %get3A_1403 = tpu.vector_load %get3A_1400[%get3A_1401, %get3A_1402] {strides = array<i32>} : memref<520x16xf32, #tpu.memory_space<vmem>>, vector<1x16xf32>,
          %get3A_1404 = vector.shape_cast %get3A_1403 : vector<1x16xf32> to vector<16xf32>
          %add3A_1405 = arith.addf %add3A_1381, %get3A_1404 : vector<16xf32>
          %add3A_1406 = arith.constant 10 : i32
          %add3A_1407 = arith.addi %multiple_of3A_1172, %add3A_1406 : i32
          %get3A_1408 = arith.constant 1 : i32
          %get3A_1409 = arith.constant 0 : i32
          %get3A_1410 = arith.constant 0 : i32
          %get3A_1411 = tpu.memref_slice %arg10[%get3A_1408, %get3A_1409, %get3A_1410] : memref<2x520x16xf32, #tpu.memory_space<vmem>> -> memref<1x520x16xf32, #tpu.memory_space<vmem>>
          %get3A_1412 = tpu.memref_squeeze %get3A_1411 : memref<1x520x16xf32, #tpu.memory_space<vmem>> -> memref<520x16xf32, #tpu.memory_space<vmem>>
          %get3A_1413 = arith.index_cast %add3A_1407 : i32 to index
          %get3A_1414 = arith.constant 0 : index
          %get3A_1415 = tpu.vector_load %get3A_1412[%get3A_1413, %get3A_1414] {strides = array<i32>} : memref<520x16xf32, #tpu.memory_space<vmem>>, vector<1x16xf32>,
          %get3A_1416 = vector.shape_cast %get3A_1415 : vector<1x16xf32> to vector<16xf32>
          %add3A_1417 = arith.addf %add3A_1393, %get3A_1416 : vector<16xf32>
          %add3A_1418 = arith.constant 10 : i32
          %add3A_1419 = arith.addi %multiple_of3A_1172, %add3A_1418 : i32
          %get3A_1420 = arith.constant 1 : i32
          %get3A_1421 = arith.constant 0 : i32
          %get3A_1422 = arith.constant 0 : i32
          %get3A_1423 = tpu.memref_slice %arg11[%get3A_1420, %get3A_1421, %get3A_1422] : memref<2x520x16xf32, #tpu.memory_space<vmem>> -> memref<1x520x16xf32, #tpu.memory_space<vmem>>
          %get3A_1424 = tpu.memref_squeeze %get3A_1423 : memref<1x520x16xf32, #tpu.memory_space<vmem>> -> memref<520x16xf32, #tpu.memory_space<vmem>>
          %get3A_1425 = arith.index_cast %add3A_1419 : i32 to index
          %get3A_1426 = arith.constant 0 : index
          %get3A_1427 = tpu.vector_load %get3A_1424[%get3A_1425, %get3A_1426] {strides = array<i32>} : memref<520x16xf32, #tpu.memory_space<vmem>>, vector<1x16xf32>,
          %get3A_1428 = vector.shape_cast %get3A_1427 : vector<1x16xf32> to vector<16xf32>
          %add3A_1429 = arith.addf %add3A_1405, %get3A_1428 : vector<16xf32>
          %add3A_1430 = arith.constant 11 : i32
          %add3A_1431 = arith.addi %multiple_of3A_1172, %add3A_1430 : i32
          %get3A_1432 = arith.constant 1 : i32
          %get3A_1433 = arith.constant 0 : i32
          %get3A_1434 = arith.constant 0 : i32
          %get3A_1435 = tpu.memref_slice %arg10[%get3A_1432, %get3A_1433, %get3A_1434] : memref<2x520x16xf32, #tpu.memory_space<vmem>> -> memref<1x520x16xf32, #tpu.memory_space<vmem>>
          %get3A_1436 = tpu.memref_squeeze %get3A_1435 : memref<1x520x16xf32, #tpu.memory_space<vmem>> -> memref<520x16xf32, #tpu.memory_space<vmem>>
          %get3A_1437 = arith.index_cast %add3A_1431 : i32 to index
          %get3A_1438 = arith.constant 0 : index
          %get3A_1439 = tpu.vector_load %get3A_1436[%get3A_1437, %get3A_1438] {strides = array<i32>} : memref<520x16xf32, #tpu.memory_space<vmem>>, vector<1x16xf32>,
          %get3A_1440 = vector.shape_cast %get3A_1439 : vector<1x16xf32> to vector<16xf32>
          %add3A_1441 = arith.addf %add3A_1417, %get3A_1440 : vector<16xf32>
          %add3A_1442 = arith.constant 11 : i32
          %add3A_1443 = arith.addi %multiple_of3A_1172, %add3A_1442 : i32
          %get3A_1444 = arith.constant 1 : i32
          %get3A_1445 = arith.constant 0 : i32
          %get3A_1446 = arith.constant 0 : i32
          %get3A_1447 = tpu.memref_slice %arg11[%get3A_1444, %get3A_1445, %get3A_1446] : memref<2x520x16xf32, #tpu.memory_space<vmem>> -> memref<1x520x16xf32, #tpu.memory_space<vmem>>
          %get3A_1448 = tpu.memref_squeeze %get3A_1447 : memref<1x520x16xf32, #tpu.memory_space<vmem>> -> memref<520x16xf32, #tpu.memory_space<vmem>>
          %get3A_1449 = arith.index_cast %add3A_1443 : i32 to index
          %get3A_1450 = arith.constant 0 : index
          %get3A_1451 = tpu.vector_load %get3A_1448[%get3A_1449, %get3A_1450] {strides = array<i32>} : memref<520x16xf32, #tpu.memory_space<vmem>>, vector<1x16xf32>,
          %get3A_1452 = vector.shape_cast %get3A_1451 : vector<1x16xf32> to vector<16xf32>
          %add3A_1453 = arith.addf %add3A_1429, %get3A_1452 : vector<16xf32>
          %add3A_1454 = arith.constant 12 : i32
          %add3A_1455 = arith.addi %multiple_of3A_1172, %add3A_1454 : i32
          %get3A_1456 = arith.constant 1 : i32
          %get3A_1457 = arith.constant 0 : i32
          %get3A_1458 = arith.constant 0 : i32
          %get3A_1459 = tpu.memref_slice %arg10[%get3A_1456, %get3A_1457, %get3A_1458] : memref<2x520x16xf32, #tpu.memory_space<vmem>> -> memref<1x520x16xf32, #tpu.memory_space<vmem>>
          %get3A_1460 = tpu.memref_squeeze %get3A_1459 : memref<1x520x16xf32, #tpu.memory_space<vmem>> -> memref<520x16xf32, #tpu.memory_space<vmem>>
          %get3A_1461 = arith.index_cast %add3A_1455 : i32 to index
          %get3A_1462 = arith.constant 0 : index
          %get3A_1463 = tpu.vector_load %get3A_1460[%get3A_1461, %get3A_1462] {strides = array<i32>} : memref<520x16xf32, #tpu.memory_space<vmem>>, vector<1x16xf32>,
          %get3A_1464 = vector.shape_cast %get3A_1463 : vector<1x16xf32> to vector<16xf32>
          %add3A_1465 = arith.addf %add3A_1441, %get3A_1464 : vector<16xf32>
          %add3A_1466 = arith.constant 12 : i32
          %add3A_1467 = arith.addi %multiple_of3A_1172, %add3A_1466 : i32
          %get3A_1468 = arith.constant 1 : i32
          %get3A_1469 = arith.constant 0 : i32
          %get3A_1470 = arith.constant 0 : i32
          %get3A_1471 = tpu.memref_slice %arg11[%get3A_1468, %get3A_1469, %get3A_1470] : memref<2x520x16xf32, #tpu.memory_space<vmem>> -> memref<1x520x16xf32, #tpu.memory_space<vmem>>
          %get3A_1472 = tpu.memref_squeeze %get3A_1471 : memref<1x520x16xf32, #tpu.memory_space<vmem>> -> memref<520x16xf32, #tpu.memory_space<vmem>>
          %get3A_1473 = arith.index_cast %add3A_1467 : i32 to index
          %get3A_1474 = arith.constant 0 : index
          %get3A_1475 = tpu.vector_load %get3A_1472[%get3A_1473, %get3A_1474] {strides = array<i32>} : memref<520x16xf32, #tpu.memory_space<vmem>>, vector<1x16xf32>,
          %get3A_1476 = vector.shape_cast %get3A_1475 : vector<1x16xf32> to vector<16xf32>
          %add3A_1477 = arith.addf %add3A_1453, %get3A_1476 : vector<16xf32>
          %add3A_1478 = arith.constant 13 : i32
          %add3A_1479 = arith.addi %multiple_of3A_1172, %add3A_1478 : i32
          %get3A_1480 = arith.constant 1 : i32
          %get3A_1481 = arith.constant 0 : i32
          %get3A_1482 = arith.constant 0 : i32
          %get3A_1483 = tpu.memref_slice %arg10[%get3A_1480, %get3A_1481, %get3A_1482] : memref<2x520x16xf32, #tpu.memory_space<vmem>> -> memref<1x520x16xf32, #tpu.memory_space<vmem>>
          %get3A_1484 = tpu.memref_squeeze %get3A_1483 : memref<1x520x16xf32, #tpu.memory_space<vmem>> -> memref<520x16xf32, #tpu.memory_space<vmem>>
          %get3A_1485 = arith.index_cast %add3A_1479 : i32 to index
          %get3A_1486 = arith.constant 0 : index
          %get3A_1487 = tpu.vector_load %get3A_1484[%get3A_1485, %get3A_1486] {strides = array<i32>} : memref<520x16xf32, #tpu.memory_space<vmem>>, vector<1x16xf32>,
          %get3A_1488 = vector.shape_cast %get3A_1487 : vector<1x16xf32> to vector<16xf32>
          %add3A_1489 = arith.addf %add3A_1465, %get3A_1488 : vector<16xf32>
          %add3A_1490 = arith.constant 13 : i32
          %add3A_1491 = arith.addi %multiple_of3A_1172, %add3A_1490 : i32
          %get3A_1492 = arith.constant 1 : i32
          %get3A_1493 = arith.constant 0 : i32
          %get3A_1494 = arith.constant 0 : i32
          %get3A_1495 = tpu.memref_slice %arg11[%get3A_1492, %get3A_1493, %get3A_1494] : memref<2x520x16xf32, #tpu.memory_space<vmem>> -> memref<1x520x16xf32, #tpu.memory_space<vmem>>
          %get3A_1496 = tpu.memref_squeeze %get3A_1495 : memref<1x520x16xf32, #tpu.memory_space<vmem>> -> memref<520x16xf32, #tpu.memory_space<vmem>>
          %get3A_1497 = arith.index_cast %add3A_1491 : i32 to index
          %get3A_1498 = arith.constant 0 : index
          %get3A_1499 = tpu.vector_load %get3A_1496[%get3A_1497, %get3A_1498] {strides = array<i32>} : memref<520x16xf32, #tpu.memory_space<vmem>>, vector<1x16xf32>,
          %get3A_1500 = vector.shape_cast %get3A_1499 : vector<1x16xf32> to vector<16xf32>
          %add3A_1501 = arith.addf %add3A_1477, %get3A_1500 : vector<16xf32>
          %add3A_1502 = arith.constant 14 : i32
          %add3A_1503 = arith.addi %multiple_of3A_1172, %add3A_1502 : i32
          %get3A_1504 = arith.constant 1 : i32
          %get3A_1505 = arith.constant 0 : i32
          %get3A_1506 = arith.constant 0 : i32
          %get3A_1507 = tpu.memref_slice %arg10[%get3A_1504, %get3A_1505, %get3A_1506] : memref<2x520x16xf32, #tpu.memory_space<vmem>> -> memref<1x520x16xf32, #tpu.memory_space<vmem>>
          %get3A_1508 = tpu.memref_squeeze %get3A_1507 : memref<1x520x16xf32, #tpu.memory_space<vmem>> -> memref<520x16xf32, #tpu.memory_space<vmem>>
          %get3A_1509 = arith.index_cast %add3A_1503 : i32 to index
          %get3A_1510 = arith.constant 0 : index
          %get3A_1511 = tpu.vector_load %get3A_1508[%get3A_1509, %get3A_1510] {strides = array<i32>} : memref<520x16xf32, #tpu.memory_space<vmem>>, vector<1x16xf32>,
          %get3A_1512 = vector.shape_cast %get3A_1511 : vector<1x16xf32> to vector<16xf32>
          %add3A_1513 = arith.addf %add3A_1489, %get3A_1512 : vector<16xf32>
          %add3A_1514 = arith.constant 14 : i32
          %add3A_1515 = arith.addi %multiple_of3A_1172, %add3A_1514 : i32
          %get3A_1516 = arith.constant 1 : i32
          %get3A_1517 = arith.constant 0 : i32
          %get3A_1518 = arith.constant 0 : i32
          %get3A_1519 = tpu.memref_slice %arg11[%get3A_1516, %get3A_1517, %get3A_1518] : memref<2x520x16xf32, #tpu.memory_space<vmem>> -> memref<1x520x16xf32, #tpu.memory_space<vmem>>
          %get3A_1520 = tpu.memref_squeeze %get3A_1519 : memref<1x520x16xf32, #tpu.memory_space<vmem>> -> memref<520x16xf32, #tpu.memory_space<vmem>>
          %get3A_1521 = arith.index_cast %add3A_1515 : i32 to index
          %get3A_1522 = arith.constant 0 : index
          %get3A_1523 = tpu.vector_load %get3A_1520[%get3A_1521, %get3A_1522] {strides = array<i32>} : memref<520x16xf32, #tpu.memory_space<vmem>>, vector<1x16xf32>,
          %get3A_1524 = vector.shape_cast %get3A_1523 : vector<1x16xf32> to vector<16xf32>
          %add3A_1525 = arith.addf %add3A_1501, %get3A_1524 : vector<16xf32>
          %add3A_1526 = arith.constant 15 : i32
          %add3A_1527 = arith.addi %multiple_of3A_1172, %add3A_1526 : i32
          %get3A_1528 = arith.constant 1 : i32
          %get3A_1529 = arith.constant 0 : i32
          %get3A_1530 = arith.constant 0 : i32
          %get3A_1531 = tpu.memref_slice %arg10[%get3A_1528, %get3A_1529, %get3A_1530] : memref<2x520x16xf32, #tpu.memory_space<vmem>> -> memref<1x520x16xf32, #tpu.memory_space<vmem>>
          %get3A_1532 = tpu.memref_squeeze %get3A_1531 : memref<1x520x16xf32, #tpu.memory_space<vmem>> -> memref<520x16xf32, #tpu.memory_space<vmem>>
          %get3A_1533 = arith.index_cast %add3A_1527 : i32 to index
          %get3A_1534 = arith.constant 0 : index
          %get3A_1535 = tpu.vector_load %get3A_1532[%get3A_1533, %get3A_1534] {strides = array<i32>} : memref<520x16xf32, #tpu.memory_space<vmem>>, vector<1x16xf32>,
          %get3A_1536 = vector.shape_cast %get3A_1535 : vector<1x16xf32> to vector<16xf32>
          %add3A_1537 = arith.addf %add3A_1513, %get3A_1536 : vector<16xf32>
          %add3A_1538 = arith.constant 15 : i32
          %add3A_1539 = arith.addi %multiple_of3A_1172, %add3A_1538 : i32
          %get3A_1540 = arith.constant 1 : i32
          %get3A_1541 = arith.constant 0 : i32
          %get3A_1542 = arith.constant 0 : i32
          %get3A_1543 = tpu.memref_slice %arg11[%get3A_1540, %get3A_1541, %get3A_1542] : memref<2x520x16xf32, #tpu.memory_space<vmem>> -> memref<1x520x16xf32, #tpu.memory_space<vmem>>
          %get3A_1544 = tpu.memref_squeeze %get3A_1543 : memref<1x520x16xf32, #tpu.memory_space<vmem>> -> memref<520x16xf32, #tpu.memory_space<vmem>>
          %get3A_1545 = arith.index_cast %add3A_1539 : i32 to index
          %get3A_1546 = arith.constant 0 : index
          %get3A_1547 = tpu.vector_load %get3A_1544[%get3A_1545, %get3A_1546] {strides = array<i32>} : memref<520x16xf32, #tpu.memory_space<vmem>>, vector<1x16xf32>,
          %get3A_1548 = vector.shape_cast %get3A_1547 : vector<1x16xf32> to vector<16xf32>
          %add3A_1549 = arith.addf %add3A_1525, %get3A_1548 : vector<16xf32>
          %add3A_1550 = arith.constant 16 : i32
          %add3A_1551 = arith.addi %multiple_of3A_1172, %add3A_1550 : i32
          %get3A_1552 = arith.constant 1 : i32
          %get3A_1553 = arith.constant 0 : i32
          %get3A_1554 = arith.constant 0 : i32
          %get3A_1555 = tpu.memref_slice %arg10[%get3A_1552, %get3A_1553, %get3A_1554] : memref<2x520x16xf32, #tpu.memory_space<vmem>> -> memref<1x520x16xf32, #tpu.memory_space<vmem>>
          %get3A_1556 = tpu.memref_squeeze %get3A_1555 : memref<1x520x16xf32, #tpu.memory_space<vmem>> -> memref<520x16xf32, #tpu.memory_space<vmem>>
          %get3A_1557 = arith.index_cast %add3A_1551 : i32 to index
          %get3A_1558 = arith.constant 0 : index
          %get3A_1559 = tpu.vector_load %get3A_1556[%get3A_1557, %get3A_1558] {strides = array<i32>} : memref<520x16xf32, #tpu.memory_space<vmem>>, vector<1x16xf32>,
          %get3A_1560 = vector.shape_cast %get3A_1559 : vector<1x16xf32> to vector<16xf32>
          %add3A_1561 = arith.addf %add3A_1537, %get3A_1560 : vector<16xf32>
          %add3A_1562 = arith.constant 16 : i32
          %add3A_1563 = arith.addi %multiple_of3A_1172, %add3A_1562 : i32
          %get3A_1564 = arith.constant 1 : i32
          %get3A_1565 = arith.constant 0 : i32
          %get3A_1566 = arith.constant 0 : i32
          %get3A_1567 = tpu.memref_slice %arg11[%get3A_1564, %get3A_1565, %get3A_1566] : memref<2x520x16xf32, #tpu.memory_space<vmem>> -> memref<1x520x16xf32, #tpu.memory_space<vmem>>
          %get3A_1568 = tpu.memref_squeeze %get3A_1567 : memref<1x520x16xf32, #tpu.memory_space<vmem>> -> memref<520x16xf32, #tpu.memory_space<vmem>>
          %get3A_1569 = arith.index_cast %add3A_1563 : i32 to index
          %get3A_1570 = arith.constant 0 : index
          %get3A_1571 = tpu.vector_load %get3A_1568[%get3A_1569, %get3A_1570] {strides = array<i32>} : memref<520x16xf32, #tpu.memory_space<vmem>>, vector<1x16xf32>,
          %get3A_1572 = vector.shape_cast %get3A_1571 : vector<1x16xf32> to vector<16xf32>
          %add3A_1573 = arith.addf %add3A_1549, %get3A_1572 : vector<16xf32>
          %add3A_1574 = arith.constant 17 : i32
          %add3A_1575 = arith.addi %multiple_of3A_1172, %add3A_1574 : i32
          %get3A_1576 = arith.constant 1 : i32
          %get3A_1577 = arith.constant 0 : i32
          %get3A_1578 = arith.constant 0 : i32
          %get3A_1579 = tpu.memref_slice %arg10[%get3A_1576, %get3A_1577, %get3A_1578] : memref<2x520x16xf32, #tpu.memory_space<vmem>> -> memref<1x520x16xf32, #tpu.memory_space<vmem>>
          %get3A_1580 = tpu.memref_squeeze %get3A_1579 : memref<1x520x16xf32, #tpu.memory_space<vmem>> -> memref<520x16xf32, #tpu.memory_space<vmem>>
          %get3A_1581 = arith.index_cast %add3A_1575 : i32 to index
          %get3A_1582 = arith.constant 0 : index
          %get3A_1583 = tpu.vector_load %get3A_1580[%get3A_1581, %get3A_1582] {strides = array<i32>} : memref<520x16xf32, #tpu.memory_space<vmem>>, vector<1x16xf32>,
          %get3A_1584 = vector.shape_cast %get3A_1583 : vector<1x16xf32> to vector<16xf32>
          %add3A_1585 = arith.addf %add3A_1561, %get3A_1584 : vector<16xf32>
          %add3A_1586 = arith.constant 17 : i32
          %add3A_1587 = arith.addi %multiple_of3A_1172, %add3A_1586 : i32
          %get3A_1588 = arith.constant 1 : i32
          %get3A_1589 = arith.constant 0 : i32
          %get3A_1590 = arith.constant 0 : i32
          %get3A_1591 = tpu.memref_slice %arg11[%get3A_1588, %get3A_1589, %get3A_1590] : memref<2x520x16xf32, #tpu.memory_space<vmem>> -> memref<1x520x16xf32, #tpu.memory_space<vmem>>
          %get3A_1592 = tpu.memref_squeeze %get3A_1591 : memref<1x520x16xf32, #tpu.memory_space<vmem>> -> memref<520x16xf32, #tpu.memory_space<vmem>>
          %get3A_1593 = arith.index_cast %add3A_1587 : i32 to index
          %get3A_1594 = arith.constant 0 : index
          %get3A_1595 = tpu.vector_load %get3A_1592[%get3A_1593, %get3A_1594] {strides = array<i32>} : memref<520x16xf32, #tpu.memory_space<vmem>>, vector<1x16xf32>,
          %get3A_1596 = vector.shape_cast %get3A_1595 : vector<1x16xf32> to vector<16xf32>
          %add3A_1597 = arith.addf %add3A_1573, %get3A_1596 : vector<16xf32>
          %add3A_1598 = arith.constant 18 : i32
          %add3A_1599 = arith.addi %multiple_of3A_1172, %add3A_1598 : i32
          %get3A_1600 = arith.constant 1 : i32
          %get3A_1601 = arith.constant 0 : i32
          %get3A_1602 = arith.constant 0 : i32
          %get3A_1603 = tpu.memref_slice %arg10[%get3A_1600, %get3A_1601, %get3A_1602] : memref<2x520x16xf32, #tpu.memory_space<vmem>> -> memref<1x520x16xf32, #tpu.memory_space<vmem>>
          %get3A_1604 = tpu.memref_squeeze %get3A_1603 : memref<1x520x16xf32, #tpu.memory_space<vmem>> -> memref<520x16xf32, #tpu.memory_space<vmem>>
          %get3A_1605 = arith.index_cast %add3A_1599 : i32 to index
          %get3A_1606 = arith.constant 0 : index
          %get3A_1607 = tpu.vector_load %get3A_1604[%get3A_1605, %get3A_1606] {strides = array<i32>} : memref<520x16xf32, #tpu.memory_space<vmem>>, vector<1x16xf32>,
          %get3A_1608 = vector.shape_cast %get3A_1607 : vector<1x16xf32> to vector<16xf32>
          %add3A_1609 = arith.addf %add3A_1585, %get3A_1608 : vector<16xf32>
          %add3A_1610 = arith.constant 18 : i32
          %add3A_1611 = arith.addi %multiple_of3A_1172, %add3A_1610 : i32
          %get3A_1612 = arith.constant 1 : i32
          %get3A_1613 = arith.constant 0 : i32
          %get3A_1614 = arith.constant 0 : i32
          %get3A_1615 = tpu.memref_slice %arg11[%get3A_1612, %get3A_1613, %get3A_1614] : memref<2x520x16xf32, #tpu.memory_space<vmem>> -> memref<1x520x16xf32, #tpu.memory_space<vmem>>
          %get3A_1616 = tpu.memref_squeeze %get3A_1615 : memref<1x520x16xf32, #tpu.memory_space<vmem>> -> memref<520x16xf32, #tpu.memory_space<vmem>>
          %get3A_1617 = arith.index_cast %add3A_1611 : i32 to index
          %get3A_1618 = arith.constant 0 : index
          %get3A_1619 = tpu.vector_load %get3A_1616[%get3A_1617, %get3A_1618] {strides = array<i32>} : memref<520x16xf32, #tpu.memory_space<vmem>>, vector<1x16xf32>,
          %get3A_1620 = vector.shape_cast %get3A_1619 : vector<1x16xf32> to vector<16xf32>
          %add3A_1621 = arith.addf %add3A_1597, %get3A_1620 : vector<16xf32>
          %add3A_1622 = arith.constant 19 : i32
          %add3A_1623 = arith.addi %multiple_of3A_1172, %add3A_1622 : i32
          %get3A_1624 = arith.constant 1 : i32
          %get3A_1625 = arith.constant 0 : i32
          %get3A_1626 = arith.constant 0 : i32
          %get3A_1627 = tpu.memref_slice %arg10[%get3A_1624, %get3A_1625, %get3A_1626] : memref<2x520x16xf32, #tpu.memory_space<vmem>> -> memref<1x520x16xf32, #tpu.memory_space<vmem>>
          %get3A_1628 = tpu.memref_squeeze %get3A_1627 : memref<1x520x16xf32, #tpu.memory_space<vmem>> -> memref<520x16xf32, #tpu.memory_space<vmem>>
          %get3A_1629 = arith.index_cast %add3A_1623 : i32 to index
          %get3A_1630 = arith.constant 0 : index
          %get3A_1631 = tpu.vector_load %get3A_1628[%get3A_1629, %get3A_1630] {strides = array<i32>} : memref<520x16xf32, #tpu.memory_space<vmem>>, vector<1x16xf32>,
          %get3A_1632 = vector.shape_cast %get3A_1631 : vector<1x16xf32> to vector<16xf32>
          %add3A_1633 = arith.addf %add3A_1609, %get3A_1632 : vector<16xf32>
          %add3A_1634 = arith.constant 19 : i32
          %add3A_1635 = arith.addi %multiple_of3A_1172, %add3A_1634 : i32
          %get3A_1636 = arith.constant 1 : i32
          %get3A_1637 = arith.constant 0 : i32
          %get3A_1638 = arith.constant 0 : i32
          %get3A_1639 = tpu.memref_slice %arg11[%get3A_1636, %get3A_1637, %get3A_1638] : memref<2x520x16xf32, #tpu.memory_space<vmem>> -> memref<1x520x16xf32, #tpu.memory_space<vmem>>
          %get3A_1640 = tpu.memref_squeeze %get3A_1639 : memref<1x520x16xf32, #tpu.memory_space<vmem>> -> memref<520x16xf32, #tpu.memory_space<vmem>>
          %get3A_1641 = arith.index_cast %add3A_1635 : i32 to index
          %get3A_1642 = arith.constant 0 : index
          %get3A_1643 = tpu.vector_load %get3A_1640[%get3A_1641, %get3A_1642] {strides = array<i32>} : memref<520x16xf32, #tpu.memory_space<vmem>>, vector<1x16xf32>,
          %get3A_1644 = vector.shape_cast %get3A_1643 : vector<1x16xf32> to vector<16xf32>
          %add3A_1645 = arith.addf %add3A_1621, %get3A_1644 : vector<16xf32>
          %mul3A_1646 = arith.constant 32 : i32
          %mul3A_1647 = arith.muli %scan3A_1168, %mul3A_1646 : i32
          %multiple_of3A_1648 = tpu.assume_multiple %mul3A_1647, 32 : i32
          %mul3A_1649 = arith.constant 5.000000e-02 : f32
          %mul3A_1650 = vector.broadcast %mul3A_1649 : f32 to vector<16xf32>
          %mul3A_1651 = arith.mulf %add3A_1633, %mul3A_1650 : vector<16xf32>
          %swap3A = arith.constant 1 : i32
          %swap3A_1652 = arith.constant 0 : i32
          %swap3A_1653 = tpu.memref_slice %arg12[%swap3A, %swap3A_1652] : memref<2x832xf32, #tpu.memory_space<vmem>> -> memref<1x832xf32, #tpu.memory_space<vmem>>
          %swap3A_1654 = tpu.memref_squeeze %swap3A_1653 : memref<1x832xf32, #tpu.memory_space<vmem>> -> memref<832xf32, #tpu.memory_space<vmem>>
          %swap3A_1655 = arith.index_cast %multiple_of3A_1648 : i32 to index
          %swap3A_1656 = tpu.vector_load %swap3A_1654[%swap3A_1655] {strides = array<i32>} : memref<832xf32, #tpu.memory_space<vmem>>, vector<16xf32>,
          %swap3A_1657 = vector.shape_cast %swap3A_1656 : vector<16xf32> to vector<16xf32>
          %swap3A_1658 = vector.shape_cast %mul3A_1651 : vector<16xf32> to vector<16xf32>
          tpu.vector_store %swap3A_1654[%swap3A_1655], %swap3A_1658 {strides = array<i32>} : memref<832xf32, #tpu.memory_space<vmem>>, vector<16xf32>,
          %mul3A_1659 = arith.constant 5.000000e-02 : f32
          %mul3A_1660 = vector.broadcast %mul3A_1659 : f32 to vector<16xf32>
          %mul3A_1661 = arith.mulf %add3A_1645, %mul3A_1660 : vector<16xf32>
          %add3A_1662 = arith.constant 16 : i32
          %add3A_1663 = arith.addi %multiple_of3A_1648, %add3A_1662 : i32
          %swap3A_1664 = arith.constant 1 : i32
          %swap3A_1665 = arith.constant 0 : i32
          %swap3A_1666 = tpu.memref_slice %arg12[%swap3A_1664, %swap3A_1665] : memref<2x832xf32, #tpu.memory_space<vmem>> -> memref<1x832xf32, #tpu.memory_space<vmem>>
          %swap3A_1667 = tpu.memref_squeeze %swap3A_1666 : memref<1x832xf32, #tpu.memory_space<vmem>> -> memref<832xf32, #tpu.memory_space<vmem>>
          %swap3A_1668 = arith.index_cast %add3A_1663 : i32 to index
          %swap3A_1669 = tpu.vector_load %swap3A_1667[%swap3A_1668] {strides = array<i32>} : memref<832xf32, #tpu.memory_space<vmem>>, vector<16xf32>,
          %swap3A_1670 = vector.shape_cast %swap3A_1669 : vector<16xf32> to vector<16xf32>
          %swap3A_1671 = vector.shape_cast %mul3A_1661 : vector<16xf32> to vector<16xf32>
          tpu.vector_store %swap3A_1667[%swap3A_1668], %swap3A_1671 {strides = array<i32>} : memref<832xf32, #tpu.memory_space<vmem>>, vector<16xf32>,
          %scan3A_1672 = arith.constant 0 : i32
          scf.yield %scan3A_1672 : i32
        }
        %scan3A_1155 = arith.constant 26 : i32
        %mul3A_1156 = arith.constant 832 : i32
        %mul3A_1157 = arith.muli %sub3A_1141, %mul3A_1156 : i32
        %multiple_of3A_1158 = tpu.assume_multiple %mul3A_1157, 8 : i32
        %dma_start3A_1159 = arith.constant 1 : i32
        %dma_start3A_1160 = arith.constant 0 : i32
        %dma_start3A_1161 = tpu.memref_slice %arg12[%dma_start3A_1159, %dma_start3A_1160] : memref<2x832xf32, #tpu.memory_space<vmem>> -> memref<1x832xf32, #tpu.memory_space<vmem>>
        %dma_start3A_1162 = tpu.memref_squeeze %dma_start3A_1161 : memref<1x832xf32, #tpu.memory_space<vmem>> -> memref<832xf32, #tpu.memory_space<vmem>>
        %dma_start3A_1163 = tpu.memref_slice %arg5[%multiple_of3A_1158] : memref<3407872xf32, #tpu.memory_space<hbm>> -> memref<832xf32, #tpu.memory_space<hbm>>
        %dma_start3A_1164 = tpu.memref_slice %arg5[%multiple_of3A_1158] : memref<3407872xf32, #tpu.memory_space<hbm>> -> memref<832xf32, #tpu.memory_space<hbm>>
        %dma_start3A_1165 = arith.constant 0 : i32
        %dma_start3A_1166 = tpu.memref_slice %arg12[%dma_start3A_1159, %dma_start3A_1165] : memref<2x832xf32, #tpu.memory_space<vmem>> -> memref<1x832xf32, #tpu.memory_space<vmem>>
        %dma_start3A_1167 = tpu.memref_squeeze %dma_start3A_1166 : memref<1x832xf32, #tpu.memory_space<vmem>> -> memref<832xf32, #tpu.memory_space<vmem>>
        tpu.enqueue_dma source(%dma_start3A_1167 : memref<832xf32, #tpu.memory_space<vmem>>) target(%dma_start3A_1164 : memref<832xf32, #tpu.memory_space<hbm>>) target_semaphore(%arg18 : memref<!tpu.dma_semaphore, #tpu.memory_space<semaphore_mem>>)
      } else {
      }
      %dma_wait3A_498 = arith.constant 1 : i32
      %dma_wait3A_499 = arith.constant 0 : i32
      %dma_wait3A_500 = tpu.memref_slice %arg7[%dma_wait3A_498, %dma_wait3A_499] : memref<2x528xi32, #tpu.memory_space<vmem>> -> memref<1x528xi32, #tpu.memory_space<vmem>>
      %dma_wait3A_501 = tpu.memref_squeeze %dma_wait3A_500 : memref<1x528xi32, #tpu.memory_space<vmem>> -> memref<528xi32, #tpu.memory_space<vmem>>
      %dma_wait3A_502 = arith.constant 0 : i32
      %dma_wait3A_503 = tpu.memref_slice %dma_wait3A_501[%dma_wait3A_502] : memref<528xi32, #tpu.memory_space<vmem>> -> memref<520xi32, #tpu.memory_space<vmem>>
      %dma_wait3A_504 = arith.constant 0 : i32
      %dma_wait3A_505 = tpu.memref_slice %arg2[%dma_wait3A_504] : memref<2129920xi32, #tpu.memory_space<hbm>> -> memref<520xi32, #tpu.memory_space<hbm>>
      %dma_wait3A_506 = arith.constant 0 : i32
      %dma_wait3A_507 = tpu.memref_slice %arg7[%dma_wait3A_498, %dma_wait3A_506] : memref<2x528xi32, #tpu.memory_space<vmem>> -> memref<1x528xi32, #tpu.memory_space<vmem>>
      %dma_wait3A_508 = tpu.memref_squeeze %dma_wait3A_507 : memref<1x528xi32, #tpu.memory_space<vmem>> -> memref<528xi32, #tpu.memory_space<vmem>>
      %dma_wait3A_509 = arith.constant 0 : i32
      %dma_wait3A_510 = tpu.memref_slice %dma_wait3A_508[%dma_wait3A_509] : memref<528xi32, #tpu.memory_space<vmem>> -> memref<520xi32, #tpu.memory_space<vmem>>
      %dma_wait3A_511 = arith.constant 0 : i32
      %dma_wait3A_512 = tpu.memref_slice %arg2[%dma_wait3A_511] : memref<2129920xi32, #tpu.memory_space<hbm>> -> memref<520xi32, #tpu.memory_space<hbm>>
      tpu.wait_dma2 semaphore(%arg14 : memref<!tpu.dma_semaphore, #tpu.memory_space<semaphore_mem>>) src(%dma_wait3A_512 : memref<520xi32, #tpu.memory_space<hbm>>) dst(%dma_wait3A_510 : memref<520xi32, #tpu.memory_space<vmem>>)
      %scan3A_513 = arith.constant 0 : i32
      %scan3A_514 = arith.constant 0 : i32
      %scan3A_515 = arith.constant 33 : i32
      %scan3A_516 = arith.addi %scan3A_514, %scan3A_515 : i32
      %scan3A_517 = arith.constant 1 : i32
      %scan3A_518 = scf.for %scan3A_930 = %scan3A_514 to %scan3A_516 step %scan3A_517 iter_args(%scan3A_931 = %scan3A_513) -> (i32)  : i32 {
        %mul3A_932 = arith.constant 16 : i32
        %mul3A_933 = arith.muli %scan3A_930, %mul3A_932 : i32
        %multiple_of3A_934 = tpu.assume_multiple %mul3A_933, 16 : i32
        %get3A = arith.constant 1 : i32
        %get3A_935 = arith.constant 0 : i32
        %get3A_936 = tpu.memref_slice %arg7[%get3A, %get3A_935] : memref<2x528xi32, #tpu.memory_space<vmem>> -> memref<1x528xi32, #tpu.memory_space<vmem>>
        %get3A_937 = tpu.memref_squeeze %get3A_936 : memref<1x528xi32, #tpu.memory_space<vmem>> -> memref<528xi32, #tpu.memory_space<vmem>>
        %get3A_938 = arith.index_cast %multiple_of3A_934 : i32 to index
        %get3A_939 = tpu.vector_load %get3A_937[%get3A_938] {strides = array<i32>} : memref<528xi32, #tpu.memory_space<vmem>>, vector<16xi32>,
        %get3A_940 = vector.shape_cast %get3A_939 : vector<16xi32> to vector<16xi32>
        %get3A_941 = arith.index_cast %multiple_of3A_934 : i32 to index
        %get3A_942 = tpu.vector_load %arg6[%get3A_941] {strides = array<i32>} : memref<528xi32, #tpu.memory_space<vmem>>, vector<16xi32>,
        %get3A_943 = vector.shape_cast %get3A_942 : vector<16xi32> to vector<16xi32>
        %add3A_944 = arith.addi %get3A_940, %get3A_943 : vector<16xi32>
        %mul3A_945 = arith.constant 8 : i32
        %mul3A_946 = vector.broadcast %mul3A_945 : i32 to vector<16xi32>
        %mul3A_947 = arith.muli %add3A_944, %mul3A_946 : vector<16xi32>
        %swap3A = arith.constant 1 : i32
        %swap3A_948 = arith.constant 0 : i32
        %swap3A_949 = tpu.memref_slice %arg8[%swap3A, %swap3A_948] : memref<2x528xi32, #tpu.memory_space<vmem>> -> memref<1x528xi32, #tpu.memory_space<vmem>>
        %swap3A_950 = tpu.memref_squeeze %swap3A_949 : memref<1x528xi32, #tpu.memory_space<vmem>> -> memref<528xi32, #tpu.memory_space<vmem>>
        %swap3A_951 = arith.index_cast %multiple_of3A_934 : i32 to index
        %swap3A_952 = tpu.vector_load %swap3A_950[%swap3A_951] {strides = array<i32>} : memref<528xi32, #tpu.memory_space<vmem>>, vector<16xi32>,
        %swap3A_953 = vector.shape_cast %swap3A_952 : vector<16xi32> to vector<16xi32>
        %swap3A_954 = vector.shape_cast %mul3A_947 : vector<16xi32> to vector<16xi32>
        tpu.vector_store %swap3A_950[%swap3A_951], %swap3A_954 {strides = array<i32>} : memref<528xi32, #tpu.memory_space<vmem>>, vector<16xi32>,
        %add3A_955 = arith.constant 1 : i32
        %add3A_956 = vector.broadcast %add3A_955 : i32 to vector<16xi32>
        %add3A_957 = arith.addi %mul3A_947, %add3A_956 : vector<16xi32>
        %swap3A_958 = arith.constant 1 : i32
        %swap3A_959 = arith.constant 0 : i32
        %swap3A_960 = tpu.memref_slice %arg9[%swap3A_958, %swap3A_959] : memref<2x528xi32, #tpu.memory_space<vmem>> -> memref<1x528xi32, #tpu.memory_space<vmem>>
        %swap3A_961 = tpu.memref_squeeze %swap3A_960 : memref<1x528xi32, #tpu.memory_space<vmem>> -> memref<528xi32, #tpu.memory_space<vmem>>
        %swap3A_962 = arith.index_cast %multiple_of3A_934 : i32 to index
        %swap3A_963 = tpu.vector_load %swap3A_961[%swap3A_962] {strides = array<i32>} : memref<528xi32, #tpu.memory_space<vmem>>, vector<16xi32>,
        %swap3A_964 = vector.shape_cast %swap3A_963 : vector<16xi32> to vector<16xi32>
        %swap3A_965 = vector.shape_cast %add3A_957 : vector<16xi32> to vector<16xi32>
        tpu.vector_store %swap3A_961[%swap3A_962], %swap3A_965 {strides = array<i32>} : memref<528xi32, #tpu.memory_space<vmem>>, vector<16xi32>,
        %scan3A_966 = arith.constant 0 : i32
        scf.yield %scan3A_966 : i32
      }
      %scan3A_519 = arith.constant 33 : i32
      %dma_start3A_520 = arith.constant 1 : i32
      %dma_start3A_521 = arith.constant 1 : i32
      %dma_start3A_522 = arith.constant 0 : i32
      %dma_start3A_523 = arith.constant 0 : i32
      %dma_start3A_524 = tpu.memref_slice %arg10[%dma_start3A_521, %dma_start3A_522, %dma_start3A_523] : memref<2x520x16xf32, #tpu.memory_space<vmem>> -> memref<1x520x16xf32, #tpu.memory_space<vmem>>
      %dma_start3A_525 = tpu.memref_squeeze %dma_start3A_524 : memref<1x520x16xf32, #tpu.memory_space<vmem>> -> memref<520x16xf32, #tpu.memory_space<vmem>>
      %dma_start3A_526 = arith.constant 0 : i32
      %dma_start3A_527 = arith.constant 0 : i32
      %dma_start3A_528 = tpu.memref_slice %dma_start3A_525[%dma_start3A_526, %dma_start3A_527] : memref<520x16xf32, #tpu.memory_space<vmem>> -> memref<104x16xf32, #tpu.memory_space<vmem>>
      %dma_start3A_529 = arith.constant 0 : i32
      %dma_start3A_530 = tpu.memref_slice %arg8[%dma_start3A_520, %dma_start3A_529] : memref<2x528xi32, #tpu.memory_space<vmem>> -> memref<1x528xi32, #tpu.memory_space<vmem>>
      %dma_start3A_531 = tpu.memref_squeeze %dma_start3A_530 : memref<1x528xi32, #tpu.memory_space<vmem>> -> memref<528xi32, #tpu.memory_space<vmem>>
      %dma_start3A_532 = arith.constant 0 : i32
      %dma_start3A_533 = tpu.memref_slice %dma_start3A_531[%dma_start3A_532] : memref<528xi32, #tpu.memory_space<vmem>> -> memref<104xi32, #tpu.memory_space<vmem>>
      %dma_start3A_534 = arith.constant 0 : i32
      %dma_start3A_535 = arith.constant 0 : i32
      %dma_start3A_536 = tpu.memref_slice %arg4[%dma_start3A_534, %dma_start3A_535] : memref<20801664x16xf32, #tpu.memory_space<hbm>> -> memref<20801664x16xf32, #tpu.memory_space<hbm>>
      tpu.enqueue_indirect_dma source(%dma_start3A_536 : memref<20801664x16xf32, #tpu.memory_space<hbm>>) target(%dma_start3A_528 : memref<104x16xf32, #tpu.memory_space<vmem>>) offsets(%dma_start3A_533 : memref<104xi32, #tpu.memory_space<vmem>>) semaphore(%arg16 : memref<!tpu.dma_semaphore, #tpu.memory_space<semaphore_mem>>)
      %dma_start3A_537 = arith.constant 1 : i32
      %dma_start3A_538 = arith.constant 1 : i32
      %dma_start3A_539 = arith.constant 0 : i32
      %dma_start3A_540 = arith.constant 0 : i32
      %dma_start3A_541 = tpu.memref_slice %arg11[%dma_start3A_538, %dma_start3A_539, %dma_start3A_540] : memref<2x520x16xf32, #tpu.memory_space<vmem>> -> memref<1x520x16xf32, #tpu.memory_space<vmem>>
      %dma_start3A_542 = tpu.memref_squeeze %dma_start3A_541 : memref<1x520x16xf32, #tpu.memory_space<vmem>> -> memref<520x16xf32, #tpu.memory_space<vmem>>
      %dma_start3A_543 = arith.constant 0 : i32
      %dma_start3A_544 = arith.constant 0 : i32
      %dma_start3A_545 = tpu.memref_slice %dma_start3A_542[%dma_start3A_543, %dma_start3A_544] : memref<520x16xf32, #tpu.memory_space<vmem>> -> memref<104x16xf32, #tpu.memory_space<vmem>>
      %dma_start3A_546 = arith.constant 0 : i32
      %dma_start3A_547 = tpu.memref_slice %arg9[%dma_start3A_537, %dma_start3A_546] : memref<2x528xi32, #tpu.memory_space<vmem>> -> memref<1x528xi32, #tpu.memory_space<vmem>>
      %dma_start3A_548 = tpu.memref_squeeze %dma_start3A_547 : memref<1x528xi32, #tpu.memory_space<vmem>> -> memref<528xi32, #tpu.memory_space<vmem>>
      %dma_start3A_549 = arith.constant 0 : i32
      %dma_start3A_550 = tpu.memref_slice %dma_start3A_548[%dma_start3A_549] : memref<528xi32, #tpu.memory_space<vmem>> -> memref<104xi32, #tpu.memory_space<vmem>>
      %dma_start3A_551 = arith.constant 0 : i32
      %dma_start3A_552 = arith.constant 0 : i32
      %dma_start3A_553 = tpu.memref_slice %arg4[%dma_start3A_551, %dma_start3A_552] : memref<20801664x16xf32, #tpu.memory_space<hbm>> -> memref<20801664x16xf32, #tpu.memory_space<hbm>>
      tpu.enqueue_indirect_dma source(%dma_start3A_553 : memref<20801664x16xf32, #tpu.memory_space<hbm>>) target(%dma_start3A_545 : memref<104x16xf32, #tpu.memory_space<vmem>>) offsets(%dma_start3A_550 : memref<104xi32, #tpu.memory_space<vmem>>) semaphore(%arg16 : memref<!tpu.dma_semaphore, #tpu.memory_space<semaphore_mem>>)
      %dma_start3A_554 = arith.constant 1 : i32
      %dma_start3A_555 = arith.constant 1 : i32
      %dma_start3A_556 = arith.constant 0 : i32
      %dma_start3A_557 = arith.constant 0 : i32
      %dma_start3A_558 = tpu.memref_slice %arg10[%dma_start3A_555, %dma_start3A_556, %dma_start3A_557] : memref<2x520x16xf32, #tpu.memory_space<vmem>> -> memref<1x520x16xf32, #tpu.memory_space<vmem>>
      %dma_start3A_559 = tpu.memref_squeeze %dma_start3A_558 : memref<1x520x16xf32, #tpu.memory_space<vmem>> -> memref<520x16xf32, #tpu.memory_space<vmem>>
      %dma_start3A_560 = arith.constant 104 : i32
      %dma_start3A_561 = arith.constant 0 : i32
      %dma_start3A_562 = tpu.memref_slice %dma_start3A_559[%dma_start3A_560, %dma_start3A_561] : memref<520x16xf32, #tpu.memory_space<vmem>> -> memref<104x16xf32, #tpu.memory_space<vmem>>
      %dma_start3A_563 = arith.constant 0 : i32
      %dma_start3A_564 = tpu.memref_slice %arg8[%dma_start3A_554, %dma_start3A_563] : memref<2x528xi32, #tpu.memory_space<vmem>> -> memref<1x528xi32, #tpu.memory_space<vmem>>
      %dma_start3A_565 = tpu.memref_squeeze %dma_start3A_564 : memref<1x528xi32, #tpu.memory_space<vmem>> -> memref<528xi32, #tpu.memory_space<vmem>>
      %dma_start3A_566 = arith.constant 104 : i32
      %dma_start3A_567 = tpu.memref_slice %dma_start3A_565[%dma_start3A_566] : memref<528xi32, #tpu.memory_space<vmem>> -> memref<104xi32, #tpu.memory_space<vmem>>
      %dma_start3A_568 = arith.constant 0 : i32
      %dma_start3A_569 = arith.constant 0 : i32
      %dma_start3A_570 = tpu.memref_slice %arg4[%dma_start3A_568, %dma_start3A_569] : memref<20801664x16xf32, #tpu.memory_space<hbm>> -> memref<20801664x16xf32, #tpu.memory_space<hbm>>
      tpu.enqueue_indirect_dma source(%dma_start3A_570 : memref<20801664x16xf32, #tpu.memory_space<hbm>>) target(%dma_start3A_562 : memref<104x16xf32, #tpu.memory_space<vmem>>) offsets(%dma_start3A_567 : memref<104xi32, #tpu.memory_space<vmem>>) semaphore(%arg16 : memref<!tpu.dma_semaphore, #tpu.memory_space<semaphore_mem>>)
      %dma_start3A_571 = arith.constant 1 : i32
      %dma_start3A_572 = arith.constant 1 : i32
      %dma_start3A_573 = arith.constant 0 : i32
      %dma_start3A_574 = arith.constant 0 : i32
      %dma_start3A_575 = tpu.memref_slice %arg11[%dma_start3A_572, %dma_start3A_573, %dma_start3A_574] : memref<2x520x16xf32, #tpu.memory_space<vmem>> -> memref<1x520x16xf32, #tpu.memory_space<vmem>>
      %dma_start3A_576 = tpu.memref_squeeze %dma_start3A_575 : memref<1x520x16xf32, #tpu.memory_space<vmem>> -> memref<520x16xf32, #tpu.memory_space<vmem>>
      %dma_start3A_577 = arith.constant 104 : i32
      %dma_start3A_578 = arith.constant 0 : i32
      %dma_start3A_579 = tpu.memref_slice %dma_start3A_576[%dma_start3A_577, %dma_start3A_578] : memref<520x16xf32, #tpu.memory_space<vmem>> -> memref<104x16xf32, #tpu.memory_space<vmem>>
      %dma_start3A_580 = arith.constant 0 : i32
      %dma_start3A_581 = tpu.memref_slice %arg9[%dma_start3A_571, %dma_start3A_580] : memref<2x528xi32, #tpu.memory_space<vmem>> -> memref<1x528xi32, #tpu.memory_space<vmem>>
      %dma_start3A_582 = tpu.memref_squeeze %dma_start3A_581 : memref<1x528xi32, #tpu.memory_space<vmem>> -> memref<528xi32, #tpu.memory_space<vmem>>
      %dma_start3A_583 = arith.constant 104 : i32
      %dma_start3A_584 = tpu.memref_slice %dma_start3A_582[%dma_start3A_583] : memref<528xi32, #tpu.memory_space<vmem>> -> memref<104xi32, #tpu.memory_space<vmem>>
      %dma_start3A_585 = arith.constant 0 : i32
      %dma_start3A_586 = arith.constant 0 : i32
      %dma_start3A_587 = tpu.memref_slice %arg4[%dma_start3A_585, %dma_start3A_586] : memref<20801664x16xf32, #tpu.memory_space<hbm>> -> memref<20801664x16xf32, #tpu.memory_space<hbm>>
      tpu.enqueue_indirect_dma source(%dma_start3A_587 : memref<20801664x16xf32, #tpu.memory_space<hbm>>) target(%dma_start3A_579 : memref<104x16xf32, #tpu.memory_space<vmem>>) offsets(%dma_start3A_584 : memref<104xi32, #tpu.memory_space<vmem>>) semaphore(%arg16 : memref<!tpu.dma_semaphore, #tpu.memory_space<semaphore_mem>>)
      %dma_start3A_588 = arith.constant 1 : i32
      %dma_start3A_589 = arith.constant 1 : i32
      %dma_start3A_590 = arith.constant 0 : i32
      %dma_start3A_591 = arith.constant 0 : i32
      %dma_start3A_592 = tpu.memref_slice %arg10[%dma_start3A_589, %dma_start3A_590, %dma_start3A_591] : memref<2x520x16xf32, #tpu.memory_space<vmem>> -> memref<1x520x16xf32, #tpu.memory_space<vmem>>
      %dma_start3A_593 = tpu.memref_squeeze %dma_start3A_592 : memref<1x520x16xf32, #tpu.memory_space<vmem>> -> memref<520x16xf32, #tpu.memory_space<vmem>>
      %dma_start3A_594 = arith.constant 208 : i32
      %dma_start3A_595 = arith.constant 0 : i32
      %dma_start3A_596 = tpu.memref_slice %dma_start3A_593[%dma_start3A_594, %dma_start3A_595] : memref<520x16xf32, #tpu.memory_space<vmem>> -> memref<104x16xf32, #tpu.memory_space<vmem>>
      %dma_start3A_597 = arith.constant 0 : i32
      %dma_start3A_598 = tpu.memref_slice %arg8[%dma_start3A_588, %dma_start3A_597] : memref<2x528xi32, #tpu.memory_space<vmem>> -> memref<1x528xi32, #tpu.memory_space<vmem>>
      %dma_start3A_599 = tpu.memref_squeeze %dma_start3A_598 : memref<1x528xi32, #tpu.memory_space<vmem>> -> memref<528xi32, #tpu.memory_space<vmem>>
      %dma_start3A_600 = arith.constant 208 : i32
      %dma_start3A_601 = tpu.memref_slice %dma_start3A_599[%dma_start3A_600] : memref<528xi32, #tpu.memory_space<vmem>> -> memref<104xi32, #tpu.memory_space<vmem>>
      %dma_start3A_602 = arith.constant 0 : i32
      %dma_start3A_603 = arith.constant 0 : i32
      %dma_start3A_604 = tpu.memref_slice %arg4[%dma_start3A_602, %dma_start3A_603] : memref<20801664x16xf32, #tpu.memory_space<hbm>> -> memref<20801664x16xf32, #tpu.memory_space<hbm>>
      tpu.enqueue_indirect_dma source(%dma_start3A_604 : memref<20801664x16xf32, #tpu.memory_space<hbm>>) target(%dma_start3A_596 : memref<104x16xf32, #tpu.memory_space<vmem>>) offsets(%dma_start3A_601 : memref<104xi32, #tpu.memory_space<vmem>>) semaphore(%arg16 : memref<!tpu.dma_semaphore, #tpu.memory_space<semaphore_mem>>)
      %dma_start3A_605 = arith.constant 1 : i32
      %dma_start3A_606 = arith.constant 1 : i32
      %dma_start3A_607 = arith.constant 0 : i32
      %dma_start3A_608 = arith.constant 0 : i32
      %dma_start3A_609 = tpu.memref_slice %arg11[%dma_start3A_606, %dma_start3A_607, %dma_start3A_608] : memref<2x520x16xf32, #tpu.memory_space<vmem>> -> memref<1x520x16xf32, #tpu.memory_space<vmem>>
      %dma_start3A_610 = tpu.memref_squeeze %dma_start3A_609 : memref<1x520x16xf32, #tpu.memory_space<vmem>> -> memref<520x16xf32, #tpu.memory_space<vmem>>
      %dma_start3A_611 = arith.constant 208 : i32
      %dma_start3A_612 = arith.constant 0 : i32
      %dma_start3A_613 = tpu.memref_slice %dma_start3A_610[%dma_start3A_611, %dma_start3A_612] : memref<520x16xf32, #tpu.memory_space<vmem>> -> memref<104x16xf32, #tpu.memory_space<vmem>>
      %dma_start3A_614 = arith.constant 0 : i32
      %dma_start3A_615 = tpu.memref_slice %arg9[%dma_start3A_605, %dma_start3A_614] : memref<2x528xi32, #tpu.memory_space<vmem>> -> memref<1x528xi32, #tpu.memory_space<vmem>>
      %dma_start3A_616 = tpu.memref_squeeze %dma_start3A_615 : memref<1x528xi32, #tpu.memory_space<vmem>> -> memref<528xi32, #tpu.memory_space<vmem>>
      %dma_start3A_617 = arith.constant 208 : i32
      %dma_start3A_618 = tpu.memref_slice %dma_start3A_616[%dma_start3A_617] : memref<528xi32, #tpu.memory_space<vmem>> -> memref<104xi32, #tpu.memory_space<vmem>>
      %dma_start3A_619 = arith.constant 0 : i32
      %dma_start3A_620 = arith.constant 0 : i32
      %dma_start3A_621 = tpu.memref_slice %arg4[%dma_start3A_619, %dma_start3A_620] : memref<20801664x16xf32, #tpu.memory_space<hbm>> -> memref<20801664x16xf32, #tpu.memory_space<hbm>>
      tpu.enqueue_indirect_dma source(%dma_start3A_621 : memref<20801664x16xf32, #tpu.memory_space<hbm>>) target(%dma_start3A_613 : memref<104x16xf32, #tpu.memory_space<vmem>>) offsets(%dma_start3A_618 : memref<104xi32, #tpu.memory_space<vmem>>) semaphore(%arg16 : memref<!tpu.dma_semaphore, #tpu.memory_space<semaphore_mem>>)
      %dma_start3A_622 = arith.constant 1 : i32
      %dma_start3A_623 = arith.constant 1 : i32
      %dma_start3A_624 = arith.constant 0 : i32
      %dma_start3A_625 = arith.constant 0 : i32
      %dma_start3A_626 = tpu.memref_slice %arg10[%dma_start3A_623, %dma_start3A_624, %dma_start3A_625] : memref<2x520x16xf32, #tpu.memory_space<vmem>> -> memref<1x520x16xf32, #tpu.memory_space<vmem>>
      %dma_start3A_627 = tpu.memref_squeeze %dma_start3A_626 : memref<1x520x16xf32, #tpu.memory_space<vmem>> -> memref<520x16xf32, #tpu.memory_space<vmem>>
      %dma_start3A_628 = arith.constant 312 : i32
      %dma_start3A_629 = arith.constant 0 : i32
      %dma_start3A_630 = tpu.memref_slice %dma_start3A_627[%dma_start3A_628, %dma_start3A_629] : memref<520x16xf32, #tpu.memory_space<vmem>> -> memref<104x16xf32, #tpu.memory_space<vmem>>
      %dma_start3A_631 = arith.constant 0 : i32
      %dma_start3A_632 = tpu.memref_slice %arg8[%dma_start3A_622, %dma_start3A_631] : memref<2x528xi32, #tpu.memory_space<vmem>> -> memref<1x528xi32, #tpu.memory_space<vmem>>
      %dma_start3A_633 = tpu.memref_squeeze %dma_start3A_632 : memref<1x528xi32, #tpu.memory_space<vmem>> -> memref<528xi32, #tpu.memory_space<vmem>>
      %dma_start3A_634 = arith.constant 312 : i32
      %dma_start3A_635 = tpu.memref_slice %dma_start3A_633[%dma_start3A_634] : memref<528xi32, #tpu.memory_space<vmem>> -> memref<104xi32, #tpu.memory_space<vmem>>
      %dma_start3A_636 = arith.constant 0 : i32
      %dma_start3A_637 = arith.constant 0 : i32
      %dma_start3A_638 = tpu.memref_slice %arg4[%dma_start3A_636, %dma_start3A_637] : memref<20801664x16xf32, #tpu.memory_space<hbm>> -> memref<20801664x16xf32, #tpu.memory_space<hbm>>
      tpu.enqueue_indirect_dma source(%dma_start3A_638 : memref<20801664x16xf32, #tpu.memory_space<hbm>>) target(%dma_start3A_630 : memref<104x16xf32, #tpu.memory_space<vmem>>) offsets(%dma_start3A_635 : memref<104xi32, #tpu.memory_space<vmem>>) semaphore(%arg16 : memref<!tpu.dma_semaphore, #tpu.memory_space<semaphore_mem>>)
      %dma_start3A_639 = arith.constant 1 : i32
      %dma_start3A_640 = arith.constant 1 : i32
      %dma_start3A_641 = arith.constant 0 : i32
      %dma_start3A_642 = arith.constant 0 : i32
      %dma_start3A_643 = tpu.memref_slice %arg11[%dma_start3A_640, %dma_start3A_641, %dma_start3A_642] : memref<2x520x16xf32, #tpu.memory_space<vmem>> -> memref<1x520x16xf32, #tpu.memory_space<vmem>>
      %dma_start3A_644 = tpu.memref_squeeze %dma_start3A_643 : memref<1x520x16xf32, #tpu.memory_space<vmem>> -> memref<520x16xf32, #tpu.memory_space<vmem>>
      %dma_start3A_645 = arith.constant 312 : i32
      %dma_start3A_646 = arith.constant 0 : i32
      %dma_start3A_647 = tpu.memref_slice %dma_start3A_644[%dma_start3A_645, %dma_start3A_646] : memref<520x16xf32, #tpu.memory_space<vmem>> -> memref<104x16xf32, #tpu.memory_space<vmem>>
      %dma_start3A_648 = arith.constant 0 : i32
      %dma_start3A_649 = tpu.memref_slice %arg9[%dma_start3A_639, %dma_start3A_648] : memref<2x528xi32, #tpu.memory_space<vmem>> -> memref<1x528xi32, #tpu.memory_space<vmem>>
      %dma_start3A_650 = tpu.memref_squeeze %dma_start3A_649 : memref<1x528xi32, #tpu.memory_space<vmem>> -> memref<528xi32, #tpu.memory_space<vmem>>
      %dma_start3A_651 = arith.constant 312 : i32
      %dma_start3A_652 = tpu.memref_slice %dma_start3A_650[%dma_start3A_651] : memref<528xi32, #tpu.memory_space<vmem>> -> memref<104xi32, #tpu.memory_space<vmem>>
      %dma_start3A_653 = arith.constant 0 : i32
      %dma_start3A_654 = arith.constant 0 : i32
      %dma_start3A_655 = tpu.memref_slice %arg4[%dma_start3A_653, %dma_start3A_654] : memref<20801664x16xf32, #tpu.memory_space<hbm>> -> memref<20801664x16xf32, #tpu.memory_space<hbm>>
      tpu.enqueue_indirect_dma source(%dma_start3A_655 : memref<20801664x16xf32, #tpu.memory_space<hbm>>) target(%dma_start3A_647 : memref<104x16xf32, #tpu.memory_space<vmem>>) offsets(%dma_start3A_652 : memref<104xi32, #tpu.memory_space<vmem>>) semaphore(%arg16 : memref<!tpu.dma_semaphore, #tpu.memory_space<semaphore_mem>>)
      %dma_start3A_656 = arith.constant 1 : i32
      %dma_start3A_657 = arith.constant 1 : i32
      %dma_start3A_658 = arith.constant 0 : i32
      %dma_start3A_659 = arith.constant 0 : i32
      %dma_start3A_660 = tpu.memref_slice %arg10[%dma_start3A_657, %dma_start3A_658, %dma_start3A_659] : memref<2x520x16xf32, #tpu.memory_space<vmem>> -> memref<1x520x16xf32, #tpu.memory_space<vmem>>
      %dma_start3A_661 = tpu.memref_squeeze %dma_start3A_660 : memref<1x520x16xf32, #tpu.memory_space<vmem>> -> memref<520x16xf32, #tpu.memory_space<vmem>>
      %dma_start3A_662 = arith.constant 416 : i32
      %dma_start3A_663 = arith.constant 0 : i32
      %dma_start3A_664 = tpu.memref_slice %dma_start3A_661[%dma_start3A_662, %dma_start3A_663] : memref<520x16xf32, #tpu.memory_space<vmem>> -> memref<104x16xf32, #tpu.memory_space<vmem>>
      %dma_start3A_665 = arith.constant 0 : i32
      %dma_start3A_666 = tpu.memref_slice %arg8[%dma_start3A_656, %dma_start3A_665] : memref<2x528xi32, #tpu.memory_space<vmem>> -> memref<1x528xi32, #tpu.memory_space<vmem>>
      %dma_start3A_667 = tpu.memref_squeeze %dma_start3A_666 : memref<1x528xi32, #tpu.memory_space<vmem>> -> memref<528xi32, #tpu.memory_space<vmem>>
      %dma_start3A_668 = arith.constant 416 : i32
      %dma_start3A_669 = tpu.memref_slice %dma_start3A_667[%dma_start3A_668] : memref<528xi32, #tpu.memory_space<vmem>> -> memref<104xi32, #tpu.memory_space<vmem>>
      %dma_start3A_670 = arith.constant 0 : i32
      %dma_start3A_671 = arith.constant 0 : i32
      %dma_start3A_672 = tpu.memref_slice %arg4[%dma_start3A_670, %dma_start3A_671] : memref<20801664x16xf32, #tpu.memory_space<hbm>> -> memref<20801664x16xf32, #tpu.memory_space<hbm>>
      tpu.enqueue_indirect_dma source(%dma_start3A_672 : memref<20801664x16xf32, #tpu.memory_space<hbm>>) target(%dma_start3A_664 : memref<104x16xf32, #tpu.memory_space<vmem>>) offsets(%dma_start3A_669 : memref<104xi32, #tpu.memory_space<vmem>>) semaphore(%arg16 : memref<!tpu.dma_semaphore, #tpu.memory_space<semaphore_mem>>)
      %dma_start3A_673 = arith.constant 1 : i32
      %dma_start3A_674 = arith.constant 1 : i32
      %dma_start3A_675 = arith.constant 0 : i32
      %dma_start3A_676 = arith.constant 0 : i32
      %dma_start3A_677 = tpu.memref_slice %arg11[%dma_start3A_674, %dma_start3A_675, %dma_start3A_676] : memref<2x520x16xf32, #tpu.memory_space<vmem>> -> memref<1x520x16xf32, #tpu.memory_space<vmem>>
      %dma_start3A_678 = tpu.memref_squeeze %dma_start3A_677 : memref<1x520x16xf32, #tpu.memory_space<vmem>> -> memref<520x16xf32, #tpu.memory_space<vmem>>
      %dma_start3A_679 = arith.constant 416 : i32
      %dma_start3A_680 = arith.constant 0 : i32
      %dma_start3A_681 = tpu.memref_slice %dma_start3A_678[%dma_start3A_679, %dma_start3A_680] : memref<520x16xf32, #tpu.memory_space<vmem>> -> memref<104x16xf32, #tpu.memory_space<vmem>>
      %dma_start3A_682 = arith.constant 0 : i32
      %dma_start3A_683 = tpu.memref_slice %arg9[%dma_start3A_673, %dma_start3A_682] : memref<2x528xi32, #tpu.memory_space<vmem>> -> memref<1x528xi32, #tpu.memory_space<vmem>>
      %dma_start3A_684 = tpu.memref_squeeze %dma_start3A_683 : memref<1x528xi32, #tpu.memory_space<vmem>> -> memref<528xi32, #tpu.memory_space<vmem>>
      %dma_start3A_685 = arith.constant 416 : i32
      %dma_start3A_686 = tpu.memref_slice %dma_start3A_684[%dma_start3A_685] : memref<528xi32, #tpu.memory_space<vmem>> -> memref<104xi32, #tpu.memory_space<vmem>>
      %dma_start3A_687 = arith.constant 0 : i32
      %dma_start3A_688 = arith.constant 0 : i32
      %dma_start3A_689 = tpu.memref_slice %arg4[%dma_start3A_687, %dma_start3A_688] : memref<20801664x16xf32, #tpu.memory_space<hbm>> -> memref<20801664x16xf32, #tpu.memory_space<hbm>>
      tpu.enqueue_indirect_dma source(%dma_start3A_689 : memref<20801664x16xf32, #tpu.memory_space<hbm>>) target(%dma_start3A_681 : memref<104x16xf32, #tpu.memory_space<vmem>>) offsets(%dma_start3A_686 : memref<104xi32, #tpu.memory_space<vmem>>) semaphore(%arg16 : memref<!tpu.dma_semaphore, #tpu.memory_space<semaphore_mem>>)
      %lt3A = arith.constant 63 : i32
      %lt3A_690 = arith.cmpi slt, %scan3A_279, %lt3A : i32
      %convert_element_type3A_691 = arith.extui %lt3A_690 : i1 to i32
      %cond3A_692 = arith.constant 0 : i32
      %cond3A_693 = arith.cmpi ne, %convert_element_type3A_691, %cond3A_692 : i32
      scf.if %cond3A_693 {
        %add3A_930 = arith.constant 2 : i32
        %add3A_931 = arith.addi %add3A_283, %add3A_930 : i32
        %mul3A_932 = arith.constant 520 : i32
        %mul3A_933 = arith.muli %add3A_931, %mul3A_932 : i32
        %multiple_of3A_934 = tpu.assume_multiple %mul3A_933, 8 : i32
        %dma_start3A_935 = arith.constant 0 : i32
        %dma_start3A_936 = arith.constant 0 : i32
        %dma_start3A_937 = tpu.memref_slice %arg7[%dma_start3A_935, %dma_start3A_936] : memref<2x528xi32, #tpu.memory_space<vmem>> -> memref<1x528xi32, #tpu.memory_space<vmem>>
        %dma_start3A_938 = tpu.memref_squeeze %dma_start3A_937 : memref<1x528xi32, #tpu.memory_space<vmem>> -> memref<528xi32, #tpu.memory_space<vmem>>
        %dma_start3A_939 = arith.constant 0 : i32
        %dma_start3A_940 = tpu.memref_slice %dma_start3A_938[%dma_start3A_939] : memref<528xi32, #tpu.memory_space<vmem>> -> memref<520xi32, #tpu.memory_space<vmem>>
        %dma_start3A_941 = tpu.memref_slice %arg2[%multiple_of3A_934] : memref<2129920xi32, #tpu.memory_space<hbm>> -> memref<520xi32, #tpu.memory_space<hbm>>
        %dma_start3A_942 = arith.constant 0 : i32
        %dma_start3A_943 = tpu.memref_slice %arg7[%dma_start3A_935, %dma_start3A_942] : memref<2x528xi32, #tpu.memory_space<vmem>> -> memref<1x528xi32, #tpu.memory_space<vmem>>
        %dma_start3A_944 = tpu.memref_squeeze %dma_start3A_943 : memref<1x528xi32, #tpu.memory_space<vmem>> -> memref<528xi32, #tpu.memory_space<vmem>>
        %dma_start3A_945 = arith.constant 0 : i32
        %dma_start3A_946 = tpu.memref_slice %dma_start3A_944[%dma_start3A_945] : memref<528xi32, #tpu.memory_space<vmem>> -> memref<520xi32, #tpu.memory_space<vmem>>
        %dma_start3A_947 = tpu.memref_slice %arg2[%multiple_of3A_934] : memref<2129920xi32, #tpu.memory_space<hbm>> -> memref<520xi32, #tpu.memory_space<hbm>>
        tpu.enqueue_dma source(%dma_start3A_947 : memref<520xi32, #tpu.memory_space<hbm>>) target(%dma_start3A_946 : memref<520xi32, #tpu.memory_space<vmem>>) target_semaphore(%arg13 : memref<!tpu.dma_semaphore, #tpu.memory_space<semaphore_mem>>)
      } else {
      }
      %dma_wait3A_694 = arith.constant 0 : i32
      %dma_wait3A_695 = arith.constant 0 : i32
      %dma_wait3A_696 = arith.constant 0 : i32
      %dma_wait3A_697 = tpu.memref_slice %arg10[%dma_wait3A_694, %dma_wait3A_695, %dma_wait3A_696] : memref<2x520x16xf32, #tpu.memory_space<vmem>> -> memref<1x520x16xf32, #tpu.memory_space<vmem>>
      %dma_wait3A_698 = tpu.memref_squeeze %dma_wait3A_697 : memref<1x520x16xf32, #tpu.memory_space<vmem>> -> memref<520x16xf32, #tpu.memory_space<vmem>>
      %dma_wait3A_699 = arith.constant 0 : i32
      %dma_wait3A_700 = arith.constant 0 : i32
      %dma_wait3A_701 = tpu.memref_slice %dma_wait3A_698[%dma_wait3A_699, %dma_wait3A_700] : memref<520x16xf32, #tpu.memory_space<vmem>> -> memref<104x16xf32, #tpu.memory_space<vmem>>
      %dma_wait3A_702 = arith.constant 0 : i32
      %dma_wait3A_703 = arith.constant 0 : i32
      %dma_wait3A_704 = tpu.memref_slice %arg4[%dma_wait3A_702, %dma_wait3A_703] : memref<20801664x16xf32, #tpu.memory_space<hbm>> -> memref<104x16xf32, #tpu.memory_space<hbm>>
      %dma_wait3A_705 = arith.constant 0 : i32
      %dma_wait3A_706 = arith.constant 0 : i32
      %dma_wait3A_707 = tpu.memref_slice %arg10[%dma_wait3A_694, %dma_wait3A_705, %dma_wait3A_706] : memref<2x520x16xf32, #tpu.memory_space<vmem>> -> memref<1x520x16xf32, #tpu.memory_space<vmem>>
      %dma_wait3A_708 = tpu.memref_squeeze %dma_wait3A_707 : memref<1x520x16xf32, #tpu.memory_space<vmem>> -> memref<520x16xf32, #tpu.memory_space<vmem>>
      %dma_wait3A_709 = arith.constant 0 : i32
      %dma_wait3A_710 = arith.constant 0 : i32
      %dma_wait3A_711 = tpu.memref_slice %dma_wait3A_708[%dma_wait3A_709, %dma_wait3A_710] : memref<520x16xf32, #tpu.memory_space<vmem>> -> memref<104x16xf32, #tpu.memory_space<vmem>>
      %dma_wait3A_712 = arith.constant 0 : i32
      %dma_wait3A_713 = arith.constant 0 : i32
      %dma_wait3A_714 = tpu.memref_slice %arg4[%dma_wait3A_712, %dma_wait3A_713] : memref<20801664x16xf32, #tpu.memory_space<hbm>> -> memref<104x16xf32, #tpu.memory_space<hbm>>
      tpu.wait_dma2 semaphore(%arg15 : memref<!tpu.dma_semaphore, #tpu.memory_space<semaphore_mem>>) src(%dma_wait3A_714 : memref<104x16xf32, #tpu.memory_space<hbm>>) dst(%dma_wait3A_711 : memref<104x16xf32, #tpu.memory_space<vmem>>)
      %dma_wait3A_715 = arith.constant 0 : i32
      %dma_wait3A_716 = arith.constant 0 : i32
      %dma_wait3A_717 = arith.constant 0 : i32
      %dma_wait3A_718 = tpu.memref_slice %arg11[%dma_wait3A_715, %dma_wait3A_716, %dma_wait3A_717] : memref<2x520x16xf32, #tpu.memory_space<vmem>> -> memref<1x520x16xf32, #tpu.memory_space<vmem>>
      %dma_wait3A_719 = tpu.memref_squeeze %dma_wait3A_718 : memref<1x520x16xf32, #tpu.memory_space<vmem>> -> memref<520x16xf32, #tpu.memory_space<vmem>>
      %dma_wait3A_720 = arith.constant 0 : i32
      %dma_wait3A_721 = arith.constant 0 : i32
      %dma_wait3A_722 = tpu.memref_slice %dma_wait3A_719[%dma_wait3A_720, %dma_wait3A_721] : memref<520x16xf32, #tpu.memory_space<vmem>> -> memref<104x16xf32, #tpu.memory_space<vmem>>
      %dma_wait3A_723 = arith.constant 0 : i32
      %dma_wait3A_724 = arith.constant 0 : i32
      %dma_wait3A_725 = tpu.memref_slice %arg4[%dma_wait3A_723, %dma_wait3A_724] : memref<20801664x16xf32, #tpu.memory_space<hbm>> -> memref<104x16xf32, #tpu.memory_space<hbm>>
      %dma_wait3A_726 = arith.constant 0 : i32
      %dma_wait3A_727 = arith.constant 0 : i32
      %dma_wait3A_728 = tpu.memref_slice %arg11[%dma_wait3A_715, %dma_wait3A_726, %dma_wait3A_727] : memref<2x520x16xf32, #tpu.memory_space<vmem>> -> memref<1x520x16xf32, #tpu.memory_space<vmem>>
      %dma_wait3A_729 = tpu.memref_squeeze %dma_wait3A_728 : memref<1x520x16xf32, #tpu.memory_space<vmem>> -> memref<520x16xf32, #tpu.memory_space<vmem>>
      %dma_wait3A_730 = arith.constant 0 : i32
      %dma_wait3A_731 = arith.constant 0 : i32
      %dma_wait3A_732 = tpu.memref_slice %dma_wait3A_729[%dma_wait3A_730, %dma_wait3A_731] : memref<520x16xf32, #tpu.memory_space<vmem>> -> memref<104x16xf32, #tpu.memory_space<vmem>>
      %dma_wait3A_733 = arith.constant 0 : i32
      %dma_wait3A_734 = arith.constant 0 : i32
      %dma_wait3A_735 = tpu.memref_slice %arg4[%dma_wait3A_733, %dma_wait3A_734] : memref<20801664x16xf32, #tpu.memory_space<hbm>> -> memref<104x16xf32, #tpu.memory_space<hbm>>
      tpu.wait_dma2 semaphore(%arg15 : memref<!tpu.dma_semaphore, #tpu.memory_space<semaphore_mem>>) src(%dma_wait3A_735 : memref<104x16xf32, #tpu.memory_space<hbm>>) dst(%dma_wait3A_732 : memref<104x16xf32, #tpu.memory_space<vmem>>)
      %dma_wait3A_736 = arith.constant 0 : i32
      %dma_wait3A_737 = arith.constant 0 : i32
      %dma_wait3A_738 = arith.constant 0 : i32
      %dma_wait3A_739 = tpu.memref_slice %arg10[%dma_wait3A_736, %dma_wait3A_737, %dma_wait3A_738] : memref<2x520x16xf32, #tpu.memory_space<vmem>> -> memref<1x520x16xf32, #tpu.memory_space<vmem>>
      %dma_wait3A_740 = tpu.memref_squeeze %dma_wait3A_739 : memref<1x520x16xf32, #tpu.memory_space<vmem>> -> memref<520x16xf32, #tpu.memory_space<vmem>>
      %dma_wait3A_741 = arith.constant 104 : i32
      %dma_wait3A_742 = arith.constant 0 : i32
      %dma_wait3A_743 = tpu.memref_slice %dma_wait3A_740[%dma_wait3A_741, %dma_wait3A_742] : memref<520x16xf32, #tpu.memory_space<vmem>> -> memref<104x16xf32, #tpu.memory_space<vmem>>
      %dma_wait3A_744 = arith.constant 0 : i32
      %dma_wait3A_745 = arith.constant 0 : i32
      %dma_wait3A_746 = tpu.memref_slice %arg4[%dma_wait3A_744, %dma_wait3A_745] : memref<20801664x16xf32, #tpu.memory_space<hbm>> -> memref<104x16xf32, #tpu.memory_space<hbm>>
      %dma_wait3A_747 = arith.constant 0 : i32
      %dma_wait3A_748 = arith.constant 0 : i32
      %dma_wait3A_749 = tpu.memref_slice %arg10[%dma_wait3A_736, %dma_wait3A_747, %dma_wait3A_748] : memref<2x520x16xf32, #tpu.memory_space<vmem>> -> memref<1x520x16xf32, #tpu.memory_space<vmem>>
      %dma_wait3A_750 = tpu.memref_squeeze %dma_wait3A_749 : memref<1x520x16xf32, #tpu.memory_space<vmem>> -> memref<520x16xf32, #tpu.memory_space<vmem>>
      %dma_wait3A_751 = arith.constant 104 : i32
      %dma_wait3A_752 = arith.constant 0 : i32
      %dma_wait3A_753 = tpu.memref_slice %dma_wait3A_750[%dma_wait3A_751, %dma_wait3A_752] : memref<520x16xf32, #tpu.memory_space<vmem>> -> memref<104x16xf32, #tpu.memory_space<vmem>>
      %dma_wait3A_754 = arith.constant 0 : i32
      %dma_wait3A_755 = arith.constant 0 : i32
      %dma_wait3A_756 = tpu.memref_slice %arg4[%dma_wait3A_754, %dma_wait3A_755] : memref<20801664x16xf32, #tpu.memory_space<hbm>> -> memref<104x16xf32, #tpu.memory_space<hbm>>
      tpu.wait_dma2 semaphore(%arg15 : memref<!tpu.dma_semaphore, #tpu.memory_space<semaphore_mem>>) src(%dma_wait3A_756 : memref<104x16xf32, #tpu.memory_space<hbm>>) dst(%dma_wait3A_753 : memref<104x16xf32, #tpu.memory_space<vmem>>)
      %dma_wait3A_757 = arith.constant 0 : i32
      %dma_wait3A_758 = arith.constant 0 : i32
      %dma_wait3A_759 = arith.constant 0 : i32
      %dma_wait3A_760 = tpu.memref_slice %arg11[%dma_wait3A_757, %dma_wait3A_758, %dma_wait3A_759] : memref<2x520x16xf32, #tpu.memory_space<vmem>> -> memref<1x520x16xf32, #tpu.memory_space<vmem>>
      %dma_wait3A_761 = tpu.memref_squeeze %dma_wait3A_760 : memref<1x520x16xf32, #tpu.memory_space<vmem>> -> memref<520x16xf32, #tpu.memory_space<vmem>>
      %dma_wait3A_762 = arith.constant 104 : i32
      %dma_wait3A_763 = arith.constant 0 : i32
      %dma_wait3A_764 = tpu.memref_slice %dma_wait3A_761[%dma_wait3A_762, %dma_wait3A_763] : memref<520x16xf32, #tpu.memory_space<vmem>> -> memref<104x16xf32, #tpu.memory_space<vmem>>
      %dma_wait3A_765 = arith.constant 0 : i32
      %dma_wait3A_766 = arith.constant 0 : i32
      %dma_wait3A_767 = tpu.memref_slice %arg4[%dma_wait3A_765, %dma_wait3A_766] : memref<20801664x16xf32, #tpu.memory_space<hbm>> -> memref<104x16xf32, #tpu.memory_space<hbm>>
      %dma_wait3A_768 = arith.constant 0 : i32
      %dma_wait3A_769 = arith.constant 0 : i32
      %dma_wait3A_770 = tpu.memref_slice %arg11[%dma_wait3A_757, %dma_wait3A_768, %dma_wait3A_769] : memref<2x520x16xf32, #tpu.memory_space<vmem>> -> memref<1x520x16xf32, #tpu.memory_space<vmem>>
      %dma_wait3A_771 = tpu.memref_squeeze %dma_wait3A_770 : memref<1x520x16xf32, #tpu.memory_space<vmem>> -> memref<520x16xf32, #tpu.memory_space<vmem>>
      %dma_wait3A_772 = arith.constant 104 : i32
      %dma_wait3A_773 = arith.constant 0 : i32
      %dma_wait3A_774 = tpu.memref_slice %dma_wait3A_771[%dma_wait3A_772, %dma_wait3A_773] : memref<520x16xf32, #tpu.memory_space<vmem>> -> memref<104x16xf32, #tpu.memory_space<vmem>>
      %dma_wait3A_775 = arith.constant 0 : i32
      %dma_wait3A_776 = arith.constant 0 : i32
      %dma_wait3A_777 = tpu.memref_slice %arg4[%dma_wait3A_775, %dma_wait3A_776] : memref<20801664x16xf32, #tpu.memory_space<hbm>> -> memref<104x16xf32, #tpu.memory_space<hbm>>
      tpu.wait_dma2 semaphore(%arg15 : memref<!tpu.dma_semaphore, #tpu.memory_space<semaphore_mem>>) src(%dma_wait3A_777 : memref<104x16xf32, #tpu.memory_space<hbm>>) dst(%dma_wait3A_774 : memref<104x16xf32, #tpu.memory_space<vmem>>)
      %dma_wait3A_778 = arith.constant 0 : i32
      %dma_wait3A_779 = arith.constant 0 : i32
      %dma_wait3A_780 = arith.constant 0 : i32
      %dma_wait3A_781 = tpu.memref_slice %arg10[%dma_wait3A_778, %dma_wait3A_779, %dma_wait3A_780] : memref<2x520x16xf32, #tpu.memory_space<vmem>> -> memref<1x520x16xf32, #tpu.memory_space<vmem>>
      %dma_wait3A_782 = tpu.memref_squeeze %dma_wait3A_781 : memref<1x520x16xf32, #tpu.memory_space<vmem>> -> memref<520x16xf32, #tpu.memory_space<vmem>>
      %dma_wait3A_783 = arith.constant 208 : i32
      %dma_wait3A_784 = arith.constant 0 : i32
      %dma_wait3A_785 = tpu.memref_slice %dma_wait3A_782[%dma_wait3A_783, %dma_wait3A_784] : memref<520x16xf32, #tpu.memory_space<vmem>> -> memref<104x16xf32, #tpu.memory_space<vmem>>
      %dma_wait3A_786 = arith.constant 0 : i32
      %dma_wait3A_787 = arith.constant 0 : i32
      %dma_wait3A_788 = tpu.memref_slice %arg4[%dma_wait3A_786, %dma_wait3A_787] : memref<20801664x16xf32, #tpu.memory_space<hbm>> -> memref<104x16xf32, #tpu.memory_space<hbm>>
      %dma_wait3A_789 = arith.constant 0 : i32
      %dma_wait3A_790 = arith.constant 0 : i32
      %dma_wait3A_791 = tpu.memref_slice %arg10[%dma_wait3A_778, %dma_wait3A_789, %dma_wait3A_790] : memref<2x520x16xf32, #tpu.memory_space<vmem>> -> memref<1x520x16xf32, #tpu.memory_space<vmem>>
      %dma_wait3A_792 = tpu.memref_squeeze %dma_wait3A_791 : memref<1x520x16xf32, #tpu.memory_space<vmem>> -> memref<520x16xf32, #tpu.memory_space<vmem>>
      %dma_wait3A_793 = arith.constant 208 : i32
      %dma_wait3A_794 = arith.constant 0 : i32
      %dma_wait3A_795 = tpu.memref_slice %dma_wait3A_792[%dma_wait3A_793, %dma_wait3A_794] : memref<520x16xf32, #tpu.memory_space<vmem>> -> memref<104x16xf32, #tpu.memory_space<vmem>>
      %dma_wait3A_796 = arith.constant 0 : i32
      %dma_wait3A_797 = arith.constant 0 : i32
      %dma_wait3A_798 = tpu.memref_slice %arg4[%dma_wait3A_796, %dma_wait3A_797] : memref<20801664x16xf32, #tpu.memory_space<hbm>> -> memref<104x16xf32, #tpu.memory_space<hbm>>
      tpu.wait_dma2 semaphore(%arg15 : memref<!tpu.dma_semaphore, #tpu.memory_space<semaphore_mem>>) src(%dma_wait3A_798 : memref<104x16xf32, #tpu.memory_space<hbm>>) dst(%dma_wait3A_795 : memref<104x16xf32, #tpu.memory_space<vmem>>)
      %dma_wait3A_799 = arith.constant 0 : i32
      %dma_wait3A_800 = arith.constant 0 : i32
      %dma_wait3A_801 = arith.constant 0 : i32
      %dma_wait3A_802 = tpu.memref_slice %arg11[%dma_wait3A_799, %dma_wait3A_800, %dma_wait3A_801] : memref<2x520x16xf32, #tpu.memory_space<vmem>> -> memref<1x520x16xf32, #tpu.memory_space<vmem>>
      %dma_wait3A_803 = tpu.memref_squeeze %dma_wait3A_802 : memref<1x520x16xf32, #tpu.memory_space<vmem>> -> memref<520x16xf32, #tpu.memory_space<vmem>>
      %dma_wait3A_804 = arith.constant 208 : i32
      %dma_wait3A_805 = arith.constant 0 : i32
      %dma_wait3A_806 = tpu.memref_slice %dma_wait3A_803[%dma_wait3A_804, %dma_wait3A_805] : memref<520x16xf32, #tpu.memory_space<vmem>> -> memref<104x16xf32, #tpu.memory_space<vmem>>
      %dma_wait3A_807 = arith.constant 0 : i32
      %dma_wait3A_808 = arith.constant 0 : i32
      %dma_wait3A_809 = tpu.memref_slice %arg4[%dma_wait3A_807, %dma_wait3A_808] : memref<20801664x16xf32, #tpu.memory_space<hbm>> -> memref<104x16xf32, #tpu.memory_space<hbm>>
      %dma_wait3A_810 = arith.constant 0 : i32
      %dma_wait3A_811 = arith.constant 0 : i32
      %dma_wait3A_812 = tpu.memref_slice %arg11[%dma_wait3A_799, %dma_wait3A_810, %dma_wait3A_811] : memref<2x520x16xf32, #tpu.memory_space<vmem>> -> memref<1x520x16xf32, #tpu.memory_space<vmem>>
      %dma_wait3A_813 = tpu.memref_squeeze %dma_wait3A_812 : memref<1x520x16xf32, #tpu.memory_space<vmem>> -> memref<520x16xf32, #tpu.memory_space<vmem>>
      %dma_wait3A_814 = arith.constant 208 : i32
      %dma_wait3A_815 = arith.constant 0 : i32
      %dma_wait3A_816 = tpu.memref_slice %dma_wait3A_813[%dma_wait3A_814, %dma_wait3A_815] : memref<520x16xf32, #tpu.memory_space<vmem>> -> memref<104x16xf32, #tpu.memory_space<vmem>>
      %dma_wait3A_817 = arith.constant 0 : i32
      %dma_wait3A_818 = arith.constant 0 : i32
      %dma_wait3A_819 = tpu.memref_slice %arg4[%dma_wait3A_817, %dma_wait3A_818] : memref<20801664x16xf32, #tpu.memory_space<hbm>> -> memref<104x16xf32, #tpu.memory_space<hbm>>
      tpu.wait_dma2 semaphore(%arg15 : memref<!tpu.dma_semaphore, #tpu.memory_space<semaphore_mem>>) src(%dma_wait3A_819 : memref<104x16xf32, #tpu.memory_space<hbm>>) dst(%dma_wait3A_816 : memref<104x16xf32, #tpu.memory_space<vmem>>)
      %dma_wait3A_820 = arith.constant 0 : i32
      %dma_wait3A_821 = arith.constant 0 : i32
      %dma_wait3A_822 = arith.constant 0 : i32
      %dma_wait3A_823 = tpu.memref_slice %arg10[%dma_wait3A_820, %dma_wait3A_821, %dma_wait3A_822] : memref<2x520x16xf32, #tpu.memory_space<vmem>> -> memref<1x520x16xf32, #tpu.memory_space<vmem>>
      %dma_wait3A_824 = tpu.memref_squeeze %dma_wait3A_823 : memref<1x520x16xf32, #tpu.memory_space<vmem>> -> memref<520x16xf32, #tpu.memory_space<vmem>>
      %dma_wait3A_825 = arith.constant 312 : i32
      %dma_wait3A_826 = arith.constant 0 : i32
      %dma_wait3A_827 = tpu.memref_slice %dma_wait3A_824[%dma_wait3A_825, %dma_wait3A_826] : memref<520x16xf32, #tpu.memory_space<vmem>> -> memref<104x16xf32, #tpu.memory_space<vmem>>
      %dma_wait3A_828 = arith.constant 0 : i32
      %dma_wait3A_829 = arith.constant 0 : i32
      %dma_wait3A_830 = tpu.memref_slice %arg4[%dma_wait3A_828, %dma_wait3A_829] : memref<20801664x16xf32, #tpu.memory_space<hbm>> -> memref<104x16xf32, #tpu.memory_space<hbm>>
      %dma_wait3A_831 = arith.constant 0 : i32
      %dma_wait3A_832 = arith.constant 0 : i32
      %dma_wait3A_833 = tpu.memref_slice %arg10[%dma_wait3A_820, %dma_wait3A_831, %dma_wait3A_832] : memref<2x520x16xf32, #tpu.memory_space<vmem>> -> memref<1x520x16xf32, #tpu.memory_space<vmem>>
      %dma_wait3A_834 = tpu.memref_squeeze %dma_wait3A_833 : memref<1x520x16xf32, #tpu.memory_space<vmem>> -> memref<520x16xf32, #tpu.memory_space<vmem>>
      %dma_wait3A_835 = arith.constant 312 : i32
      %dma_wait3A_836 = arith.constant 0 : i32
      %dma_wait3A_837 = tpu.memref_slice %dma_wait3A_834[%dma_wait3A_835, %dma_wait3A_836] : memref<520x16xf32, #tpu.memory_space<vmem>> -> memref<104x16xf32, #tpu.memory_space<vmem>>
      %dma_wait3A_838 = arith.constant 0 : i32
      %dma_wait3A_839 = arith.constant 0 : i32
      %dma_wait3A_840 = tpu.memref_slice %arg4[%dma_wait3A_838, %dma_wait3A_839] : memref<20801664x16xf32, #tpu.memory_space<hbm>> -> memref<104x16xf32, #tpu.memory_space<hbm>>
      tpu.wait_dma2 semaphore(%arg15 : memref<!tpu.dma_semaphore, #tpu.memory_space<semaphore_mem>>) src(%dma_wait3A_840 : memref<104x16xf32, #tpu.memory_space<hbm>>) dst(%dma_wait3A_837 : memref<104x16xf32, #tpu.memory_space<vmem>>)
      %dma_wait3A_841 = arith.constant 0 : i32
      %dma_wait3A_842 = arith.constant 0 : i32
      %dma_wait3A_843 = arith.constant 0 : i32
      %dma_wait3A_844 = tpu.memref_slice %arg11[%dma_wait3A_841, %dma_wait3A_842, %dma_wait3A_843] : memref<2x520x16xf32, #tpu.memory_space<vmem>> -> memref<1x520x16xf32, #tpu.memory_space<vmem>>
      %dma_wait3A_845 = tpu.memref_squeeze %dma_wait3A_844 : memref<1x520x16xf32, #tpu.memory_space<vmem>> -> memref<520x16xf32, #tpu.memory_space<vmem>>
      %dma_wait3A_846 = arith.constant 312 : i32
      %dma_wait3A_847 = arith.constant 0 : i32
      %dma_wait3A_848 = tpu.memref_slice %dma_wait3A_845[%dma_wait3A_846, %dma_wait3A_847] : memref<520x16xf32, #tpu.memory_space<vmem>> -> memref<104x16xf32, #tpu.memory_space<vmem>>
      %dma_wait3A_849 = arith.constant 0 : i32
      %dma_wait3A_850 = arith.constant 0 : i32
      %dma_wait3A_851 = tpu.memref_slice %arg4[%dma_wait3A_849, %dma_wait3A_850] : memref<20801664x16xf32, #tpu.memory_space<hbm>> -> memref<104x16xf32, #tpu.memory_space<hbm>>
      %dma_wait3A_852 = arith.constant 0 : i32
      %dma_wait3A_853 = arith.constant 0 : i32
      %dma_wait3A_854 = tpu.memref_slice %arg11[%dma_wait3A_841, %dma_wait3A_852, %dma_wait3A_853] : memref<2x520x16xf32, #tpu.memory_space<vmem>> -> memref<1x520x16xf32, #tpu.memory_space<vmem>>
      %dma_wait3A_855 = tpu.memref_squeeze %dma_wait3A_854 : memref<1x520x16xf32, #tpu.memory_space<vmem>> -> memref<520x16xf32, #tpu.memory_space<vmem>>
      %dma_wait3A_856 = arith.constant 312 : i32
      %dma_wait3A_857 = arith.constant 0 : i32
      %dma_wait3A_858 = tpu.memref_slice %dma_wait3A_855[%dma_wait3A_856, %dma_wait3A_857] : memref<520x16xf32, #tpu.memory_space<vmem>> -> memref<104x16xf32, #tpu.memory_space<vmem>>
      %dma_wait3A_859 = arith.constant 0 : i32
      %dma_wait3A_860 = arith.constant 0 : i32
      %dma_wait3A_861 = tpu.memref_slice %arg4[%dma_wait3A_859, %dma_wait3A_860] : memref<20801664x16xf32, #tpu.memory_space<hbm>> -> memref<104x16xf32, #tpu.memory_space<hbm>>
      tpu.wait_dma2 semaphore(%arg15 : memref<!tpu.dma_semaphore, #tpu.memory_space<semaphore_mem>>) src(%dma_wait3A_861 : memref<104x16xf32, #tpu.memory_space<hbm>>) dst(%dma_wait3A_858 : memref<104x16xf32, #tpu.memory_space<vmem>>)
      %dma_wait3A_862 = arith.constant 0 : i32
      %dma_wait3A_863 = arith.constant 0 : i32
      %dma_wait3A_864 = arith.constant 0 : i32
      %dma_wait3A_865 = tpu.memref_slice %arg10[%dma_wait3A_862, %dma_wait3A_863, %dma_wait3A_864] : memref<2x520x16xf32, #tpu.memory_space<vmem>> -> memref<1x520x16xf32, #tpu.memory_space<vmem>>
      %dma_wait3A_866 = tpu.memref_squeeze %dma_wait3A_865 : memref<1x520x16xf32, #tpu.memory_space<vmem>> -> memref<520x16xf32, #tpu.memory_space<vmem>>
      %dma_wait3A_867 = arith.constant 416 : i32
      %dma_wait3A_868 = arith.constant 0 : i32
      %dma_wait3A_869 = tpu.memref_slice %dma_wait3A_866[%dma_wait3A_867, %dma_wait3A_868] : memref<520x16xf32, #tpu.memory_space<vmem>> -> memref<104x16xf32, #tpu.memory_space<vmem>>
      %dma_wait3A_870 = arith.constant 0 : i32
      %dma_wait3A_871 = arith.constant 0 : i32
      %dma_wait3A_872 = tpu.memref_slice %arg4[%dma_wait3A_870, %dma_wait3A_871] : memref<20801664x16xf32, #tpu.memory_space<hbm>> -> memref<104x16xf32, #tpu.memory_space<hbm>>
      %dma_wait3A_873 = arith.constant 0 : i32
      %dma_wait3A_874 = arith.constant 0 : i32
      %dma_wait3A_875 = tpu.memref_slice %arg10[%dma_wait3A_862, %dma_wait3A_873, %dma_wait3A_874] : memref<2x520x16xf32, #tpu.memory_space<vmem>> -> memref<1x520x16xf32, #tpu.memory_space<vmem>>
      %dma_wait3A_876 = tpu.memref_squeeze %dma_wait3A_875 : memref<1x520x16xf32, #tpu.memory_space<vmem>> -> memref<520x16xf32, #tpu.memory_space<vmem>>
      %dma_wait3A_877 = arith.constant 416 : i32
      %dma_wait3A_878 = arith.constant 0 : i32
      %dma_wait3A_879 = tpu.memref_slice %dma_wait3A_876[%dma_wait3A_877, %dma_wait3A_878] : memref<520x16xf32, #tpu.memory_space<vmem>> -> memref<104x16xf32, #tpu.memory_space<vmem>>
      %dma_wait3A_880 = arith.constant 0 : i32
      %dma_wait3A_881 = arith.constant 0 : i32
      %dma_wait3A_882 = tpu.memref_slice %arg4[%dma_wait3A_880, %dma_wait3A_881] : memref<20801664x16xf32, #tpu.memory_space<hbm>> -> memref<104x16xf32, #tpu.memory_space<hbm>>
      tpu.wait_dma2 semaphore(%arg15 : memref<!tpu.dma_semaphore, #tpu.memory_space<semaphore_mem>>) src(%dma_wait3A_882 : memref<104x16xf32, #tpu.memory_space<hbm>>) dst(%dma_wait3A_879 : memref<104x16xf32, #tpu.memory_space<vmem>>)
      %dma_wait3A_883 = arith.constant 0 : i32
      %dma_wait3A_884 = arith.constant 0 : i32
      %dma_wait3A_885 = arith.constant 0 : i32
      %dma_wait3A_886 = tpu.memref_slice %arg11[%dma_wait3A_883, %dma_wait3A_884, %dma_wait3A_885] : memref<2x520x16xf32, #tpu.memory_space<vmem>> -> memref<1x520x16xf32, #tpu.memory_space<vmem>>
      %dma_wait3A_887 = tpu.memref_squeeze %dma_wait3A_886 : memref<1x520x16xf32, #tpu.memory_space<vmem>> -> memref<520x16xf32, #tpu.memory_space<vmem>>
      %dma_wait3A_888 = arith.constant 416 : i32
      %dma_wait3A_889 = arith.constant 0 : i32
      %dma_wait3A_890 = tpu.memref_slice %dma_wait3A_887[%dma_wait3A_888, %dma_wait3A_889] : memref<520x16xf32, #tpu.memory_space<vmem>> -> memref<104x16xf32, #tpu.memory_space<vmem>>
      %dma_wait3A_891 = arith.constant 0 : i32
      %dma_wait3A_892 = arith.constant 0 : i32
      %dma_wait3A_893 = tpu.memref_slice %arg4[%dma_wait3A_891, %dma_wait3A_892] : memref<20801664x16xf32, #tpu.memory_space<hbm>> -> memref<104x16xf32, #tpu.memory_space<hbm>>
      %dma_wait3A_894 = arith.constant 0 : i32
      %dma_wait3A_895 = arith.constant 0 : i32
      %dma_wait3A_896 = tpu.memref_slice %arg11[%dma_wait3A_883, %dma_wait3A_894, %dma_wait3A_895] : memref<2x520x16xf32, #tpu.memory_space<vmem>> -> memref<1x520x16xf32, #tpu.memory_space<vmem>>
      %dma_wait3A_897 = tpu.memref_squeeze %dma_wait3A_896 : memref<1x520x16xf32, #tpu.memory_space<vmem>> -> memref<520x16xf32, #tpu.memory_space<vmem>>
      %dma_wait3A_898 = arith.constant 416 : i32
      %dma_wait3A_899 = arith.constant 0 : i32
      %dma_wait3A_900 = tpu.memref_slice %dma_wait3A_897[%dma_wait3A_898, %dma_wait3A_899] : memref<520x16xf32, #tpu.memory_space<vmem>> -> memref<104x16xf32, #tpu.memory_space<vmem>>
      %dma_wait3A_901 = arith.constant 0 : i32
      %dma_wait3A_902 = arith.constant 0 : i32
      %dma_wait3A_903 = tpu.memref_slice %arg4[%dma_wait3A_901, %dma_wait3A_902] : memref<20801664x16xf32, #tpu.memory_space<hbm>> -> memref<104x16xf32, #tpu.memory_space<hbm>>
      tpu.wait_dma2 semaphore(%arg15 : memref<!tpu.dma_semaphore, #tpu.memory_space<semaphore_mem>>) src(%dma_wait3A_903 : memref<104x16xf32, #tpu.memory_space<hbm>>) dst(%dma_wait3A_900 : memref<104x16xf32, #tpu.memory_space<vmem>>)
      %eq3A = arith.constant 0 : i32
      %eq3A_904 = arith.cmpi eq, %scan3A_279, %eq3A : i32
      %not3A_905 = arith.constant true
      %not3A_906 = arith.xori %eq3A_904, %not3A_905 : i1
      %convert_element_type3A_907 = arith.extui %not3A_906 : i1 to i32
      %cond3A_908 = arith.constant 0 : i32
      %cond3A_909 = arith.cmpi ne, %convert_element_type3A_907, %cond3A_908 : i32
      scf.if %cond3A_909 {
        %dma_wait3A_930 = arith.constant 0 : i32
        %dma_wait3A_931 = arith.constant 0 : i32
        %dma_wait3A_932 = tpu.memref_slice %arg12[%dma_wait3A_930, %dma_wait3A_931] : memref<2x832xf32, #tpu.memory_space<vmem>> -> memref<1x832xf32, #tpu.memory_space<vmem>>
        %dma_wait3A_933 = tpu.memref_squeeze %dma_wait3A_932 : memref<1x832xf32, #tpu.memory_space<vmem>> -> memref<832xf32, #tpu.memory_space<vmem>>
        %dma_wait3A_934 = arith.constant 0 : i32
        %dma_wait3A_935 = tpu.memref_slice %arg5[%dma_wait3A_934] : memref<3407872xf32, #tpu.memory_space<hbm>> -> memref<832xf32, #tpu.memory_space<hbm>>
        %dma_wait3A_936 = arith.constant 0 : i32
        %dma_wait3A_937 = tpu.memref_slice %arg5[%dma_wait3A_936] : memref<3407872xf32, #tpu.memory_space<hbm>> -> memref<832xf32, #tpu.memory_space<hbm>>
        %dma_wait3A_938 = arith.constant 0 : i32
        %dma_wait3A_939 = tpu.memref_slice %arg12[%dma_wait3A_930, %dma_wait3A_938] : memref<2x832xf32, #tpu.memory_space<vmem>> -> memref<1x832xf32, #tpu.memory_space<vmem>>
        %dma_wait3A_940 = tpu.memref_squeeze %dma_wait3A_939 : memref<1x832xf32, #tpu.memory_space<vmem>> -> memref<832xf32, #tpu.memory_space<vmem>>
        tpu.wait_dma2 semaphore(%arg17 : memref<!tpu.dma_semaphore, #tpu.memory_space<semaphore_mem>>) src(%dma_wait3A_940 : memref<832xf32, #tpu.memory_space<vmem>>) dst(%dma_wait3A_937 : memref<832xf32, #tpu.memory_space<hbm>>)
      } else {
      }
      %scan3A_910 = arith.constant 0 : i32
      %scan3A_911 = arith.constant 0 : i32
      %scan3A_912 = arith.constant 26 : i32
      %scan3A_913 = arith.addi %scan3A_911, %scan3A_912 : i32
      %scan3A_914 = arith.constant 1 : i32
      %scan3A_915 = scf.for %scan3A_930 = %scan3A_911 to %scan3A_913 step %scan3A_914 iter_args(%scan3A_931 = %scan3A_910) -> (i32)  : i32 {
        %mul3A_932 = arith.constant 20 : i32
        %mul3A_933 = arith.muli %scan3A_930, %mul3A_932 : i32
        %multiple_of3A_934 = tpu.assume_multiple %mul3A_933, 20 : i32
        %get3A = arith.constant 0 : i32
        %get3A_935 = arith.constant 0 : i32
        %get3A_936 = arith.constant 0 : i32
        %get3A_937 = tpu.memref_slice %arg10[%get3A, %get3A_935, %get3A_936] : memref<2x520x16xf32, #tpu.memory_space<vmem>> -> memref<1x520x16xf32, #tpu.memory_space<vmem>>
        %get3A_938 = tpu.memref_squeeze %get3A_937 : memref<1x520x16xf32, #tpu.memory_space<vmem>> -> memref<520x16xf32, #tpu.memory_space<vmem>>
        %get3A_939 = arith.index_cast %multiple_of3A_934 : i32 to index
        %get3A_940 = arith.constant 0 : index
        %get3A_941 = tpu.vector_load %get3A_938[%get3A_939, %get3A_940] {strides = array<i32>} : memref<520x16xf32, #tpu.memory_space<vmem>>, vector<1x16xf32>,
        %get3A_942 = vector.shape_cast %get3A_941 : vector<1x16xf32> to vector<16xf32>
        %get3A_943 = arith.constant 0 : i32
        %get3A_944 = arith.constant 0 : i32
        %get3A_945 = arith.constant 0 : i32
        %get3A_946 = tpu.memref_slice %arg11[%get3A_943, %get3A_944, %get3A_945] : memref<2x520x16xf32, #tpu.memory_space<vmem>> -> memref<1x520x16xf32, #tpu.memory_space<vmem>>
        %get3A_947 = tpu.memref_squeeze %get3A_946 : memref<1x520x16xf32, #tpu.memory_space<vmem>> -> memref<520x16xf32, #tpu.memory_space<vmem>>
        %get3A_948 = arith.index_cast %multiple_of3A_934 : i32 to index
        %get3A_949 = arith.constant 0 : index
        %get3A_950 = tpu.vector_load %get3A_947[%get3A_948, %get3A_949] {strides = array<i32>} : memref<520x16xf32, #tpu.memory_space<vmem>>, vector<1x16xf32>,
        %get3A_951 = vector.shape_cast %get3A_950 : vector<1x16xf32> to vector<16xf32>
        %add3A_952 = arith.constant 1 : i32
        %add3A_953 = arith.addi %multiple_of3A_934, %add3A_952 : i32
        %get3A_954 = arith.constant 0 : i32
        %get3A_955 = arith.constant 0 : i32
        %get3A_956 = arith.constant 0 : i32
        %get3A_957 = tpu.memref_slice %arg10[%get3A_954, %get3A_955, %get3A_956] : memref<2x520x16xf32, #tpu.memory_space<vmem>> -> memref<1x520x16xf32, #tpu.memory_space<vmem>>
        %get3A_958 = tpu.memref_squeeze %get3A_957 : memref<1x520x16xf32, #tpu.memory_space<vmem>> -> memref<520x16xf32, #tpu.memory_space<vmem>>
        %get3A_959 = arith.index_cast %add3A_953 : i32 to index
        %get3A_960 = arith.constant 0 : index
        %get3A_961 = tpu.vector_load %get3A_958[%get3A_959, %get3A_960] {strides = array<i32>} : memref<520x16xf32, #tpu.memory_space<vmem>>, vector<1x16xf32>,
        %get3A_962 = vector.shape_cast %get3A_961 : vector<1x16xf32> to vector<16xf32>
        %add3A_963 = arith.addf %get3A_942, %get3A_962 : vector<16xf32>
        %add3A_964 = arith.constant 1 : i32
        %add3A_965 = arith.addi %multiple_of3A_934, %add3A_964 : i32
        %get3A_966 = arith.constant 0 : i32
        %get3A_967 = arith.constant 0 : i32
        %get3A_968 = arith.constant 0 : i32
        %get3A_969 = tpu.memref_slice %arg11[%get3A_966, %get3A_967, %get3A_968] : memref<2x520x16xf32, #tpu.memory_space<vmem>> -> memref<1x520x16xf32, #tpu.memory_space<vmem>>
        %get3A_970 = tpu.memref_squeeze %get3A_969 : memref<1x520x16xf32, #tpu.memory_space<vmem>> -> memref<520x16xf32, #tpu.memory_space<vmem>>
        %get3A_971 = arith.index_cast %add3A_965 : i32 to index
        %get3A_972 = arith.constant 0 : index
        %get3A_973 = tpu.vector_load %get3A_970[%get3A_971, %get3A_972] {strides = array<i32>} : memref<520x16xf32, #tpu.memory_space<vmem>>, vector<1x16xf32>,
        %get3A_974 = vector.shape_cast %get3A_973 : vector<1x16xf32> to vector<16xf32>
        %add3A_975 = arith.addf %get3A_951, %get3A_974 : vector<16xf32>
        %add3A_976 = arith.constant 2 : i32
        %add3A_977 = arith.addi %multiple_of3A_934, %add3A_976 : i32
        %get3A_978 = arith.constant 0 : i32
        %get3A_979 = arith.constant 0 : i32
        %get3A_980 = arith.constant 0 : i32
        %get3A_981 = tpu.memref_slice %arg10[%get3A_978, %get3A_979, %get3A_980] : memref<2x520x16xf32, #tpu.memory_space<vmem>> -> memref<1x520x16xf32, #tpu.memory_space<vmem>>
        %get3A_982 = tpu.memref_squeeze %get3A_981 : memref<1x520x16xf32, #tpu.memory_space<vmem>> -> memref<520x16xf32, #tpu.memory_space<vmem>>
        %get3A_983 = arith.index_cast %add3A_977 : i32 to index
        %get3A_984 = arith.constant 0 : index
        %get3A_985 = tpu.vector_load %get3A_982[%get3A_983, %get3A_984] {strides = array<i32>} : memref<520x16xf32, #tpu.memory_space<vmem>>, vector<1x16xf32>,
        %get3A_986 = vector.shape_cast %get3A_985 : vector<1x16xf32> to vector<16xf32>
        %add3A_987 = arith.addf %add3A_963, %get3A_986 : vector<16xf32>
        %add3A_988 = arith.constant 2 : i32
        %add3A_989 = arith.addi %multiple_of3A_934, %add3A_988 : i32
        %get3A_990 = arith.constant 0 : i32
        %get3A_991 = arith.constant 0 : i32
        %get3A_992 = arith.constant 0 : i32
        %get3A_993 = tpu.memref_slice %arg11[%get3A_990, %get3A_991, %get3A_992] : memref<2x520x16xf32, #tpu.memory_space<vmem>> -> memref<1x520x16xf32, #tpu.memory_space<vmem>>
        %get3A_994 = tpu.memref_squeeze %get3A_993 : memref<1x520x16xf32, #tpu.memory_space<vmem>> -> memref<520x16xf32, #tpu.memory_space<vmem>>
        %get3A_995 = arith.index_cast %add3A_989 : i32 to index
        %get3A_996 = arith.constant 0 : index
        %get3A_997 = tpu.vector_load %get3A_994[%get3A_995, %get3A_996] {strides = array<i32>} : memref<520x16xf32, #tpu.memory_space<vmem>>, vector<1x16xf32>,
        %get3A_998 = vector.shape_cast %get3A_997 : vector<1x16xf32> to vector<16xf32>
        %add3A_999 = arith.addf %add3A_975, %get3A_998 : vector<16xf32>
        %add3A_1000 = arith.constant 3 : i32
        %add3A_1001 = arith.addi %multiple_of3A_934, %add3A_1000 : i32
        %get3A_1002 = arith.constant 0 : i32
        %get3A_1003 = arith.constant 0 : i32
        %get3A_1004 = arith.constant 0 : i32
        %get3A_1005 = tpu.memref_slice %arg10[%get3A_1002, %get3A_1003, %get3A_1004] : memref<2x520x16xf32, #tpu.memory_space<vmem>> -> memref<1x520x16xf32, #tpu.memory_space<vmem>>
        %get3A_1006 = tpu.memref_squeeze %get3A_1005 : memref<1x520x16xf32, #tpu.memory_space<vmem>> -> memref<520x16xf32, #tpu.memory_space<vmem>>
        %get3A_1007 = arith.index_cast %add3A_1001 : i32 to index
        %get3A_1008 = arith.constant 0 : index
        %get3A_1009 = tpu.vector_load %get3A_1006[%get3A_1007, %get3A_1008] {strides = array<i32>} : memref<520x16xf32, #tpu.memory_space<vmem>>, vector<1x16xf32>,
        %get3A_1010 = vector.shape_cast %get3A_1009 : vector<1x16xf32> to vector<16xf32>
        %add3A_1011 = arith.addf %add3A_987, %get3A_1010 : vector<16xf32>
        %add3A_1012 = arith.constant 3 : i32
        %add3A_1013 = arith.addi %multiple_of3A_934, %add3A_1012 : i32
        %get3A_1014 = arith.constant 0 : i32
        %get3A_1015 = arith.constant 0 : i32
        %get3A_1016 = arith.constant 0 : i32
        %get3A_1017 = tpu.memref_slice %arg11[%get3A_1014, %get3A_1015, %get3A_1016] : memref<2x520x16xf32, #tpu.memory_space<vmem>> -> memref<1x520x16xf32, #tpu.memory_space<vmem>>
        %get3A_1018 = tpu.memref_squeeze %get3A_1017 : memref<1x520x16xf32, #tpu.memory_space<vmem>> -> memref<520x16xf32, #tpu.memory_space<vmem>>
        %get3A_1019 = arith.index_cast %add3A_1013 : i32 to index
        %get3A_1020 = arith.constant 0 : index
        %get3A_1021 = tpu.vector_load %get3A_1018[%get3A_1019, %get3A_1020] {strides = array<i32>} : memref<520x16xf32, #tpu.memory_space<vmem>>, vector<1x16xf32>,
        %get3A_1022 = vector.shape_cast %get3A_1021 : vector<1x16xf32> to vector<16xf32>
        %add3A_1023 = arith.addf %add3A_999, %get3A_1022 : vector<16xf32>
        %add3A_1024 = arith.constant 4 : i32
        %add3A_1025 = arith.addi %multiple_of3A_934, %add3A_1024 : i32
        %get3A_1026 = arith.constant 0 : i32
        %get3A_1027 = arith.constant 0 : i32
        %get3A_1028 = arith.constant 0 : i32
        %get3A_1029 = tpu.memref_slice %arg10[%get3A_1026, %get3A_1027, %get3A_1028] : memref<2x520x16xf32, #tpu.memory_space<vmem>> -> memref<1x520x16xf32, #tpu.memory_space<vmem>>
        %get3A_1030 = tpu.memref_squeeze %get3A_1029 : memref<1x520x16xf32, #tpu.memory_space<vmem>> -> memref<520x16xf32, #tpu.memory_space<vmem>>
        %get3A_1031 = arith.index_cast %add3A_1025 : i32 to index
        %get3A_1032 = arith.constant 0 : index
        %get3A_1033 = tpu.vector_load %get3A_1030[%get3A_1031, %get3A_1032] {strides = array<i32>} : memref<520x16xf32, #tpu.memory_space<vmem>>, vector<1x16xf32>,
        %get3A_1034 = vector.shape_cast %get3A_1033 : vector<1x16xf32> to vector<16xf32>
        %add3A_1035 = arith.addf %add3A_1011, %get3A_1034 : vector<16xf32>
        %add3A_1036 = arith.constant 4 : i32
        %add3A_1037 = arith.addi %multiple_of3A_934, %add3A_1036 : i32
        %get3A_1038 = arith.constant 0 : i32
        %get3A_1039 = arith.constant 0 : i32
        %get3A_1040 = arith.constant 0 : i32
        %get3A_1041 = tpu.memref_slice %arg11[%get3A_1038, %get3A_1039, %get3A_1040] : memref<2x520x16xf32, #tpu.memory_space<vmem>> -> memref<1x520x16xf32, #tpu.memory_space<vmem>>
        %get3A_1042 = tpu.memref_squeeze %get3A_1041 : memref<1x520x16xf32, #tpu.memory_space<vmem>> -> memref<520x16xf32, #tpu.memory_space<vmem>>
        %get3A_1043 = arith.index_cast %add3A_1037 : i32 to index
        %get3A_1044 = arith.constant 0 : index
        %get3A_1045 = tpu.vector_load %get3A_1042[%get3A_1043, %get3A_1044] {strides = array<i32>} : memref<520x16xf32, #tpu.memory_space<vmem>>, vector<1x16xf32>,
        %get3A_1046 = vector.shape_cast %get3A_1045 : vector<1x16xf32> to vector<16xf32>
        %add3A_1047 = arith.addf %add3A_1023, %get3A_1046 : vector<16xf32>
        %add3A_1048 = arith.constant 5 : i32
        %add3A_1049 = arith.addi %multiple_of3A_934, %add3A_1048 : i32
        %get3A_1050 = arith.constant 0 : i32
        %get3A_1051 = arith.constant 0 : i32
        %get3A_1052 = arith.constant 0 : i32
        %get3A_1053 = tpu.memref_slice %arg10[%get3A_1050, %get3A_1051, %get3A_1052] : memref<2x520x16xf32, #tpu.memory_space<vmem>> -> memref<1x520x16xf32, #tpu.memory_space<vmem>>
        %get3A_1054 = tpu.memref_squeeze %get3A_1053 : memref<1x520x16xf32, #tpu.memory_space<vmem>> -> memref<520x16xf32, #tpu.memory_space<vmem>>
        %get3A_1055 = arith.index_cast %add3A_1049 : i32 to index
        %get3A_1056 = arith.constant 0 : index
        %get3A_1057 = tpu.vector_load %get3A_1054[%get3A_1055, %get3A_1056] {strides = array<i32>} : memref<520x16xf32, #tpu.memory_space<vmem>>, vector<1x16xf32>,
        %get3A_1058 = vector.shape_cast %get3A_1057 : vector<1x16xf32> to vector<16xf32>
        %add3A_1059 = arith.addf %add3A_1035, %get3A_1058 : vector<16xf32>
        %add3A_1060 = arith.constant 5 : i32
        %add3A_1061 = arith.addi %multiple_of3A_934, %add3A_1060 : i32
        %get3A_1062 = arith.constant 0 : i32
        %get3A_1063 = arith.constant 0 : i32
        %get3A_1064 = arith.constant 0 : i32
        %get3A_1065 = tpu.memref_slice %arg11[%get3A_1062, %get3A_1063, %get3A_1064] : memref<2x520x16xf32, #tpu.memory_space<vmem>> -> memref<1x520x16xf32, #tpu.memory_space<vmem>>
        %get3A_1066 = tpu.memref_squeeze %get3A_1065 : memref<1x520x16xf32, #tpu.memory_space<vmem>> -> memref<520x16xf32, #tpu.memory_space<vmem>>
        %get3A_1067 = arith.index_cast %add3A_1061 : i32 to index
        %get3A_1068 = arith.constant 0 : index
        %get3A_1069 = tpu.vector_load %get3A_1066[%get3A_1067, %get3A_1068] {strides = array<i32>} : memref<520x16xf32, #tpu.memory_space<vmem>>, vector<1x16xf32>,
        %get3A_1070 = vector.shape_cast %get3A_1069 : vector<1x16xf32> to vector<16xf32>
        %add3A_1071 = arith.addf %add3A_1047, %get3A_1070 : vector<16xf32>
        %add3A_1072 = arith.constant 6 : i32
        %add3A_1073 = arith.addi %multiple_of3A_934, %add3A_1072 : i32
        %get3A_1074 = arith.constant 0 : i32
        %get3A_1075 = arith.constant 0 : i32
        %get3A_1076 = arith.constant 0 : i32
        %get3A_1077 = tpu.memref_slice %arg10[%get3A_1074, %get3A_1075, %get3A_1076] : memref<2x520x16xf32, #tpu.memory_space<vmem>> -> memref<1x520x16xf32, #tpu.memory_space<vmem>>
        %get3A_1078 = tpu.memref_squeeze %get3A_1077 : memref<1x520x16xf32, #tpu.memory_space<vmem>> -> memref<520x16xf32, #tpu.memory_space<vmem>>
        %get3A_1079 = arith.index_cast %add3A_1073 : i32 to index
        %get3A_1080 = arith.constant 0 : index
        %get3A_1081 = tpu.vector_load %get3A_1078[%get3A_1079, %get3A_1080] {strides = array<i32>} : memref<520x16xf32, #tpu.memory_space<vmem>>, vector<1x16xf32>,
        %get3A_1082 = vector.shape_cast %get3A_1081 : vector<1x16xf32> to vector<16xf32>
        %add3A_1083 = arith.addf %add3A_1059, %get3A_1082 : vector<16xf32>
        %add3A_1084 = arith.constant 6 : i32
        %add3A_1085 = arith.addi %multiple_of3A_934, %add3A_1084 : i32
        %get3A_1086 = arith.constant 0 : i32
        %get3A_1087 = arith.constant 0 : i32
        %get3A_1088 = arith.constant 0 : i32
        %get3A_1089 = tpu.memref_slice %arg11[%get3A_1086, %get3A_1087, %get3A_1088] : memref<2x520x16xf32, #tpu.memory_space<vmem>> -> memref<1x520x16xf32, #tpu.memory_space<vmem>>
        %get3A_1090 = tpu.memref_squeeze %get3A_1089 : memref<1x520x16xf32, #tpu.memory_space<vmem>> -> memref<520x16xf32, #tpu.memory_space<vmem>>
        %get3A_1091 = arith.index_cast %add3A_1085 : i32 to index
        %get3A_1092 = arith.constant 0 : index
        %get3A_1093 = tpu.vector_load %get3A_1090[%get3A_1091, %get3A_1092] {strides = array<i32>} : memref<520x16xf32, #tpu.memory_space<vmem>>, vector<1x16xf32>,
        %get3A_1094 = vector.shape_cast %get3A_1093 : vector<1x16xf32> to vector<16xf32>
        %add3A_1095 = arith.addf %add3A_1071, %get3A_1094 : vector<16xf32>
        %add3A_1096 = arith.constant 7 : i32
        %add3A_1097 = arith.addi %multiple_of3A_934, %add3A_1096 : i32
        %get3A_1098 = arith.constant 0 : i32
        %get3A_1099 = arith.constant 0 : i32
        %get3A_1100 = arith.constant 0 : i32
        %get3A_1101 = tpu.memref_slice %arg10[%get3A_1098, %get3A_1099, %get3A_1100] : memref<2x520x16xf32, #tpu.memory_space<vmem>> -> memref<1x520x16xf32, #tpu.memory_space<vmem>>
        %get3A_1102 = tpu.memref_squeeze %get3A_1101 : memref<1x520x16xf32, #tpu.memory_space<vmem>> -> memref<520x16xf32, #tpu.memory_space<vmem>>
        %get3A_1103 = arith.index_cast %add3A_1097 : i32 to index
        %get3A_1104 = arith.constant 0 : index
        %get3A_1105 = tpu.vector_load %get3A_1102[%get3A_1103, %get3A_1104] {strides = array<i32>} : memref<520x16xf32, #tpu.memory_space<vmem>>, vector<1x16xf32>,
        %get3A_1106 = vector.shape_cast %get3A_1105 : vector<1x16xf32> to vector<16xf32>
        %add3A_1107 = arith.addf %add3A_1083, %get3A_1106 : vector<16xf32>
        %add3A_1108 = arith.constant 7 : i32
        %add3A_1109 = arith.addi %multiple_of3A_934, %add3A_1108 : i32
        %get3A_1110 = arith.constant 0 : i32
        %get3A_1111 = arith.constant 0 : i32
        %get3A_1112 = arith.constant 0 : i32
        %get3A_1113 = tpu.memref_slice %arg11[%get3A_1110, %get3A_1111, %get3A_1112] : memref<2x520x16xf32, #tpu.memory_space<vmem>> -> memref<1x520x16xf32, #tpu.memory_space<vmem>>
        %get3A_1114 = tpu.memref_squeeze %get3A_1113 : memref<1x520x16xf32, #tpu.memory_space<vmem>> -> memref<520x16xf32, #tpu.memory_space<vmem>>
        %get3A_1115 = arith.index_cast %add3A_1109 : i32 to index
        %get3A_1116 = arith.constant 0 : index
        %get3A_1117 = tpu.vector_load %get3A_1114[%get3A_1115, %get3A_1116] {strides = array<i32>} : memref<520x16xf32, #tpu.memory_space<vmem>>, vector<1x16xf32>,
        %get3A_1118 = vector.shape_cast %get3A_1117 : vector<1x16xf32> to vector<16xf32>
        %add3A_1119 = arith.addf %add3A_1095, %get3A_1118 : vector<16xf32>
        %add3A_1120 = arith.constant 8 : i32
        %add3A_1121 = arith.addi %multiple_of3A_934, %add3A_1120 : i32
        %get3A_1122 = arith.constant 0 : i32
        %get3A_1123 = arith.constant 0 : i32
        %get3A_1124 = arith.constant 0 : i32
        %get3A_1125 = tpu.memref_slice %arg10[%get3A_1122, %get3A_1123, %get3A_1124] : memref<2x520x16xf32, #tpu.memory_space<vmem>> -> memref<1x520x16xf32, #tpu.memory_space<vmem>>
        %get3A_1126 = tpu.memref_squeeze %get3A_1125 : memref<1x520x16xf32, #tpu.memory_space<vmem>> -> memref<520x16xf32, #tpu.memory_space<vmem>>
        %get3A_1127 = arith.index_cast %add3A_1121 : i32 to index
        %get3A_1128 = arith.constant 0 : index
        %get3A_1129 = tpu.vector_load %get3A_1126[%get3A_1127, %get3A_1128] {strides = array<i32>} : memref<520x16xf32, #tpu.memory_space<vmem>>, vector<1x16xf32>,
        %get3A_1130 = vector.shape_cast %get3A_1129 : vector<1x16xf32> to vector<16xf32>
        %add3A_1131 = arith.addf %add3A_1107, %get3A_1130 : vector<16xf32>
        %add3A_1132 = arith.constant 8 : i32
        %add3A_1133 = arith.addi %multiple_of3A_934, %add3A_1132 : i32
        %get3A_1134 = arith.constant 0 : i32
        %get3A_1135 = arith.constant 0 : i32
        %get3A_1136 = arith.constant 0 : i32
        %get3A_1137 = tpu.memref_slice %arg11[%get3A_1134, %get3A_1135, %get3A_1136] : memref<2x520x16xf32, #tpu.memory_space<vmem>> -> memref<1x520x16xf32, #tpu.memory_space<vmem>>
        %get3A_1138 = tpu.memref_squeeze %get3A_1137 : memref<1x520x16xf32, #tpu.memory_space<vmem>> -> memref<520x16xf32, #tpu.memory_space<vmem>>
        %get3A_1139 = arith.index_cast %add3A_1133 : i32 to index
        %get3A_1140 = arith.constant 0 : index
        %get3A_1141 = tpu.vector_load %get3A_1138[%get3A_1139, %get3A_1140] {strides = array<i32>} : memref<520x16xf32, #tpu.memory_space<vmem>>, vector<1x16xf32>,
        %get3A_1142 = vector.shape_cast %get3A_1141 : vector<1x16xf32> to vector<16xf32>
        %add3A_1143 = arith.addf %add3A_1119, %get3A_1142 : vector<16xf32>
        %add3A_1144 = arith.constant 9 : i32
        %add3A_1145 = arith.addi %multiple_of3A_934, %add3A_1144 : i32
        %get3A_1146 = arith.constant 0 : i32
        %get3A_1147 = arith.constant 0 : i32
        %get3A_1148 = arith.constant 0 : i32
        %get3A_1149 = tpu.memref_slice %arg10[%get3A_1146, %get3A_1147, %get3A_1148] : memref<2x520x16xf32, #tpu.memory_space<vmem>> -> memref<1x520x16xf32, #tpu.memory_space<vmem>>
        %get3A_1150 = tpu.memref_squeeze %get3A_1149 : memref<1x520x16xf32, #tpu.memory_space<vmem>> -> memref<520x16xf32, #tpu.memory_space<vmem>>
        %get3A_1151 = arith.index_cast %add3A_1145 : i32 to index
        %get3A_1152 = arith.constant 0 : index
        %get3A_1153 = tpu.vector_load %get3A_1150[%get3A_1151, %get3A_1152] {strides = array<i32>} : memref<520x16xf32, #tpu.memory_space<vmem>>, vector<1x16xf32>,
        %get3A_1154 = vector.shape_cast %get3A_1153 : vector<1x16xf32> to vector<16xf32>
        %add3A_1155 = arith.addf %add3A_1131, %get3A_1154 : vector<16xf32>
        %add3A_1156 = arith.constant 9 : i32
        %add3A_1157 = arith.addi %multiple_of3A_934, %add3A_1156 : i32
        %get3A_1158 = arith.constant 0 : i32
        %get3A_1159 = arith.constant 0 : i32
        %get3A_1160 = arith.constant 0 : i32
        %get3A_1161 = tpu.memref_slice %arg11[%get3A_1158, %get3A_1159, %get3A_1160] : memref<2x520x16xf32, #tpu.memory_space<vmem>> -> memref<1x520x16xf32, #tpu.memory_space<vmem>>
        %get3A_1162 = tpu.memref_squeeze %get3A_1161 : memref<1x520x16xf32, #tpu.memory_space<vmem>> -> memref<520x16xf32, #tpu.memory_space<vmem>>
        %get3A_1163 = arith.index_cast %add3A_1157 : i32 to index
        %get3A_1164 = arith.constant 0 : index
        %get3A_1165 = tpu.vector_load %get3A_1162[%get3A_1163, %get3A_1164] {strides = array<i32>} : memref<520x16xf32, #tpu.memory_space<vmem>>, vector<1x16xf32>,
        %get3A_1166 = vector.shape_cast %get3A_1165 : vector<1x16xf32> to vector<16xf32>
        %add3A_1167 = arith.addf %add3A_1143, %get3A_1166 : vector<16xf32>
        %add3A_1168 = arith.constant 10 : i32
        %add3A_1169 = arith.addi %multiple_of3A_934, %add3A_1168 : i32
        %get3A_1170 = arith.constant 0 : i32
        %get3A_1171 = arith.constant 0 : i32
        %get3A_1172 = arith.constant 0 : i32
        %get3A_1173 = tpu.memref_slice %arg10[%get3A_1170, %get3A_1171, %get3A_1172] : memref<2x520x16xf32, #tpu.memory_space<vmem>> -> memref<1x520x16xf32, #tpu.memory_space<vmem>>
        %get3A_1174 = tpu.memref_squeeze %get3A_1173 : memref<1x520x16xf32, #tpu.memory_space<vmem>> -> memref<520x16xf32, #tpu.memory_space<vmem>>
        %get3A_1175 = arith.index_cast %add3A_1169 : i32 to index
        %get3A_1176 = arith.constant 0 : index
        %get3A_1177 = tpu.vector_load %get3A_1174[%get3A_1175, %get3A_1176] {strides = array<i32>} : memref<520x16xf32, #tpu.memory_space<vmem>>, vector<1x16xf32>,
        %get3A_1178 = vector.shape_cast %get3A_1177 : vector<1x16xf32> to vector<16xf32>
        %add3A_1179 = arith.addf %add3A_1155, %get3A_1178 : vector<16xf32>
        %add3A_1180 = arith.constant 10 : i32
        %add3A_1181 = arith.addi %multiple_of3A_934, %add3A_1180 : i32
        %get3A_1182 = arith.constant 0 : i32
        %get3A_1183 = arith.constant 0 : i32
        %get3A_1184 = arith.constant 0 : i32
        %get3A_1185 = tpu.memref_slice %arg11[%get3A_1182, %get3A_1183, %get3A_1184] : memref<2x520x16xf32, #tpu.memory_space<vmem>> -> memref<1x520x16xf32, #tpu.memory_space<vmem>>
        %get3A_1186 = tpu.memref_squeeze %get3A_1185 : memref<1x520x16xf32, #tpu.memory_space<vmem>> -> memref<520x16xf32, #tpu.memory_space<vmem>>
        %get3A_1187 = arith.index_cast %add3A_1181 : i32 to index
        %get3A_1188 = arith.constant 0 : index
        %get3A_1189 = tpu.vector_load %get3A_1186[%get3A_1187, %get3A_1188] {strides = array<i32>} : memref<520x16xf32, #tpu.memory_space<vmem>>, vector<1x16xf32>,
        %get3A_1190 = vector.shape_cast %get3A_1189 : vector<1x16xf32> to vector<16xf32>
        %add3A_1191 = arith.addf %add3A_1167, %get3A_1190 : vector<16xf32>
        %add3A_1192 = arith.constant 11 : i32
        %add3A_1193 = arith.addi %multiple_of3A_934, %add3A_1192 : i32
        %get3A_1194 = arith.constant 0 : i32
        %get3A_1195 = arith.constant 0 : i32
        %get3A_1196 = arith.constant 0 : i32
        %get3A_1197 = tpu.memref_slice %arg10[%get3A_1194, %get3A_1195, %get3A_1196] : memref<2x520x16xf32, #tpu.memory_space<vmem>> -> memref<1x520x16xf32, #tpu.memory_space<vmem>>
        %get3A_1198 = tpu.memref_squeeze %get3A_1197 : memref<1x520x16xf32, #tpu.memory_space<vmem>> -> memref<520x16xf32, #tpu.memory_space<vmem>>
        %get3A_1199 = arith.index_cast %add3A_1193 : i32 to index
        %get3A_1200 = arith.constant 0 : index
        %get3A_1201 = tpu.vector_load %get3A_1198[%get3A_1199, %get3A_1200] {strides = array<i32>} : memref<520x16xf32, #tpu.memory_space<vmem>>, vector<1x16xf32>,
        %get3A_1202 = vector.shape_cast %get3A_1201 : vector<1x16xf32> to vector<16xf32>
        %add3A_1203 = arith.addf %add3A_1179, %get3A_1202 : vector<16xf32>
        %add3A_1204 = arith.constant 11 : i32
        %add3A_1205 = arith.addi %multiple_of3A_934, %add3A_1204 : i32
        %get3A_1206 = arith.constant 0 : i32
        %get3A_1207 = arith.constant 0 : i32
        %get3A_1208 = arith.constant 0 : i32
        %get3A_1209 = tpu.memref_slice %arg11[%get3A_1206, %get3A_1207, %get3A_1208] : memref<2x520x16xf32, #tpu.memory_space<vmem>> -> memref<1x520x16xf32, #tpu.memory_space<vmem>>
        %get3A_1210 = tpu.memref_squeeze %get3A_1209 : memref<1x520x16xf32, #tpu.memory_space<vmem>> -> memref<520x16xf32, #tpu.memory_space<vmem>>
        %get3A_1211 = arith.index_cast %add3A_1205 : i32 to index
        %get3A_1212 = arith.constant 0 : index
        %get3A_1213 = tpu.vector_load %get3A_1210[%get3A_1211, %get3A_1212] {strides = array<i32>} : memref<520x16xf32, #tpu.memory_space<vmem>>, vector<1x16xf32>,
        %get3A_1214 = vector.shape_cast %get3A_1213 : vector<1x16xf32> to vector<16xf32>
        %add3A_1215 = arith.addf %add3A_1191, %get3A_1214 : vector<16xf32>
        %add3A_1216 = arith.constant 12 : i32
        %add3A_1217 = arith.addi %multiple_of3A_934, %add3A_1216 : i32
        %get3A_1218 = arith.constant 0 : i32
        %get3A_1219 = arith.constant 0 : i32
        %get3A_1220 = arith.constant 0 : i32
        %get3A_1221 = tpu.memref_slice %arg10[%get3A_1218, %get3A_1219, %get3A_1220] : memref<2x520x16xf32, #tpu.memory_space<vmem>> -> memref<1x520x16xf32, #tpu.memory_space<vmem>>
        %get3A_1222 = tpu.memref_squeeze %get3A_1221 : memref<1x520x16xf32, #tpu.memory_space<vmem>> -> memref<520x16xf32, #tpu.memory_space<vmem>>
        %get3A_1223 = arith.index_cast %add3A_1217 : i32 to index
        %get3A_1224 = arith.constant 0 : index
        %get3A_1225 = tpu.vector_load %get3A_1222[%get3A_1223, %get3A_1224] {strides = array<i32>} : memref<520x16xf32, #tpu.memory_space<vmem>>, vector<1x16xf32>,
        %get3A_1226 = vector.shape_cast %get3A_1225 : vector<1x16xf32> to vector<16xf32>
        %add3A_1227 = arith.addf %add3A_1203, %get3A_1226 : vector<16xf32>
        %add3A_1228 = arith.constant 12 : i32
        %add3A_1229 = arith.addi %multiple_of3A_934, %add3A_1228 : i32
        %get3A_1230 = arith.constant 0 : i32
        %get3A_1231 = arith.constant 0 : i32
        %get3A_1232 = arith.constant 0 : i32
        %get3A_1233 = tpu.memref_slice %arg11[%get3A_1230, %get3A_1231, %get3A_1232] : memref<2x520x16xf32, #tpu.memory_space<vmem>> -> memref<1x520x16xf32, #tpu.memory_space<vmem>>
        %get3A_1234 = tpu.memref_squeeze %get3A_1233 : memref<1x520x16xf32, #tpu.memory_space<vmem>> -> memref<520x16xf32, #tpu.memory_space<vmem>>
        %get3A_1235 = arith.index_cast %add3A_1229 : i32 to index
        %get3A_1236 = arith.constant 0 : index
        %get3A_1237 = tpu.vector_load %get3A_1234[%get3A_1235, %get3A_1236] {strides = array<i32>} : memref<520x16xf32, #tpu.memory_space<vmem>>, vector<1x16xf32>,
        %get3A_1238 = vector.shape_cast %get3A_1237 : vector<1x16xf32> to vector<16xf32>
        %add3A_1239 = arith.addf %add3A_1215, %get3A_1238 : vector<16xf32>
        %add3A_1240 = arith.constant 13 : i32
        %add3A_1241 = arith.addi %multiple_of3A_934, %add3A_1240 : i32
        %get3A_1242 = arith.constant 0 : i32
        %get3A_1243 = arith.constant 0 : i32
        %get3A_1244 = arith.constant 0 : i32
        %get3A_1245 = tpu.memref_slice %arg10[%get3A_1242, %get3A_1243, %get3A_1244] : memref<2x520x16xf32, #tpu.memory_space<vmem>> -> memref<1x520x16xf32, #tpu.memory_space<vmem>>
        %get3A_1246 = tpu.memref_squeeze %get3A_1245 : memref<1x520x16xf32, #tpu.memory_space<vmem>> -> memref<520x16xf32, #tpu.memory_space<vmem>>
        %get3A_1247 = arith.index_cast %add3A_1241 : i32 to index
        %get3A_1248 = arith.constant 0 : index
        %get3A_1249 = tpu.vector_load %get3A_1246[%get3A_1247, %get3A_1248] {strides = array<i32>} : memref<520x16xf32, #tpu.memory_space<vmem>>, vector<1x16xf32>,
        %get3A_1250 = vector.shape_cast %get3A_1249 : vector<1x16xf32> to vector<16xf32>
        %add3A_1251 = arith.addf %add3A_1227, %get3A_1250 : vector<16xf32>
        %add3A_1252 = arith.constant 13 : i32
        %add3A_1253 = arith.addi %multiple_of3A_934, %add3A_1252 : i32
        %get3A_1254 = arith.constant 0 : i32
        %get3A_1255 = arith.constant 0 : i32
        %get3A_1256 = arith.constant 0 : i32
        %get3A_1257 = tpu.memref_slice %arg11[%get3A_1254, %get3A_1255, %get3A_1256] : memref<2x520x16xf32, #tpu.memory_space<vmem>> -> memref<1x520x16xf32, #tpu.memory_space<vmem>>
        %get3A_1258 = tpu.memref_squeeze %get3A_1257 : memref<1x520x16xf32, #tpu.memory_space<vmem>> -> memref<520x16xf32, #tpu.memory_space<vmem>>
        %get3A_1259 = arith.index_cast %add3A_1253 : i32 to index
        %get3A_1260 = arith.constant 0 : index
        %get3A_1261 = tpu.vector_load %get3A_1258[%get3A_1259, %get3A_1260] {strides = array<i32>} : memref<520x16xf32, #tpu.memory_space<vmem>>, vector<1x16xf32>,
        %get3A_1262 = vector.shape_cast %get3A_1261 : vector<1x16xf32> to vector<16xf32>
        %add3A_1263 = arith.addf %add3A_1239, %get3A_1262 : vector<16xf32>
        %add3A_1264 = arith.constant 14 : i32
        %add3A_1265 = arith.addi %multiple_of3A_934, %add3A_1264 : i32
        %get3A_1266 = arith.constant 0 : i32
        %get3A_1267 = arith.constant 0 : i32
        %get3A_1268 = arith.constant 0 : i32
        %get3A_1269 = tpu.memref_slice %arg10[%get3A_1266, %get3A_1267, %get3A_1268] : memref<2x520x16xf32, #tpu.memory_space<vmem>> -> memref<1x520x16xf32, #tpu.memory_space<vmem>>
        %get3A_1270 = tpu.memref_squeeze %get3A_1269 : memref<1x520x16xf32, #tpu.memory_space<vmem>> -> memref<520x16xf32, #tpu.memory_space<vmem>>
        %get3A_1271 = arith.index_cast %add3A_1265 : i32 to index
        %get3A_1272 = arith.constant 0 : index
        %get3A_1273 = tpu.vector_load %get3A_1270[%get3A_1271, %get3A_1272] {strides = array<i32>} : memref<520x16xf32, #tpu.memory_space<vmem>>, vector<1x16xf32>,
        %get3A_1274 = vector.shape_cast %get3A_1273 : vector<1x16xf32> to vector<16xf32>
        %add3A_1275 = arith.addf %add3A_1251, %get3A_1274 : vector<16xf32>
        %add3A_1276 = arith.constant 14 : i32
        %add3A_1277 = arith.addi %multiple_of3A_934, %add3A_1276 : i32
        %get3A_1278 = arith.constant 0 : i32
        %get3A_1279 = arith.constant 0 : i32
        %get3A_1280 = arith.constant 0 : i32
        %get3A_1281 = tpu.memref_slice %arg11[%get3A_1278, %get3A_1279, %get3A_1280] : memref<2x520x16xf32, #tpu.memory_space<vmem>> -> memref<1x520x16xf32, #tpu.memory_space<vmem>>
        %get3A_1282 = tpu.memref_squeeze %get3A_1281 : memref<1x520x16xf32, #tpu.memory_space<vmem>> -> memref<520x16xf32, #tpu.memory_space<vmem>>
        %get3A_1283 = arith.index_cast %add3A_1277 : i32 to index
        %get3A_1284 = arith.constant 0 : index
        %get3A_1285 = tpu.vector_load %get3A_1282[%get3A_1283, %get3A_1284] {strides = array<i32>} : memref<520x16xf32, #tpu.memory_space<vmem>>, vector<1x16xf32>,
        %get3A_1286 = vector.shape_cast %get3A_1285 : vector<1x16xf32> to vector<16xf32>
        %add3A_1287 = arith.addf %add3A_1263, %get3A_1286 : vector<16xf32>
        %add3A_1288 = arith.constant 15 : i32
        %add3A_1289 = arith.addi %multiple_of3A_934, %add3A_1288 : i32
        %get3A_1290 = arith.constant 0 : i32
        %get3A_1291 = arith.constant 0 : i32
        %get3A_1292 = arith.constant 0 : i32
        %get3A_1293 = tpu.memref_slice %arg10[%get3A_1290, %get3A_1291, %get3A_1292] : memref<2x520x16xf32, #tpu.memory_space<vmem>> -> memref<1x520x16xf32, #tpu.memory_space<vmem>>
        %get3A_1294 = tpu.memref_squeeze %get3A_1293 : memref<1x520x16xf32, #tpu.memory_space<vmem>> -> memref<520x16xf32, #tpu.memory_space<vmem>>
        %get3A_1295 = arith.index_cast %add3A_1289 : i32 to index
        %get3A_1296 = arith.constant 0 : index
        %get3A_1297 = tpu.vector_load %get3A_1294[%get3A_1295, %get3A_1296] {strides = array<i32>} : memref<520x16xf32, #tpu.memory_space<vmem>>, vector<1x16xf32>,
        %get3A_1298 = vector.shape_cast %get3A_1297 : vector<1x16xf32> to vector<16xf32>
        %add3A_1299 = arith.addf %add3A_1275, %get3A_1298 : vector<16xf32>
        %add3A_1300 = arith.constant 15 : i32
        %add3A_1301 = arith.addi %multiple_of3A_934, %add3A_1300 : i32
        %get3A_1302 = arith.constant 0 : i32
        %get3A_1303 = arith.constant 0 : i32
        %get3A_1304 = arith.constant 0 : i32
        %get3A_1305 = tpu.memref_slice %arg11[%get3A_1302, %get3A_1303, %get3A_1304] : memref<2x520x16xf32, #tpu.memory_space<vmem>> -> memref<1x520x16xf32, #tpu.memory_space<vmem>>
        %get3A_1306 = tpu.memref_squeeze %get3A_1305 : memref<1x520x16xf32, #tpu.memory_space<vmem>> -> memref<520x16xf32, #tpu.memory_space<vmem>>
        %get3A_1307 = arith.index_cast %add3A_1301 : i32 to index
        %get3A_1308 = arith.constant 0 : index
        %get3A_1309 = tpu.vector_load %get3A_1306[%get3A_1307, %get3A_1308] {strides = array<i32>} : memref<520x16xf32, #tpu.memory_space<vmem>>, vector<1x16xf32>,
        %get3A_1310 = vector.shape_cast %get3A_1309 : vector<1x16xf32> to vector<16xf32>
        %add3A_1311 = arith.addf %add3A_1287, %get3A_1310 : vector<16xf32>
        %add3A_1312 = arith.constant 16 : i32
        %add3A_1313 = arith.addi %multiple_of3A_934, %add3A_1312 : i32
        %get3A_1314 = arith.constant 0 : i32
        %get3A_1315 = arith.constant 0 : i32
        %get3A_1316 = arith.constant 0 : i32
        %get3A_1317 = tpu.memref_slice %arg10[%get3A_1314, %get3A_1315, %get3A_1316] : memref<2x520x16xf32, #tpu.memory_space<vmem>> -> memref<1x520x16xf32, #tpu.memory_space<vmem>>
        %get3A_1318 = tpu.memref_squeeze %get3A_1317 : memref<1x520x16xf32, #tpu.memory_space<vmem>> -> memref<520x16xf32, #tpu.memory_space<vmem>>
        %get3A_1319 = arith.index_cast %add3A_1313 : i32 to index
        %get3A_1320 = arith.constant 0 : index
        %get3A_1321 = tpu.vector_load %get3A_1318[%get3A_1319, %get3A_1320] {strides = array<i32>} : memref<520x16xf32, #tpu.memory_space<vmem>>, vector<1x16xf32>,
        %get3A_1322 = vector.shape_cast %get3A_1321 : vector<1x16xf32> to vector<16xf32>
        %add3A_1323 = arith.addf %add3A_1299, %get3A_1322 : vector<16xf32>
        %add3A_1324 = arith.constant 16 : i32
        %add3A_1325 = arith.addi %multiple_of3A_934, %add3A_1324 : i32
        %get3A_1326 = arith.constant 0 : i32
        %get3A_1327 = arith.constant 0 : i32
        %get3A_1328 = arith.constant 0 : i32
        %get3A_1329 = tpu.memref_slice %arg11[%get3A_1326, %get3A_1327, %get3A_1328] : memref<2x520x16xf32, #tpu.memory_space<vmem>> -> memref<1x520x16xf32, #tpu.memory_space<vmem>>
        %get3A_1330 = tpu.memref_squeeze %get3A_1329 : memref<1x520x16xf32, #tpu.memory_space<vmem>> -> memref<520x16xf32, #tpu.memory_space<vmem>>
        %get3A_1331 = arith.index_cast %add3A_1325 : i32 to index
        %get3A_1332 = arith.constant 0 : index
        %get3A_1333 = tpu.vector_load %get3A_1330[%get3A_1331, %get3A_1332] {strides = array<i32>} : memref<520x16xf32, #tpu.memory_space<vmem>>, vector<1x16xf32>,
        %get3A_1334 = vector.shape_cast %get3A_1333 : vector<1x16xf32> to vector<16xf32>
        %add3A_1335 = arith.addf %add3A_1311, %get3A_1334 : vector<16xf32>
        %add3A_1336 = arith.constant 17 : i32
        %add3A_1337 = arith.addi %multiple_of3A_934, %add3A_1336 : i32
        %get3A_1338 = arith.constant 0 : i32
        %get3A_1339 = arith.constant 0 : i32
        %get3A_1340 = arith.constant 0 : i32
        %get3A_1341 = tpu.memref_slice %arg10[%get3A_1338, %get3A_1339, %get3A_1340] : memref<2x520x16xf32, #tpu.memory_space<vmem>> -> memref<1x520x16xf32, #tpu.memory_space<vmem>>
        %get3A_1342 = tpu.memref_squeeze %get3A_1341 : memref<1x520x16xf32, #tpu.memory_space<vmem>> -> memref<520x16xf32, #tpu.memory_space<vmem>>
        %get3A_1343 = arith.index_cast %add3A_1337 : i32 to index
        %get3A_1344 = arith.constant 0 : index
        %get3A_1345 = tpu.vector_load %get3A_1342[%get3A_1343, %get3A_1344] {strides = array<i32>} : memref<520x16xf32, #tpu.memory_space<vmem>>, vector<1x16xf32>,
        %get3A_1346 = vector.shape_cast %get3A_1345 : vector<1x16xf32> to vector<16xf32>
        %add3A_1347 = arith.addf %add3A_1323, %get3A_1346 : vector<16xf32>
        %add3A_1348 = arith.constant 17 : i32
        %add3A_1349 = arith.addi %multiple_of3A_934, %add3A_1348 : i32
        %get3A_1350 = arith.constant 0 : i32
        %get3A_1351 = arith.constant 0 : i32
        %get3A_1352 = arith.constant 0 : i32
        %get3A_1353 = tpu.memref_slice %arg11[%get3A_1350, %get3A_1351, %get3A_1352] : memref<2x520x16xf32, #tpu.memory_space<vmem>> -> memref<1x520x16xf32, #tpu.memory_space<vmem>>
        %get3A_1354 = tpu.memref_squeeze %get3A_1353 : memref<1x520x16xf32, #tpu.memory_space<vmem>> -> memref<520x16xf32, #tpu.memory_space<vmem>>
        %get3A_1355 = arith.index_cast %add3A_1349 : i32 to index
        %get3A_1356 = arith.constant 0 : index
        %get3A_1357 = tpu.vector_load %get3A_1354[%get3A_1355, %get3A_1356] {strides = array<i32>} : memref<520x16xf32, #tpu.memory_space<vmem>>, vector<1x16xf32>,
        %get3A_1358 = vector.shape_cast %get3A_1357 : vector<1x16xf32> to vector<16xf32>
        %add3A_1359 = arith.addf %add3A_1335, %get3A_1358 : vector<16xf32>
        %add3A_1360 = arith.constant 18 : i32
        %add3A_1361 = arith.addi %multiple_of3A_934, %add3A_1360 : i32
        %get3A_1362 = arith.constant 0 : i32
        %get3A_1363 = arith.constant 0 : i32
        %get3A_1364 = arith.constant 0 : i32
        %get3A_1365 = tpu.memref_slice %arg10[%get3A_1362, %get3A_1363, %get3A_1364] : memref<2x520x16xf32, #tpu.memory_space<vmem>> -> memref<1x520x16xf32, #tpu.memory_space<vmem>>
        %get3A_1366 = tpu.memref_squeeze %get3A_1365 : memref<1x520x16xf32, #tpu.memory_space<vmem>> -> memref<520x16xf32, #tpu.memory_space<vmem>>
        %get3A_1367 = arith.index_cast %add3A_1361 : i32 to index
        %get3A_1368 = arith.constant 0 : index
        %get3A_1369 = tpu.vector_load %get3A_1366[%get3A_1367, %get3A_1368] {strides = array<i32>} : memref<520x16xf32, #tpu.memory_space<vmem>>, vector<1x16xf32>,
        %get3A_1370 = vector.shape_cast %get3A_1369 : vector<1x16xf32> to vector<16xf32>
        %add3A_1371 = arith.addf %add3A_1347, %get3A_1370 : vector<16xf32>
        %add3A_1372 = arith.constant 18 : i32
        %add3A_1373 = arith.addi %multiple_of3A_934, %add3A_1372 : i32
        %get3A_1374 = arith.constant 0 : i32
        %get3A_1375 = arith.constant 0 : i32
        %get3A_1376 = arith.constant 0 : i32
        %get3A_1377 = tpu.memref_slice %arg11[%get3A_1374, %get3A_1375, %get3A_1376] : memref<2x520x16xf32, #tpu.memory_space<vmem>> -> memref<1x520x16xf32, #tpu.memory_space<vmem>>
        %get3A_1378 = tpu.memref_squeeze %get3A_1377 : memref<1x520x16xf32, #tpu.memory_space<vmem>> -> memref<520x16xf32, #tpu.memory_space<vmem>>
        %get3A_1379 = arith.index_cast %add3A_1373 : i32 to index
        %get3A_1380 = arith.constant 0 : index
        %get3A_1381 = tpu.vector_load %get3A_1378[%get3A_1379, %get3A_1380] {strides = array<i32>} : memref<520x16xf32, #tpu.memory_space<vmem>>, vector<1x16xf32>,
        %get3A_1382 = vector.shape_cast %get3A_1381 : vector<1x16xf32> to vector<16xf32>
        %add3A_1383 = arith.addf %add3A_1359, %get3A_1382 : vector<16xf32>
        %add3A_1384 = arith.constant 19 : i32
        %add3A_1385 = arith.addi %multiple_of3A_934, %add3A_1384 : i32
        %get3A_1386 = arith.constant 0 : i32
        %get3A_1387 = arith.constant 0 : i32
        %get3A_1388 = arith.constant 0 : i32
        %get3A_1389 = tpu.memref_slice %arg10[%get3A_1386, %get3A_1387, %get3A_1388] : memref<2x520x16xf32, #tpu.memory_space<vmem>> -> memref<1x520x16xf32, #tpu.memory_space<vmem>>
        %get3A_1390 = tpu.memref_squeeze %get3A_1389 : memref<1x520x16xf32, #tpu.memory_space<vmem>> -> memref<520x16xf32, #tpu.memory_space<vmem>>
        %get3A_1391 = arith.index_cast %add3A_1385 : i32 to index
        %get3A_1392 = arith.constant 0 : index
        %get3A_1393 = tpu.vector_load %get3A_1390[%get3A_1391, %get3A_1392] {strides = array<i32>} : memref<520x16xf32, #tpu.memory_space<vmem>>, vector<1x16xf32>,
        %get3A_1394 = vector.shape_cast %get3A_1393 : vector<1x16xf32> to vector<16xf32>
        %add3A_1395 = arith.addf %add3A_1371, %get3A_1394 : vector<16xf32>
        %add3A_1396 = arith.constant 19 : i32
        %add3A_1397 = arith.addi %multiple_of3A_934, %add3A_1396 : i32
        %get3A_1398 = arith.constant 0 : i32
        %get3A_1399 = arith.constant 0 : i32
        %get3A_1400 = arith.constant 0 : i32
        %get3A_1401 = tpu.memref_slice %arg11[%get3A_1398, %get3A_1399, %get3A_1400] : memref<2x520x16xf32, #tpu.memory_space<vmem>> -> memref<1x520x16xf32, #tpu.memory_space<vmem>>
        %get3A_1402 = tpu.memref_squeeze %get3A_1401 : memref<1x520x16xf32, #tpu.memory_space<vmem>> -> memref<520x16xf32, #tpu.memory_space<vmem>>
        %get3A_1403 = arith.index_cast %add3A_1397 : i32 to index
        %get3A_1404 = arith.constant 0 : index
        %get3A_1405 = tpu.vector_load %get3A_1402[%get3A_1403, %get3A_1404] {strides = array<i32>} : memref<520x16xf32, #tpu.memory_space<vmem>>, vector<1x16xf32>,
        %get3A_1406 = vector.shape_cast %get3A_1405 : vector<1x16xf32> to vector<16xf32>
        %add3A_1407 = arith.addf %add3A_1383, %get3A_1406 : vector<16xf32>
        %mul3A_1408 = arith.constant 32 : i32
        %mul3A_1409 = arith.muli %scan3A_930, %mul3A_1408 : i32
        %multiple_of3A_1410 = tpu.assume_multiple %mul3A_1409, 32 : i32
        %mul3A_1411 = arith.constant 5.000000e-02 : f32
        %mul3A_1412 = vector.broadcast %mul3A_1411 : f32 to vector<16xf32>
        %mul3A_1413 = arith.mulf %add3A_1395, %mul3A_1412 : vector<16xf32>
        %swap3A = arith.constant 0 : i32
        %swap3A_1414 = arith.constant 0 : i32
        %swap3A_1415 = tpu.memref_slice %arg12[%swap3A, %swap3A_1414] : memref<2x832xf32, #tpu.memory_space<vmem>> -> memref<1x832xf32, #tpu.memory_space<vmem>>
        %swap3A_1416 = tpu.memref_squeeze %swap3A_1415 : memref<1x832xf32, #tpu.memory_space<vmem>> -> memref<832xf32, #tpu.memory_space<vmem>>
        %swap3A_1417 = arith.index_cast %multiple_of3A_1410 : i32 to index
        %swap3A_1418 = tpu.vector_load %swap3A_1416[%swap3A_1417] {strides = array<i32>} : memref<832xf32, #tpu.memory_space<vmem>>, vector<16xf32>,
        %swap3A_1419 = vector.shape_cast %swap3A_1418 : vector<16xf32> to vector<16xf32>
        %swap3A_1420 = vector.shape_cast %mul3A_1413 : vector<16xf32> to vector<16xf32>
        tpu.vector_store %swap3A_1416[%swap3A_1417], %swap3A_1420 {strides = array<i32>} : memref<832xf32, #tpu.memory_space<vmem>>, vector<16xf32>,
        %mul3A_1421 = arith.constant 5.000000e-02 : f32
        %mul3A_1422 = vector.broadcast %mul3A_1421 : f32 to vector<16xf32>
        %mul3A_1423 = arith.mulf %add3A_1407, %mul3A_1422 : vector<16xf32>
        %add3A_1424 = arith.constant 16 : i32
        %add3A_1425 = arith.addi %multiple_of3A_1410, %add3A_1424 : i32
        %swap3A_1426 = arith.constant 0 : i32
        %swap3A_1427 = arith.constant 0 : i32
        %swap3A_1428 = tpu.memref_slice %arg12[%swap3A_1426, %swap3A_1427] : memref<2x832xf32, #tpu.memory_space<vmem>> -> memref<1x832xf32, #tpu.memory_space<vmem>>
        %swap3A_1429 = tpu.memref_squeeze %swap3A_1428 : memref<1x832xf32, #tpu.memory_space<vmem>> -> memref<832xf32, #tpu.memory_space<vmem>>
        %swap3A_1430 = arith.index_cast %add3A_1425 : i32 to index
        %swap3A_1431 = tpu.vector_load %swap3A_1429[%swap3A_1430] {strides = array<i32>} : memref<832xf32, #tpu.memory_space<vmem>>, vector<16xf32>,
        %swap3A_1432 = vector.shape_cast %swap3A_1431 : vector<16xf32> to vector<16xf32>
        %swap3A_1433 = vector.shape_cast %mul3A_1423 : vector<16xf32> to vector<16xf32>
        tpu.vector_store %swap3A_1429[%swap3A_1430], %swap3A_1433 {strides = array<i32>} : memref<832xf32, #tpu.memory_space<vmem>>, vector<16xf32>,
        %scan3A_1434 = arith.constant 0 : i32
        scf.yield %scan3A_1434 : i32
      }
      %scan3A_916 = arith.constant 26 : i32
      %mul3A_917 = arith.constant 832 : i32
      %mul3A_918 = arith.muli %add3A_283, %mul3A_917 : i32
      %multiple_of3A_919 = tpu.assume_multiple %mul3A_918, 8 : i32
      %dma_start3A_920 = arith.constant 0 : i32
      %dma_start3A_921 = arith.constant 0 : i32
      %dma_start3A_922 = tpu.memref_slice %arg12[%dma_start3A_920, %dma_start3A_921] : memref<2x832xf32, #tpu.memory_space<vmem>> -> memref<1x832xf32, #tpu.memory_space<vmem>>
      %dma_start3A_923 = tpu.memref_squeeze %dma_start3A_922 : memref<1x832xf32, #tpu.memory_space<vmem>> -> memref<832xf32, #tpu.memory_space<vmem>>
      %dma_start3A_924 = tpu.memref_slice %arg5[%multiple_of3A_919] : memref<3407872xf32, #tpu.memory_space<hbm>> -> memref<832xf32, #tpu.memory_space<hbm>>
      %dma_start3A_925 = tpu.memref_slice %arg5[%multiple_of3A_919] : memref<3407872xf32, #tpu.memory_space<hbm>> -> memref<832xf32, #tpu.memory_space<hbm>>
      %dma_start3A_926 = arith.constant 0 : i32
      %dma_start3A_927 = tpu.memref_slice %arg12[%dma_start3A_920, %dma_start3A_926] : memref<2x832xf32, #tpu.memory_space<vmem>> -> memref<1x832xf32, #tpu.memory_space<vmem>>
      %dma_start3A_928 = tpu.memref_squeeze %dma_start3A_927 : memref<1x832xf32, #tpu.memory_space<vmem>> -> memref<832xf32, #tpu.memory_space<vmem>>
      tpu.enqueue_dma source(%dma_start3A_928 : memref<832xf32, #tpu.memory_space<vmem>>) target(%dma_start3A_925 : memref<832xf32, #tpu.memory_space<hbm>>) target_semaphore(%arg17 : memref<!tpu.dma_semaphore, #tpu.memory_space<semaphore_mem>>)
      %scan3A_929 = arith.constant 0 : i32
      scf.yield %scan3A_929 : i32
    }
    %scan3A_22 = arith.constant 64 : i32
    %dma_wait3A = arith.constant 1 : i32
    %dma_wait3A_23 = arith.constant 0 : i32
    %dma_wait3A_24 = arith.constant 0 : i32
    %dma_wait3A_25 = tpu.memref_slice %arg10[%dma_wait3A, %dma_wait3A_23, %dma_wait3A_24] : memref<2x520x16xf32, #tpu.memory_space<vmem>> -> memref<1x520x16xf32, #tpu.memory_space<vmem>>
    %dma_wait3A_26 = tpu.memref_squeeze %dma_wait3A_25 : memref<1x520x16xf32, #tpu.memory_space<vmem>> -> memref<520x16xf32, #tpu.memory_space<vmem>>
    %dma_wait3A_27 = arith.constant 0 : i32
    %dma_wait3A_28 = arith.constant 0 : i32
    %dma_wait3A_29 = tpu.memref_slice %dma_wait3A_26[%dma_wait3A_27, %dma_wait3A_28] : memref<520x16xf32, #tpu.memory_space<vmem>> -> memref<104x16xf32, #tpu.memory_space<vmem>>
    %dma_wait3A_30 = arith.constant 0 : i32
    %dma_wait3A_31 = arith.constant 0 : i32
    %dma_wait3A_32 = tpu.memref_slice %arg4[%dma_wait3A_30, %dma_wait3A_31] : memref<20801664x16xf32, #tpu.memory_space<hbm>> -> memref<104x16xf32, #tpu.memory_space<hbm>>
    %dma_wait3A_33 = arith.constant 0 : i32
    %dma_wait3A_34 = arith.constant 0 : i32
    %dma_wait3A_35 = tpu.memref_slice %arg10[%dma_wait3A, %dma_wait3A_33, %dma_wait3A_34] : memref<2x520x16xf32, #tpu.memory_space<vmem>> -> memref<1x520x16xf32, #tpu.memory_space<vmem>>
    %dma_wait3A_36 = tpu.memref_squeeze %dma_wait3A_35 : memref<1x520x16xf32, #tpu.memory_space<vmem>> -> memref<520x16xf32, #tpu.memory_space<vmem>>
    %dma_wait3A_37 = arith.constant 0 : i32
    %dma_wait3A_38 = arith.constant 0 : i32
    %dma_wait3A_39 = tpu.memref_slice %dma_wait3A_36[%dma_wait3A_37, %dma_wait3A_38] : memref<520x16xf32, #tpu.memory_space<vmem>> -> memref<104x16xf32, #tpu.memory_space<vmem>>
    %dma_wait3A_40 = arith.constant 0 : i32
    %dma_wait3A_41 = arith.constant 0 : i32
    %dma_wait3A_42 = tpu.memref_slice %arg4[%dma_wait3A_40, %dma_wait3A_41] : memref<20801664x16xf32, #tpu.memory_space<hbm>> -> memref<104x16xf32, #tpu.memory_space<hbm>>
    tpu.wait_dma2 semaphore(%arg16 : memref<!tpu.dma_semaphore, #tpu.memory_space<semaphore_mem>>) src(%dma_wait3A_42 : memref<104x16xf32, #tpu.memory_space<hbm>>) dst(%dma_wait3A_39 : memref<104x16xf32, #tpu.memory_space<vmem>>)
    %dma_wait3A_43 = arith.constant 1 : i32
    %dma_wait3A_44 = arith.constant 0 : i32
    %dma_wait3A_45 = arith.constant 0 : i32
    %dma_wait3A_46 = tpu.memref_slice %arg11[%dma_wait3A_43, %dma_wait3A_44, %dma_wait3A_45] : memref<2x520x16xf32, #tpu.memory_space<vmem>> -> memref<1x520x16xf32, #tpu.memory_space<vmem>>
    %dma_wait3A_47 = tpu.memref_squeeze %dma_wait3A_46 : memref<1x520x16xf32, #tpu.memory_space<vmem>> -> memref<520x16xf32, #tpu.memory_space<vmem>>
    %dma_wait3A_48 = arith.constant 0 : i32
    %dma_wait3A_49 = arith.constant 0 : i32
    %dma_wait3A_50 = tpu.memref_slice %dma_wait3A_47[%dma_wait3A_48, %dma_wait3A_49] : memref<520x16xf32, #tpu.memory_space<vmem>> -> memref<104x16xf32, #tpu.memory_space<vmem>>
    %dma_wait3A_51 = arith.constant 0 : i32
    %dma_wait3A_52 = arith.constant 0 : i32
    %dma_wait3A_53 = tpu.memref_slice %arg4[%dma_wait3A_51, %dma_wait3A_52] : memref<20801664x16xf32, #tpu.memory_space<hbm>> -> memref<104x16xf32, #tpu.memory_space<hbm>>
    %dma_wait3A_54 = arith.constant 0 : i32
    %dma_wait3A_55 = arith.constant 0 : i32
    %dma_wait3A_56 = tpu.memref_slice %arg11[%dma_wait3A_43, %dma_wait3A_54, %dma_wait3A_55] : memref<2x520x16xf32, #tpu.memory_space<vmem>> -> memref<1x520x16xf32, #tpu.memory_space<vmem>>
    %dma_wait3A_57 = tpu.memref_squeeze %dma_wait3A_56 : memref<1x520x16xf32, #tpu.memory_space<vmem>> -> memref<520x16xf32, #tpu.memory_space<vmem>>
    %dma_wait3A_58 = arith.constant 0 : i32
    %dma_wait3A_59 = arith.constant 0 : i32
    %dma_wait3A_60 = tpu.memref_slice %dma_wait3A_57[%dma_wait3A_58, %dma_wait3A_59] : memref<520x16xf32, #tpu.memory_space<vmem>> -> memref<104x16xf32, #tpu.memory_space<vmem>>
    %dma_wait3A_61 = arith.constant 0 : i32
    %dma_wait3A_62 = arith.constant 0 : i32
    %dma_wait3A_63 = tpu.memref_slice %arg4[%dma_wait3A_61, %dma_wait3A_62] : memref<20801664x16xf32, #tpu.memory_space<hbm>> -> memref<104x16xf32, #tpu.memory_space<hbm>>
    tpu.wait_dma2 semaphore(%arg16 : memref<!tpu.dma_semaphore, #tpu.memory_space<semaphore_mem>>) src(%dma_wait3A_63 : memref<104x16xf32, #tpu.memory_space<hbm>>) dst(%dma_wait3A_60 : memref<104x16xf32, #tpu.memory_space<vmem>>)
    %dma_wait3A_64 = arith.constant 1 : i32
    %dma_wait3A_65 = arith.constant 0 : i32
    %dma_wait3A_66 = arith.constant 0 : i32
    %dma_wait3A_67 = tpu.memref_slice %arg10[%dma_wait3A_64, %dma_wait3A_65, %dma_wait3A_66] : memref<2x520x16xf32, #tpu.memory_space<vmem>> -> memref<1x520x16xf32, #tpu.memory_space<vmem>>
    %dma_wait3A_68 = tpu.memref_squeeze %dma_wait3A_67 : memref<1x520x16xf32, #tpu.memory_space<vmem>> -> memref<520x16xf32, #tpu.memory_space<vmem>>
    %dma_wait3A_69 = arith.constant 104 : i32
    %dma_wait3A_70 = arith.constant 0 : i32
    %dma_wait3A_71 = tpu.memref_slice %dma_wait3A_68[%dma_wait3A_69, %dma_wait3A_70] : memref<520x16xf32, #tpu.memory_space<vmem>> -> memref<104x16xf32, #tpu.memory_space<vmem>>
    %dma_wait3A_72 = arith.constant 0 : i32
    %dma_wait3A_73 = arith.constant 0 : i32
    %dma_wait3A_74 = tpu.memref_slice %arg4[%dma_wait3A_72, %dma_wait3A_73] : memref<20801664x16xf32, #tpu.memory_space<hbm>> -> memref<104x16xf32, #tpu.memory_space<hbm>>
    %dma_wait3A_75 = arith.constant 0 : i32
    %dma_wait3A_76 = arith.constant 0 : i32
    %dma_wait3A_77 = tpu.memref_slice %arg10[%dma_wait3A_64, %dma_wait3A_75, %dma_wait3A_76] : memref<2x520x16xf32, #tpu.memory_space<vmem>> -> memref<1x520x16xf32, #tpu.memory_space<vmem>>
    %dma_wait3A_78 = tpu.memref_squeeze %dma_wait3A_77 : memref<1x520x16xf32, #tpu.memory_space<vmem>> -> memref<520x16xf32, #tpu.memory_space<vmem>>
    %dma_wait3A_79 = arith.constant 104 : i32
    %dma_wait3A_80 = arith.constant 0 : i32
    %dma_wait3A_81 = tpu.memref_slice %dma_wait3A_78[%dma_wait3A_79, %dma_wait3A_80] : memref<520x16xf32, #tpu.memory_space<vmem>> -> memref<104x16xf32, #tpu.memory_space<vmem>>
    %dma_wait3A_82 = arith.constant 0 : i32
    %dma_wait3A_83 = arith.constant 0 : i32
    %dma_wait3A_84 = tpu.memref_slice %arg4[%dma_wait3A_82, %dma_wait3A_83] : memref<20801664x16xf32, #tpu.memory_space<hbm>> -> memref<104x16xf32, #tpu.memory_space<hbm>>
    tpu.wait_dma2 semaphore(%arg16 : memref<!tpu.dma_semaphore, #tpu.memory_space<semaphore_mem>>) src(%dma_wait3A_84 : memref<104x16xf32, #tpu.memory_space<hbm>>) dst(%dma_wait3A_81 : memref<104x16xf32, #tpu.memory_space<vmem>>)
    %dma_wait3A_85 = arith.constant 1 : i32
    %dma_wait3A_86 = arith.constant 0 : i32
    %dma_wait3A_87 = arith.constant 0 : i32
    %dma_wait3A_88 = tpu.memref_slice %arg11[%dma_wait3A_85, %dma_wait3A_86, %dma_wait3A_87] : memref<2x520x16xf32, #tpu.memory_space<vmem>> -> memref<1x520x16xf32, #tpu.memory_space<vmem>>
    %dma_wait3A_89 = tpu.memref_squeeze %dma_wait3A_88 : memref<1x520x16xf32, #tpu.memory_space<vmem>> -> memref<520x16xf32, #tpu.memory_space<vmem>>
    %dma_wait3A_90 = arith.constant 104 : i32
    %dma_wait3A_91 = arith.constant 0 : i32
    %dma_wait3A_92 = tpu.memref_slice %dma_wait3A_89[%dma_wait3A_90, %dma_wait3A_91] : memref<520x16xf32, #tpu.memory_space<vmem>> -> memref<104x16xf32, #tpu.memory_space<vmem>>
    %dma_wait3A_93 = arith.constant 0 : i32
    %dma_wait3A_94 = arith.constant 0 : i32
    %dma_wait3A_95 = tpu.memref_slice %arg4[%dma_wait3A_93, %dma_wait3A_94] : memref<20801664x16xf32, #tpu.memory_space<hbm>> -> memref<104x16xf32, #tpu.memory_space<hbm>>
    %dma_wait3A_96 = arith.constant 0 : i32
    %dma_wait3A_97 = arith.constant 0 : i32
    %dma_wait3A_98 = tpu.memref_slice %arg11[%dma_wait3A_85, %dma_wait3A_96, %dma_wait3A_97] : memref<2x520x16xf32, #tpu.memory_space<vmem>> -> memref<1x520x16xf32, #tpu.memory_space<vmem>>
    %dma_wait3A_99 = tpu.memref_squeeze %dma_wait3A_98 : memref<1x520x16xf32, #tpu.memory_space<vmem>> -> memref<520x16xf32, #tpu.memory_space<vmem>>
    %dma_wait3A_100 = arith.constant 104 : i32
    %dma_wait3A_101 = arith.constant 0 : i32
    %dma_wait3A_102 = tpu.memref_slice %dma_wait3A_99[%dma_wait3A_100, %dma_wait3A_101] : memref<520x16xf32, #tpu.memory_space<vmem>> -> memref<104x16xf32, #tpu.memory_space<vmem>>
    %dma_wait3A_103 = arith.constant 0 : i32
    %dma_wait3A_104 = arith.constant 0 : i32
    %dma_wait3A_105 = tpu.memref_slice %arg4[%dma_wait3A_103, %dma_wait3A_104] : memref<20801664x16xf32, #tpu.memory_space<hbm>> -> memref<104x16xf32, #tpu.memory_space<hbm>>
    tpu.wait_dma2 semaphore(%arg16 : memref<!tpu.dma_semaphore, #tpu.memory_space<semaphore_mem>>) src(%dma_wait3A_105 : memref<104x16xf32, #tpu.memory_space<hbm>>) dst(%dma_wait3A_102 : memref<104x16xf32, #tpu.memory_space<vmem>>)
    %dma_wait3A_106 = arith.constant 1 : i32
    %dma_wait3A_107 = arith.constant 0 : i32
    %dma_wait3A_108 = arith.constant 0 : i32
    %dma_wait3A_109 = tpu.memref_slice %arg10[%dma_wait3A_106, %dma_wait3A_107, %dma_wait3A_108] : memref<2x520x16xf32, #tpu.memory_space<vmem>> -> memref<1x520x16xf32, #tpu.memory_space<vmem>>
    %dma_wait3A_110 = tpu.memref_squeeze %dma_wait3A_109 : memref<1x520x16xf32, #tpu.memory_space<vmem>> -> memref<520x16xf32, #tpu.memory_space<vmem>>
    %dma_wait3A_111 = arith.constant 208 : i32
    %dma_wait3A_112 = arith.constant 0 : i32
    %dma_wait3A_113 = tpu.memref_slice %dma_wait3A_110[%dma_wait3A_111, %dma_wait3A_112] : memref<520x16xf32, #tpu.memory_space<vmem>> -> memref<104x16xf32, #tpu.memory_space<vmem>>
    %dma_wait3A_114 = arith.constant 0 : i32
    %dma_wait3A_115 = arith.constant 0 : i32
    %dma_wait3A_116 = tpu.memref_slice %arg4[%dma_wait3A_114, %dma_wait3A_115] : memref<20801664x16xf32, #tpu.memory_space<hbm>> -> memref<104x16xf32, #tpu.memory_space<hbm>>
    %dma_wait3A_117 = arith.constant 0 : i32
    %dma_wait3A_118 = arith.constant 0 : i32
    %dma_wait3A_119 = tpu.memref_slice %arg10[%dma_wait3A_106, %dma_wait3A_117, %dma_wait3A_118] : memref<2x520x16xf32, #tpu.memory_space<vmem>> -> memref<1x520x16xf32, #tpu.memory_space<vmem>>
    %dma_wait3A_120 = tpu.memref_squeeze %dma_wait3A_119 : memref<1x520x16xf32, #tpu.memory_space<vmem>> -> memref<520x16xf32, #tpu.memory_space<vmem>>
    %dma_wait3A_121 = arith.constant 208 : i32
    %dma_wait3A_122 = arith.constant 0 : i32
    %dma_wait3A_123 = tpu.memref_slice %dma_wait3A_120[%dma_wait3A_121, %dma_wait3A_122] : memref<520x16xf32, #tpu.memory_space<vmem>> -> memref<104x16xf32, #tpu.memory_space<vmem>>
    %dma_wait3A_124 = arith.constant 0 : i32
    %dma_wait3A_125 = arith.constant 0 : i32
    %dma_wait3A_126 = tpu.memref_slice %arg4[%dma_wait3A_124, %dma_wait3A_125] : memref<20801664x16xf32, #tpu.memory_space<hbm>> -> memref<104x16xf32, #tpu.memory_space<hbm>>
    tpu.wait_dma2 semaphore(%arg16 : memref<!tpu.dma_semaphore, #tpu.memory_space<semaphore_mem>>) src(%dma_wait3A_126 : memref<104x16xf32, #tpu.memory_space<hbm>>) dst(%dma_wait3A_123 : memref<104x16xf32, #tpu.memory_space<vmem>>)
    %dma_wait3A_127 = arith.constant 1 : i32
    %dma_wait3A_128 = arith.constant 0 : i32
    %dma_wait3A_129 = arith.constant 0 : i32
    %dma_wait3A_130 = tpu.memref_slice %arg11[%dma_wait3A_127, %dma_wait3A_128, %dma_wait3A_129] : memref<2x520x16xf32, #tpu.memory_space<vmem>> -> memref<1x520x16xf32, #tpu.memory_space<vmem>>
    %dma_wait3A_131 = tpu.memref_squeeze %dma_wait3A_130 : memref<1x520x16xf32, #tpu.memory_space<vmem>> -> memref<520x16xf32, #tpu.memory_space<vmem>>
    %dma_wait3A_132 = arith.constant 208 : i32
    %dma_wait3A_133 = arith.constant 0 : i32
    %dma_wait3A_134 = tpu.memref_slice %dma_wait3A_131[%dma_wait3A_132, %dma_wait3A_133] : memref<520x16xf32, #tpu.memory_space<vmem>> -> memref<104x16xf32, #tpu.memory_space<vmem>>
    %dma_wait3A_135 = arith.constant 0 : i32
    %dma_wait3A_136 = arith.constant 0 : i32
    %dma_wait3A_137 = tpu.memref_slice %arg4[%dma_wait3A_135, %dma_wait3A_136] : memref<20801664x16xf32, #tpu.memory_space<hbm>> -> memref<104x16xf32, #tpu.memory_space<hbm>>
    %dma_wait3A_138 = arith.constant 0 : i32
    %dma_wait3A_139 = arith.constant 0 : i32
    %dma_wait3A_140 = tpu.memref_slice %arg11[%dma_wait3A_127, %dma_wait3A_138, %dma_wait3A_139] : memref<2x520x16xf32, #tpu.memory_space<vmem>> -> memref<1x520x16xf32, #tpu.memory_space<vmem>>
    %dma_wait3A_141 = tpu.memref_squeeze %dma_wait3A_140 : memref<1x520x16xf32, #tpu.memory_space<vmem>> -> memref<520x16xf32, #tpu.memory_space<vmem>>
    %dma_wait3A_142 = arith.constant 208 : i32
    %dma_wait3A_143 = arith.constant 0 : i32
    %dma_wait3A_144 = tpu.memref_slice %dma_wait3A_141[%dma_wait3A_142, %dma_wait3A_143] : memref<520x16xf32, #tpu.memory_space<vmem>> -> memref<104x16xf32, #tpu.memory_space<vmem>>
    %dma_wait3A_145 = arith.constant 0 : i32
    %dma_wait3A_146 = arith.constant 0 : i32
    %dma_wait3A_147 = tpu.memref_slice %arg4[%dma_wait3A_145, %dma_wait3A_146] : memref<20801664x16xf32, #tpu.memory_space<hbm>> -> memref<104x16xf32, #tpu.memory_space<hbm>>
    tpu.wait_dma2 semaphore(%arg16 : memref<!tpu.dma_semaphore, #tpu.memory_space<semaphore_mem>>) src(%dma_wait3A_147 : memref<104x16xf32, #tpu.memory_space<hbm>>) dst(%dma_wait3A_144 : memref<104x16xf32, #tpu.memory_space<vmem>>)
    %dma_wait3A_148 = arith.constant 1 : i32
    %dma_wait3A_149 = arith.constant 0 : i32
    %dma_wait3A_150 = arith.constant 0 : i32
    %dma_wait3A_151 = tpu.memref_slice %arg10[%dma_wait3A_148, %dma_wait3A_149, %dma_wait3A_150] : memref<2x520x16xf32, #tpu.memory_space<vmem>> -> memref<1x520x16xf32, #tpu.memory_space<vmem>>
    %dma_wait3A_152 = tpu.memref_squeeze %dma_wait3A_151 : memref<1x520x16xf32, #tpu.memory_space<vmem>> -> memref<520x16xf32, #tpu.memory_space<vmem>>
    %dma_wait3A_153 = arith.constant 312 : i32
    %dma_wait3A_154 = arith.constant 0 : i32
    %dma_wait3A_155 = tpu.memref_slice %dma_wait3A_152[%dma_wait3A_153, %dma_wait3A_154] : memref<520x16xf32, #tpu.memory_space<vmem>> -> memref<104x16xf32, #tpu.memory_space<vmem>>
    %dma_wait3A_156 = arith.constant 0 : i32
    %dma_wait3A_157 = arith.constant 0 : i32
    %dma_wait3A_158 = tpu.memref_slice %arg4[%dma_wait3A_156, %dma_wait3A_157] : memref<20801664x16xf32, #tpu.memory_space<hbm>> -> memref<104x16xf32, #tpu.memory_space<hbm>>
    %dma_wait3A_159 = arith.constant 0 : i32
    %dma_wait3A_160 = arith.constant 0 : i32
    %dma_wait3A_161 = tpu.memref_slice %arg10[%dma_wait3A_148, %dma_wait3A_159, %dma_wait3A_160] : memref<2x520x16xf32, #tpu.memory_space<vmem>> -> memref<1x520x16xf32, #tpu.memory_space<vmem>>
    %dma_wait3A_162 = tpu.memref_squeeze %dma_wait3A_161 : memref<1x520x16xf32, #tpu.memory_space<vmem>> -> memref<520x16xf32, #tpu.memory_space<vmem>>
    %dma_wait3A_163 = arith.constant 312 : i32
    %dma_wait3A_164 = arith.constant 0 : i32
    %dma_wait3A_165 = tpu.memref_slice %dma_wait3A_162[%dma_wait3A_163, %dma_wait3A_164] : memref<520x16xf32, #tpu.memory_space<vmem>> -> memref<104x16xf32, #tpu.memory_space<vmem>>
    %dma_wait3A_166 = arith.constant 0 : i32
    %dma_wait3A_167 = arith.constant 0 : i32
    %dma_wait3A_168 = tpu.memref_slice %arg4[%dma_wait3A_166, %dma_wait3A_167] : memref<20801664x16xf32, #tpu.memory_space<hbm>> -> memref<104x16xf32, #tpu.memory_space<hbm>>
    tpu.wait_dma2 semaphore(%arg16 : memref<!tpu.dma_semaphore, #tpu.memory_space<semaphore_mem>>) src(%dma_wait3A_168 : memref<104x16xf32, #tpu.memory_space<hbm>>) dst(%dma_wait3A_165 : memref<104x16xf32, #tpu.memory_space<vmem>>)
    %dma_wait3A_169 = arith.constant 1 : i32
    %dma_wait3A_170 = arith.constant 0 : i32
    %dma_wait3A_171 = arith.constant 0 : i32
    %dma_wait3A_172 = tpu.memref_slice %arg11[%dma_wait3A_169, %dma_wait3A_170, %dma_wait3A_171] : memref<2x520x16xf32, #tpu.memory_space<vmem>> -> memref<1x520x16xf32, #tpu.memory_space<vmem>>
    %dma_wait3A_173 = tpu.memref_squeeze %dma_wait3A_172 : memref<1x520x16xf32, #tpu.memory_space<vmem>> -> memref<520x16xf32, #tpu.memory_space<vmem>>
    %dma_wait3A_174 = arith.constant 312 : i32
    %dma_wait3A_175 = arith.constant 0 : i32
    %dma_wait3A_176 = tpu.memref_slice %dma_wait3A_173[%dma_wait3A_174, %dma_wait3A_175] : memref<520x16xf32, #tpu.memory_space<vmem>> -> memref<104x16xf32, #tpu.memory_space<vmem>>
    %dma_wait3A_177 = arith.constant 0 : i32
    %dma_wait3A_178 = arith.constant 0 : i32
    %dma_wait3A_179 = tpu.memref_slice %arg4[%dma_wait3A_177, %dma_wait3A_178] : memref<20801664x16xf32, #tpu.memory_space<hbm>> -> memref<104x16xf32, #tpu.memory_space<hbm>>
    %dma_wait3A_180 = arith.constant 0 : i32
    %dma_wait3A_181 = arith.constant 0 : i32
    %dma_wait3A_182 = tpu.memref_slice %arg11[%dma_wait3A_169, %dma_wait3A_180, %dma_wait3A_181] : memref<2x520x16xf32, #tpu.memory_space<vmem>> -> memref<1x520x16xf32, #tpu.memory_space<vmem>>
    %dma_wait3A_183 = tpu.memref_squeeze %dma_wait3A_182 : memref<1x520x16xf32, #tpu.memory_space<vmem>> -> memref<520x16xf32, #tpu.memory_space<vmem>>
    %dma_wait3A_184 = arith.constant 312 : i32
    %dma_wait3A_185 = arith.constant 0 : i32
    %dma_wait3A_186 = tpu.memref_slice %dma_wait3A_183[%dma_wait3A_184, %dma_wait3A_185] : memref<520x16xf32, #tpu.memory_space<vmem>> -> memref<104x16xf32, #tpu.memory_space<vmem>>
    %dma_wait3A_187 = arith.constant 0 : i32
    %dma_wait3A_188 = arith.constant 0 : i32
    %dma_wait3A_189 = tpu.memref_slice %arg4[%dma_wait3A_187, %dma_wait3A_188] : memref<20801664x16xf32, #tpu.memory_space<hbm>> -> memref<104x16xf32, #tpu.memory_space<hbm>>
    tpu.wait_dma2 semaphore(%arg16 : memref<!tpu.dma_semaphore, #tpu.memory_space<semaphore_mem>>) src(%dma_wait3A_189 : memref<104x16xf32, #tpu.memory_space<hbm>>) dst(%dma_wait3A_186 : memref<104x16xf32, #tpu.memory_space<vmem>>)
    %dma_wait3A_190 = arith.constant 1 : i32
    %dma_wait3A_191 = arith.constant 0 : i32
    %dma_wait3A_192 = arith.constant 0 : i32
    %dma_wait3A_193 = tpu.memref_slice %arg10[%dma_wait3A_190, %dma_wait3A_191, %dma_wait3A_192] : memref<2x520x16xf32, #tpu.memory_space<vmem>> -> memref<1x520x16xf32, #tpu.memory_space<vmem>>
    %dma_wait3A_194 = tpu.memref_squeeze %dma_wait3A_193 : memref<1x520x16xf32, #tpu.memory_space<vmem>> -> memref<520x16xf32, #tpu.memory_space<vmem>>
    %dma_wait3A_195 = arith.constant 416 : i32
    %dma_wait3A_196 = arith.constant 0 : i32
    %dma_wait3A_197 = tpu.memref_slice %dma_wait3A_194[%dma_wait3A_195, %dma_wait3A_196] : memref<520x16xf32, #tpu.memory_space<vmem>> -> memref<104x16xf32, #tpu.memory_space<vmem>>
    %dma_wait3A_198 = arith.constant 0 : i32
    %dma_wait3A_199 = arith.constant 0 : i32
    %dma_wait3A_200 = tpu.memref_slice %arg4[%dma_wait3A_198, %dma_wait3A_199] : memref<20801664x16xf32, #tpu.memory_space<hbm>> -> memref<104x16xf32, #tpu.memory_space<hbm>>
    %dma_wait3A_201 = arith.constant 0 : i32
    %dma_wait3A_202 = arith.constant 0 : i32
    %dma_wait3A_203 = tpu.memref_slice %arg10[%dma_wait3A_190, %dma_wait3A_201, %dma_wait3A_202] : memref<2x520x16xf32, #tpu.memory_space<vmem>> -> memref<1x520x16xf32, #tpu.memory_space<vmem>>
    %dma_wait3A_204 = tpu.memref_squeeze %dma_wait3A_203 : memref<1x520x16xf32, #tpu.memory_space<vmem>> -> memref<520x16xf32, #tpu.memory_space<vmem>>
    %dma_wait3A_205 = arith.constant 416 : i32
    %dma_wait3A_206 = arith.constant 0 : i32
    %dma_wait3A_207 = tpu.memref_slice %dma_wait3A_204[%dma_wait3A_205, %dma_wait3A_206] : memref<520x16xf32, #tpu.memory_space<vmem>> -> memref<104x16xf32, #tpu.memory_space<vmem>>
    %dma_wait3A_208 = arith.constant 0 : i32
    %dma_wait3A_209 = arith.constant 0 : i32
    %dma_wait3A_210 = tpu.memref_slice %arg4[%dma_wait3A_208, %dma_wait3A_209] : memref<20801664x16xf32, #tpu.memory_space<hbm>> -> memref<104x16xf32, #tpu.memory_space<hbm>>
    tpu.wait_dma2 semaphore(%arg16 : memref<!tpu.dma_semaphore, #tpu.memory_space<semaphore_mem>>) src(%dma_wait3A_210 : memref<104x16xf32, #tpu.memory_space<hbm>>) dst(%dma_wait3A_207 : memref<104x16xf32, #tpu.memory_space<vmem>>)
    %dma_wait3A_211 = arith.constant 1 : i32
    %dma_wait3A_212 = arith.constant 0 : i32
    %dma_wait3A_213 = arith.constant 0 : i32
    %dma_wait3A_214 = tpu.memref_slice %arg11[%dma_wait3A_211, %dma_wait3A_212, %dma_wait3A_213] : memref<2x520x16xf32, #tpu.memory_space<vmem>> -> memref<1x520x16xf32, #tpu.memory_space<vmem>>
    %dma_wait3A_215 = tpu.memref_squeeze %dma_wait3A_214 : memref<1x520x16xf32, #tpu.memory_space<vmem>> -> memref<520x16xf32, #tpu.memory_space<vmem>>
    %dma_wait3A_216 = arith.constant 416 : i32
    %dma_wait3A_217 = arith.constant 0 : i32
    %dma_wait3A_218 = tpu.memref_slice %dma_wait3A_215[%dma_wait3A_216, %dma_wait3A_217] : memref<520x16xf32, #tpu.memory_space<vmem>> -> memref<104x16xf32, #tpu.memory_space<vmem>>
    %dma_wait3A_219 = arith.constant 0 : i32
    %dma_wait3A_220 = arith.constant 0 : i32
    %dma_wait3A_221 = tpu.memref_slice %arg4[%dma_wait3A_219, %dma_wait3A_220] : memref<20801664x16xf32, #tpu.memory_space<hbm>> -> memref<104x16xf32, #tpu.memory_space<hbm>>
    %dma_wait3A_222 = arith.constant 0 : i32
    %dma_wait3A_223 = arith.constant 0 : i32
    %dma_wait3A_224 = tpu.memref_slice %arg11[%dma_wait3A_211, %dma_wait3A_222, %dma_wait3A_223] : memref<2x520x16xf32, #tpu.memory_space<vmem>> -> memref<1x520x16xf32, #tpu.memory_space<vmem>>
    %dma_wait3A_225 = tpu.memref_squeeze %dma_wait3A_224 : memref<1x520x16xf32, #tpu.memory_space<vmem>> -> memref<520x16xf32, #tpu.memory_space<vmem>>
    %dma_wait3A_226 = arith.constant 416 : i32
    %dma_wait3A_227 = arith.constant 0 : i32
    %dma_wait3A_228 = tpu.memref_slice %dma_wait3A_225[%dma_wait3A_226, %dma_wait3A_227] : memref<520x16xf32, #tpu.memory_space<vmem>> -> memref<104x16xf32, #tpu.memory_space<vmem>>
    %dma_wait3A_229 = arith.constant 0 : i32
    %dma_wait3A_230 = arith.constant 0 : i32
    %dma_wait3A_231 = tpu.memref_slice %arg4[%dma_wait3A_229, %dma_wait3A_230] : memref<20801664x16xf32, #tpu.memory_space<hbm>> -> memref<104x16xf32, #tpu.memory_space<hbm>>
    tpu.wait_dma2 semaphore(%arg16 : memref<!tpu.dma_semaphore, #tpu.memory_space<semaphore_mem>>) src(%dma_wait3A_231 : memref<104x16xf32, #tpu.memory_space<hbm>>) dst(%dma_wait3A_228 : memref<104x16xf32, #tpu.memory_space<vmem>>)
    %add3A_232 = arith.constant 128 : i32
    %add3A_233 = arith.addi %mul3A_2, %add3A_232 : i32
    %sub3A = arith.constant 1 : i32
    %sub3A_234 = arith.subi %add3A_233, %sub3A : i32
    %not3A = arith.constant false
    %not3A_235 = arith.constant true
    %not3A_236 = arith.xori %not3A, %not3A_235 : i1
    %convert_element_type3A = arith.extui %not3A_236 : i1 to i32
    %cond3A = arith.constant 0 : i32
    %cond3A_237 = arith.cmpi ne, %convert_element_type3A, %cond3A : i32
    scf.if %cond3A_237 {
      %dma_wait3A_279 = arith.constant 1 : i32
      %dma_wait3A_280 = arith.constant 0 : i32
      %dma_wait3A_281 = tpu.memref_slice %arg12[%dma_wait3A_279, %dma_wait3A_280] : memref<2x832xf32, #tpu.memory_space<vmem>> -> memref<1x832xf32, #tpu.memory_space<vmem>>
      %dma_wait3A_282 = tpu.memref_squeeze %dma_wait3A_281 : memref<1x832xf32, #tpu.memory_space<vmem>> -> memref<832xf32, #tpu.memory_space<vmem>>
      %dma_wait3A_283 = arith.constant 0 : i32
      %dma_wait3A_284 = tpu.memref_slice %arg5[%dma_wait3A_283] : memref<3407872xf32, #tpu.memory_space<hbm>> -> memref<832xf32, #tpu.memory_space<hbm>>
      %dma_wait3A_285 = arith.constant 0 : i32
      %dma_wait3A_286 = tpu.memref_slice %arg5[%dma_wait3A_285] : memref<3407872xf32, #tpu.memory_space<hbm>> -> memref<832xf32, #tpu.memory_space<hbm>>
      %dma_wait3A_287 = arith.constant 0 : i32
      %dma_wait3A_288 = tpu.memref_slice %arg12[%dma_wait3A_279, %dma_wait3A_287] : memref<2x832xf32, #tpu.memory_space<vmem>> -> memref<1x832xf32, #tpu.memory_space<vmem>>
      %dma_wait3A_289 = tpu.memref_squeeze %dma_wait3A_288 : memref<1x832xf32, #tpu.memory_space<vmem>> -> memref<832xf32, #tpu.memory_space<vmem>>
      tpu.wait_dma2 semaphore(%arg18 : memref<!tpu.dma_semaphore, #tpu.memory_space<semaphore_mem>>) src(%dma_wait3A_289 : memref<832xf32, #tpu.memory_space<vmem>>) dst(%dma_wait3A_286 : memref<832xf32, #tpu.memory_space<hbm>>)
    } else {
    }
    %scan3A_238 = arith.constant 0 : i32
    %scan3A_239 = arith.constant 0 : i32
    %scan3A_240 = arith.constant 26 : i32
    %scan3A_241 = arith.addi %scan3A_239, %scan3A_240 : i32
    %scan3A_242 = arith.constant 1 : i32
    %scan3A_243 = scf.for %scan3A_279 = %scan3A_239 to %scan3A_241 step %scan3A_242 iter_args(%scan3A_280 = %scan3A_238) -> (i32)  : i32 {
      %mul3A_281 = arith.constant 20 : i32
      %mul3A_282 = arith.muli %scan3A_279, %mul3A_281 : i32
      %multiple_of3A_283 = tpu.assume_multiple %mul3A_282, 20 : i32
      %get3A = arith.constant 1 : i32
      %get3A_284 = arith.constant 0 : i32
      %get3A_285 = arith.constant 0 : i32
      %get3A_286 = tpu.memref_slice %arg10[%get3A, %get3A_284, %get3A_285] : memref<2x520x16xf32, #tpu.memory_space<vmem>> -> memref<1x520x16xf32, #tpu.memory_space<vmem>>
      %get3A_287 = tpu.memref_squeeze %get3A_286 : memref<1x520x16xf32, #tpu.memory_space<vmem>> -> memref<520x16xf32, #tpu.memory_space<vmem>>
      %get3A_288 = arith.index_cast %multiple_of3A_283 : i32 to index
      %get3A_289 = arith.constant 0 : index
      %get3A_290 = tpu.vector_load %get3A_287[%get3A_288, %get3A_289] {strides = array<i32>} : memref<520x16xf32, #tpu.memory_space<vmem>>, vector<1x16xf32>,
      %get3A_291 = vector.shape_cast %get3A_290 : vector<1x16xf32> to vector<16xf32>
      %get3A_292 = arith.constant 1 : i32
      %get3A_293 = arith.constant 0 : i32
      %get3A_294 = arith.constant 0 : i32
      %get3A_295 = tpu.memref_slice %arg11[%get3A_292, %get3A_293, %get3A_294] : memref<2x520x16xf32, #tpu.memory_space<vmem>> -> memref<1x520x16xf32, #tpu.memory_space<vmem>>
      %get3A_296 = tpu.memref_squeeze %get3A_295 : memref<1x520x16xf32, #tpu.memory_space<vmem>> -> memref<520x16xf32, #tpu.memory_space<vmem>>
      %get3A_297 = arith.index_cast %multiple_of3A_283 : i32 to index
      %get3A_298 = arith.constant 0 : index
      %get3A_299 = tpu.vector_load %get3A_296[%get3A_297, %get3A_298] {strides = array<i32>} : memref<520x16xf32, #tpu.memory_space<vmem>>, vector<1x16xf32>,
      %get3A_300 = vector.shape_cast %get3A_299 : vector<1x16xf32> to vector<16xf32>
      %add3A_301 = arith.constant 1 : i32
      %add3A_302 = arith.addi %multiple_of3A_283, %add3A_301 : i32
      %get3A_303 = arith.constant 1 : i32
      %get3A_304 = arith.constant 0 : i32
      %get3A_305 = arith.constant 0 : i32
      %get3A_306 = tpu.memref_slice %arg10[%get3A_303, %get3A_304, %get3A_305] : memref<2x520x16xf32, #tpu.memory_space<vmem>> -> memref<1x520x16xf32, #tpu.memory_space<vmem>>
      %get3A_307 = tpu.memref_squeeze %get3A_306 : memref<1x520x16xf32, #tpu.memory_space<vmem>> -> memref<520x16xf32, #tpu.memory_space<vmem>>
      %get3A_308 = arith.index_cast %add3A_302 : i32 to index
      %get3A_309 = arith.constant 0 : index
      %get3A_310 = tpu.vector_load %get3A_307[%get3A_308, %get3A_309] {strides = array<i32>} : memref<520x16xf32, #tpu.memory_space<vmem>>, vector<1x16xf32>,
      %get3A_311 = vector.shape_cast %get3A_310 : vector<1x16xf32> to vector<16xf32>
      %add3A_312 = arith.addf %get3A_291, %get3A_311 : vector<16xf32>
      %add3A_313 = arith.constant 1 : i32
      %add3A_314 = arith.addi %multiple_of3A_283, %add3A_313 : i32
      %get3A_315 = arith.constant 1 : i32
      %get3A_316 = arith.constant 0 : i32
      %get3A_317 = arith.constant 0 : i32
      %get3A_318 = tpu.memref_slice %arg11[%get3A_315, %get3A_316, %get3A_317] : memref<2x520x16xf32, #tpu.memory_space<vmem>> -> memref<1x520x16xf32, #tpu.memory_space<vmem>>
      %get3A_319 = tpu.memref_squeeze %get3A_318 : memref<1x520x16xf32, #tpu.memory_space<vmem>> -> memref<520x16xf32, #tpu.memory_space<vmem>>
      %get3A_320 = arith.index_cast %add3A_314 : i32 to index
      %get3A_321 = arith.constant 0 : index
      %get3A_322 = tpu.vector_load %get3A_319[%get3A_320, %get3A_321] {strides = array<i32>} : memref<520x16xf32, #tpu.memory_space<vmem>>, vector<1x16xf32>,
      %get3A_323 = vector.shape_cast %get3A_322 : vector<1x16xf32> to vector<16xf32>
      %add3A_324 = arith.addf %get3A_300, %get3A_323 : vector<16xf32>
      %add3A_325 = arith.constant 2 : i32
      %add3A_326 = arith.addi %multiple_of3A_283, %add3A_325 : i32
      %get3A_327 = arith.constant 1 : i32
      %get3A_328 = arith.constant 0 : i32
      %get3A_329 = arith.constant 0 : i32
      %get3A_330 = tpu.memref_slice %arg10[%get3A_327, %get3A_328, %get3A_329] : memref<2x520x16xf32, #tpu.memory_space<vmem>> -> memref<1x520x16xf32, #tpu.memory_space<vmem>>
      %get3A_331 = tpu.memref_squeeze %get3A_330 : memref<1x520x16xf32, #tpu.memory_space<vmem>> -> memref<520x16xf32, #tpu.memory_space<vmem>>
      %get3A_332 = arith.index_cast %add3A_326 : i32 to index
      %get3A_333 = arith.constant 0 : index
      %get3A_334 = tpu.vector_load %get3A_331[%get3A_332, %get3A_333] {strides = array<i32>} : memref<520x16xf32, #tpu.memory_space<vmem>>, vector<1x16xf32>,
      %get3A_335 = vector.shape_cast %get3A_334 : vector<1x16xf32> to vector<16xf32>
      %add3A_336 = arith.addf %add3A_312, %get3A_335 : vector<16xf32>
      %add3A_337 = arith.constant 2 : i32
      %add3A_338 = arith.addi %multiple_of3A_283, %add3A_337 : i32
      %get3A_339 = arith.constant 1 : i32
      %get3A_340 = arith.constant 0 : i32
      %get3A_341 = arith.constant 0 : i32
      %get3A_342 = tpu.memref_slice %arg11[%get3A_339, %get3A_340, %get3A_341] : memref<2x520x16xf32, #tpu.memory_space<vmem>> -> memref<1x520x16xf32, #tpu.memory_space<vmem>>
      %get3A_343 = tpu.memref_squeeze %get3A_342 : memref<1x520x16xf32, #tpu.memory_space<vmem>> -> memref<520x16xf32, #tpu.memory_space<vmem>>
      %get3A_344 = arith.index_cast %add3A_338 : i32 to index
      %get3A_345 = arith.constant 0 : index
      %get3A_346 = tpu.vector_load %get3A_343[%get3A_344, %get3A_345] {strides = array<i32>} : memref<520x16xf32, #tpu.memory_space<vmem>>, vector<1x16xf32>,
      %get3A_347 = vector.shape_cast %get3A_346 : vector<1x16xf32> to vector<16xf32>
      %add3A_348 = arith.addf %add3A_324, %get3A_347 : vector<16xf32>
      %add3A_349 = arith.constant 3 : i32
      %add3A_350 = arith.addi %multiple_of3A_283, %add3A_349 : i32
      %get3A_351 = arith.constant 1 : i32
      %get3A_352 = arith.constant 0 : i32
      %get3A_353 = arith.constant 0 : i32
      %get3A_354 = tpu.memref_slice %arg10[%get3A_351, %get3A_352, %get3A_353] : memref<2x520x16xf32, #tpu.memory_space<vmem>> -> memref<1x520x16xf32, #tpu.memory_space<vmem>>
      %get3A_355 = tpu.memref_squeeze %get3A_354 : memref<1x520x16xf32, #tpu.memory_space<vmem>> -> memref<520x16xf32, #tpu.memory_space<vmem>>
      %get3A_356 = arith.index_cast %add3A_350 : i32 to index
      %get3A_357 = arith.constant 0 : index
      %get3A_358 = tpu.vector_load %get3A_355[%get3A_356, %get3A_357] {strides = array<i32>} : memref<520x16xf32, #tpu.memory_space<vmem>>, vector<1x16xf32>,
      %get3A_359 = vector.shape_cast %get3A_358 : vector<1x16xf32> to vector<16xf32>
      %add3A_360 = arith.addf %add3A_336, %get3A_359 : vector<16xf32>
      %add3A_361 = arith.constant 3 : i32
      %add3A_362 = arith.addi %multiple_of3A_283, %add3A_361 : i32
      %get3A_363 = arith.constant 1 : i32
      %get3A_364 = arith.constant 0 : i32
      %get3A_365 = arith.constant 0 : i32
      %get3A_366 = tpu.memref_slice %arg11[%get3A_363, %get3A_364, %get3A_365] : memref<2x520x16xf32, #tpu.memory_space<vmem>> -> memref<1x520x16xf32, #tpu.memory_space<vmem>>
      %get3A_367 = tpu.memref_squeeze %get3A_366 : memref<1x520x16xf32, #tpu.memory_space<vmem>> -> memref<520x16xf32, #tpu.memory_space<vmem>>
      %get3A_368 = arith.index_cast %add3A_362 : i32 to index
      %get3A_369 = arith.constant 0 : index
      %get3A_370 = tpu.vector_load %get3A_367[%get3A_368, %get3A_369] {strides = array<i32>} : memref<520x16xf32, #tpu.memory_space<vmem>>, vector<1x16xf32>,
      %get3A_371 = vector.shape_cast %get3A_370 : vector<1x16xf32> to vector<16xf32>
      %add3A_372 = arith.addf %add3A_348, %get3A_371 : vector<16xf32>
      %add3A_373 = arith.constant 4 : i32
      %add3A_374 = arith.addi %multiple_of3A_283, %add3A_373 : i32
      %get3A_375 = arith.constant 1 : i32
      %get3A_376 = arith.constant 0 : i32
      %get3A_377 = arith.constant 0 : i32
      %get3A_378 = tpu.memref_slice %arg10[%get3A_375, %get3A_376, %get3A_377] : memref<2x520x16xf32, #tpu.memory_space<vmem>> -> memref<1x520x16xf32, #tpu.memory_space<vmem>>
      %get3A_379 = tpu.memref_squeeze %get3A_378 : memref<1x520x16xf32, #tpu.memory_space<vmem>> -> memref<520x16xf32, #tpu.memory_space<vmem>>
      %get3A_380 = arith.index_cast %add3A_374 : i32 to index
      %get3A_381 = arith.constant 0 : index
      %get3A_382 = tpu.vector_load %get3A_379[%get3A_380, %get3A_381] {strides = array<i32>} : memref<520x16xf32, #tpu.memory_space<vmem>>, vector<1x16xf32>,
      %get3A_383 = vector.shape_cast %get3A_382 : vector<1x16xf32> to vector<16xf32>
      %add3A_384 = arith.addf %add3A_360, %get3A_383 : vector<16xf32>
      %add3A_385 = arith.constant 4 : i32
      %add3A_386 = arith.addi %multiple_of3A_283, %add3A_385 : i32
      %get3A_387 = arith.constant 1 : i32
      %get3A_388 = arith.constant 0 : i32
      %get3A_389 = arith.constant 0 : i32
      %get3A_390 = tpu.memref_slice %arg11[%get3A_387, %get3A_388, %get3A_389] : memref<2x520x16xf32, #tpu.memory_space<vmem>> -> memref<1x520x16xf32, #tpu.memory_space<vmem>>
      %get3A_391 = tpu.memref_squeeze %get3A_390 : memref<1x520x16xf32, #tpu.memory_space<vmem>> -> memref<520x16xf32, #tpu.memory_space<vmem>>
      %get3A_392 = arith.index_cast %add3A_386 : i32 to index
      %get3A_393 = arith.constant 0 : index
      %get3A_394 = tpu.vector_load %get3A_391[%get3A_392, %get3A_393] {strides = array<i32>} : memref<520x16xf32, #tpu.memory_space<vmem>>, vector<1x16xf32>,
      %get3A_395 = vector.shape_cast %get3A_394 : vector<1x16xf32> to vector<16xf32>
      %add3A_396 = arith.addf %add3A_372, %get3A_395 : vector<16xf32>
      %add3A_397 = arith.constant 5 : i32
      %add3A_398 = arith.addi %multiple_of3A_283, %add3A_397 : i32
      %get3A_399 = arith.constant 1 : i32
      %get3A_400 = arith.constant 0 : i32
      %get3A_401 = arith.constant 0 : i32
      %get3A_402 = tpu.memref_slice %arg10[%get3A_399, %get3A_400, %get3A_401] : memref<2x520x16xf32, #tpu.memory_space<vmem>> -> memref<1x520x16xf32, #tpu.memory_space<vmem>>
      %get3A_403 = tpu.memref_squeeze %get3A_402 : memref<1x520x16xf32, #tpu.memory_space<vmem>> -> memref<520x16xf32, #tpu.memory_space<vmem>>
      %get3A_404 = arith.index_cast %add3A_398 : i32 to index
      %get3A_405 = arith.constant 0 : index
      %get3A_406 = tpu.vector_load %get3A_403[%get3A_404, %get3A_405] {strides = array<i32>} : memref<520x16xf32, #tpu.memory_space<vmem>>, vector<1x16xf32>,
      %get3A_407 = vector.shape_cast %get3A_406 : vector<1x16xf32> to vector<16xf32>
      %add3A_408 = arith.addf %add3A_384, %get3A_407 : vector<16xf32>
      %add3A_409 = arith.constant 5 : i32
      %add3A_410 = arith.addi %multiple_of3A_283, %add3A_409 : i32
      %get3A_411 = arith.constant 1 : i32
      %get3A_412 = arith.constant 0 : i32
      %get3A_413 = arith.constant 0 : i32
      %get3A_414 = tpu.memref_slice %arg11[%get3A_411, %get3A_412, %get3A_413] : memref<2x520x16xf32, #tpu.memory_space<vmem>> -> memref<1x520x16xf32, #tpu.memory_space<vmem>>
      %get3A_415 = tpu.memref_squeeze %get3A_414 : memref<1x520x16xf32, #tpu.memory_space<vmem>> -> memref<520x16xf32, #tpu.memory_space<vmem>>
      %get3A_416 = arith.index_cast %add3A_410 : i32 to index
      %get3A_417 = arith.constant 0 : index
      %get3A_418 = tpu.vector_load %get3A_415[%get3A_416, %get3A_417] {strides = array<i32>} : memref<520x16xf32, #tpu.memory_space<vmem>>, vector<1x16xf32>,
      %get3A_419 = vector.shape_cast %get3A_418 : vector<1x16xf32> to vector<16xf32>
      %add3A_420 = arith.addf %add3A_396, %get3A_419 : vector<16xf32>
      %add3A_421 = arith.constant 6 : i32
      %add3A_422 = arith.addi %multiple_of3A_283, %add3A_421 : i32
      %get3A_423 = arith.constant 1 : i32
      %get3A_424 = arith.constant 0 : i32
      %get3A_425 = arith.constant 0 : i32
      %get3A_426 = tpu.memref_slice %arg10[%get3A_423, %get3A_424, %get3A_425] : memref<2x520x16xf32, #tpu.memory_space<vmem>> -> memref<1x520x16xf32, #tpu.memory_space<vmem>>
      %get3A_427 = tpu.memref_squeeze %get3A_426 : memref<1x520x16xf32, #tpu.memory_space<vmem>> -> memref<520x16xf32, #tpu.memory_space<vmem>>
      %get3A_428 = arith.index_cast %add3A_422 : i32 to index
      %get3A_429 = arith.constant 0 : index
      %get3A_430 = tpu.vector_load %get3A_427[%get3A_428, %get3A_429] {strides = array<i32>} : memref<520x16xf32, #tpu.memory_space<vmem>>, vector<1x16xf32>,
      %get3A_431 = vector.shape_cast %get3A_430 : vector<1x16xf32> to vector<16xf32>
      %add3A_432 = arith.addf %add3A_408, %get3A_431 : vector<16xf32>
      %add3A_433 = arith.constant 6 : i32
      %add3A_434 = arith.addi %multiple_of3A_283, %add3A_433 : i32
      %get3A_435 = arith.constant 1 : i32
      %get3A_436 = arith.constant 0 : i32
      %get3A_437 = arith.constant 0 : i32
      %get3A_438 = tpu.memref_slice %arg11[%get3A_435, %get3A_436, %get3A_437] : memref<2x520x16xf32, #tpu.memory_space<vmem>> -> memref<1x520x16xf32, #tpu.memory_space<vmem>>
      %get3A_439 = tpu.memref_squeeze %get3A_438 : memref<1x520x16xf32, #tpu.memory_space<vmem>> -> memref<520x16xf32, #tpu.memory_space<vmem>>
      %get3A_440 = arith.index_cast %add3A_434 : i32 to index
      %get3A_441 = arith.constant 0 : index
      %get3A_442 = tpu.vector_load %get3A_439[%get3A_440, %get3A_441] {strides = array<i32>} : memref<520x16xf32, #tpu.memory_space<vmem>>, vector<1x16xf32>,
      %get3A_443 = vector.shape_cast %get3A_442 : vector<1x16xf32> to vector<16xf32>
      %add3A_444 = arith.addf %add3A_420, %get3A_443 : vector<16xf32>
      %add3A_445 = arith.constant 7 : i32
      %add3A_446 = arith.addi %multiple_of3A_283, %add3A_445 : i32
      %get3A_447 = arith.constant 1 : i32
      %get3A_448 = arith.constant 0 : i32
      %get3A_449 = arith.constant 0 : i32
      %get3A_450 = tpu.memref_slice %arg10[%get3A_447, %get3A_448, %get3A_449] : memref<2x520x16xf32, #tpu.memory_space<vmem>> -> memref<1x520x16xf32, #tpu.memory_space<vmem>>
      %get3A_451 = tpu.memref_squeeze %get3A_450 : memref<1x520x16xf32, #tpu.memory_space<vmem>> -> memref<520x16xf32, #tpu.memory_space<vmem>>
      %get3A_452 = arith.index_cast %add3A_446 : i32 to index
      %get3A_453 = arith.constant 0 : index
      %get3A_454 = tpu.vector_load %get3A_451[%get3A_452, %get3A_453] {strides = array<i32>} : memref<520x16xf32, #tpu.memory_space<vmem>>, vector<1x16xf32>,
      %get3A_455 = vector.shape_cast %get3A_454 : vector<1x16xf32> to vector<16xf32>
      %add3A_456 = arith.addf %add3A_432, %get3A_455 : vector<16xf32>
      %add3A_457 = arith.constant 7 : i32
      %add3A_458 = arith.addi %multiple_of3A_283, %add3A_457 : i32
      %get3A_459 = arith.constant 1 : i32
      %get3A_460 = arith.constant 0 : i32
      %get3A_461 = arith.constant 0 : i32
      %get3A_462 = tpu.memref_slice %arg11[%get3A_459, %get3A_460, %get3A_461] : memref<2x520x16xf32, #tpu.memory_space<vmem>> -> memref<1x520x16xf32, #tpu.memory_space<vmem>>
      %get3A_463 = tpu.memref_squeeze %get3A_462 : memref<1x520x16xf32, #tpu.memory_space<vmem>> -> memref<520x16xf32, #tpu.memory_space<vmem>>
      %get3A_464 = arith.index_cast %add3A_458 : i32 to index
      %get3A_465 = arith.constant 0 : index
      %get3A_466 = tpu.vector_load %get3A_463[%get3A_464, %get3A_465] {strides = array<i32>} : memref<520x16xf32, #tpu.memory_space<vmem>>, vector<1x16xf32>,
      %get3A_467 = vector.shape_cast %get3A_466 : vector<1x16xf32> to vector<16xf32>
      %add3A_468 = arith.addf %add3A_444, %get3A_467 : vector<16xf32>
      %add3A_469 = arith.constant 8 : i32
      %add3A_470 = arith.addi %multiple_of3A_283, %add3A_469 : i32
      %get3A_471 = arith.constant 1 : i32
      %get3A_472 = arith.constant 0 : i32
      %get3A_473 = arith.constant 0 : i32
      %get3A_474 = tpu.memref_slice %arg10[%get3A_471, %get3A_472, %get3A_473] : memref<2x520x16xf32, #tpu.memory_space<vmem>> -> memref<1x520x16xf32, #tpu.memory_space<vmem>>
      %get3A_475 = tpu.memref_squeeze %get3A_474 : memref<1x520x16xf32, #tpu.memory_space<vmem>> -> memref<520x16xf32, #tpu.memory_space<vmem>>
      %get3A_476 = arith.index_cast %add3A_470 : i32 to index
      %get3A_477 = arith.constant 0 : index
      %get3A_478 = tpu.vector_load %get3A_475[%get3A_476, %get3A_477] {strides = array<i32>} : memref<520x16xf32, #tpu.memory_space<vmem>>, vector<1x16xf32>,
      %get3A_479 = vector.shape_cast %get3A_478 : vector<1x16xf32> to vector<16xf32>
      %add3A_480 = arith.addf %add3A_456, %get3A_479 : vector<16xf32>
      %add3A_481 = arith.constant 8 : i32
      %add3A_482 = arith.addi %multiple_of3A_283, %add3A_481 : i32
      %get3A_483 = arith.constant 1 : i32
      %get3A_484 = arith.constant 0 : i32
      %get3A_485 = arith.constant 0 : i32
      %get3A_486 = tpu.memref_slice %arg11[%get3A_483, %get3A_484, %get3A_485] : memref<2x520x16xf32, #tpu.memory_space<vmem>> -> memref<1x520x16xf32, #tpu.memory_space<vmem>>
      %get3A_487 = tpu.memref_squeeze %get3A_486 : memref<1x520x16xf32, #tpu.memory_space<vmem>> -> memref<520x16xf32, #tpu.memory_space<vmem>>
      %get3A_488 = arith.index_cast %add3A_482 : i32 to index
      %get3A_489 = arith.constant 0 : index
      %get3A_490 = tpu.vector_load %get3A_487[%get3A_488, %get3A_489] {strides = array<i32>} : memref<520x16xf32, #tpu.memory_space<vmem>>, vector<1x16xf32>,
      %get3A_491 = vector.shape_cast %get3A_490 : vector<1x16xf32> to vector<16xf32>
      %add3A_492 = arith.addf %add3A_468, %get3A_491 : vector<16xf32>
      %add3A_493 = arith.constant 9 : i32
      %add3A_494 = arith.addi %multiple_of3A_283, %add3A_493 : i32
      %get3A_495 = arith.constant 1 : i32
      %get3A_496 = arith.constant 0 : i32
      %get3A_497 = arith.constant 0 : i32
      %get3A_498 = tpu.memref_slice %arg10[%get3A_495, %get3A_496, %get3A_497] : memref<2x520x16xf32, #tpu.memory_space<vmem>> -> memref<1x520x16xf32, #tpu.memory_space<vmem>>
      %get3A_499 = tpu.memref_squeeze %get3A_498 : memref<1x520x16xf32, #tpu.memory_space<vmem>> -> memref<520x16xf32, #tpu.memory_space<vmem>>
      %get3A_500 = arith.index_cast %add3A_494 : i32 to index
      %get3A_501 = arith.constant 0 : index
      %get3A_502 = tpu.vector_load %get3A_499[%get3A_500, %get3A_501] {strides = array<i32>} : memref<520x16xf32, #tpu.memory_space<vmem>>, vector<1x16xf32>,
      %get3A_503 = vector.shape_cast %get3A_502 : vector<1x16xf32> to vector<16xf32>
      %add3A_504 = arith.addf %add3A_480, %get3A_503 : vector<16xf32>
      %add3A_505 = arith.constant 9 : i32
      %add3A_506 = arith.addi %multiple_of3A_283, %add3A_505 : i32
      %get3A_507 = arith.constant 1 : i32
      %get3A_508 = arith.constant 0 : i32
      %get3A_509 = arith.constant 0 : i32
      %get3A_510 = tpu.memref_slice %arg11[%get3A_507, %get3A_508, %get3A_509] : memref<2x520x16xf32, #tpu.memory_space<vmem>> -> memref<1x520x16xf32, #tpu.memory_space<vmem>>
      %get3A_511 = tpu.memref_squeeze %get3A_510 : memref<1x520x16xf32, #tpu.memory_space<vmem>> -> memref<520x16xf32, #tpu.memory_space<vmem>>
      %get3A_512 = arith.index_cast %add3A_506 : i32 to index
      %get3A_513 = arith.constant 0 : index
      %get3A_514 = tpu.vector_load %get3A_511[%get3A_512, %get3A_513] {strides = array<i32>} : memref<520x16xf32, #tpu.memory_space<vmem>>, vector<1x16xf32>,
      %get3A_515 = vector.shape_cast %get3A_514 : vector<1x16xf32> to vector<16xf32>
      %add3A_516 = arith.addf %add3A_492, %get3A_515 : vector<16xf32>
      %add3A_517 = arith.constant 10 : i32
      %add3A_518 = arith.addi %multiple_of3A_283, %add3A_517 : i32
      %get3A_519 = arith.constant 1 : i32
      %get3A_520 = arith.constant 0 : i32
      %get3A_521 = arith.constant 0 : i32
      %get3A_522 = tpu.memref_slice %arg10[%get3A_519, %get3A_520, %get3A_521] : memref<2x520x16xf32, #tpu.memory_space<vmem>> -> memref<1x520x16xf32, #tpu.memory_space<vmem>>
      %get3A_523 = tpu.memref_squeeze %get3A_522 : memref<1x520x16xf32, #tpu.memory_space<vmem>> -> memref<520x16xf32, #tpu.memory_space<vmem>>
      %get3A_524 = arith.index_cast %add3A_518 : i32 to index
      %get3A_525 = arith.constant 0 : index
      %get3A_526 = tpu.vector_load %get3A_523[%get3A_524, %get3A_525] {strides = array<i32>} : memref<520x16xf32, #tpu.memory_space<vmem>>, vector<1x16xf32>,
      %get3A_527 = vector.shape_cast %get3A_526 : vector<1x16xf32> to vector<16xf32>
      %add3A_528 = arith.addf %add3A_504, %get3A_527 : vector<16xf32>
      %add3A_529 = arith.constant 10 : i32
      %add3A_530 = arith.addi %multiple_of3A_283, %add3A_529 : i32
      %get3A_531 = arith.constant 1 : i32
      %get3A_532 = arith.constant 0 : i32
      %get3A_533 = arith.constant 0 : i32
      %get3A_534 = tpu.memref_slice %arg11[%get3A_531, %get3A_532, %get3A_533] : memref<2x520x16xf32, #tpu.memory_space<vmem>> -> memref<1x520x16xf32, #tpu.memory_space<vmem>>
      %get3A_535 = tpu.memref_squeeze %get3A_534 : memref<1x520x16xf32, #tpu.memory_space<vmem>> -> memref<520x16xf32, #tpu.memory_space<vmem>>
      %get3A_536 = arith.index_cast %add3A_530 : i32 to index
      %get3A_537 = arith.constant 0 : index
      %get3A_538 = tpu.vector_load %get3A_535[%get3A_536, %get3A_537] {strides = array<i32>} : memref<520x16xf32, #tpu.memory_space<vmem>>, vector<1x16xf32>,
      %get3A_539 = vector.shape_cast %get3A_538 : vector<1x16xf32> to vector<16xf32>
      %add3A_540 = arith.addf %add3A_516, %get3A_539 : vector<16xf32>
      %add3A_541 = arith.constant 11 : i32
      %add3A_542 = arith.addi %multiple_of3A_283, %add3A_541 : i32
      %get3A_543 = arith.constant 1 : i32
      %get3A_544 = arith.constant 0 : i32
      %get3A_545 = arith.constant 0 : i32
      %get3A_546 = tpu.memref_slice %arg10[%get3A_543, %get3A_544, %get3A_545] : memref<2x520x16xf32, #tpu.memory_space<vmem>> -> memref<1x520x16xf32, #tpu.memory_space<vmem>>
      %get3A_547 = tpu.memref_squeeze %get3A_546 : memref<1x520x16xf32, #tpu.memory_space<vmem>> -> memref<520x16xf32, #tpu.memory_space<vmem>>
      %get3A_548 = arith.index_cast %add3A_542 : i32 to index
      %get3A_549 = arith.constant 0 : index
      %get3A_550 = tpu.vector_load %get3A_547[%get3A_548, %get3A_549] {strides = array<i32>} : memref<520x16xf32, #tpu.memory_space<vmem>>, vector<1x16xf32>,
      %get3A_551 = vector.shape_cast %get3A_550 : vector<1x16xf32> to vector<16xf32>
      %add3A_552 = arith.addf %add3A_528, %get3A_551 : vector<16xf32>
      %add3A_553 = arith.constant 11 : i32
      %add3A_554 = arith.addi %multiple_of3A_283, %add3A_553 : i32
      %get3A_555 = arith.constant 1 : i32
      %get3A_556 = arith.constant 0 : i32
      %get3A_557 = arith.constant 0 : i32
      %get3A_558 = tpu.memref_slice %arg11[%get3A_555, %get3A_556, %get3A_557] : memref<2x520x16xf32, #tpu.memory_space<vmem>> -> memref<1x520x16xf32, #tpu.memory_space<vmem>>
      %get3A_559 = tpu.memref_squeeze %get3A_558 : memref<1x520x16xf32, #tpu.memory_space<vmem>> -> memref<520x16xf32, #tpu.memory_space<vmem>>
      %get3A_560 = arith.index_cast %add3A_554 : i32 to index
      %get3A_561 = arith.constant 0 : index
      %get3A_562 = tpu.vector_load %get3A_559[%get3A_560, %get3A_561] {strides = array<i32>} : memref<520x16xf32, #tpu.memory_space<vmem>>, vector<1x16xf32>,
      %get3A_563 = vector.shape_cast %get3A_562 : vector<1x16xf32> to vector<16xf32>
      %add3A_564 = arith.addf %add3A_540, %get3A_563 : vector<16xf32>
      %add3A_565 = arith.constant 12 : i32
      %add3A_566 = arith.addi %multiple_of3A_283, %add3A_565 : i32
      %get3A_567 = arith.constant 1 : i32
      %get3A_568 = arith.constant 0 : i32
      %get3A_569 = arith.constant 0 : i32
      %get3A_570 = tpu.memref_slice %arg10[%get3A_567, %get3A_568, %get3A_569] : memref<2x520x16xf32, #tpu.memory_space<vmem>> -> memref<1x520x16xf32, #tpu.memory_space<vmem>>
      %get3A_571 = tpu.memref_squeeze %get3A_570 : memref<1x520x16xf32, #tpu.memory_space<vmem>> -> memref<520x16xf32, #tpu.memory_space<vmem>>
      %get3A_572 = arith.index_cast %add3A_566 : i32 to index
      %get3A_573 = arith.constant 0 : index
      %get3A_574 = tpu.vector_load %get3A_571[%get3A_572, %get3A_573] {strides = array<i32>} : memref<520x16xf32, #tpu.memory_space<vmem>>, vector<1x16xf32>,
      %get3A_575 = vector.shape_cast %get3A_574 : vector<1x16xf32> to vector<16xf32>
      %add3A_576 = arith.addf %add3A_552, %get3A_575 : vector<16xf32>
      %add3A_577 = arith.constant 12 : i32
      %add3A_578 = arith.addi %multiple_of3A_283, %add3A_577 : i32
      %get3A_579 = arith.constant 1 : i32
      %get3A_580 = arith.constant 0 : i32
      %get3A_581 = arith.constant 0 : i32
      %get3A_582 = tpu.memref_slice %arg11[%get3A_579, %get3A_580, %get3A_581] : memref<2x520x16xf32, #tpu.memory_space<vmem>> -> memref<1x520x16xf32, #tpu.memory_space<vmem>>
      %get3A_583 = tpu.memref_squeeze %get3A_582 : memref<1x520x16xf32, #tpu.memory_space<vmem>> -> memref<520x16xf32, #tpu.memory_space<vmem>>
      %get3A_584 = arith.index_cast %add3A_578 : i32 to index
      %get3A_585 = arith.constant 0 : index
      %get3A_586 = tpu.vector_load %get3A_583[%get3A_584, %get3A_585] {strides = array<i32>} : memref<520x16xf32, #tpu.memory_space<vmem>>, vector<1x16xf32>,
      %get3A_587 = vector.shape_cast %get3A_586 : vector<1x16xf32> to vector<16xf32>
      %add3A_588 = arith.addf %add3A_564, %get3A_587 : vector<16xf32>
      %add3A_589 = arith.constant 13 : i32
      %add3A_590 = arith.addi %multiple_of3A_283, %add3A_589 : i32
      %get3A_591 = arith.constant 1 : i32
      %get3A_592 = arith.constant 0 : i32
      %get3A_593 = arith.constant 0 : i32
      %get3A_594 = tpu.memref_slice %arg10[%get3A_591, %get3A_592, %get3A_593] : memref<2x520x16xf32, #tpu.memory_space<vmem>> -> memref<1x520x16xf32, #tpu.memory_space<vmem>>
      %get3A_595 = tpu.memref_squeeze %get3A_594 : memref<1x520x16xf32, #tpu.memory_space<vmem>> -> memref<520x16xf32, #tpu.memory_space<vmem>>
      %get3A_596 = arith.index_cast %add3A_590 : i32 to index
      %get3A_597 = arith.constant 0 : index
      %get3A_598 = tpu.vector_load %get3A_595[%get3A_596, %get3A_597] {strides = array<i32>} : memref<520x16xf32, #tpu.memory_space<vmem>>, vector<1x16xf32>,
      %get3A_599 = vector.shape_cast %get3A_598 : vector<1x16xf32> to vector<16xf32>
      %add3A_600 = arith.addf %add3A_576, %get3A_599 : vector<16xf32>
      %add3A_601 = arith.constant 13 : i32
      %add3A_602 = arith.addi %multiple_of3A_283, %add3A_601 : i32
      %get3A_603 = arith.constant 1 : i32
      %get3A_604 = arith.constant 0 : i32
      %get3A_605 = arith.constant 0 : i32
      %get3A_606 = tpu.memref_slice %arg11[%get3A_603, %get3A_604, %get3A_605] : memref<2x520x16xf32, #tpu.memory_space<vmem>> -> memref<1x520x16xf32, #tpu.memory_space<vmem>>
      %get3A_607 = tpu.memref_squeeze %get3A_606 : memref<1x520x16xf32, #tpu.memory_space<vmem>> -> memref<520x16xf32, #tpu.memory_space<vmem>>
      %get3A_608 = arith.index_cast %add3A_602 : i32 to index
      %get3A_609 = arith.constant 0 : index
      %get3A_610 = tpu.vector_load %get3A_607[%get3A_608, %get3A_609] {strides = array<i32>} : memref<520x16xf32, #tpu.memory_space<vmem>>, vector<1x16xf32>,
      %get3A_611 = vector.shape_cast %get3A_610 : vector<1x16xf32> to vector<16xf32>
      %add3A_612 = arith.addf %add3A_588, %get3A_611 : vector<16xf32>
      %add3A_613 = arith.constant 14 : i32
      %add3A_614 = arith.addi %multiple_of3A_283, %add3A_613 : i32
      %get3A_615 = arith.constant 1 : i32
      %get3A_616 = arith.constant 0 : i32
      %get3A_617 = arith.constant 0 : i32
      %get3A_618 = tpu.memref_slice %arg10[%get3A_615, %get3A_616, %get3A_617] : memref<2x520x16xf32, #tpu.memory_space<vmem>> -> memref<1x520x16xf32, #tpu.memory_space<vmem>>
      %get3A_619 = tpu.memref_squeeze %get3A_618 : memref<1x520x16xf32, #tpu.memory_space<vmem>> -> memref<520x16xf32, #tpu.memory_space<vmem>>
      %get3A_620 = arith.index_cast %add3A_614 : i32 to index
      %get3A_621 = arith.constant 0 : index
      %get3A_622 = tpu.vector_load %get3A_619[%get3A_620, %get3A_621] {strides = array<i32>} : memref<520x16xf32, #tpu.memory_space<vmem>>, vector<1x16xf32>,
      %get3A_623 = vector.shape_cast %get3A_622 : vector<1x16xf32> to vector<16xf32>
      %add3A_624 = arith.addf %add3A_600, %get3A_623 : vector<16xf32>
      %add3A_625 = arith.constant 14 : i32
      %add3A_626 = arith.addi %multiple_of3A_283, %add3A_625 : i32
      %get3A_627 = arith.constant 1 : i32
      %get3A_628 = arith.constant 0 : i32
      %get3A_629 = arith.constant 0 : i32
      %get3A_630 = tpu.memref_slice %arg11[%get3A_627, %get3A_628, %get3A_629] : memref<2x520x16xf32, #tpu.memory_space<vmem>> -> memref<1x520x16xf32, #tpu.memory_space<vmem>>
      %get3A_631 = tpu.memref_squeeze %get3A_630 : memref<1x520x16xf32, #tpu.memory_space<vmem>> -> memref<520x16xf32, #tpu.memory_space<vmem>>
      %get3A_632 = arith.index_cast %add3A_626 : i32 to index
      %get3A_633 = arith.constant 0 : index
      %get3A_634 = tpu.vector_load %get3A_631[%get3A_632, %get3A_633] {strides = array<i32>} : memref<520x16xf32, #tpu.memory_space<vmem>>, vector<1x16xf32>,
      %get3A_635 = vector.shape_cast %get3A_634 : vector<1x16xf32> to vector<16xf32>
      %add3A_636 = arith.addf %add3A_612, %get3A_635 : vector<16xf32>
      %add3A_637 = arith.constant 15 : i32
      %add3A_638 = arith.addi %multiple_of3A_283, %add3A_637 : i32
      %get3A_639 = arith.constant 1 : i32
      %get3A_640 = arith.constant 0 : i32
      %get3A_641 = arith.constant 0 : i32
      %get3A_642 = tpu.memref_slice %arg10[%get3A_639, %get3A_640, %get3A_641] : memref<2x520x16xf32, #tpu.memory_space<vmem>> -> memref<1x520x16xf32, #tpu.memory_space<vmem>>
      %get3A_643 = tpu.memref_squeeze %get3A_642 : memref<1x520x16xf32, #tpu.memory_space<vmem>> -> memref<520x16xf32, #tpu.memory_space<vmem>>
      %get3A_644 = arith.index_cast %add3A_638 : i32 to index
      %get3A_645 = arith.constant 0 : index
      %get3A_646 = tpu.vector_load %get3A_643[%get3A_644, %get3A_645] {strides = array<i32>} : memref<520x16xf32, #tpu.memory_space<vmem>>, vector<1x16xf32>,
      %get3A_647 = vector.shape_cast %get3A_646 : vector<1x16xf32> to vector<16xf32>
      %add3A_648 = arith.addf %add3A_624, %get3A_647 : vector<16xf32>
      %add3A_649 = arith.constant 15 : i32
      %add3A_650 = arith.addi %multiple_of3A_283, %add3A_649 : i32
      %get3A_651 = arith.constant 1 : i32
      %get3A_652 = arith.constant 0 : i32
      %get3A_653 = arith.constant 0 : i32
      %get3A_654 = tpu.memref_slice %arg11[%get3A_651, %get3A_652, %get3A_653] : memref<2x520x16xf32, #tpu.memory_space<vmem>> -> memref<1x520x16xf32, #tpu.memory_space<vmem>>
      %get3A_655 = tpu.memref_squeeze %get3A_654 : memref<1x520x16xf32, #tpu.memory_space<vmem>> -> memref<520x16xf32, #tpu.memory_space<vmem>>
      %get3A_656 = arith.index_cast %add3A_650 : i32 to index
      %get3A_657 = arith.constant 0 : index
      %get3A_658 = tpu.vector_load %get3A_655[%get3A_656, %get3A_657] {strides = array<i32>} : memref<520x16xf32, #tpu.memory_space<vmem>>, vector<1x16xf32>,
      %get3A_659 = vector.shape_cast %get3A_658 : vector<1x16xf32> to vector<16xf32>
      %add3A_660 = arith.addf %add3A_636, %get3A_659 : vector<16xf32>
      %add3A_661 = arith.constant 16 : i32
      %add3A_662 = arith.addi %multiple_of3A_283, %add3A_661 : i32
      %get3A_663 = arith.constant 1 : i32
      %get3A_664 = arith.constant 0 : i32
      %get3A_665 = arith.constant 0 : i32
      %get3A_666 = tpu.memref_slice %arg10[%get3A_663, %get3A_664, %get3A_665] : memref<2x520x16xf32, #tpu.memory_space<vmem>> -> memref<1x520x16xf32, #tpu.memory_space<vmem>>
      %get3A_667 = tpu.memref_squeeze %get3A_666 : memref<1x520x16xf32, #tpu.memory_space<vmem>> -> memref<520x16xf32, #tpu.memory_space<vmem>>
      %get3A_668 = arith.index_cast %add3A_662 : i32 to index
      %get3A_669 = arith.constant 0 : index
      %get3A_670 = tpu.vector_load %get3A_667[%get3A_668, %get3A_669] {strides = array<i32>} : memref<520x16xf32, #tpu.memory_space<vmem>>, vector<1x16xf32>,
      %get3A_671 = vector.shape_cast %get3A_670 : vector<1x16xf32> to vector<16xf32>
      %add3A_672 = arith.addf %add3A_648, %get3A_671 : vector<16xf32>
      %add3A_673 = arith.constant 16 : i32
      %add3A_674 = arith.addi %multiple_of3A_283, %add3A_673 : i32
      %get3A_675 = arith.constant 1 : i32
      %get3A_676 = arith.constant 0 : i32
      %get3A_677 = arith.constant 0 : i32
      %get3A_678 = tpu.memref_slice %arg11[%get3A_675, %get3A_676, %get3A_677] : memref<2x520x16xf32, #tpu.memory_space<vmem>> -> memref<1x520x16xf32, #tpu.memory_space<vmem>>
      %get3A_679 = tpu.memref_squeeze %get3A_678 : memref<1x520x16xf32, #tpu.memory_space<vmem>> -> memref<520x16xf32, #tpu.memory_space<vmem>>
      %get3A_680 = arith.index_cast %add3A_674 : i32 to index
      %get3A_681 = arith.constant 0 : index
      %get3A_682 = tpu.vector_load %get3A_679[%get3A_680, %get3A_681] {strides = array<i32>} : memref<520x16xf32, #tpu.memory_space<vmem>>, vector<1x16xf32>,
      %get3A_683 = vector.shape_cast %get3A_682 : vector<1x16xf32> to vector<16xf32>
      %add3A_684 = arith.addf %add3A_660, %get3A_683 : vector<16xf32>
      %add3A_685 = arith.constant 17 : i32
      %add3A_686 = arith.addi %multiple_of3A_283, %add3A_685 : i32
      %get3A_687 = arith.constant 1 : i32
      %get3A_688 = arith.constant 0 : i32
      %get3A_689 = arith.constant 0 : i32
      %get3A_690 = tpu.memref_slice %arg10[%get3A_687, %get3A_688, %get3A_689] : memref<2x520x16xf32, #tpu.memory_space<vmem>> -> memref<1x520x16xf32, #tpu.memory_space<vmem>>
      %get3A_691 = tpu.memref_squeeze %get3A_690 : memref<1x520x16xf32, #tpu.memory_space<vmem>> -> memref<520x16xf32, #tpu.memory_space<vmem>>
      %get3A_692 = arith.index_cast %add3A_686 : i32 to index
      %get3A_693 = arith.constant 0 : index
      %get3A_694 = tpu.vector_load %get3A_691[%get3A_692, %get3A_693] {strides = array<i32>} : memref<520x16xf32, #tpu.memory_space<vmem>>, vector<1x16xf32>,
      %get3A_695 = vector.shape_cast %get3A_694 : vector<1x16xf32> to vector<16xf32>
      %add3A_696 = arith.addf %add3A_672, %get3A_695 : vector<16xf32>
      %add3A_697 = arith.constant 17 : i32
      %add3A_698 = arith.addi %multiple_of3A_283, %add3A_697 : i32
      %get3A_699 = arith.constant 1 : i32
      %get3A_700 = arith.constant 0 : i32
      %get3A_701 = arith.constant 0 : i32
      %get3A_702 = tpu.memref_slice %arg11[%get3A_699, %get3A_700, %get3A_701] : memref<2x520x16xf32, #tpu.memory_space<vmem>> -> memref<1x520x16xf32, #tpu.memory_space<vmem>>
      %get3A_703 = tpu.memref_squeeze %get3A_702 : memref<1x520x16xf32, #tpu.memory_space<vmem>> -> memref<520x16xf32, #tpu.memory_space<vmem>>
      %get3A_704 = arith.index_cast %add3A_698 : i32 to index
      %get3A_705 = arith.constant 0 : index
      %get3A_706 = tpu.vector_load %get3A_703[%get3A_704, %get3A_705] {strides = array<i32>} : memref<520x16xf32, #tpu.memory_space<vmem>>, vector<1x16xf32>,
      %get3A_707 = vector.shape_cast %get3A_706 : vector<1x16xf32> to vector<16xf32>
      %add3A_708 = arith.addf %add3A_684, %get3A_707 : vector<16xf32>
      %add3A_709 = arith.constant 18 : i32
      %add3A_710 = arith.addi %multiple_of3A_283, %add3A_709 : i32
      %get3A_711 = arith.constant 1 : i32
      %get3A_712 = arith.constant 0 : i32
      %get3A_713 = arith.constant 0 : i32
      %get3A_714 = tpu.memref_slice %arg10[%get3A_711, %get3A_712, %get3A_713] : memref<2x520x16xf32, #tpu.memory_space<vmem>> -> memref<1x520x16xf32, #tpu.memory_space<vmem>>
      %get3A_715 = tpu.memref_squeeze %get3A_714 : memref<1x520x16xf32, #tpu.memory_space<vmem>> -> memref<520x16xf32, #tpu.memory_space<vmem>>
      %get3A_716 = arith.index_cast %add3A_710 : i32 to index
      %get3A_717 = arith.constant 0 : index
      %get3A_718 = tpu.vector_load %get3A_715[%get3A_716, %get3A_717] {strides = array<i32>} : memref<520x16xf32, #tpu.memory_space<vmem>>, vector<1x16xf32>,
      %get3A_719 = vector.shape_cast %get3A_718 : vector<1x16xf32> to vector<16xf32>
      %add3A_720 = arith.addf %add3A_696, %get3A_719 : vector<16xf32>
      %add3A_721 = arith.constant 18 : i32
      %add3A_722 = arith.addi %multiple_of3A_283, %add3A_721 : i32
      %get3A_723 = arith.constant 1 : i32
      %get3A_724 = arith.constant 0 : i32
      %get3A_725 = arith.constant 0 : i32
      %get3A_726 = tpu.memref_slice %arg11[%get3A_723, %get3A_724, %get3A_725] : memref<2x520x16xf32, #tpu.memory_space<vmem>> -> memref<1x520x16xf32, #tpu.memory_space<vmem>>
      %get3A_727 = tpu.memref_squeeze %get3A_726 : memref<1x520x16xf32, #tpu.memory_space<vmem>> -> memref<520x16xf32, #tpu.memory_space<vmem>>
      %get3A_728 = arith.index_cast %add3A_722 : i32 to index
      %get3A_729 = arith.constant 0 : index
      %get3A_730 = tpu.vector_load %get3A_727[%get3A_728, %get3A_729] {strides = array<i32>} : memref<520x16xf32, #tpu.memory_space<vmem>>, vector<1x16xf32>,
      %get3A_731 = vector.shape_cast %get3A_730 : vector<1x16xf32> to vector<16xf32>
      %add3A_732 = arith.addf %add3A_708, %get3A_731 : vector<16xf32>
      %add3A_733 = arith.constant 19 : i32
      %add3A_734 = arith.addi %multiple_of3A_283, %add3A_733 : i32
      %get3A_735 = arith.constant 1 : i32
      %get3A_736 = arith.constant 0 : i32
      %get3A_737 = arith.constant 0 : i32
      %get3A_738 = tpu.memref_slice %arg10[%get3A_735, %get3A_736, %get3A_737] : memref<2x520x16xf32, #tpu.memory_space<vmem>> -> memref<1x520x16xf32, #tpu.memory_space<vmem>>
      %get3A_739 = tpu.memref_squeeze %get3A_738 : memref<1x520x16xf32, #tpu.memory_space<vmem>> -> memref<520x16xf32, #tpu.memory_space<vmem>>
      %get3A_740 = arith.index_cast %add3A_734 : i32 to index
      %get3A_741 = arith.constant 0 : index
      %get3A_742 = tpu.vector_load %get3A_739[%get3A_740, %get3A_741] {strides = array<i32>} : memref<520x16xf32, #tpu.memory_space<vmem>>, vector<1x16xf32>,
      %get3A_743 = vector.shape_cast %get3A_742 : vector<1x16xf32> to vector<16xf32>
      %add3A_744 = arith.addf %add3A_720, %get3A_743 : vector<16xf32>
      %add3A_745 = arith.constant 19 : i32
      %add3A_746 = arith.addi %multiple_of3A_283, %add3A_745 : i32
      %get3A_747 = arith.constant 1 : i32
      %get3A_748 = arith.constant 0 : i32
      %get3A_749 = arith.constant 0 : i32
      %get3A_750 = tpu.memref_slice %arg11[%get3A_747, %get3A_748, %get3A_749] : memref<2x520x16xf32, #tpu.memory_space<vmem>> -> memref<1x520x16xf32, #tpu.memory_space<vmem>>
      %get3A_751 = tpu.memref_squeeze %get3A_750 : memref<1x520x16xf32, #tpu.memory_space<vmem>> -> memref<520x16xf32, #tpu.memory_space<vmem>>
      %get3A_752 = arith.index_cast %add3A_746 : i32 to index
      %get3A_753 = arith.constant 0 : index
      %get3A_754 = tpu.vector_load %get3A_751[%get3A_752, %get3A_753] {strides = array<i32>} : memref<520x16xf32, #tpu.memory_space<vmem>>, vector<1x16xf32>,
      %get3A_755 = vector.shape_cast %get3A_754 : vector<1x16xf32> to vector<16xf32>
      %add3A_756 = arith.addf %add3A_732, %get3A_755 : vector<16xf32>
      %mul3A_757 = arith.constant 32 : i32
      %mul3A_758 = arith.muli %scan3A_279, %mul3A_757 : i32
      %multiple_of3A_759 = tpu.assume_multiple %mul3A_758, 32 : i32
      %mul3A_760 = arith.constant 5.000000e-02 : f32
      %mul3A_761 = vector.broadcast %mul3A_760 : f32 to vector<16xf32>
      %mul3A_762 = arith.mulf %add3A_744, %mul3A_761 : vector<16xf32>
      %swap3A = arith.constant 1 : i32
      %swap3A_763 = arith.constant 0 : i32
      %swap3A_764 = tpu.memref_slice %arg12[%swap3A, %swap3A_763] : memref<2x832xf32, #tpu.memory_space<vmem>> -> memref<1x832xf32, #tpu.memory_space<vmem>>
      %swap3A_765 = tpu.memref_squeeze %swap3A_764 : memref<1x832xf32, #tpu.memory_space<vmem>> -> memref<832xf32, #tpu.memory_space<vmem>>
      %swap3A_766 = arith.index_cast %multiple_of3A_759 : i32 to index
      %swap3A_767 = tpu.vector_load %swap3A_765[%swap3A_766] {strides = array<i32>} : memref<832xf32, #tpu.memory_space<vmem>>, vector<16xf32>,
      %swap3A_768 = vector.shape_cast %swap3A_767 : vector<16xf32> to vector<16xf32>
      %swap3A_769 = vector.shape_cast %mul3A_762 : vector<16xf32> to vector<16xf32>
      tpu.vector_store %swap3A_765[%swap3A_766], %swap3A_769 {strides = array<i32>} : memref<832xf32, #tpu.memory_space<vmem>>, vector<16xf32>,
      %mul3A_770 = arith.constant 5.000000e-02 : f32
      %mul3A_771 = vector.broadcast %mul3A_770 : f32 to vector<16xf32>
      %mul3A_772 = arith.mulf %add3A_756, %mul3A_771 : vector<16xf32>
      %add3A_773 = arith.constant 16 : i32
      %add3A_774 = arith.addi %multiple_of3A_759, %add3A_773 : i32
      %swap3A_775 = arith.constant 1 : i32
      %swap3A_776 = arith.constant 0 : i32
      %swap3A_777 = tpu.memref_slice %arg12[%swap3A_775, %swap3A_776] : memref<2x832xf32, #tpu.memory_space<vmem>> -> memref<1x832xf32, #tpu.memory_space<vmem>>
      %swap3A_778 = tpu.memref_squeeze %swap3A_777 : memref<1x832xf32, #tpu.memory_space<vmem>> -> memref<832xf32, #tpu.memory_space<vmem>>
      %swap3A_779 = arith.index_cast %add3A_774 : i32 to index
      %swap3A_780 = tpu.vector_load %swap3A_778[%swap3A_779] {strides = array<i32>} : memref<832xf32, #tpu.memory_space<vmem>>, vector<16xf32>,
      %swap3A_781 = vector.shape_cast %swap3A_780 : vector<16xf32> to vector<16xf32>
      %swap3A_782 = vector.shape_cast %mul3A_772 : vector<16xf32> to vector<16xf32>
      tpu.vector_store %swap3A_778[%swap3A_779], %swap3A_782 {strides = array<i32>} : memref<832xf32, #tpu.memory_space<vmem>>, vector<16xf32>,
      %scan3A_783 = arith.constant 0 : i32
      scf.yield %scan3A_783 : i32
    }
    %scan3A_244 = arith.constant 26 : i32
    %mul3A_245 = arith.constant 832 : i32
    %mul3A_246 = arith.muli %sub3A_234, %mul3A_245 : i32
    %multiple_of3A_247 = tpu.assume_multiple %mul3A_246, 8 : i32
    %dma_start3A_248 = arith.constant 1 : i32
    %dma_start3A_249 = arith.constant 0 : i32
    %dma_start3A_250 = tpu.memref_slice %arg12[%dma_start3A_248, %dma_start3A_249] : memref<2x832xf32, #tpu.memory_space<vmem>> -> memref<1x832xf32, #tpu.memory_space<vmem>>
    %dma_start3A_251 = tpu.memref_squeeze %dma_start3A_250 : memref<1x832xf32, #tpu.memory_space<vmem>> -> memref<832xf32, #tpu.memory_space<vmem>>
    %dma_start3A_252 = tpu.memref_slice %arg5[%multiple_of3A_247] : memref<3407872xf32, #tpu.memory_space<hbm>> -> memref<832xf32, #tpu.memory_space<hbm>>
    %dma_start3A_253 = tpu.memref_slice %arg5[%multiple_of3A_247] : memref<3407872xf32, #tpu.memory_space<hbm>> -> memref<832xf32, #tpu.memory_space<hbm>>
    %dma_start3A_254 = arith.constant 0 : i32
    %dma_start3A_255 = tpu.memref_slice %arg12[%dma_start3A_248, %dma_start3A_254] : memref<2x832xf32, #tpu.memory_space<vmem>> -> memref<1x832xf32, #tpu.memory_space<vmem>>
    %dma_start3A_256 = tpu.memref_squeeze %dma_start3A_255 : memref<1x832xf32, #tpu.memory_space<vmem>> -> memref<832xf32, #tpu.memory_space<vmem>>
    tpu.enqueue_dma source(%dma_start3A_256 : memref<832xf32, #tpu.memory_space<vmem>>) target(%dma_start3A_253 : memref<832xf32, #tpu.memory_space<hbm>>) target_semaphore(%arg18 : memref<!tpu.dma_semaphore, #tpu.memory_space<semaphore_mem>>)
    %dma_wait3A_257 = arith.constant 0 : i32
    %dma_wait3A_258 = arith.constant 0 : i32
    %dma_wait3A_259 = tpu.memref_slice %arg12[%dma_wait3A_257, %dma_wait3A_258] : memref<2x832xf32, #tpu.memory_space<vmem>> -> memref<1x832xf32, #tpu.memory_space<vmem>>
    %dma_wait3A_260 = tpu.memref_squeeze %dma_wait3A_259 : memref<1x832xf32, #tpu.memory_space<vmem>> -> memref<832xf32, #tpu.memory_space<vmem>>
    %dma_wait3A_261 = arith.constant 0 : i32
    %dma_wait3A_262 = tpu.memref_slice %arg5[%dma_wait3A_261] : memref<3407872xf32, #tpu.memory_space<hbm>> -> memref<832xf32, #tpu.memory_space<hbm>>
    %dma_wait3A_263 = arith.constant 0 : i32
    %dma_wait3A_264 = tpu.memref_slice %arg5[%dma_wait3A_263] : memref<3407872xf32, #tpu.memory_space<hbm>> -> memref<832xf32, #tpu.memory_space<hbm>>
    %dma_wait3A_265 = arith.constant 0 : i32
    %dma_wait3A_266 = tpu.memref_slice %arg12[%dma_wait3A_257, %dma_wait3A_265] : memref<2x832xf32, #tpu.memory_space<vmem>> -> memref<1x832xf32, #tpu.memory_space<vmem>>
    %dma_wait3A_267 = tpu.memref_squeeze %dma_wait3A_266 : memref<1x832xf32, #tpu.memory_space<vmem>> -> memref<832xf32, #tpu.memory_space<vmem>>
    tpu.wait_dma2 semaphore(%arg17 : memref<!tpu.dma_semaphore, #tpu.memory_space<semaphore_mem>>) src(%dma_wait3A_267 : memref<832xf32, #tpu.memory_space<vmem>>) dst(%dma_wait3A_264 : memref<832xf32, #tpu.memory_space<hbm>>)
    %dma_wait3A_268 = arith.constant 1 : i32
    %dma_wait3A_269 = arith.constant 0 : i32
    %dma_wait3A_270 = tpu.memref_slice %arg12[%dma_wait3A_268, %dma_wait3A_269] : memref<2x832xf32, #tpu.memory_space<vmem>> -> memref<1x832xf32, #tpu.memory_space<vmem>>
    %dma_wait3A_271 = tpu.memref_squeeze %dma_wait3A_270 : memref<1x832xf32, #tpu.memory_space<vmem>> -> memref<832xf32, #tpu.memory_space<vmem>>
    %dma_wait3A_272 = arith.constant 0 : i32
    %dma_wait3A_273 = tpu.memref_slice %arg5[%dma_wait3A_272] : memref<3407872xf32, #tpu.memory_space<hbm>> -> memref<832xf32, #tpu.memory_space<hbm>>
    %dma_wait3A_274 = arith.constant 0 : i32
    %dma_wait3A_275 = tpu.memref_slice %arg5[%dma_wait3A_274] : memref<3407872xf32, #tpu.memory_space<hbm>> -> memref<832xf32, #tpu.memory_space<hbm>>
    %dma_wait3A_276 = arith.constant 0 : i32
    %dma_wait3A_277 = tpu.memref_slice %arg12[%dma_wait3A_268, %dma_wait3A_276] : memref<2x832xf32, #tpu.memory_space<vmem>> -> memref<1x832xf32, #tpu.memory_space<vmem>>
    %dma_wait3A_278 = tpu.memref_squeeze %dma_wait3A_277 : memref<1x832xf32, #tpu.memory_space<vmem>> -> memref<832xf32, #tpu.memory_space<vmem>>
    tpu.wait_dma2 semaphore(%arg18 : memref<!tpu.dma_semaphore, #tpu.memory_space<semaphore_mem>>) src(%dma_wait3A_278 : memref<832xf32, #tpu.memory_space<vmem>>) dst(%dma_wait3A_275 : memref<832xf32, #tpu.memory_space<hbm>>)
    return
  }
}

</mosaic_0001>

<sc_bundles>
// kernel: _emb.3.cloned.1.call-start
scs
__scs_entry_jumppad:
0x0: {  	(pc) =	sbr.rel $0x88, $3  }
0x1: {  	(tag) =	ssettag $0x0;
	lr =	simm.s32 $0x1  }
0x2: {  	[smem:$0x3F9E] =	sst lr;
	_ =	strace $0xD0000000  }
0x3: {  	_ = 	snop  }
0x4: {  	_ = 	snop  }
0x5: {  	_ = 	snop  }
0x6: {  	_ = 	snop  }
0x7: {  	_ = 	snop  }
__scs_overlays_trampoline_lowered:
0x8: {  	[smem:$0x3FAD] =	sst s0  }
0x9: {  	[smem:$0x3FAE] =	sst s1  }
0xa: {  	[smem:$0x3FAF] =	sst s2  }
0xb: {  	[smem:$0x3FB0] =	sst s3  }
0xc: {  	[smem:$0x3FB1] =	sst s4  }
0xd: {  	[smem:$0x3FB2] =	sst s5  }
0xe: {  	[smem:$0x3FB3] =	sst s6  }
0xf: {  	[smem:$0x3FB4] =	sst s7  }
0x10: {  	[smem:$0x3FB5] =	sst s8  }
0x11: {  	[smem:$0x3FB6] =	sst s9;
	s0 =	simm.s32 @!p0 $0x0  }
0x12: {  	s1 =	sld [smem:$0x3F9C];
	s0 =	simm.s32 @p0 $0x1  }
0x13: {  	[smem:$0x3FB7] =	sst s0;
	s0 =	simm.s32 @!p1 $0x0  }
0x14: {  	s2 =	sld [smem:$0x3F9B];
	s0 =	simm.s32 @p1 $0x1  }
0x15: {  	[smem:$0x3FB8] =	sst s0;
	s0 =	simm.s32 @!p2 $0x0  }
0x16: {  	s3 =	sld [smem:$0x3FDB];
	s0 =	simm.s32 @p2 $0x1  }
0x17: {  	s4 =	simm.s32 $0x1BF5;
	[smem:$0x3FBA] =	sst s0  }
0x18: {  	s0 =	sld [smem:$0x3F9D];
	_ =	swait.ge [sflag:s4], $0x0  }
0x19: {  	s7 =	sld [smem:$0x3F9E]  }
0x1a: {  	s8 =	sadd.s32 $0xFFFFE003, lr  }
0x1b: {  	s9 =	sadd.s32 $0xFFFFFEF7, lr;
	s5 =	simm.s32 $0xFFFFFFFF;
	p2 =	slt.u32 s8, $0xFFFFF086  }
0x1c: {  	p1 =	slt.u32 s9, $0xF7A;
	s5 =	simm.s32 @!p2 $0x0  }
0x1d: {  	s5 =	simm.s32 @p1 $0x1;
	p0 =	seq.s32 s7, s2  }
0x1e: {  	s7 =	smul.u32 @!p0 $0xF7A, s2;
	p2 =	seq.s32 @!p0 s5, $0x0  }
0x1f: {  	s9 =	smul.u32 $0xF7A, s1;
	s8 =	simm.s32 @!p0 $0x1BF5;
	p2 =	por !p2, p0  }
0x20: {  	[sflag:s8] =	ssyncset.s32 @!p0 $0xFFFFF086;
	s6 =	sadd.s32 @!p0 s3, s7;
	s7 =	simm.s32 @!p0 $0x108  }
0x21: {  	s3 =	sadd.s32 s3, s9;
	s6 =	sadd.s32 @!p0 $0x88, s6;
	s7 =	simm.s32 @p2 $0x1082  }
0x22: {  	[simem:s7], [sflag:s8] =	dma.local @!p0 [hbm:s6], $0xF7A  }
0x23: {  	s9 =	sor.u32 $0xD0000000, s2;
	s6 =	simm.s32 $0x108;
	_ =	swait.ge @!p0 [sflag:s8], $0x0  }
0x24: {  	s3 =	sadd.s32 $0x88, s3;
	s6 =	simm.s32 @!p1 $0x1082;
	[sflag:s4] =	ssyncset.s32 $0xFFFFF086  }
0x25: {  	[simem:s6], [sflag:s4] =	dma.local [hbm:s3], $0xF7A  }
0x26: {  	[smem:$0x3F9E] =	sst s1;
	(tag) =	ssettag s2;
	_ =	strace s9  }
0x27: {  	s1 =	sld [smem:$0x3FAE]  }
0x28: {  	s2 =	sld [smem:$0x3FAF]  }
0x29: {  	s4 =	sld [smem:$0x3FB1]  }
0x2a: {  	p0 =	seq.s32 s5, $0x0;
	s5 =	sld [smem:$0x3FB2]  }
0x2b: {  	s6 =	sld [smem:$0x3FB3]  }
0x2c: {  	s7 =	sld [smem:$0x3FB4]  }
0x2d: {  	s3 =	simm.s32 $0x108;
	s8 =	sld [smem:$0x3FB5]  }
0x2e: {  	s3 =	simm.s32 @!p0 $0x1082;
	s9 =	sld [smem:$0x3FB6]  }
0x2f: {  	lr =	sadd.s32 s0, s3;
	s0 =	sld [smem:$0x3FAD]  }
0x30: {  	s3 =	sld [smem:$0x3FB0]  }
0x31: {  	[smem:$0x3FB9] =	sst s10  }
0x32: {  	s10 =	sld [smem:$0x3FB7];
	_ =	sdelay $0x3  }
0x33: {  	p0 =	seq.s32 s10, $0x1;
	s10 =	sld [smem:$0x3FB9];
	_ =	sdelay $0x3  }
0x34: {  	[smem:$0x3FB9] =	sst s10  }
0x35: {  	s10 =	sld [smem:$0x3FB8];
	_ =	sdelay $0x3  }
0x36: {  	p1 =	seq.s32 s10, $0x1;
	s10 =	sld [smem:$0x3FB9];
	_ =	sdelay $0x3  }
0x37: {  	[smem:$0x3FB9] =	sst s10  }
0x38: {  	s10 =	sld [smem:$0x3FBA]  }
0x39: {  	_ = 	snop;
	(pc) =	sbr.ind lr, $3  }
0x3a: {  	_ = 	snop  }
0x3b: {  	_ = 	snop  }
0x3c: {  	p2 =	seq.s32 s10, $0x1;
	s10 =	sld [smem:$0x3FB9]  }
0x3d: {  	_ =	shalt  }
0x3e: {  	_ =	shalt  }
0x3f: {  	_ =	shalt  }
0x40: {  	_ =	shalt  }
0x41: {  	_ =	shalt  }
0x42: {  	_ =	shalt  }
0x43: {  	_ =	shalt  }
0x44: {  	_ =	shalt  }
0x45: {  	_ =	shalt  }
0x46: {  	_ =	shalt  }
0x47: {  	_ =	shalt  }
0x48: {  	_ =	shalt  }
0x49: {  	_ =	shalt  }
0x4a: {  	_ =	shalt  }
0x4b: {  	_ =	shalt  }
0x4c: {  	_ =	shalt  }
0x4d: {  	_ =	shalt  }
0x4e: {  	_ =	shalt  }
0x4f: {  	_ =	shalt  }
0x50: {  	_ =	shalt  }
0x51: {  	_ =	shalt  }
0x52: {  	_ =	shalt  }
0x53: {  	_ =	shalt  }
0x54: {  	_ =	shalt  }
0x55: {  	_ =	shalt  }
0x56: {  	_ =	shalt  }
0x57: {  	_ =	shalt  }
0x58: {  	_ =	shalt  }
0x59: {  	_ =	shalt  }
0x5a: {  	_ =	shalt  }
0x5b: {  	_ =	shalt  }
0x5c: {  	_ =	shalt  }
0x5d: {  	_ =	shalt  }
0x5e: {  	_ =	shalt  }
0x5f: {  	_ =	shalt  }
0x60: {  	_ =	shalt  }
0x61: {  	_ =	shalt  }
0x62: {  	_ =	shalt  }
0x63: {  	_ =	shalt  }
0x64: {  	_ =	shalt  }
0x65: {  	_ =	shalt  }
0x66: {  	_ =	shalt  }
0x67: {  	_ =	shalt  }
0x68: {  	_ =	shalt  }
0x69: {  	_ =	shalt  }
0x6a: {  	_ =	shalt  }
0x6b: {  	_ =	shalt  }
0x6c: {  	_ =	shalt  }
0x6d: {  	_ =	shalt  }
0x6e: {  	_ =	shalt  }
0x6f: {  	_ =	shalt  }
0x70: {  	_ =	shalt  }
0x71: {  	_ =	shalt  }
0x72: {  	_ =	shalt  }
0x73: {  	_ =	shalt  }
0x74: {  	_ =	shalt  }
0x75: {  	_ =	shalt  }
0x76: {  	_ =	shalt  }
0x77: {  	_ =	shalt  }
0x78: {  	_ =	shalt  }
0x79: {  	_ =	shalt  }
0x7a: {  	_ =	shalt  }
0x7b: {  	_ =	shalt  }
0x7c: {  	_ =	shalt  }
0x7d: {  	_ =	shalt  }
0x7e: {  	_ =	shalt  }
0x7f: {  	_ =	shalt  }
0x80: {  	_ =	shalt  }
0x81: {  	_ =	shalt  }
0x82: {  	_ =	shalt  }
0x83: {  	_ =	shalt  }
0x84: {  	_ =	shalt  }
0x85: {  	_ =	shalt  }
0x86: {  	_ =	shalt  }
0x87: {  	_ =	shalt  }
.Lfunc_end0:
.L_simem_size_0:
called_computation_lowered:
.L_overlay_start_0:
0x88: {  	s2 =	sld [smem:$0x3FD9]  }
0x89: {  	s3 =	sld [smem:$0x3FFE];
	_ =	sdelay $0x1  }
0x8a: {  	s1 =	srdreg.scid  }
0x8b: {  	s0 =	sand.u32 $0x1, s1  }
0x8c: {  	s17 =	sshll.u32 s0, $0xA;
	s2 =	sadd.s32 s3, s2  }
0x8d: {  	s2 =	sadd.s32 s2, s17  }
0x8e: {  	[smem:$0x3FC5] =	sst s2  }
0x8f: {  	_ = 	snop  }
0x90: {  	s2 =	sld [smem:$0x3FC9]  }
0x91: {  	s18 =	sld [smem:$0x3FC8]  }
0x92: {  	s4 =	sld [smem:$0x3FD0];
	(tm) =	ssettm $0x1  }
0x93: {  	s5 =	sld [smem:$0x3FFB];
	_ =	sdelay $0x3  }
0x94: {  	_ =	strace s5  }
0x95: {  	s5 =	sld [smem:$0x3FFC];
	_ =	sdelay $0x3  }
0x96: {  	_ =	strace s5  }
0x97: {  	s5 =	sld [smem:$0x3FFD];
	_ =	sdelay $0x3  }
0x98: {  	_ =	strace s5  }
0x99: {  	_ =	strace $0x8FFFFFFF  }
0x9a: {  	s19 =	sld [smem:$0x3FDB];
	_ =	sdelay $0x1  }
0x9b: {  	s6 =	simm.s32 $_scs_section_size  }
0x9c: {  	s7 =	simm.s32 $_size__tile_overlayer_lowered;
	s8 =	simm.s32 $_tile_overlayer_lowered  }
0x9d: {  	s22 =	simm.s32 $0x1BFF;
	s21 =	sshll.u32 s8, $0x1;
	s5 =	sadd.s32 s6, s19  }
0x9e: {  	s9 =	simm.s32 $0x0;
	s20 =	sshll.u32 s7, $0x1;
	s7 =	sadd.s32 s21, s5  }
0x9f: {  	[timem:s9], [sflag:s22] =	dma.local [hbm:s7], s20  }
0xa0: {  	_ =	swait.ge [sflag:s22], s20  }
0xa1: {  	s6 =	ssub.s32 $0x0, s20;
	[sflag:s22] =	ssyncset.done $0x0  }
0xa2: {  	[sflag:s22] =	ssyncadd.s32 s6;
	_ =	sdelay $0x1  }
0xa3: {  	s23 =	simm.s32 $0x1B8B  }
0xa4: {  	_ =	swait.ge [sflag:s23], $0x1  }
0xa5: {  	[sflag:s23] =	ssyncset.done $0x0  }
0xa6: {  	s25 =	simm.s32 $0x1B8E;
	s24 =	sld [smem:$0x3FFE];
	[sflag:s23] =	ssyncadd.s32 $0xFFFFFFFF  }
0xa7: {  	s26 =	simm.s32 $execute0_lowered;
	[smem:$0x3FD2] =	sst s25  }
0xa8: {  	s7 =	sshll.u32 s26, $0x1;
	_ =	strace $0x80000046;
	[dreg:$0x1] =	wrdreg $0xFFFFFFFF  }
0xa9: {  	s28 =	simm.s32 $_size_execute0_lowered;
	s5 =	sadd.s32 s5, s7;
	[dreg:$0x0] =	wrdreg $0x0  }
0xaa: {  	s7 =	sshll.u32 s28, $0x1;
	[dreg:$0x2] =	wrdreg s5  }
0xab: {  	[dreg:$0x3] =	wrdreg s7  }
0xac: {  	[dreg:$0x4] =	wrdreg $0xC0  }
0xad: {  	_ =	task [dreg:s9], $0x5FFFF  }
0xae: {  	[dreg:$0x1] =	wrdreg $0xFFFFFFFF  }
0xaf: {  	[dreg:$0x0] =	wrdreg $0x60  }
0xb0: {  	[dreg:$0x2] =	wrdreg s2  }
0xb1: {  	[dreg:$0x3] =	wrdreg s18  }
0xb2: {  	[dreg:$0x4] =	wrdreg s24  }
0xb3: {  	[dreg:$0x5] =	wrdreg s4  }
0xb4: {  	[dreg:$0x6] =	wrdreg $0x9  }
0xb5: {  	_ =	task.clear_ibuf [dreg:s9], $0x7FFFF;
	_ =	strace $0x90000046  }
0xb6: {  	s29 =	simm.s32 $0x9;
	_ =	strace $0x80000048  }
0xb7: {  	_ =	swait.ge [sflag:s29], $0x1  }
0xb8: {  	[sflag:s29] =	ssyncadd.s32 $0xFFFFFFFF  }
0xb9: {  	_ =	strace $0x90000048  }
0xba: {  	_ =	sfence  }
0xbb: {  	s30 =	sld [smem:$0x0];
	_ =	sdelay $0x2  }
0xbc: {  	s31 =	sshll.u32 s1, $0xD;
	s1 =	sshrl.u32 s1, $0x2  }
0xbd: {  	s3 =	sand.u32 $0x4000, s31;
	s1 =	sadd.s32 s1, s30  }
0xbe: {  	s0 =	sor.u32 s3, s0;
	s1 =	sshll.u32 s1, $0x11  }
0xbf: {  	s0 =	sor.u32 s1, s0  }
0xc0: {  	s0 =	sadd.s32 $0x8F2B, s0  }
0xc1: {  	[sflag:s0] =	ssyncadd.remote.s32 $0x1  }
0xc2: {  	_ =	sfence.sel $0xFFFF  }
0xc3: {  	[dreg:$0x0] =	wrdreg $0xFFFFFFFF;
	(pc) =	sbr.abs _section_cstart, $3  }
0xc4: {  	[dreg:$0x1] =	wrdreg $0xFFFFFFFF  }
0xc5: {  	_ =	task.clear_ibuf [dreg:s9], $0x2FFFF;
	_ =	strace $0x9FFFFFFF  }
0xc6: {  	(tm) =	ssettm $0x7FFFFFFF  }
0xc7: {  	_ =	shalt  }
tec
execute0_lowered:
.L_overlay_start_1:
0x0: {  	(tag) =	ssettag $0x1  }
0x1: {  	s1 =	rddreg [dreg:$0x0]  }
0x2: {  	s0 =	rddreg [dreg:$0x2];
	s2 =	srdreg.scid  }
0x3: {  	s3 =	stileid.u32;
	s4 =	rddreg [dreg:$0x3];
	s5 =	simm.s32 $0x0  }
0x4: {  	s13 =	simm.s32 $0x1;
	s14 =	simm.s32 $0x68;
	s21 =	simm.s32 $0x910  }
0x5: {  	s22 =	simm.s32 $0x3BF0;
	s23 =	simm.s32 $0xD30;
	s28 =	simm.s32 $0xD98  }
0x6: {  	s29 =	simm.s32 $0x8370;
	s30 =	simm.s32 $0x9E0;
	s31 =	simm.s32 $0x48F0  }
0x7: {  	s12 =	simm.s32 $0x9070;
	s2 =	sand.u32 $0x1, s2;
	s3 =	sshll.u32 s3, $0x1  }
0x8: {  	s11 =	simm.s32 $0x0;
	s3 =	sor.u32 s2, s3;
	s2 =	ssub.s32 $0x2, s2  }
0x9: {  	[smem:$0x7FF] =	sst s5;
	s6 =	smul.u32 $0x1A000, s3;
	s7 =	sshrl.u32 s2, $0x1  }
0xa: {  	_ =	strace $0x80000047;
	s8 =	smul.u32 $0x2080, s3;
	s24 =	ssub.s32 s2, s7  }
0xb: {  	s7 =	sshll.u32 s3, $0x7;
	s3 =	simm.s32 $0xE00;
	s9 =	sshrl.u32 s6, $0x3  }
0xc: {  	s6 =	sadd.s32 $0x13D68C00, s0;
	s26 =	sadd.s32 s1, s8;
	s0 =	smax.u32 s24, $0x1  }
0xd: {  	s24 =	simm.s32 $0x7CF0;
	s8 =	simm.s32 $0x4;
	[dreg:$0x5] =	wrdreg s26  }
0xe: {  	s25 =	sadd.s32 s4, s9;
	[dreg:$0x7] =	wrdreg s0;
	s9 =	simm.s32 $0x2  }
0xf: {  	s26 =	simm.s32 $0x4270;
	s0 =	simm.s32 $0x89F0;
	s2 =	sadd.s32 $0x3398, s25  }
0x10: {  	s25 =	simm.s32 $0x978;
	[dreg:$0x6] =	wrdreg s2;
	s2 =	simm.s32 $0x3  }
.LBB2_1:
0x11: {  	[dreg:$0x8] =	wrdreg s11  }
0x12: {  	s10 =	rddreg [dreg:$0x1];
	s18 =	simm.s32 $0x7  }
0x13: {  	[tilespmem:s5], [sflag:$0x7] =	stream.linear.gather [hbm4b:s10+s5], $0x210, $0x38;
	[tilespmem:$0x96F0] =	vst v63  }
0x14: {  	_ =	swait.ge [sflag:s18], $0x210  }
0x15: {  	s20 =	simm.s32 $0x210;
	[sflag:s18] =	ssyncset.done $0x0  }
0x16: {  	s10 =	simm.s32 $0x0;
	s19 =	rddreg [dreg:$0x5];
	[sflag:s18] =	ssyncadd.s32 $0xFFFFFDF0  }
0x17: {  	[tilespmem:s20], [sflag:$0x1] =	stream.linear.gather [hbm4b:s19+s5], $0x208, $0x38;
	[tilespmem:$0x96F0] =	vst v63  }
.LBB2_2:
0x18: {  	_ =	swait.ge [sflag:s13], $0x208  }
0x19: {  	[sflag:s13] =	ssyncset.done $0x0  }
0x1a: {  	s11 =	simm.s32 $0x0;
	[sflag:s13] =	ssyncadd.s32 $0xFFFFFDF8  }
0x1b: {  	v0 =	vld [tilespmem:s11+$0x210]  }
0x1c: {  	v1 =	vld [tilespmem:s11+$0x0];
	_ =	sdelay $0x1  }
0x1d: {  	s15 =	simm.s32 $0x40  }
.LBB2_3:
0x1e: {  	p0 =	sne.s32 s15, $0x800  }
.Ltmp0:
0x1f: {  	s16 =	sshra.s32 s15, $0x2;
	(pc) =	sbr.rel @p0 .LBB2_3-.Ltmp0, $4  }
0x20: {  	s15 =	sadd.s32 $0x40, s15;
	v2 =	vadd.s32 v0, v1;
	v0 =	vld [tilespmem:s16+$0x210]  }
0x21: {  	v1 =	vld [tilespmem:s16+$0x0];
	v2 =	vshll.u32 v2, $0x3  }
0x22: {  	[tilespmem:s11+$0x630] =	vst v2;
	v2 =	vor.u32 $0x1, v2  }
0x23: {  	[tilespmem:s11+$0xA50] =	vst v2;
	s11 =	smov.u32 s16  }
0x24: {  	_ =	sdelay $0x1  }
0x25: {  	v0 =	vadd.s32 v0, v1  }
0x26: {  	v0 =	vshll.u32 v0, $0x3  }
0x27: {  	[tilespmem:s11+$0x630] =	vst v0;
	v0 =	vor.u32 $0x1, v0  }
0x28: {  	s18 =	simm.s32 $0x630;
	s15 =	simm.s32 $0xE70;
	[tilespmem:s11+$0xA50] =	vst v0  }
0x29: {  	[tilespmem:s15], [sflag:$0x3] =	stream.indirect.gather [hbm4b:s6+s14], $0x10, s18, s14, $0xb8;
	[tilespmem:$0x96F0] =	vst v63  }
0x2a: {  	s19 =	simm.s32 $0xA50;
	s20 =	simm.s32 $0x4F70  }
0x2b: {  	[tilespmem:s20], [sflag:$0x3] =	stream.indirect.gather [hbm4b:s6+s14], $0x10, s19, s14, $0xb8;
	[tilespmem:$0x96F0] =	vst v63  }
0x2c: {  	s16 =	simm.s32 $0x14F0;
	s15 =	simm.s32 $0x698  }
0x2d: {  	[tilespmem:s16], [sflag:$0x3] =	stream.indirect.gather [hbm4b:s6+s14], $0x10, s15, s14, $0xb8;
	[tilespmem:$0x96F0] =	vst v63  }
0x2e: {  	s17 =	simm.s32 $0xAB8;
	s18 =	simm.s32 $0x55F0  }
0x2f: {  	[tilespmem:s18], [sflag:$0x3] =	stream.indirect.gather [hbm4b:s6+s14], $0x10, s17, s14, $0xb8;
	[tilespmem:$0x96F0] =	vst v63  }
0x30: {  	s19 =	simm.s32 $0x700;
	s20 =	simm.s32 $0x1B70  }
0x31: {  	[tilespmem:s20], [sflag:$0x3] =	stream.indirect.gather [hbm4b:s6+s14], $0x10, s19, s14, $0xb8;
	[tilespmem:$0x96F0] =	vst v63  }
0x32: {  	p0 =	seq.s32 s10, $0x0;
	s15 =	simm.s32 $0xB20;
	s16 =	simm.s32 $0x5C70  }
0x33: {  	[tilespmem:s16], [sflag:$0x3] =	stream.indirect.gather [hbm4b:s6+s14], $0x10, s15, s14, $0xb8;
	[tilespmem:$0x96F0] =	vst v63  }
0x34: {  	s17 =	simm.s32 $0x768;
	s18 =	simm.s32 $0x21F0;
	s19 =	sshll.u32 s10, $0x1  }
0x35: {  	[tilespmem:s18], [sflag:$0x3] =	stream.indirect.gather [hbm4b:s6+s14], $0x10, s17, s14, $0xb8;
	[tilespmem:$0x96F0] =	vst v63  }
0x36: {  	s20 =	simm.s32 $0xB88;
	s11 =	sadd.s32 s7, s19;
	s16 =	simm.s32 $0x62F0  }
0x37: {  	[tilespmem:s16], [sflag:$0x3] =	stream.indirect.gather [hbm4b:s6+s14], $0x10, s20, s14, $0xb8;
	[tilespmem:$0x96F0] =	vst v63  }
0x38: {  	s15 =	smul.u32 $0x208, s11;
	s17 =	simm.s32 $0x2870;
	s16 =	simm.s32 $0x7D0  }
0x39: {  	[tilespmem:s17], [sflag:$0x3] =	stream.indirect.gather [hbm4b:s6+s14], $0x10, s16, s14, $0xb8;
	[tilespmem:$0x96F0] =	vst v63  }
.Ltmp1:
0x3a: {  	s19 =	sadd.s32 $0x208, s15;
	(pc) =	sbr.rel @p0 .LBB2_8-.Ltmp1, $4  }
0x3b: {  	s18 =	simm.s32 $0xBF0;
	s17 =	simm.s32 $0x6970;
	s16 =	sshrl.u32 s19, $0x3  }
0x3c: {  	[tilespmem:s17], [sflag:$0x3] =	stream.indirect.gather [hbm4b:s6+s14], $0x10, s18, s14, $0xb8;
	[tilespmem:$0x96F0] =	vst v63  }
0x3d: {  	s20 =	simm.s32 $0x420;
	s16 =	sadd.s32 s1, s16  }
0x3e: {  	[tilespmem:s20], [sflag:$0x2] =	stream.linear.gather [hbm4b:s16+s5], $0x208, $0x38;
	[tilespmem:$0x96F0] =	vst v63  }
0x3f: {  	_ =	swait.ge [sflag:s8], $0x680  }
0x40: {  	[sflag:s8] =	ssyncset.done $0x0  }
0x41: {  	[sflag:s8] =	ssyncadd.s32 $0xFFFFF980  }
0x42: {  	_ =	swait.ge [sflag:s8], $0x680  }
0x43: {  	[sflag:s8] =	ssyncset.done $0x0  }
0x44: {  	[sflag:s8] =	ssyncadd.s32 $0xFFFFF980  }
0x45: {  	_ =	swait.ge [sflag:s8], $0x680  }
0x46: {  	[sflag:s8] =	ssyncset.done $0x0  }
0x47: {  	[sflag:s8] =	ssyncadd.s32 $0xFFFFF980  }
0x48: {  	_ =	swait.ge [sflag:s8], $0x680  }
0x49: {  	[sflag:s8] =	ssyncset.done $0x0  }
0x4a: {  	[sflag:s8] =	ssyncadd.s32 $0xFFFFF980  }
0x4b: {  	_ =	swait.ge [sflag:s8], $0x680  }
0x4c: {  	[sflag:s8] =	ssyncset.done $0x0  }
0x4d: {  	[sflag:s8] =	ssyncadd.s32 $0xFFFFF980  }
0x4e: {  	_ =	swait.ge [sflag:s8], $0x680  }
0x4f: {  	[sflag:s8] =	ssyncset.done $0x0  }
0x50: {  	[sflag:s8] =	ssyncadd.s32 $0xFFFFF980  }
0x51: {  	_ =	swait.ge [sflag:s8], $0x680  }
0x52: {  	[sflag:s8] =	ssyncset.done $0x0  }
0x53: {  	[sflag:s8] =	ssyncadd.s32 $0xFFFFF980  }
0x54: {  	_ =	swait.ge [sflag:s8], $0x680  }
0x55: {  	[sflag:s8] =	ssyncset.done $0x0  }
0x56: {  	[sflag:s8] =	ssyncadd.s32 $0xFFFFF980  }
0x57: {  	_ =	swait.ge [sflag:s8], $0x680  }
0x58: {  	[sflag:s8] =	ssyncset.done $0x0  }
0x59: {  	[sflag:s8] =	ssyncadd.s32 $0xFFFFF980  }
0x5a: {  	_ =	swait.ge [sflag:s8], $0x680  }
0x5b: {  	p1 =	seq.s32 s10, $0x1;
	[sflag:s8] =	ssyncset.done $0x0  }
0x5c: {  	s16 =	simm.s32 @!p1 $0x6;
	[sflag:s8] =	ssyncadd.s32 $0xFFFFF980  }
0x5d: {  	_ =	swait.ge @!p1 [sflag:s16], $0x340  }
0x5e: {  	[sflag:s16] =	ssyncset.done @!p1 $0x0  }
0x5f: {  	s17 =	simm.s32 $0x0;
	[sflag:s16] =	ssyncadd.s32 @!p1 $0xFFFFFCC0  }
0x60: {  	v0 =	vld [tilespmem:s17+$0x7000]  }
0x61: {  	v3 =	vld [tilespmem:s17+$0x2F00]  }
0x62: {  	v5 =	vld [tilespmem:s17+$0x2EF0]  }
0x63: {  	v4 =	vld [tilespmem:s17+$0x6FF0]  }
0x64: {  	v1 =	vld [tilespmem:s17+$0x2F10]  }
0x65: {  	s18 =	simm.s32 $0x93C0;
	s19 =	simm.s32 $0x500;
	s16 =	simm.s32 $0x93C0;
	v2 =	vld [tilespmem:s17+$0x7010]  }
.LBB2_6:
0x66: {  	p1 =	sne.s32 s19, $0x7D00  }
0x67: {  	v6 =	vld [tilespmem:s17+$0x2F20];
	s18 =	sadd.s32 $0x20, s18;
	s20 =	smov.u32 s19;
	s19 =	sadd.s32 $0x500, s19  }
0x68: {  	v3 =	vadd.f32 v3, v5;
	v5 =	vld [tilespmem:s17+$0x7020]  }
0x69: {  	v0 =	vadd.f32 v0, v4;
	v4 =	vld [tilespmem:s17+$0x2F30]  }
0x6a: {  	s20 =	sshra.s32 s20, $0x2;
	v1 =	vadd.f32 v1, v3;
	v3 =	vld [tilespmem:s17+$0x7030]  }
0x6b: {  	v0 =	vadd.f32 v2, v0;
	v2 =	vld [tilespmem:s17+$0x2F40]  }
0x6c: {  	v1 =	vadd.f32 v6, v1;
	v6 =	vld [tilespmem:s17+$0x7040]  }
0x6d: {  	v0 =	vadd.f32 v5, v0;
	v5 =	vld [tilespmem:s17+$0x2F50]  }
0x6e: {  	v1 =	vadd.f32 v4, v1;
	v4 =	vld [tilespmem:s17+$0x7050]  }
0x6f: {  	v0 =	vadd.f32 v3, v0;
	v3 =	vld [tilespmem:s17+$0x2F60]  }
0x70: {  	v1 =	vadd.f32 v2, v1;
	v2 =	vld [tilespmem:s17+$0x7060]  }
0x71: {  	v0 =	vadd.f32 v6, v0;
	v6 =	vld [tilespmem:s17+$0x2F70]  }
0x72: {  	v1 =	vadd.f32 v5, v1;
	v5 =	vld [tilespmem:s17+$0x7070]  }
0x73: {  	v0 =	vadd.f32 v4, v0;
	v4 =	vld [tilespmem:s17+$0x2F80]  }
0x74: {  	v1 =	vadd.f32 v3, v1;
	v3 =	vld [tilespmem:s17+$0x7080]  }
0x75: {  	v0 =	vadd.f32 v2, v0;
	v2 =	vld [tilespmem:s17+$0x2F90]  }
0x76: {  	v1 =	vadd.f32 v6, v1;
	v6 =	vld [tilespmem:s17+$0x7090]  }
0x77: {  	v0 =	vadd.f32 v5, v0;
	v5 =	vld [tilespmem:s17+$0x2FA0]  }
0x78: {  	v1 =	vadd.f32 v4, v1;
	v4 =	vld [tilespmem:s17+$0x70A0]  }
0x79: {  	v0 =	vadd.f32 v3, v0;
	v3 =	vld [tilespmem:s17+$0x2FB0]  }
0x7a: {  	v1 =	vadd.f32 v2, v1;
	v2 =	vld [tilespmem:s17+$0x70B0]  }
0x7b: {  	v0 =	vadd.f32 v6, v0;
	v6 =	vld [tilespmem:s17+$0x2FC0]  }
0x7c: {  	v1 =	vadd.f32 v5, v1;
	v5 =	vld [tilespmem:s17+$0x70C0]  }
0x7d: {  	v0 =	vadd.f32 v4, v0;
	v4 =	vld [tilespmem:s17+$0x2FD0]  }
0x7e: {  	v1 =	vadd.f32 v3, v1;
	v3 =	vld [tilespmem:s17+$0x70D0]  }
0x7f: {  	v0 =	vadd.f32 v2, v0;
	v2 =	vld [tilespmem:s17+$0x2FE0]  }
0x80: {  	v1 =	vadd.f32 v6, v1;
	v6 =	vld [tilespmem:s17+$0x70E0]  }
0x81: {  	v0 =	vadd.f32 v5, v0;
	v5 =	vld [tilespmem:s17+$0x2FF0]  }
0x82: {  	v1 =	vadd.f32 v4, v1;
	v4 =	vld [tilespmem:s17+$0x70F0]  }
0x83: {  	v0 =	vadd.f32 v3, v0;
	v3 =	vld [tilespmem:s17+$0x3000]  }
0x84: {  	v1 =	vadd.f32 v2, v1;
	v2 =	vld [tilespmem:s17+$0x7100]  }
0x85: {  	v0 =	vadd.f32 v6, v0;
	v6 =	vld [tilespmem:s17+$0x3010]  }
0x86: {  	v1 =	vadd.f32 v5, v1;
	v5 =	vld [tilespmem:s17+$0x7110]  }
0x87: {  	v0 =	vadd.f32 v4, v0;
	v4 =	vld [tilespmem:s17+$0x3020]  }
0x88: {  	v1 =	vadd.f32 v3, v1;
	v3 =	vld [tilespmem:s17+$0x7120];
	s17 =	smov.u32 s20  }
0x89: {  	v0 =	vadd.f32 v2, v0  }
0x8a: {  	v1 =	vadd.f32 v6, v1  }
0x8b: {  	v0 =	vadd.f32 v5, v0  }
0x8c: {  	v1 =	vadd.f32 v4, v1  }
0x8d: {  	v0 =	vadd.f32 v3, v0  }
0x8e: {  	v1 =	vmul.f32 $5.000000070e-02, v1  }
0x8f: {  	v0 =	vmul.f32 $5.000000070e-02, v0  }
0x90: {  	[tilespmem:s16+$0xFFFFFFF0] =	vst v1  }
0x91: {  	[tilespmem:s16+$0x0] =	vst v0;
	s16 =	smov.u32 s18  }
0x92: {  	v0 =	vld [tilespmem:s17+$0x7000]  }
.Ltmp2:
0x93: {  	v3 =	vld [tilespmem:s17+$0x2F00];
	(pc) =	sbr.rel @p1 .LBB2_6-.Ltmp2, $4  }
0x94: {  	v5 =	vld [tilespmem:s17+$0x2EF0]  }
0x95: {  	v4 =	vld [tilespmem:s17+$0x6FF0]  }
0x96: {  	v1 =	vld [tilespmem:s17+$0x2F10]  }
0x97: {  	v2 =	vld [tilespmem:s17+$0x7010]  }
0x98: {  	v6 =	vld [tilespmem:s17+$0x2F20]  }
0x99: {  	v31 =	vld [tilespmem:s17+$0x7020];
	v3 =	vadd.f32 v3, v5  }
0x9a: {  	v32 =	vld [tilespmem:s17+$0x2F30];
	v0 =	vadd.f32 v0, v4  }
0x9b: {  	v33 =	vld [tilespmem:s17+$0x7030];
	v1 =	vadd.f32 v1, v3  }
0x9c: {  	v34 =	vld [tilespmem:s17+$0x2F40];
	v0 =	vadd.f32 v2, v0  }
0x9d: {  	v35 =	vld [tilespmem:s17+$0x7040];
	v1 =	vadd.f32 v6, v1  }
0x9e: {  	v36 =	vld [tilespmem:s17+$0x2F50];
	v0 =	vadd.f32 v31, v0  }
0x9f: {  	v37 =	vld [tilespmem:s17+$0x7050];
	v1 =	vadd.f32 v32, v1  }
0xa0: {  	v38 =	vld [tilespmem:s17+$0x2F60];
	v0 =	vadd.f32 v33, v0  }
0xa1: {  	v39 =	vld [tilespmem:s17+$0x7060];
	v1 =	vadd.f32 v34, v1  }
0xa2: {  	v40 =	vld [tilespmem:s17+$0x2F70];
	v0 =	vadd.f32 v35, v0  }
0xa3: {  	v41 =	vld [tilespmem:s17+$0x7070];
	v1 =	vadd.f32 v36, v1  }
0xa4: {  	v42 =	vld [tilespmem:s17+$0x2F80];
	v0 =	vadd.f32 v37, v0  }
0xa5: {  	v43 =	vld [tilespmem:s17+$0x7080];
	v1 =	vadd.f32 v38, v1  }
0xa6: {  	v44 =	vld [tilespmem:s17+$0x2F90];
	v0 =	vadd.f32 v39, v0  }
0xa7: {  	v45 =	vld [tilespmem:s17+$0x7090];
	v1 =	vadd.f32 v40, v1  }
0xa8: {  	v46 =	vld [tilespmem:s17+$0x2FA0];
	v0 =	vadd.f32 v41, v0  }
0xa9: {  	v47 =	vld [tilespmem:s17+$0x70A0];
	v1 =	vadd.f32 v42, v1  }
0xaa: {  	v48 =	vld [tilespmem:s17+$0x2FB0];
	v0 =	vadd.f32 v43, v0  }
0xab: {  	v49 =	vld [tilespmem:s17+$0x70B0];
	v1 =	vadd.f32 v44, v1  }
0xac: {  	v50 =	vld [tilespmem:s17+$0x2FC0];
	v0 =	vadd.f32 v45, v0  }
0xad: {  	v51 =	vld [tilespmem:s17+$0x70C0];
	v1 =	vadd.f32 v46, v1  }
0xae: {  	v52 =	vld [tilespmem:s17+$0x2FD0];
	v0 =	vadd.f32 v47, v0  }
0xaf: {  	v53 =	vld [tilespmem:s17+$0x70D0];
	v1 =	vadd.f32 v48, v1  }
0xb0: {  	v54 =	vld [tilespmem:s17+$0x2FE0];
	v0 =	vadd.f32 v49, v0  }
0xb1: {  	v55 =	vld [tilespmem:s17+$0x70E0];
	v1 =	vadd.f32 v50, v1  }
0xb2: {  	v56 =	vld [tilespmem:s17+$0x2FF0];
	v0 =	vadd.f32 v51, v0  }
0xb3: {  	v57 =	vld [tilespmem:s17+$0x70F0];
	v1 =	vadd.f32 v52, v1  }
0xb4: {  	v58 =	vld [tilespmem:s17+$0x3000];
	v0 =	vadd.f32 v53, v0  }
0xb5: {  	v59 =	vld [tilespmem:s17+$0x7100];
	v1 =	vadd.f32 v54, v1  }
0xb6: {  	v60 =	vld [tilespmem:s17+$0x3010];
	v0 =	vadd.f32 v55, v0  }
0xb7: {  	v61 =	vld [tilespmem:s17+$0x7110];
	v1 =	vadd.f32 v56, v1  }
0xb8: {  	v62 =	vld [tilespmem:s17+$0x3020];
	v0 =	vadd.f32 v57, v0  }
0xb9: {  	v63 =	vld [tilespmem:s17+$0x7120];
	v1 =	vadd.f32 v58, v1  }
0xba: {  	v0 =	vadd.f32 v59, v0  }
0xbb: {  	v1 =	vadd.f32 v60, v1  }
0xbc: {  	v0 =	vadd.f32 v61, v0  }
0xbd: {  	v1 =	vadd.f32 v62, v1  }
0xbe: {  	s18 =	smul.u32 $0x340, s11;
	v0 =	vadd.f32 v63, v0  }
0xbf: {  	v1 =	vmul.f32 $5.000000070e-02, v1  }
0xc0: {  	s17 =	sadd.s32 $0xFFFFFCC0, s18;
	v0 =	vmul.f32 $5.000000070e-02, v0  }
0xc1: {  	s17 =	sshrl.u32 s17, $0x3;
	[tilespmem:s16+$0xFFFFFFF0] =	vst v1  }
0xc2: {  	s20 =	simm.s32 $0x93B0;
	s19 =	sadd.s32 s4, s17;
	[tilespmem:s16+$0x0] =	vst v0  }
0xc3: {  	[hbm4b:s19+s5] =	stream.linear.scatter [tilespmem:s20], [sflag:$0x6], $0x340, $0x38;
	[tilespmem:$0x96F0] =	vst v63  }
.LBB2_8:
0xc4: {  	_ =	swait.ge [sflag:s9], $0x208  }
0xc5: {  	[sflag:s9] =	ssyncset.done $0x0  }
0xc6: {  	s16 =	simm.s32 $0x0;
	[sflag:s9] =	ssyncadd.s32 $0xFFFFFDF8  }
0xc7: {  	v0 =	vld [tilespmem:s16+$0x420]  }
0xc8: {  	v1 =	vld [tilespmem:s16+$0x0];
	_ =	sdelay $0x1  }
0xc9: {  	s17 =	simm.s32 $0x40  }
.LBB2_9:
0xca: {  	p1 =	sne.s32 s17, $0x800  }
.Ltmp3:
0xcb: {  	s18 =	sshra.s32 s17, $0x2;
	(pc) =	sbr.rel @p1 .LBB2_9-.Ltmp3, $4  }
0xcc: {  	s17 =	sadd.s32 $0x40, s17;
	v2 =	vadd.s32 v0, v1;
	v0 =	vld [tilespmem:s18+$0x420]  }
0xcd: {  	v1 =	vld [tilespmem:s18+$0x0];
	v2 =	vshll.u32 v2, $0x3  }
0xce: {  	[tilespmem:s16+$0x840] =	vst v2;
	v2 =	vor.u32 $0x1, v2  }
0xcf: {  	[tilespmem:s16+$0xC60] =	vst v2;
	s16 =	smov.u32 s18  }
0xd0: {  	_ =	sdelay $0x1  }
0xd1: {  	v0 =	vadd.s32 v0, v1  }
0xd2: {  	v0 =	vshll.u32 v0, $0x3  }
0xd3: {  	[tilespmem:s16+$0x840] =	vst v0;
	v0 =	vor.u32 $0x1, v0  }
0xd4: {  	s18 =	simm.s32 $0x840;
	s17 =	simm.s32 $0x2EF0;
	[tilespmem:s16+$0xC60] =	vst v0  }
0xd5: {  	[tilespmem:s17], [sflag:$0x4] =	stream.indirect.gather [hbm4b:s6+s14], $0x10, s18, s14, $0xb8;
	[tilespmem:$0x96F0] =	vst v63  }
0xd6: {  	s19 =	simm.s32 $0xC60;
	s20 =	simm.s32 $0x6FF0  }
0xd7: {  	[tilespmem:s20], [sflag:$0x4] =	stream.indirect.gather [hbm4b:s6+s14], $0x10, s19, s14, $0xb8;
	[tilespmem:$0x96F0] =	vst v63  }
0xd8: {  	s17 =	simm.s32 $0x8A8;
	s18 =	simm.s32 $0x3570  }
0xd9: {  	[tilespmem:s18], [sflag:$0x4] =	stream.indirect.gather [hbm4b:s6+s14], $0x10, s17, s14, $0xb8;
	[tilespmem:$0x96F0] =	vst v63  }
0xda: {  	s19 =	simm.s32 $0xCC8;
	s20 =	simm.s32 $0x7670  }
0xdb: {  	[tilespmem:s20], [sflag:$0x4] =	stream.indirect.gather [hbm4b:s6+s14], $0x10, s19, s14, $0xb8;
	[tilespmem:$0x96F0] =	vst v63  }
0xdc: {  	_ = 	snop  }
0xdd: {  	[tilespmem:s22], [sflag:$0x4] =	stream.indirect.gather [hbm4b:s6+s14], $0x10, s21, s14, $0xb8;
	[tilespmem:$0x96F0] =	vst v63  }
0xde: {  	_ = 	snop  }
0xdf: {  	[tilespmem:s24], [sflag:$0x4] =	stream.indirect.gather [hbm4b:s6+s14], $0x10, s23, s14, $0xb8;
	[tilespmem:$0x96F0] =	vst v63  }
0xe0: {  	_ = 	snop  }
0xe1: {  	[tilespmem:s26], [sflag:$0x4] =	stream.indirect.gather [hbm4b:s6+s14], $0x10, s25, s14, $0xb8;
	[tilespmem:$0x96F0] =	vst v63  }
0xe2: {  	p1 =	seq.s32 s10, $0x3F  }
0xe3: {  	[tilespmem:s29], [sflag:$0x4] =	stream.indirect.gather [hbm4b:s6+s14], $0x10, s28, s14, $0xb8;
	[tilespmem:$0x96F0] =	vst v63  }
0xe4: {  	s15 =	sshrl.u32 @!p1 s15, $0x3  }
0xe5: {  	[tilespmem:s31], [sflag:$0x4] =	stream.indirect.gather [hbm4b:s6+s14], $0x10, s30, s14, $0xb8;
	[tilespmem:$0x96F0] =	vst v63  }
0xe6: {  	s15 =	sadd.s32 @!p1 s1, s15  }
0xe7: {  	[tilespmem:s0], [sflag:$0x4] =	stream.indirect.gather [hbm4b:s6+s14], $0x10, s3, s14, $0xb8;
	[tilespmem:$0x96F0] =	vst v63  }
0xe8: {  	s15 =	sadd.s32 @!p1 $0x82, s15;
	s16 =	simm.s32 @!p1 $0x0;
	s17 =	simm.s32 @!p1 $0x210  }
0xe9: {  	[tilespmem:s17], [sflag:$0x1] =	stream.linear.gather @!p1 [hbm4b:s15+s16], $0x208, $0x38;
	[tilespmem:$0x96F0] =	vst v63  }
0xea: {  	_ =	swait.ge [sflag:s2], $0x680  }
0xeb: {  	[sflag:s2] =	ssyncset.done $0x0  }
0xec: {  	[sflag:s2] =	ssyncadd.s32 $0xFFFFF980  }
0xed: {  	_ =	swait.ge [sflag:s2], $0x680  }
0xee: {  	[sflag:s2] =	ssyncset.done $0x0  }
0xef: {  	[sflag:s2] =	ssyncadd.s32 $0xFFFFF980  }
0xf0: {  	_ =	swait.ge [sflag:s2], $0x680  }
0xf1: {  	[sflag:s2] =	ssyncset.done $0x0  }
0xf2: {  	[sflag:s2] =	ssyncadd.s32 $0xFFFFF980  }
0xf3: {  	_ =	swait.ge [sflag:s2], $0x680  }
0xf4: {  	[sflag:s2] =	ssyncset.done $0x0  }
0xf5: {  	[sflag:s2] =	ssyncadd.s32 $0xFFFFF980  }
0xf6: {  	_ =	swait.ge [sflag:s2], $0x680  }
0xf7: {  	[sflag:s2] =	ssyncset.done $0x0  }
0xf8: {  	[sflag:s2] =	ssyncadd.s32 $0xFFFFF980  }
0xf9: {  	_ =	swait.ge [sflag:s2], $0x680  }
0xfa: {  	[sflag:s2] =	ssyncset.done $0x0  }
0xfb: {  	[sflag:s2] =	ssyncadd.s32 $0xFFFFF980  }
0xfc: {  	_ =	swait.ge [sflag:s2], $0x680  }
0xfd: {  	[sflag:s2] =	ssyncset.done $0x0  }
0xfe: {  	[sflag:s2] =	ssyncadd.s32 $0xFFFFF980  }
0xff: {  	_ =	swait.ge [sflag:s2], $0x680  }
0x100: {  	[sflag:s2] =	ssyncset.done $0x0  }
0x101: {  	[sflag:s2] =	ssyncadd.s32 $0xFFFFF980  }
0x102: {  	_ =	swait.ge [sflag:s2], $0x680  }
0x103: {  	[sflag:s2] =	ssyncset.done $0x0  }
0x104: {  	[sflag:s2] =	ssyncadd.s32 $0xFFFFF980  }
0x105: {  	_ =	swait.ge [sflag:s2], $0x680  }
0x106: {  	[sflag:s2] =	ssyncset.done $0x0  }
0x107: {  	s15 =	simm.s32 @!p0 $0x5;
	[sflag:s2] =	ssyncadd.s32 $0xFFFFF980  }
0x108: {  	_ =	swait.ge @!p0 [sflag:s15], $0x340  }
0x109: {  	[sflag:s15] =	ssyncset.done @!p0 $0x0  }
0x10a: {  	s16 =	simm.s32 $0x0;
	[sflag:s15] =	ssyncadd.s32 @!p0 $0xFFFFFCC0  }
0x10b: {  	v0 =	vld [tilespmem:s16+$0x4F80]  }
0x10c: {  	v3 =	vld [tilespmem:s16+$0xE80]  }
0x10d: {  	v5 =	vld [tilespmem:s16+$0xE70]  }
0x10e: {  	v4 =	vld [tilespmem:s16+$0x4F70]  }
0x10f: {  	v1 =	vld [tilespmem:s16+$0xE90]  }
0x110: {  	s18 =	simm.s32 $0x500;
	s17 =	simm.s32 $0x9080;
	s15 =	simm.s32 $0x9080;
	v2 =	vld [tilespmem:s16+$0x4F90]  }
.LBB2_11:
0x111: {  	p0 =	sne.s32 s18, $0x7D00  }
0x112: {  	v6 =	vld [tilespmem:s16+$0xEA0];
	s17 =	sadd.s32 $0x20, s17;
	s19 =	smov.u32 s18;
	s18 =	sadd.s32 $0x500, s18  }
0x113: {  	v3 =	vadd.f32 v3, v5;
	v5 =	vld [tilespmem:s16+$0x4FA0]  }
0x114: {  	v0 =	vadd.f32 v0, v4;
	v4 =	vld [tilespmem:s16+$0xEB0]  }
0x115: {  	s19 =	sshra.s32 s19, $0x2;
	v1 =	vadd.f32 v1, v3;
	v3 =	vld [tilespmem:s16+$0x4FB0]  }
0x116: {  	v0 =	vadd.f32 v2, v0;
	v2 =	vld [tilespmem:s16+$0xEC0]  }
0x117: {  	v1 =	vadd.f32 v6, v1;
	v6 =	vld [tilespmem:s16+$0x4FC0]  }
0x118: {  	v0 =	vadd.f32 v5, v0;
	v5 =	vld [tilespmem:s16+$0xED0]  }
0x119: {  	v1 =	vadd.f32 v4, v1;
	v4 =	vld [tilespmem:s16+$0x4FD0]  }
0x11a: {  	v0 =	vadd.f32 v3, v0;
	v3 =	vld [tilespmem:s16+$0xEE0]  }
0x11b: {  	v1 =	vadd.f32 v2, v1;
	v2 =	vld [tilespmem:s16+$0x4FE0]  }
0x11c: {  	v0 =	vadd.f32 v6, v0;
	v6 =	vld [tilespmem:s16+$0xEF0]  }
0x11d: {  	v1 =	vadd.f32 v5, v1;
	v5 =	vld [tilespmem:s16+$0x4FF0]  }
0x11e: {  	v0 =	vadd.f32 v4, v0;
	v4 =	vld [tilespmem:s16+$0xF00]  }
0x11f: {  	v1 =	vadd.f32 v3, v1;
	v3 =	vld [tilespmem:s16+$0x5000]  }
0x120: {  	v0 =	vadd.f32 v2, v0;
	v2 =	vld [tilespmem:s16+$0xF10]  }
0x121: {  	v1 =	vadd.f32 v6, v1;
	v6 =	vld [tilespmem:s16+$0x5010]  }
0x122: {  	v0 =	vadd.f32 v5, v0;
	v5 =	vld [tilespmem:s16+$0xF20]  }
0x123: {  	v1 =	vadd.f32 v4, v1;
	v4 =	vld [tilespmem:s16+$0x5020]  }
0x124: {  	v0 =	vadd.f32 v3, v0;
	v3 =	vld [tilespmem:s16+$0xF30]  }
0x125: {  	v1 =	vadd.f32 v2, v1;
	v2 =	vld [tilespmem:s16+$0x5030]  }
0x126: {  	v0 =	vadd.f32 v6, v0;
	v6 =	vld [tilespmem:s16+$0xF40]  }
0x127: {  	v1 =	vadd.f32 v5, v1;
	v5 =	vld [tilespmem:s16+$0x5040]  }
0x128: {  	v0 =	vadd.f32 v4, v0;
	v4 =	vld [tilespmem:s16+$0xF50]  }
0x129: {  	v1 =	vadd.f32 v3, v1;
	v3 =	vld [tilespmem:s16+$0x5050]  }
0x12a: {  	v0 =	vadd.f32 v2, v0;
	v2 =	vld [tilespmem:s16+$0xF60]  }
0x12b: {  	v1 =	vadd.f32 v6, v1;
	v6 =	vld [tilespmem:s16+$0x5060]  }
0x12c: {  	v0 =	vadd.f32 v5, v0;
	v5 =	vld [tilespmem:s16+$0xF70]  }
0x12d: {  	v1 =	vadd.f32 v4, v1;
	v4 =	vld [tilespmem:s16+$0x5070]  }
0x12e: {  	v0 =	vadd.f32 v3, v0;
	v3 =	vld [tilespmem:s16+$0xF80]  }
0x12f: {  	v1 =	vadd.f32 v2, v1;
	v2 =	vld [tilespmem:s16+$0x5080]  }
0x130: {  	v0 =	vadd.f32 v6, v0;
	v6 =	vld [tilespmem:s16+$0xF90]  }
0x131: {  	v1 =	vadd.f32 v5, v1;
	v5 =	vld [tilespmem:s16+$0x5090]  }
0x132: {  	v0 =	vadd.f32 v4, v0;
	v4 =	vld [tilespmem:s16+$0xFA0]  }
0x133: {  	v1 =	vadd.f32 v3, v1;
	v3 =	vld [tilespmem:s16+$0x50A0];
	s16 =	smov.u32 s19  }
0x134: {  	v0 =	vadd.f32 v2, v0  }
0x135: {  	v1 =	vadd.f32 v6, v1  }
0x136: {  	v0 =	vadd.f32 v5, v0  }
0x137: {  	v1 =	vadd.f32 v4, v1  }
0x138: {  	v0 =	vadd.f32 v3, v0  }
0x139: {  	v1 =	vmul.f32 $5.000000070e-02, v1  }
0x13a: {  	v0 =	vmul.f32 $5.000000070e-02, v0  }
0x13b: {  	[tilespmem:s15+$0xFFFFFFF0] =	vst v1  }
0x13c: {  	[tilespmem:s15+$0x0] =	vst v0;
	s15 =	smov.u32 s17  }
0x13d: {  	v0 =	vld [tilespmem:s16+$0x4F80]  }
.Ltmp4:
0x13e: {  	v3 =	vld [tilespmem:s16+$0xE80];
	(pc) =	sbr.rel @p0 .LBB2_11-.Ltmp4, $4  }
0x13f: {  	v5 =	vld [tilespmem:s16+$0xE70]  }
0x140: {  	v4 =	vld [tilespmem:s16+$0x4F70]  }
0x141: {  	v1 =	vld [tilespmem:s16+$0xE90]  }
0x142: {  	v2 =	vld [tilespmem:s16+$0x4F90]  }
0x143: {  	v6 =	vld [tilespmem:s16+$0xEA0]  }
0x144: {  	v31 =	vld [tilespmem:s16+$0x4FA0];
	v3 =	vadd.f32 v3, v5  }
0x145: {  	v32 =	vld [tilespmem:s16+$0xEB0];
	v0 =	vadd.f32 v0, v4  }
0x146: {  	v33 =	vld [tilespmem:s16+$0x4FB0];
	v1 =	vadd.f32 v1, v3  }
0x147: {  	v34 =	vld [tilespmem:s16+$0xEC0];
	v0 =	vadd.f32 v2, v0  }
0x148: {  	v35 =	vld [tilespmem:s16+$0x4FC0];
	v1 =	vadd.f32 v6, v1  }
0x149: {  	v36 =	vld [tilespmem:s16+$0xED0];
	v0 =	vadd.f32 v31, v0  }
0x14a: {  	v37 =	vld [tilespmem:s16+$0x4FD0];
	v1 =	vadd.f32 v32, v1  }
0x14b: {  	v38 =	vld [tilespmem:s16+$0xEE0];
	v0 =	vadd.f32 v33, v0  }
0x14c: {  	v39 =	vld [tilespmem:s16+$0x4FE0];
	v1 =	vadd.f32 v34, v1  }
0x14d: {  	v40 =	vld [tilespmem:s16+$0xEF0];
	v0 =	vadd.f32 v35, v0  }
0x14e: {  	v41 =	vld [tilespmem:s16+$0x4FF0];
	v1 =	vadd.f32 v36, v1  }
0x14f: {  	v42 =	vld [tilespmem:s16+$0xF00];
	v0 =	vadd.f32 v37, v0  }
0x150: {  	v43 =	vld [tilespmem:s16+$0x5000];
	v1 =	vadd.f32 v38, v1  }
0x151: {  	v44 =	vld [tilespmem:s16+$0xF10];
	v0 =	vadd.f32 v39, v0  }
0x152: {  	v45 =	vld [tilespmem:s16+$0x5010];
	v1 =	vadd.f32 v40, v1  }
0x153: {  	v46 =	vld [tilespmem:s16+$0xF20];
	v0 =	vadd.f32 v41, v0  }
0x154: {  	v47 =	vld [tilespmem:s16+$0x5020];
	v1 =	vadd.f32 v42, v1  }
0x155: {  	v48 =	vld [tilespmem:s16+$0xF30];
	v0 =	vadd.f32 v43, v0  }
0x156: {  	v49 =	vld [tilespmem:s16+$0x5030];
	v1 =	vadd.f32 v44, v1  }
0x157: {  	v50 =	vld [tilespmem:s16+$0xF40];
	v0 =	vadd.f32 v45, v0  }
0x158: {  	v51 =	vld [tilespmem:s16+$0x5040];
	v1 =	vadd.f32 v46, v1  }
0x159: {  	v52 =	vld [tilespmem:s16+$0xF50];
	v0 =	vadd.f32 v47, v0  }
0x15a: {  	v53 =	vld [tilespmem:s16+$0x5050];
	v1 =	vadd.f32 v48, v1  }
0x15b: {  	v54 =	vld [tilespmem:s16+$0xF60];
	v0 =	vadd.f32 v49, v0  }
0x15c: {  	v55 =	vld [tilespmem:s16+$0x5060];
	v1 =	vadd.f32 v50, v1  }
0x15d: {  	v56 =	vld [tilespmem:s16+$0xF70];
	v0 =	vadd.f32 v51, v0  }
0x15e: {  	v57 =	vld [tilespmem:s16+$0x5070];
	v1 =	vadd.f32 v52, v1  }
0x15f: {  	v58 =	vld [tilespmem:s16+$0xF80];
	v0 =	vadd.f32 v53, v0  }
0x160: {  	v59 =	vld [tilespmem:s16+$0x5080];
	v1 =	vadd.f32 v54, v1  }
0x161: {  	v60 =	vld [tilespmem:s16+$0xF90];
	v0 =	vadd.f32 v55, v0  }
0x162: {  	v61 =	vld [tilespmem:s16+$0x5090];
	v1 =	vadd.f32 v56, v1  }
0x163: {  	v62 =	vld [tilespmem:s16+$0xFA0];
	v0 =	vadd.f32 v57, v0  }
0x164: {  	v63 =	vld [tilespmem:s16+$0x50A0];
	v1 =	vadd.f32 v58, v1  }
0x165: {  	v0 =	vadd.f32 v59, v0  }
0x166: {  	v1 =	vadd.f32 v60, v1  }
0x167: {  	v0 =	vadd.f32 v61, v0  }
0x168: {  	s10 =	sadd.s32 $0x1, s10;
	v1 =	vadd.f32 v62, v1  }
0x169: {  	p0 =	sne.s32 s10, $0x40;
	v0 =	vadd.f32 v63, v0  }
.Ltmp5:
0x16a: {  	v1 =	vmul.f32 $5.000000070e-02, v1;
	(pc) =	sbr.rel @p0 .LBB2_2-.Ltmp5, $4  }
0x16b: {  	s11 =	smul.u32 $0x68, s11;
	v0 =	vmul.f32 $5.000000070e-02, v0  }
0x16c: {  	[tilespmem:s15+$0xFFFFFFF0] =	vst v1  }
0x16d: {  	s11 =	sadd.s32 s4, s11;
	[tilespmem:s15+$0x0] =	vst v0  }
0x16e: {  	[hbm4b:s11+s5] =	stream.linear.scatter [tilespmem:s12], [sflag:$0x5], $0x340, $0x38;
	[tilespmem:$0x96F0] =	vst v63  }
0x16f: {  	_ =	swait.ge [sflag:s8], $0x680  }
0x170: {  	[sflag:s8] =	ssyncset.done $0x0  }
0x171: {  	[sflag:s8] =	ssyncadd.s32 $0xFFFFF980  }
0x172: {  	_ =	swait.ge [sflag:s8], $0x680  }
0x173: {  	[sflag:s8] =	ssyncset.done $0x0  }
0x174: {  	[sflag:s8] =	ssyncadd.s32 $0xFFFFF980  }
0x175: {  	_ =	swait.ge [sflag:s8], $0x680  }
0x176: {  	[sflag:s8] =	ssyncset.done $0x0  }
0x177: {  	[sflag:s8] =	ssyncadd.s32 $0xFFFFF980  }
0x178: {  	_ =	swait.ge [sflag:s8], $0x680  }
0x179: {  	[sflag:s8] =	ssyncset.done $0x0  }
0x17a: {  	[sflag:s8] =	ssyncadd.s32 $0xFFFFF980  }
0x17b: {  	_ =	swait.ge [sflag:s8], $0x680  }
0x17c: {  	[sflag:s8] =	ssyncset.done $0x0  }
0x17d: {  	[sflag:s8] =	ssyncadd.s32 $0xFFFFF980  }
0x17e: {  	_ =	swait.ge [sflag:s8], $0x680  }
0x17f: {  	[sflag:s8] =	ssyncset.done $0x0  }
0x180: {  	[sflag:s8] =	ssyncadd.s32 $0xFFFFF980  }
0x181: {  	_ =	swait.ge [sflag:s8], $0x680  }
0x182: {  	[sflag:s8] =	ssyncset.done $0x0  }
0x183: {  	[sflag:s8] =	ssyncadd.s32 $0xFFFFF980  }
0x184: {  	_ =	swait.ge [sflag:s8], $0x680  }
0x185: {  	[sflag:s8] =	ssyncset.done $0x0  }
0x186: {  	[sflag:s8] =	ssyncadd.s32 $0xFFFFF980  }
0x187: {  	_ =	swait.ge [sflag:s8], $0x680  }
0x188: {  	[sflag:s8] =	ssyncset.done $0x0  }
0x189: {  	[sflag:s8] =	ssyncadd.s32 $0xFFFFF980  }
0x18a: {  	_ =	swait.ge [sflag:s8], $0x680  }
0x18b: {  	[sflag:s8] =	ssyncset.done $0x0  }
0x18c: {  	s18 =	simm.s32 $0x6;
	[sflag:s8] =	ssyncadd.s32 $0xFFFFF980  }
0x18d: {  	_ =	swait.ge [sflag:s18], $0x340  }
0x18e: {  	[sflag:s18] =	ssyncset.done $0x0  }
0x18f: {  	s10 =	simm.s32 $0x0;
	[sflag:s18] =	ssyncadd.s32 $0xFFFFFCC0  }
0x190: {  	v0 =	vld [tilespmem:s10+$0x7000]  }
0x191: {  	v3 =	vld [tilespmem:s10+$0x2F00]  }
0x192: {  	v5 =	vld [tilespmem:s10+$0x2EF0]  }
0x193: {  	v4 =	vld [tilespmem:s10+$0x6FF0]  }
0x194: {  	v1 =	vld [tilespmem:s10+$0x2F10]  }
0x195: {  	s15 =	simm.s32 $0x93C0;
	s16 =	simm.s32 $0x500;
	s11 =	simm.s32 $0x93C0;
	v2 =	vld [tilespmem:s10+$0x7010]  }
.LBB2_14:
0x196: {  	p0 =	sne.s32 s16, $0x7D00  }
0x197: {  	v6 =	vld [tilespmem:s10+$0x2F20];
	s15 =	sadd.s32 $0x20, s15;
	s17 =	smov.u32 s16;
	s16 =	sadd.s32 $0x500, s16  }
0x198: {  	v3 =	vadd.f32 v3, v5;
	v5 =	vld [tilespmem:s10+$0x7020]  }
0x199: {  	v0 =	vadd.f32 v0, v4;
	v4 =	vld [tilespmem:s10+$0x2F30]  }
0x19a: {  	s17 =	sshra.s32 s17, $0x2;
	v1 =	vadd.f32 v1, v3;
	v3 =	vld [tilespmem:s10+$0x7030]  }
0x19b: {  	v0 =	vadd.f32 v2, v0;
	v2 =	vld [tilespmem:s10+$0x2F40]  }
0x19c: {  	v1 =	vadd.f32 v6, v1;
	v6 =	vld [tilespmem:s10+$0x7040]  }
0x19d: {  	v0 =	vadd.f32 v5, v0;
	v5 =	vld [tilespmem:s10+$0x2F50]  }
0x19e: {  	v1 =	vadd.f32 v4, v1;
	v4 =	vld [tilespmem:s10+$0x7050]  }
0x19f: {  	v0 =	vadd.f32 v3, v0;
	v3 =	vld [tilespmem:s10+$0x2F60]  }
0x1a0: {  	v1 =	vadd.f32 v2, v1;
	v2 =	vld [tilespmem:s10+$0x7060]  }
0x1a1: {  	v0 =	vadd.f32 v6, v0;
	v6 =	vld [tilespmem:s10+$0x2F70]  }
0x1a2: {  	v1 =	vadd.f32 v5, v1;
	v5 =	vld [tilespmem:s10+$0x7070]  }
0x1a3: {  	v0 =	vadd.f32 v4, v0;
	v4 =	vld [tilespmem:s10+$0x2F80]  }
0x1a4: {  	v1 =	vadd.f32 v3, v1;
	v3 =	vld [tilespmem:s10+$0x7080]  }
0x1a5: {  	v0 =	vadd.f32 v2, v0;
	v2 =	vld [tilespmem:s10+$0x2F90]  }
0x1a6: {  	v1 =	vadd.f32 v6, v1;
	v6 =	vld [tilespmem:s10+$0x7090]  }
0x1a7: {  	v0 =	vadd.f32 v5, v0;
	v5 =	vld [tilespmem:s10+$0x2FA0]  }
0x1a8: {  	v1 =	vadd.f32 v4, v1;
	v4 =	vld [tilespmem:s10+$0x70A0]  }
0x1a9: {  	v0 =	vadd.f32 v3, v0;
	v3 =	vld [tilespmem:s10+$0x2FB0]  }
0x1aa: {  	v1 =	vadd.f32 v2, v1;
	v2 =	vld [tilespmem:s10+$0x70B0]  }
0x1ab: {  	v0 =	vadd.f32 v6, v0;
	v6 =	vld [tilespmem:s10+$0x2FC0]  }
0x1ac: {  	v1 =	vadd.f32 v5, v1;
	v5 =	vld [tilespmem:s10+$0x70C0]  }
0x1ad: {  	v0 =	vadd.f32 v4, v0;
	v4 =	vld [tilespmem:s10+$0x2FD0]  }
0x1ae: {  	v1 =	vadd.f32 v3, v1;
	v3 =	vld [tilespmem:s10+$0x70D0]  }
0x1af: {  	v0 =	vadd.f32 v2, v0;
	v2 =	vld [tilespmem:s10+$0x2FE0]  }
0x1b0: {  	v1 =	vadd.f32 v6, v1;
	v6 =	vld [tilespmem:s10+$0x70E0]  }
0x1b1: {  	v0 =	vadd.f32 v5, v0;
	v5 =	vld [tilespmem:s10+$0x2FF0]  }
0x1b2: {  	v1 =	vadd.f32 v4, v1;
	v4 =	vld [tilespmem:s10+$0x70F0]  }
0x1b3: {  	v0 =	vadd.f32 v3, v0;
	v3 =	vld [tilespmem:s10+$0x3000]  }
0x1b4: {  	v1 =	vadd.f32 v2, v1;
	v2 =	vld [tilespmem:s10+$0x7100]  }
0x1b5: {  	v0 =	vadd.f32 v6, v0;
	v6 =	vld [tilespmem:s10+$0x3010]  }
0x1b6: {  	v1 =	vadd.f32 v5, v1;
	v5 =	vld [tilespmem:s10+$0x7110]  }
0x1b7: {  	v0 =	vadd.f32 v4, v0;
	v4 =	vld [tilespmem:s10+$0x3020]  }
0x1b8: {  	v1 =	vadd.f32 v3, v1;
	v3 =	vld [tilespmem:s10+$0x7120];
	s10 =	smov.u32 s17  }
0x1b9: {  	v0 =	vadd.f32 v2, v0  }
0x1ba: {  	v1 =	vadd.f32 v6, v1  }
0x1bb: {  	v0 =	vadd.f32 v5, v0  }
0x1bc: {  	v1 =	vadd.f32 v4, v1  }
0x1bd: {  	v0 =	vadd.f32 v3, v0  }
0x1be: {  	v1 =	vmul.f32 $5.000000070e-02, v1  }
0x1bf: {  	v0 =	vmul.f32 $5.000000070e-02, v0  }
0x1c0: {  	[tilespmem:s11+$0xFFFFFFF0] =	vst v1  }
0x1c1: {  	[tilespmem:s11+$0x0] =	vst v0;
	s11 =	smov.u32 s15  }
0x1c2: {  	v0 =	vld [tilespmem:s10+$0x7000]  }
.Ltmp6:
0x1c3: {  	v3 =	vld [tilespmem:s10+$0x2F00];
	(pc) =	sbr.rel @p0 .LBB2_14-.Ltmp6, $4  }
0x1c4: {  	v5 =	vld [tilespmem:s10+$0x2EF0]  }
0x1c5: {  	v4 =	vld [tilespmem:s10+$0x6FF0]  }
0x1c6: {  	v1 =	vld [tilespmem:s10+$0x2F10]  }
0x1c7: {  	v2 =	vld [tilespmem:s10+$0x7010]  }
0x1c8: {  	v6 =	vld [tilespmem:s10+$0x2F20]  }
0x1c9: {  	v31 =	vld [tilespmem:s10+$0x7020];
	v3 =	vadd.f32 v3, v5  }
0x1ca: {  	v32 =	vld [tilespmem:s10+$0x2F30];
	v0 =	vadd.f32 v0, v4  }
0x1cb: {  	v33 =	vld [tilespmem:s10+$0x7030];
	v1 =	vadd.f32 v1, v3  }
0x1cc: {  	v34 =	vld [tilespmem:s10+$0x2F40];
	v0 =	vadd.f32 v2, v0  }
0x1cd: {  	v35 =	vld [tilespmem:s10+$0x7040];
	v1 =	vadd.f32 v6, v1  }
0x1ce: {  	v36 =	vld [tilespmem:s10+$0x2F50];
	v0 =	vadd.f32 v31, v0  }
0x1cf: {  	v37 =	vld [tilespmem:s10+$0x7050];
	v1 =	vadd.f32 v32, v1  }
0x1d0: {  	v38 =	vld [tilespmem:s10+$0x2F60];
	v0 =	vadd.f32 v33, v0  }
0x1d1: {  	v39 =	vld [tilespmem:s10+$0x7060];
	v1 =	vadd.f32 v34, v1  }
0x1d2: {  	v40 =	vld [tilespmem:s10+$0x2F70];
	v0 =	vadd.f32 v35, v0  }
0x1d3: {  	v41 =	vld [tilespmem:s10+$0x7070];
	v1 =	vadd.f32 v36, v1  }
0x1d4: {  	v42 =	vld [tilespmem:s10+$0x2F80];
	v0 =	vadd.f32 v37, v0  }
0x1d5: {  	v43 =	vld [tilespmem:s10+$0x7080];
	v1 =	vadd.f32 v38, v1  }
0x1d6: {  	v44 =	vld [tilespmem:s10+$0x2F90];
	v0 =	vadd.f32 v39, v0  }
0x1d7: {  	v45 =	vld [tilespmem:s10+$0x7090];
	v1 =	vadd.f32 v40, v1  }
0x1d8: {  	v46 =	vld [tilespmem:s10+$0x2FA0];
	v0 =	vadd.f32 v41, v0  }
0x1d9: {  	v47 =	vld [tilespmem:s10+$0x70A0];
	v1 =	vadd.f32 v42, v1  }
0x1da: {  	v48 =	vld [tilespmem:s10+$0x2FB0];
	v0 =	vadd.f32 v43, v0  }
0x1db: {  	v49 =	vld [tilespmem:s10+$0x70B0];
	v1 =	vadd.f32 v44, v1  }
0x1dc: {  	v50 =	vld [tilespmem:s10+$0x2FC0];
	v0 =	vadd.f32 v45, v0  }
0x1dd: {  	v51 =	vld [tilespmem:s10+$0x70C0];
	v1 =	vadd.f32 v46, v1  }
0x1de: {  	v52 =	vld [tilespmem:s10+$0x2FD0];
	v0 =	vadd.f32 v47, v0  }
0x1df: {  	v53 =	vld [tilespmem:s10+$0x70D0];
	v1 =	vadd.f32 v48, v1  }
0x1e0: {  	v54 =	vld [tilespmem:s10+$0x2FE0];
	v0 =	vadd.f32 v49, v0  }
0x1e1: {  	v55 =	vld [tilespmem:s10+$0x70E0];
	v1 =	vadd.f32 v50, v1  }
0x1e2: {  	v56 =	vld [tilespmem:s10+$0x2FF0];
	v0 =	vadd.f32 v51, v0  }
0x1e3: {  	v57 =	vld [tilespmem:s10+$0x70F0];
	v1 =	vadd.f32 v52, v1  }
0x1e4: {  	v58 =	vld [tilespmem:s10+$0x3000];
	v0 =	vadd.f32 v53, v0  }
0x1e5: {  	v59 =	vld [tilespmem:s10+$0x7100];
	v1 =	vadd.f32 v54, v1  }
0x1e6: {  	v60 =	vld [tilespmem:s10+$0x3010];
	v0 =	vadd.f32 v55, v0  }
0x1e7: {  	v61 =	vld [tilespmem:s10+$0x7110];
	v1 =	vadd.f32 v56, v1  }
0x1e8: {  	v62 =	vld [tilespmem:s10+$0x3020];
	v0 =	vadd.f32 v57, v0  }
0x1e9: {  	v63 =	vld [tilespmem:s10+$0x7120];
	v1 =	vadd.f32 v58, v1  }
0x1ea: {  	v0 =	vadd.f32 v59, v0  }
0x1eb: {  	v1 =	vadd.f32 v60, v1  }
0x1ec: {  	v0 =	vadd.f32 v61, v0  }
0x1ed: {  	v1 =	vadd.f32 v62, v1  }
0x1ee: {  	v0 =	vadd.f32 v63, v0  }
0x1ef: {  	v1 =	vmul.f32 $5.000000070e-02, v1  }
0x1f0: {  	v0 =	vmul.f32 $5.000000070e-02, v0  }
0x1f1: {  	[tilespmem:s11+$0xFFFFFFF0] =	vst v1  }
0x1f2: {  	s15 =	rddreg [dreg:$0x6];
	s16 =	simm.s32 $0x93B0;
	s17 =	simm.s32 $0x5;
	[tilespmem:s11+$0x0] =	vst v0  }
0x1f3: {  	[hbm4b:s15+s5] =	stream.linear.scatter [tilespmem:s16], [sflag:$0x6], $0x340, $0x38;
	[tilespmem:$0x96F0] =	vst v63  }
0x1f4: {  	_ =	swait.ge [sflag:s17], $0x340  }
0x1f5: {  	[sflag:s17] =	ssyncset.done $0x0  }
0x1f6: {  	[sflag:s17] =	ssyncadd.s32 $0xFFFFFCC0  }
0x1f7: {  	_ =	swait.ge [sflag:s18], $0x340  }
0x1f8: {  	s19 =	rddreg [dreg:$0x8]  }
0x1f9: {  	s20 =	rddreg [dreg:$0x7];
	s11 =	sadd.s32 $0x1, s19  }
0x1fa: {  	p0 =	sne.s32 s11, s20  }
.Ltmp7:
0x1fb: {  	_ = 	snop;
	(pc) =	sbr.rel @p0 .LBB2_1-.Ltmp7, $3  }
0x1fc: {  	_ =	sdelay $0x1  }
0x1fd: {  	[sflag:s18] =	ssyncset.done $0x0  }
0x1fe: {  	[sflag:s18] =	ssyncadd.s32 $0xFFFFFCC0  }
0x1ff: {  	_ =	sfence.sel $0x180000  }
0x200: {  	[bflag:$0x0] =	sbarrier.arrive $0xFFFF  }
0x201: {  	_ =	strace $0x90000047  }
0x202: {  	s0 =	stileid.u32;
	[bflag:$0x2] =	sbarrier.arrive $0xFFFF  }
0x203: {  	p0 =	sne.s32 s0, $0x0;
	s0 =	rddreg [dreg:$0x4]  }
0x204: {  	s0 =	sadd.s32 @!p0 $0x100000, s0  }
0x205: {  	[sflag:s0] =	ssyncadd.tile.s32 @!p0 $0x1;
	_ =	shalt  }
.Lfunc_end2:
_tile_overlayer_lowered:
.L_overlay_start_2:
0x206: {  	(tag) =	ssettag $0x2  }
0x207: {  	s0 =	rddreg [dreg:$0x0];
	s2 =	stileid.u32  }
0x208: {  	s1 =	rddreg [dreg:$0x1];
	p0 =	sne.s32 s2, $0x0  }
0x209: {  	s3 =	rddreg [dreg:$0x2];
	[bflag:$0x3] =	sbarrier.arrive $0xFFFF;
	s2 =	simm.s32 @!p0 $0x1C07  }
0x20a: {  	[timem:s3], [sflag:s2] =	dma.local @!p0 [hbm:s0], s1  }
0x20b: {  	s0 =	simm.s32 @!p0 $0x7  }
0x20c: {  	_ =	swait.ge @!p0 [sflag:s0], s1  }
0x20d: {  	s1 =	ssub.s32 @!p0 $0x0, s1;
	[sflag:s0] =	ssyncset.done @!p0 $0x0  }
0x20e: {  	[sflag:s0] =	ssyncadd.s32 @!p0 s1  }
0x20f: {  	[bflag:$0x3] =	sbarrier.arrive $0xFFFF  }
0x210: {  	_ =	shalt  }

</sc_bundles>
